<compile_context>
chip_gen: v7x
topology: tpu7x:2x2x1
jax: 0.10.2.dev20260603
libtpu: 0.0.44.dev20260713+nightly
codegen_flags: <defaults>
</compile_context>

<pallas_src>
import functools
import math

import jax
import jax.numpy as jnp
from jax import lax
from jax.experimental import pallas as pl
from jax.experimental.pallas import tpu as pltpu
from jax.experimental.pallas import tpu_sc as plsc

VOCAB = 1000000
D = 64
B = 4096 * 200
NC, NS, L = 2, 16, 16
NW = NC * NS
B_PER_W = B // NW
CH = 128
K = 4
SS = K * CH
N_SS = B_PER_W // SS
SCALE = math.sqrt(D)
RU = 8


def _sc_embed(table, x_flat):
  mesh = plsc.VectorSubcoreMesh(core_axis_name="c", subcore_axis_name="s")

  @functools.partial(
      pl.kernel,
      mesh=mesh,
      compiler_params=pltpu.CompilerParams(use_tc_tiling_on_sc=False),
      out_type=jax.ShapeDtypeStruct((B, D), jnp.float32),
      scratch_types=[
          pltpu.VMEM((B_PER_W,), jnp.int32),
          pltpu.VMEM((2, K, CH, D), jnp.float32),
          pltpu.SemaphoreType.DMA((2, K)),
          pltpu.SemaphoreType.DMA((2, K)),
      ],
  )
  def k(table_hbm, idx_hbm, out_hbm, idx_v, rows_v, gsem, osem):
    wid = lax.axis_index("s") * NC + lax.axis_index("c")
    base = wid * B_PER_W

    pltpu.sync_copy(idx_hbm.at[pl.ds(base, B_PER_W)], idx_v)

    def fire(s, buf, first):
      for j in range(K):
        ioff = s * SS + j * CH
        if not first:
          pltpu.make_async_copy(
              rows_v.at[buf, j], out_hbm.at[pl.ds(0, CH)], osem.at[buf, j]
          ).wait()
        pltpu.async_copy(
            table_hbm.at[idx_v.at[pl.ds(ioff, CH)]],
            rows_v.at[buf, j],
            gsem.at[buf, j],
        )

    def drain(s, buf):
      for j in range(K):
        ioff = s * SS + j * CH
        pltpu.make_async_copy(
            table_hbm.at[idx_v.at[pl.ds(ioff, CH)]],
            rows_v.at[buf, j],
            gsem.at[buf, j],
        ).wait()

        @plsc.parallel_loop(0, CH, step=1, unroll=RU)
        def scale_body(r):
          for q in range(D // L):
            sl = pl.ds(q * L, L)
            rows_v[buf, j, r, sl] = rows_v[buf, j, r, sl] * SCALE
        pltpu.async_copy(
            rows_v.at[buf, j],
            out_hbm.at[pl.ds(base + s * SS + j * CH, CH)],
            osem.at[buf, j],
        )

    fire(0, 0, True)
    fire(1, 1, True)

    def loop_body(i, _):
      s = 2 * i
      drain(s, 0)
      fire(s + 2, 0, False)
      drain(s + 1, 1)
      fire(s + 3, 1, False)
      return 0

    lax.fori_loop(0, N_SS // 2 - 1, loop_body, 0)
    drain(N_SS - 2, 0)
    drain(N_SS - 1, 1)
    for buf in range(2):
      for j in range(K):
        pltpu.make_async_copy(
            rows_v.at[buf, j], out_hbm.at[pl.ds(0, CH)], osem.at[buf, j]
        ).wait()

  return k(table, x_flat)


def kernel(table, x):
  x_flat = x.reshape(-1).astype(jnp.int32)
  out = _sc_embed(table, x_flat)
  return out.reshape(x.shape + (D,))

# --- scband reference (transcript-rebuilt; emitter-appended) ---
"""Pipeline reference for scband-input-embeddings-5755256176968 (READ-ONLY COPY).

The authoritative reference and input builder live on the scoring server;
editing this copy changes nothing except your own understanding.
"""

import jax, jax.numpy as jnp
import numpy as np
import math

VOCAB_SIZE = 1000000
D_MODEL = 64

def setup_inputs(seed: int = 0) -> dict:
    key = jax.random.key(seed)
    k1, k2 = jax.random.split(key)
    x = jax.random.randint(k1, (4096, 200), 0, VOCAB_SIZE, dtype=jnp.int64 if jax.config.jax_enable_x64 else jnp.int32)
    # nn.Embedding default init: N(0, 1)
    table = jax.random.normal(k2, (VOCAB_SIZE, D_MODEL), dtype=jnp.float32)
    return {"table": table, "x": x}

def reference(table, x):
    # embedding lookup scaled by sqrt(d_model)
    emb = jnp.take(table, x, axis=0)
    return emb * math.sqrt(D_MODEL)

if __name__ == "__main__":
    import jax
    _d = setup_inputs()
    print(jax.jit(kernel)(*tuple(_d.values())))

</pallas_src>

<mosaic_0001>
#map = affine_map<(d0, d1) -> (0, 0)>
#map1 = affine_map<(d0, d1) -> (0)>
module attributes {stable_mosaic.version = 14 : i64} {
  func.func @k(%arg0: i32, %arg1: i32, %arg2: memref<1000000x64xf32, #tpu.memory_space<hbm>>, %arg3: memref<819200xi32, #tpu.memory_space<hbm>>, %arg4: memref<819200x64xf32, #tpu.memory_space<hbm>>, %arg5: memref<25600xi32, #tpu.memory_space<vmem>>, %arg6: memref<2x4x128x64xf32, #tpu.memory_space<vmem>>, %arg7: memref<2x4x!tpu.dma_semaphore, #tpu.memory_space<semaphore_mem>>, %arg8: memref<2x4x!tpu.dma_semaphore, #tpu.memory_space<semaphore_mem>>) attributes {dimension_semantics = [#tpu.dimension_semantics<core_parallel>, #tpu.dimension_semantics<subcore_parallel>], iteration_bounds = array<i64: 2, 16>, scalar_prefetch = 0 : i64, scratch_operands = 4 : i64, tpu.core_type = #tpu.core_type<sc_vector_subcore>, window_params = [{transform_indices = #map}, {transform_indices = #map1}, {transform_indices = #map}]} {
    %mul3A = arith.constant 2 : i32
    %mul3A_0 = arith.muli %arg1, %mul3A : i32
    %add3A = arith.addi %mul3A_0, %arg0 : i32
    %mul3A_1 = arith.constant 25600 : i32
    %mul3A_2 = arith.muli %add3A, %mul3A_1 : i32
    "tpu.region"() ({
      %run_scoped3A = tpu.sem_alloc : memref<!tpu.dma_semaphore, #tpu.memory_space<semaphore_mem>>
      %dma_start3A_606 = tpu.memref_slice %arg3[%mul3A_2] : memref<819200xi32, #tpu.memory_space<hbm>> -> memref<25600xi32, #tpu.memory_space<hbm>>
      %dma_start3A_607 = tpu.memref_slice %arg3[%mul3A_2] : memref<819200xi32, #tpu.memory_space<hbm>> -> memref<25600xi32, #tpu.memory_space<hbm>>
      tpu.enqueue_dma source(%dma_start3A_607 : memref<25600xi32, #tpu.memory_space<hbm>>) target(%arg5 : memref<25600xi32, #tpu.memory_space<vmem>>) target_semaphore(%run_scoped3A : memref<!tpu.dma_semaphore, #tpu.memory_space<semaphore_mem>>)
      %dma_wait3A_608 = tpu.memref_slice %arg3[%mul3A_2] : memref<819200xi32, #tpu.memory_space<hbm>> -> memref<25600xi32, #tpu.memory_space<hbm>>
      %dma_wait3A_609 = tpu.memref_slice %arg3[%mul3A_2] : memref<819200xi32, #tpu.memory_space<hbm>> -> memref<25600xi32, #tpu.memory_space<hbm>>
      tpu.wait_dma2 semaphore(%run_scoped3A : memref<!tpu.dma_semaphore, #tpu.memory_space<semaphore_mem>>) src(%dma_wait3A_609 : memref<25600xi32, #tpu.memory_space<hbm>>) dst(%arg5 : memref<25600xi32, #tpu.memory_space<vmem>>)
      tpu.yield
    }) : () -> ()
    %dma_start3A = arith.constant 0 : i32
    %dma_start3A_3 = arith.constant 0 : i32
    %dma_start3A_4 = arith.constant 0 : i32
    %dma_start3A_5 = arith.constant 0 : i32
    %dma_start3A_6 = arith.constant 0 : i32
    %dma_start3A_7 = arith.constant 0 : i32
    %dma_start3A_8 = tpu.memref_slice %arg6[%dma_start3A, %dma_start3A_3, %dma_start3A_6, %dma_start3A_7] : memref<2x4x128x64xf32, #tpu.memory_space<vmem>> -> memref<1x1x128x64xf32, #tpu.memory_space<vmem>>
    %dma_start3A_9 = tpu.memref_squeeze %dma_start3A_8 : memref<1x1x128x64xf32, #tpu.memory_space<vmem>> -> memref<128x64xf32, #tpu.memory_space<vmem>>
    %dma_start3A_10 = arith.constant 0 : i32
    %dma_start3A_11 = tpu.memref_slice %arg5[%dma_start3A_10] : memref<25600xi32, #tpu.memory_space<vmem>> -> memref<128xi32, #tpu.memory_space<vmem>>
    %dma_start3A_12 = arith.constant 0 : i32
    %dma_start3A_13 = arith.constant 0 : i32
    %dma_start3A_14 = tpu.memref_slice %arg2[%dma_start3A_12, %dma_start3A_13] : memref<1000000x64xf32, #tpu.memory_space<hbm>> -> memref<1000000x64xf32, #tpu.memory_space<hbm>>
    %dma_start3A_15 = tpu.memref_slice %arg7[%dma_start3A_4, %dma_start3A_5] : memref<2x4x!tpu.dma_semaphore, #tpu.memory_space<semaphore_mem>> -> memref<1x1x!tpu.dma_semaphore, #tpu.memory_space<semaphore_mem>>
    %dma_start3A_16 = tpu.memref_squeeze %dma_start3A_15 : memref<1x1x!tpu.dma_semaphore, #tpu.memory_space<semaphore_mem>> -> memref<!tpu.dma_semaphore, #tpu.memory_space<semaphore_mem>>
    tpu.enqueue_indirect_dma source(%dma_start3A_14 : memref<1000000x64xf32, #tpu.memory_space<hbm>>) target(%dma_start3A_9 : memref<128x64xf32, #tpu.memory_space<vmem>>) offsets(%dma_start3A_11 : memref<128xi32, #tpu.memory_space<vmem>>) semaphore(%dma_start3A_16 : memref<!tpu.dma_semaphore, #tpu.memory_space<semaphore_mem>>)
    %dma_start3A_17 = arith.constant 0 : i32
    %dma_start3A_18 = arith.constant 1 : i32
    %dma_start3A_19 = arith.constant 0 : i32
    %dma_start3A_20 = arith.constant 1 : i32
    %dma_start3A_21 = arith.constant 0 : i32
    %dma_start3A_22 = arith.constant 0 : i32
    %dma_start3A_23 = tpu.memref_slice %arg6[%dma_start3A_17, %dma_start3A_18, %dma_start3A_21, %dma_start3A_22] : memref<2x4x128x64xf32, #tpu.memory_space<vmem>> -> memref<1x1x128x64xf32, #tpu.memory_space<vmem>>
    %dma_start3A_24 = tpu.memref_squeeze %dma_start3A_23 : memref<1x1x128x64xf32, #tpu.memory_space<vmem>> -> memref<128x64xf32, #tpu.memory_space<vmem>>
    %dma_start3A_25 = arith.constant 128 : i32
    %dma_start3A_26 = tpu.memref_slice %arg5[%dma_start3A_25] : memref<25600xi32, #tpu.memory_space<vmem>> -> memref<128xi32, #tpu.memory_space<vmem>>
    %dma_start3A_27 = arith.constant 0 : i32
    %dma_start3A_28 = arith.constant 0 : i32
    %dma_start3A_29 = tpu.memref_slice %arg2[%dma_start3A_27, %dma_start3A_28] : memref<1000000x64xf32, #tpu.memory_space<hbm>> -> memref<1000000x64xf32, #tpu.memory_space<hbm>>
    %dma_start3A_30 = tpu.memref_slice %arg7[%dma_start3A_19, %dma_start3A_20] : memref<2x4x!tpu.dma_semaphore, #tpu.memory_space<semaphore_mem>> -> memref<1x1x!tpu.dma_semaphore, #tpu.memory_space<semaphore_mem>>
    %dma_start3A_31 = tpu.memref_squeeze %dma_start3A_30 : memref<1x1x!tpu.dma_semaphore, #tpu.memory_space<semaphore_mem>> -> memref<!tpu.dma_semaphore, #tpu.memory_space<semaphore_mem>>
    tpu.enqueue_indirect_dma source(%dma_start3A_29 : memref<1000000x64xf32, #tpu.memory_space<hbm>>) target(%dma_start3A_24 : memref<128x64xf32, #tpu.memory_space<vmem>>) offsets(%dma_start3A_26 : memref<128xi32, #tpu.memory_space<vmem>>) semaphore(%dma_start3A_31 : memref<!tpu.dma_semaphore, #tpu.memory_space<semaphore_mem>>)
    %dma_start3A_32 = arith.constant 0 : i32
    %dma_start3A_33 = arith.constant 2 : i32
    %dma_start3A_34 = arith.constant 0 : i32
    %dma_start3A_35 = arith.constant 2 : i32
    %dma_start3A_36 = arith.constant 0 : i32
    %dma_start3A_37 = arith.constant 0 : i32
    %dma_start3A_38 = tpu.memref_slice %arg6[%dma_start3A_32, %dma_start3A_33, %dma_start3A_36, %dma_start3A_37] : memref<2x4x128x64xf32, #tpu.memory_space<vmem>> -> memref<1x1x128x64xf32, #tpu.memory_space<vmem>>
    %dma_start3A_39 = tpu.memref_squeeze %dma_start3A_38 : memref<1x1x128x64xf32, #tpu.memory_space<vmem>> -> memref<128x64xf32, #tpu.memory_space<vmem>>
    %dma_start3A_40 = arith.constant 256 : i32
    %dma_start3A_41 = tpu.memref_slice %arg5[%dma_start3A_40] : memref<25600xi32, #tpu.memory_space<vmem>> -> memref<128xi32, #tpu.memory_space<vmem>>
    %dma_start3A_42 = arith.constant 0 : i32
    %dma_start3A_43 = arith.constant 0 : i32
    %dma_start3A_44 = tpu.memref_slice %arg2[%dma_start3A_42, %dma_start3A_43] : memref<1000000x64xf32, #tpu.memory_space<hbm>> -> memref<1000000x64xf32, #tpu.memory_space<hbm>>
    %dma_start3A_45 = tpu.memref_slice %arg7[%dma_start3A_34, %dma_start3A_35] : memref<2x4x!tpu.dma_semaphore, #tpu.memory_space<semaphore_mem>> -> memref<1x1x!tpu.dma_semaphore, #tpu.memory_space<semaphore_mem>>
    %dma_start3A_46 = tpu.memref_squeeze %dma_start3A_45 : memref<1x1x!tpu.dma_semaphore, #tpu.memory_space<semaphore_mem>> -> memref<!tpu.dma_semaphore, #tpu.memory_space<semaphore_mem>>
    tpu.enqueue_indirect_dma source(%dma_start3A_44 : memref<1000000x64xf32, #tpu.memory_space<hbm>>) target(%dma_start3A_39 : memref<128x64xf32, #tpu.memory_space<vmem>>) offsets(%dma_start3A_41 : memref<128xi32, #tpu.memory_space<vmem>>) semaphore(%dma_start3A_46 : memref<!tpu.dma_semaphore, #tpu.memory_space<semaphore_mem>>)
    %dma_start3A_47 = arith.constant 0 : i32
    %dma_start3A_48 = arith.constant 3 : i32
    %dma_start3A_49 = arith.constant 0 : i32
    %dma_start3A_50 = arith.constant 3 : i32
    %dma_start3A_51 = arith.constant 0 : i32
    %dma_start3A_52 = arith.constant 0 : i32
    %dma_start3A_53 = tpu.memref_slice %arg6[%dma_start3A_47, %dma_start3A_48, %dma_start3A_51, %dma_start3A_52] : memref<2x4x128x64xf32, #tpu.memory_space<vmem>> -> memref<1x1x128x64xf32, #tpu.memory_space<vmem>>
    %dma_start3A_54 = tpu.memref_squeeze %dma_start3A_53 : memref<1x1x128x64xf32, #tpu.memory_space<vmem>> -> memref<128x64xf32, #tpu.memory_space<vmem>>
    %dma_start3A_55 = arith.constant 384 : i32
    %dma_start3A_56 = tpu.memref_slice %arg5[%dma_start3A_55] : memref<25600xi32, #tpu.memory_space<vmem>> -> memref<128xi32, #tpu.memory_space<vmem>>
    %dma_start3A_57 = arith.constant 0 : i32
    %dma_start3A_58 = arith.constant 0 : i32
    %dma_start3A_59 = tpu.memref_slice %arg2[%dma_start3A_57, %dma_start3A_58] : memref<1000000x64xf32, #tpu.memory_space<hbm>> -> memref<1000000x64xf32, #tpu.memory_space<hbm>>
    %dma_start3A_60 = tpu.memref_slice %arg7[%dma_start3A_49, %dma_start3A_50] : memref<2x4x!tpu.dma_semaphore, #tpu.memory_space<semaphore_mem>> -> memref<1x1x!tpu.dma_semaphore, #tpu.memory_space<semaphore_mem>>
    %dma_start3A_61 = tpu.memref_squeeze %dma_start3A_60 : memref<1x1x!tpu.dma_semaphore, #tpu.memory_space<semaphore_mem>> -> memref<!tpu.dma_semaphore, #tpu.memory_space<semaphore_mem>>
    tpu.enqueue_indirect_dma source(%dma_start3A_59 : memref<1000000x64xf32, #tpu.memory_space<hbm>>) target(%dma_start3A_54 : memref<128x64xf32, #tpu.memory_space<vmem>>) offsets(%dma_start3A_56 : memref<128xi32, #tpu.memory_space<vmem>>) semaphore(%dma_start3A_61 : memref<!tpu.dma_semaphore, #tpu.memory_space<semaphore_mem>>)
    %dma_start3A_62 = arith.constant 1 : i32
    %dma_start3A_63 = arith.constant 0 : i32
    %dma_start3A_64 = arith.constant 1 : i32
    %dma_start3A_65 = arith.constant 0 : i32
    %dma_start3A_66 = arith.constant 0 : i32
    %dma_start3A_67 = arith.constant 0 : i32
    %dma_start3A_68 = tpu.memref_slice %arg6[%dma_start3A_62, %dma_start3A_63, %dma_start3A_66, %dma_start3A_67] : memref<2x4x128x64xf32, #tpu.memory_space<vmem>> -> memref<1x1x128x64xf32, #tpu.memory_space<vmem>>
    %dma_start3A_69 = tpu.memref_squeeze %dma_start3A_68 : memref<1x1x128x64xf32, #tpu.memory_space<vmem>> -> memref<128x64xf32, #tpu.memory_space<vmem>>
    %dma_start3A_70 = arith.constant 512 : i32
    %dma_start3A_71 = tpu.memref_slice %arg5[%dma_start3A_70] : memref<25600xi32, #tpu.memory_space<vmem>> -> memref<128xi32, #tpu.memory_space<vmem>>
    %dma_start3A_72 = arith.constant 0 : i32
    %dma_start3A_73 = arith.constant 0 : i32
    %dma_start3A_74 = tpu.memref_slice %arg2[%dma_start3A_72, %dma_start3A_73] : memref<1000000x64xf32, #tpu.memory_space<hbm>> -> memref<1000000x64xf32, #tpu.memory_space<hbm>>
    %dma_start3A_75 = tpu.memref_slice %arg7[%dma_start3A_64, %dma_start3A_65] : memref<2x4x!tpu.dma_semaphore, #tpu.memory_space<semaphore_mem>> -> memref<1x1x!tpu.dma_semaphore, #tpu.memory_space<semaphore_mem>>
    %dma_start3A_76 = tpu.memref_squeeze %dma_start3A_75 : memref<1x1x!tpu.dma_semaphore, #tpu.memory_space<semaphore_mem>> -> memref<!tpu.dma_semaphore, #tpu.memory_space<semaphore_mem>>
    tpu.enqueue_indirect_dma source(%dma_start3A_74 : memref<1000000x64xf32, #tpu.memory_space<hbm>>) target(%dma_start3A_69 : memref<128x64xf32, #tpu.memory_space<vmem>>) offsets(%dma_start3A_71 : memref<128xi32, #tpu.memory_space<vmem>>) semaphore(%dma_start3A_76 : memref<!tpu.dma_semaphore, #tpu.memory_space<semaphore_mem>>)
    %dma_start3A_77 = arith.constant 1 : i32
    %dma_start3A_78 = arith.constant 1 : i32
    %dma_start3A_79 = arith.constant 1 : i32
    %dma_start3A_80 = arith.constant 1 : i32
    %dma_start3A_81 = arith.constant 0 : i32
    %dma_start3A_82 = arith.constant 0 : i32
    %dma_start3A_83 = tpu.memref_slice %arg6[%dma_start3A_77, %dma_start3A_78, %dma_start3A_81, %dma_start3A_82] : memref<2x4x128x64xf32, #tpu.memory_space<vmem>> -> memref<1x1x128x64xf32, #tpu.memory_space<vmem>>
    %dma_start3A_84 = tpu.memref_squeeze %dma_start3A_83 : memref<1x1x128x64xf32, #tpu.memory_space<vmem>> -> memref<128x64xf32, #tpu.memory_space<vmem>>
    %dma_start3A_85 = arith.constant 640 : i32
    %dma_start3A_86 = tpu.memref_slice %arg5[%dma_start3A_85] : memref<25600xi32, #tpu.memory_space<vmem>> -> memref<128xi32, #tpu.memory_space<vmem>>
    %dma_start3A_87 = arith.constant 0 : i32
    %dma_start3A_88 = arith.constant 0 : i32
    %dma_start3A_89 = tpu.memref_slice %arg2[%dma_start3A_87, %dma_start3A_88] : memref<1000000x64xf32, #tpu.memory_space<hbm>> -> memref<1000000x64xf32, #tpu.memory_space<hbm>>
    %dma_start3A_90 = tpu.memref_slice %arg7[%dma_start3A_79, %dma_start3A_80] : memref<2x4x!tpu.dma_semaphore, #tpu.memory_space<semaphore_mem>> -> memref<1x1x!tpu.dma_semaphore, #tpu.memory_space<semaphore_mem>>
    %dma_start3A_91 = tpu.memref_squeeze %dma_start3A_90 : memref<1x1x!tpu.dma_semaphore, #tpu.memory_space<semaphore_mem>> -> memref<!tpu.dma_semaphore, #tpu.memory_space<semaphore_mem>>
    tpu.enqueue_indirect_dma source(%dma_start3A_89 : memref<1000000x64xf32, #tpu.memory_space<hbm>>) target(%dma_start3A_84 : memref<128x64xf32, #tpu.memory_space<vmem>>) offsets(%dma_start3A_86 : memref<128xi32, #tpu.memory_space<vmem>>) semaphore(%dma_start3A_91 : memref<!tpu.dma_semaphore, #tpu.memory_space<semaphore_mem>>)
    %dma_start3A_92 = arith.constant 1 : i32
    %dma_start3A_93 = arith.constant 2 : i32
    %dma_start3A_94 = arith.constant 1 : i32
    %dma_start3A_95 = arith.constant 2 : i32
    %dma_start3A_96 = arith.constant 0 : i32
    %dma_start3A_97 = arith.constant 0 : i32
    %dma_start3A_98 = tpu.memref_slice %arg6[%dma_start3A_92, %dma_start3A_93, %dma_start3A_96, %dma_start3A_97] : memref<2x4x128x64xf32, #tpu.memory_space<vmem>> -> memref<1x1x128x64xf32, #tpu.memory_space<vmem>>
    %dma_start3A_99 = tpu.memref_squeeze %dma_start3A_98 : memref<1x1x128x64xf32, #tpu.memory_space<vmem>> -> memref<128x64xf32, #tpu.memory_space<vmem>>
    %dma_start3A_100 = arith.constant 768 : i32
    %dma_start3A_101 = tpu.memref_slice %arg5[%dma_start3A_100] : memref<25600xi32, #tpu.memory_space<vmem>> -> memref<128xi32, #tpu.memory_space<vmem>>
    %dma_start3A_102 = arith.constant 0 : i32
    %dma_start3A_103 = arith.constant 0 : i32
    %dma_start3A_104 = tpu.memref_slice %arg2[%dma_start3A_102, %dma_start3A_103] : memref<1000000x64xf32, #tpu.memory_space<hbm>> -> memref<1000000x64xf32, #tpu.memory_space<hbm>>
    %dma_start3A_105 = tpu.memref_slice %arg7[%dma_start3A_94, %dma_start3A_95] : memref<2x4x!tpu.dma_semaphore, #tpu.memory_space<semaphore_mem>> -> memref<1x1x!tpu.dma_semaphore, #tpu.memory_space<semaphore_mem>>
    %dma_start3A_106 = tpu.memref_squeeze %dma_start3A_105 : memref<1x1x!tpu.dma_semaphore, #tpu.memory_space<semaphore_mem>> -> memref<!tpu.dma_semaphore, #tpu.memory_space<semaphore_mem>>
    tpu.enqueue_indirect_dma source(%dma_start3A_104 : memref<1000000x64xf32, #tpu.memory_space<hbm>>) target(%dma_start3A_99 : memref<128x64xf32, #tpu.memory_space<vmem>>) offsets(%dma_start3A_101 : memref<128xi32, #tpu.memory_space<vmem>>) semaphore(%dma_start3A_106 : memref<!tpu.dma_semaphore, #tpu.memory_space<semaphore_mem>>)
    %dma_start3A_107 = arith.constant 1 : i32
    %dma_start3A_108 = arith.constant 3 : i32
    %dma_start3A_109 = arith.constant 1 : i32
    %dma_start3A_110 = arith.constant 3 : i32
    %dma_start3A_111 = arith.constant 0 : i32
    %dma_start3A_112 = arith.constant 0 : i32
    %dma_start3A_113 = tpu.memref_slice %arg6[%dma_start3A_107, %dma_start3A_108, %dma_start3A_111, %dma_start3A_112] : memref<2x4x128x64xf32, #tpu.memory_space<vmem>> -> memref<1x1x128x64xf32, #tpu.memory_space<vmem>>
    %dma_start3A_114 = tpu.memref_squeeze %dma_start3A_113 : memref<1x1x128x64xf32, #tpu.memory_space<vmem>> -> memref<128x64xf32, #tpu.memory_space<vmem>>
    %dma_start3A_115 = arith.constant 896 : i32
    %dma_start3A_116 = tpu.memref_slice %arg5[%dma_start3A_115] : memref<25600xi32, #tpu.memory_space<vmem>> -> memref<128xi32, #tpu.memory_space<vmem>>
    %dma_start3A_117 = arith.constant 0 : i32
    %dma_start3A_118 = arith.constant 0 : i32
    %dma_start3A_119 = tpu.memref_slice %arg2[%dma_start3A_117, %dma_start3A_118] : memref<1000000x64xf32, #tpu.memory_space<hbm>> -> memref<1000000x64xf32, #tpu.memory_space<hbm>>
    %dma_start3A_120 = tpu.memref_slice %arg7[%dma_start3A_109, %dma_start3A_110] : memref<2x4x!tpu.dma_semaphore, #tpu.memory_space<semaphore_mem>> -> memref<1x1x!tpu.dma_semaphore, #tpu.memory_space<semaphore_mem>>
    %dma_start3A_121 = tpu.memref_squeeze %dma_start3A_120 : memref<1x1x!tpu.dma_semaphore, #tpu.memory_space<semaphore_mem>> -> memref<!tpu.dma_semaphore, #tpu.memory_space<semaphore_mem>>
    tpu.enqueue_indirect_dma source(%dma_start3A_119 : memref<1000000x64xf32, #tpu.memory_space<hbm>>) target(%dma_start3A_114 : memref<128x64xf32, #tpu.memory_space<vmem>>) offsets(%dma_start3A_116 : memref<128xi32, #tpu.memory_space<vmem>>) semaphore(%dma_start3A_121 : memref<!tpu.dma_semaphore, #tpu.memory_space<semaphore_mem>>)
    %scan3A = arith.constant 0 : i32
    %scan3A_122 = arith.constant 0 : i32
    %scan3A_123 = arith.constant 24 : i32
    %scan3A_124 = arith.addi %scan3A_122, %scan3A_123 : i32
    %scan3A_125 = arith.constant 1 : i32
    %scan3A_126 = scf.for %scan3A_606 = %scan3A_122 to %scan3A_124 step %scan3A_125 iter_args(%scan3A_607 = %scan3A) -> (i32)  : i32 {
      %mul3A_608 = arith.constant 2 : i32
      %mul3A_609 = arith.muli %mul3A_608, %scan3A_606 : i32
      %mul3A_610 = arith.constant 512 : i32
      %mul3A_611 = arith.muli %mul3A_609, %mul3A_610 : i32
      %add3A_612 = arith.constant 0 : i32
      %add3A_613 = arith.addi %mul3A_611, %add3A_612 : i32
      %dma_wait3A_614 = arith.constant 0 : i32
      %dma_wait3A_615 = arith.constant 0 : i32
      %dma_wait3A_616 = arith.constant 0 : i32
      %dma_wait3A_617 = arith.constant 0 : i32
      %dma_wait3A_618 = arith.constant 0 : i32
      %dma_wait3A_619 = arith.constant 0 : i32
      %dma_wait3A_620 = tpu.memref_slice %arg6[%dma_wait3A_614, %dma_wait3A_615, %dma_wait3A_618, %dma_wait3A_619] : memref<2x4x128x64xf32, #tpu.memory_space<vmem>> -> memref<1x1x128x64xf32, #tpu.memory_space<vmem>>
      %dma_wait3A_621 = tpu.memref_squeeze %dma_wait3A_620 : memref<1x1x128x64xf32, #tpu.memory_space<vmem>> -> memref<128x64xf32, #tpu.memory_space<vmem>>
      %dma_wait3A_622 = tpu.memref_slice %arg5[%add3A_613] : memref<25600xi32, #tpu.memory_space<vmem>> -> memref<128xi32, #tpu.memory_space<vmem>>
      %dma_wait3A_623 = arith.constant 0 : i32
      %dma_wait3A_624 = arith.constant 0 : i32
      %dma_wait3A_625 = tpu.memref_slice %arg2[%dma_wait3A_623, %dma_wait3A_624] : memref<1000000x64xf32, #tpu.memory_space<hbm>> -> memref<1000000x64xf32, #tpu.memory_space<hbm>>
      %dma_wait3A_626 = tpu.memref_slice %arg7[%dma_wait3A_616, %dma_wait3A_617] : memref<2x4x!tpu.dma_semaphore, #tpu.memory_space<semaphore_mem>> -> memref<1x1x!tpu.dma_semaphore, #tpu.memory_space<semaphore_mem>>
      %dma_wait3A_627 = tpu.memref_squeeze %dma_wait3A_626 : memref<1x1x!tpu.dma_semaphore, #tpu.memory_space<semaphore_mem>> -> memref<!tpu.dma_semaphore, #tpu.memory_space<semaphore_mem>>
      tpu.wait_indirect_dma semaphore(%dma_wait3A_627 : memref<!tpu.dma_semaphore, #tpu.memory_space<semaphore_mem>>) src(%dma_wait3A_625 : memref<1000000x64xf32, #tpu.memory_space<hbm>>) dst(%dma_wait3A_621 : memref<128x64xf32, #tpu.memory_space<vmem>>)
      %parallel_loop3A_628 = arith.constant 0 : i32
      %parallel_loop3A_629 = arith.constant 128 : i32
      %parallel_loop3A_630 = arith.constant 1 : i32
      scf.for %parallel_loop3A_1273 = %parallel_loop3A_628 to %parallel_loop3A_629 step %parallel_loop3A_630  : i32 {
        %parallel_loop3A_1274 = arith.constant 0 : i32
        %parallel_loop3A_1275 = arith.constant 0 : i32
        %parallel_loop3A_1276 = arith.index_cast %parallel_loop3A_1274 : i32 to index
        %parallel_loop3A_1277 = arith.index_cast %parallel_loop3A_1275 : i32 to index
        %parallel_loop3A_1278 = arith.index_cast %parallel_loop3A_1273 : i32 to index
        %parallel_loop3A_1279 = arith.constant 0 : index
        %parallel_loop3A_1280 = tpu.vector_load %arg6[%parallel_loop3A_1276, %parallel_loop3A_1277, %parallel_loop3A_1278, %parallel_loop3A_1279] {strides = array<i32>} : memref<2x4x128x64xf32, #tpu.memory_space<vmem>>, vector<1x1x1x16xf32>,
        %parallel_loop3A_1281 = vector.shape_cast %parallel_loop3A_1280 : vector<1x1x1x16xf32> to vector<16xf32>
        %parallel_loop3A_1282 = arith.constant 8.000000e+00 : f32
        %parallel_loop3A_1283 = vector.broadcast %parallel_loop3A_1282 : f32 to vector<16xf32>
        %parallel_loop3A_1284 = arith.mulf %parallel_loop3A_1281, %parallel_loop3A_1283 : vector<16xf32>
        %parallel_loop3A_1285 = arith.constant 0 : i32
        %parallel_loop3A_1286 = arith.constant 0 : i32
        %parallel_loop3A_1287 = arith.index_cast %parallel_loop3A_1285 : i32 to index
        %parallel_loop3A_1288 = arith.index_cast %parallel_loop3A_1286 : i32 to index
        %parallel_loop3A_1289 = arith.index_cast %parallel_loop3A_1273 : i32 to index
        %parallel_loop3A_1290 = arith.constant 0 : index
        %parallel_loop3A_1291 = tpu.vector_load %arg6[%parallel_loop3A_1287, %parallel_loop3A_1288, %parallel_loop3A_1289, %parallel_loop3A_1290] {strides = array<i32>} : memref<2x4x128x64xf32, #tpu.memory_space<vmem>>, vector<1x1x1x16xf32>,
        %parallel_loop3A_1292 = vector.shape_cast %parallel_loop3A_1291 : vector<1x1x1x16xf32> to vector<16xf32>
        %parallel_loop3A_1293 = vector.shape_cast %parallel_loop3A_1284 : vector<16xf32> to vector<1x1x1x16xf32>
        tpu.vector_store %arg6[%parallel_loop3A_1287, %parallel_loop3A_1288, %parallel_loop3A_1289, %parallel_loop3A_1290], %parallel_loop3A_1293 {strides = array<i32>} : memref<2x4x128x64xf32, #tpu.memory_space<vmem>>, vector<1x1x1x16xf32>,
        %parallel_loop3A_1294 = arith.constant 0 : i32
        %parallel_loop3A_1295 = arith.constant 0 : i32
        %parallel_loop3A_1296 = arith.index_cast %parallel_loop3A_1294 : i32 to index
        %parallel_loop3A_1297 = arith.index_cast %parallel_loop3A_1295 : i32 to index
        %parallel_loop3A_1298 = arith.index_cast %parallel_loop3A_1273 : i32 to index
        %parallel_loop3A_1299 = arith.constant 16 : index
        %parallel_loop3A_1300 = tpu.vector_load %arg6[%parallel_loop3A_1296, %parallel_loop3A_1297, %parallel_loop3A_1298, %parallel_loop3A_1299] {strides = array<i32>} : memref<2x4x128x64xf32, #tpu.memory_space<vmem>>, vector<1x1x1x16xf32>,
        %parallel_loop3A_1301 = vector.shape_cast %parallel_loop3A_1300 : vector<1x1x1x16xf32> to vector<16xf32>
        %parallel_loop3A_1302 = arith.constant 8.000000e+00 : f32
        %parallel_loop3A_1303 = vector.broadcast %parallel_loop3A_1302 : f32 to vector<16xf32>
        %parallel_loop3A_1304 = arith.mulf %parallel_loop3A_1301, %parallel_loop3A_1303 : vector<16xf32>
        %parallel_loop3A_1305 = arith.constant 0 : i32
        %parallel_loop3A_1306 = arith.constant 0 : i32
        %parallel_loop3A_1307 = arith.index_cast %parallel_loop3A_1305 : i32 to index
        %parallel_loop3A_1308 = arith.index_cast %parallel_loop3A_1306 : i32 to index
        %parallel_loop3A_1309 = arith.index_cast %parallel_loop3A_1273 : i32 to index
        %parallel_loop3A_1310 = arith.constant 16 : index
        %parallel_loop3A_1311 = tpu.vector_load %arg6[%parallel_loop3A_1307, %parallel_loop3A_1308, %parallel_loop3A_1309, %parallel_loop3A_1310] {strides = array<i32>} : memref<2x4x128x64xf32, #tpu.memory_space<vmem>>, vector<1x1x1x16xf32>,
        %parallel_loop3A_1312 = vector.shape_cast %parallel_loop3A_1311 : vector<1x1x1x16xf32> to vector<16xf32>
        %parallel_loop3A_1313 = vector.shape_cast %parallel_loop3A_1304 : vector<16xf32> to vector<1x1x1x16xf32>
        tpu.vector_store %arg6[%parallel_loop3A_1307, %parallel_loop3A_1308, %parallel_loop3A_1309, %parallel_loop3A_1310], %parallel_loop3A_1313 {strides = array<i32>} : memref<2x4x128x64xf32, #tpu.memory_space<vmem>>, vector<1x1x1x16xf32>,
        %parallel_loop3A_1314 = arith.constant 0 : i32
        %parallel_loop3A_1315 = arith.constant 0 : i32
        %parallel_loop3A_1316 = arith.index_cast %parallel_loop3A_1314 : i32 to index
        %parallel_loop3A_1317 = arith.index_cast %parallel_loop3A_1315 : i32 to index
        %parallel_loop3A_1318 = arith.index_cast %parallel_loop3A_1273 : i32 to index
        %parallel_loop3A_1319 = arith.constant 32 : index
        %parallel_loop3A_1320 = tpu.vector_load %arg6[%parallel_loop3A_1316, %parallel_loop3A_1317, %parallel_loop3A_1318, %parallel_loop3A_1319] {strides = array<i32>} : memref<2x4x128x64xf32, #tpu.memory_space<vmem>>, vector<1x1x1x16xf32>,
        %parallel_loop3A_1321 = vector.shape_cast %parallel_loop3A_1320 : vector<1x1x1x16xf32> to vector<16xf32>
        %parallel_loop3A_1322 = arith.constant 8.000000e+00 : f32
        %parallel_loop3A_1323 = vector.broadcast %parallel_loop3A_1322 : f32 to vector<16xf32>
        %parallel_loop3A_1324 = arith.mulf %parallel_loop3A_1321, %parallel_loop3A_1323 : vector<16xf32>
        %parallel_loop3A_1325 = arith.constant 0 : i32
        %parallel_loop3A_1326 = arith.constant 0 : i32
        %parallel_loop3A_1327 = arith.index_cast %parallel_loop3A_1325 : i32 to index
        %parallel_loop3A_1328 = arith.index_cast %parallel_loop3A_1326 : i32 to index
        %parallel_loop3A_1329 = arith.index_cast %parallel_loop3A_1273 : i32 to index
        %parallel_loop3A_1330 = arith.constant 32 : index
        %parallel_loop3A_1331 = tpu.vector_load %arg6[%parallel_loop3A_1327, %parallel_loop3A_1328, %parallel_loop3A_1329, %parallel_loop3A_1330] {strides = array<i32>} : memref<2x4x128x64xf32, #tpu.memory_space<vmem>>, vector<1x1x1x16xf32>,
        %parallel_loop3A_1332 = vector.shape_cast %parallel_loop3A_1331 : vector<1x1x1x16xf32> to vector<16xf32>
        %parallel_loop3A_1333 = vector.shape_cast %parallel_loop3A_1324 : vector<16xf32> to vector<1x1x1x16xf32>
        tpu.vector_store %arg6[%parallel_loop3A_1327, %parallel_loop3A_1328, %parallel_loop3A_1329, %parallel_loop3A_1330], %parallel_loop3A_1333 {strides = array<i32>} : memref<2x4x128x64xf32, #tpu.memory_space<vmem>>, vector<1x1x1x16xf32>,
        %parallel_loop3A_1334 = arith.constant 0 : i32
        %parallel_loop3A_1335 = arith.constant 0 : i32
        %parallel_loop3A_1336 = arith.index_cast %parallel_loop3A_1334 : i32 to index
        %parallel_loop3A_1337 = arith.index_cast %parallel_loop3A_1335 : i32 to index
        %parallel_loop3A_1338 = arith.index_cast %parallel_loop3A_1273 : i32 to index
        %parallel_loop3A_1339 = arith.constant 48 : index
        %parallel_loop3A_1340 = tpu.vector_load %arg6[%parallel_loop3A_1336, %parallel_loop3A_1337, %parallel_loop3A_1338, %parallel_loop3A_1339] {strides = array<i32>} : memref<2x4x128x64xf32, #tpu.memory_space<vmem>>, vector<1x1x1x16xf32>,
        %parallel_loop3A_1341 = vector.shape_cast %parallel_loop3A_1340 : vector<1x1x1x16xf32> to vector<16xf32>
        %parallel_loop3A_1342 = arith.constant 8.000000e+00 : f32
        %parallel_loop3A_1343 = vector.broadcast %parallel_loop3A_1342 : f32 to vector<16xf32>
        %parallel_loop3A_1344 = arith.mulf %parallel_loop3A_1341, %parallel_loop3A_1343 : vector<16xf32>
        %parallel_loop3A_1345 = arith.constant 0 : i32
        %parallel_loop3A_1346 = arith.constant 0 : i32
        %parallel_loop3A_1347 = arith.index_cast %parallel_loop3A_1345 : i32 to index
        %parallel_loop3A_1348 = arith.index_cast %parallel_loop3A_1346 : i32 to index
        %parallel_loop3A_1349 = arith.index_cast %parallel_loop3A_1273 : i32 to index
        %parallel_loop3A_1350 = arith.constant 48 : index
        %parallel_loop3A_1351 = tpu.vector_load %arg6[%parallel_loop3A_1347, %parallel_loop3A_1348, %parallel_loop3A_1349, %parallel_loop3A_1350] {strides = array<i32>} : memref<2x4x128x64xf32, #tpu.memory_space<vmem>>, vector<1x1x1x16xf32>,
        %parallel_loop3A_1352 = vector.shape_cast %parallel_loop3A_1351 : vector<1x1x1x16xf32> to vector<16xf32>
        %parallel_loop3A_1353 = vector.shape_cast %parallel_loop3A_1344 : vector<16xf32> to vector<1x1x1x16xf32>
        tpu.vector_store %arg6[%parallel_loop3A_1347, %parallel_loop3A_1348, %parallel_loop3A_1349, %parallel_loop3A_1350], %parallel_loop3A_1353 {strides = array<i32>} : memref<2x4x128x64xf32, #tpu.memory_space<vmem>>, vector<1x1x1x16xf32>,
      } {sc.loop_unroll_factor = 8 : i64, sc.parallel_access}
      %mul3A_631 = arith.constant 512 : i32
      %mul3A_632 = arith.muli %mul3A_609, %mul3A_631 : i32
      %add3A_633 = arith.addi %mul3A_2, %mul3A_632 : i32
      %add3A_634 = arith.constant 0 : i32
      %add3A_635 = arith.addi %add3A_633, %add3A_634 : i32
      %dma_start3A_636 = arith.constant 0 : i32
      %dma_start3A_637 = arith.constant 0 : i32
      %dma_start3A_638 = arith.constant 0 : i32
      %dma_start3A_639 = arith.constant 0 : i32
      %dma_start3A_640 = arith.constant 0 : i32
      %dma_start3A_641 = arith.constant 0 : i32
      %dma_start3A_642 = tpu.memref_slice %arg6[%dma_start3A_636, %dma_start3A_637, %dma_start3A_640, %dma_start3A_641] : memref<2x4x128x64xf32, #tpu.memory_space<vmem>> -> memref<1x1x128x64xf32, #tpu.memory_space<vmem>>
      %dma_start3A_643 = tpu.memref_squeeze %dma_start3A_642 : memref<1x1x128x64xf32, #tpu.memory_space<vmem>> -> memref<128x64xf32, #tpu.memory_space<vmem>>
      %dma_start3A_644 = arith.constant 0 : i32
      %dma_start3A_645 = tpu.memref_slice %arg4[%add3A_635, %dma_start3A_644] : memref<819200x64xf32, #tpu.memory_space<hbm>> -> memref<128x64xf32, #tpu.memory_space<hbm>>
      %dma_start3A_646 = tpu.memref_slice %arg8[%dma_start3A_638, %dma_start3A_639] : memref<2x4x!tpu.dma_semaphore, #tpu.memory_space<semaphore_mem>> -> memref<1x1x!tpu.dma_semaphore, #tpu.memory_space<semaphore_mem>>
      %dma_start3A_647 = tpu.memref_squeeze %dma_start3A_646 : memref<1x1x!tpu.dma_semaphore, #tpu.memory_space<semaphore_mem>> -> memref<!tpu.dma_semaphore, #tpu.memory_space<semaphore_mem>>
      %dma_start3A_648 = arith.constant 0 : i32
      %dma_start3A_649 = tpu.memref_slice %arg4[%add3A_635, %dma_start3A_648] : memref<819200x64xf32, #tpu.memory_space<hbm>> -> memref<128x64xf32, #tpu.memory_space<hbm>>
      %dma_start3A_650 = arith.constant 0 : i32
      %dma_start3A_651 = arith.constant 0 : i32
      %dma_start3A_652 = tpu.memref_slice %arg6[%dma_start3A_636, %dma_start3A_637, %dma_start3A_650, %dma_start3A_651] : memref<2x4x128x64xf32, #tpu.memory_space<vmem>> -> memref<1x1x128x64xf32, #tpu.memory_space<vmem>>
      %dma_start3A_653 = tpu.memref_squeeze %dma_start3A_652 : memref<1x1x128x64xf32, #tpu.memory_space<vmem>> -> memref<128x64xf32, #tpu.memory_space<vmem>>
      tpu.enqueue_dma source(%dma_start3A_653 : memref<128x64xf32, #tpu.memory_space<vmem>>) target(%dma_start3A_649 : memref<128x64xf32, #tpu.memory_space<hbm>>) target_semaphore(%dma_start3A_647 : memref<!tpu.dma_semaphore, #tpu.memory_space<semaphore_mem>>)
      %mul3A_654 = arith.constant 512 : i32
      %mul3A_655 = arith.muli %mul3A_609, %mul3A_654 : i32
      %add3A_656 = arith.constant 128 : i32
      %add3A_657 = arith.addi %mul3A_655, %add3A_656 : i32
      %dma_wait3A_658 = arith.constant 0 : i32
      %dma_wait3A_659 = arith.constant 1 : i32
      %dma_wait3A_660 = arith.constant 0 : i32
      %dma_wait3A_661 = arith.constant 1 : i32
      %dma_wait3A_662 = arith.constant 0 : i32
      %dma_wait3A_663 = arith.constant 0 : i32
      %dma_wait3A_664 = tpu.memref_slice %arg6[%dma_wait3A_658, %dma_wait3A_659, %dma_wait3A_662, %dma_wait3A_663] : memref<2x4x128x64xf32, #tpu.memory_space<vmem>> -> memref<1x1x128x64xf32, #tpu.memory_space<vmem>>
      %dma_wait3A_665 = tpu.memref_squeeze %dma_wait3A_664 : memref<1x1x128x64xf32, #tpu.memory_space<vmem>> -> memref<128x64xf32, #tpu.memory_space<vmem>>
      %dma_wait3A_666 = tpu.memref_slice %arg5[%add3A_657] : memref<25600xi32, #tpu.memory_space<vmem>> -> memref<128xi32, #tpu.memory_space<vmem>>
      %dma_wait3A_667 = arith.constant 0 : i32
      %dma_wait3A_668 = arith.constant 0 : i32
      %dma_wait3A_669 = tpu.memref_slice %arg2[%dma_wait3A_667, %dma_wait3A_668] : memref<1000000x64xf32, #tpu.memory_space<hbm>> -> memref<1000000x64xf32, #tpu.memory_space<hbm>>
      %dma_wait3A_670 = tpu.memref_slice %arg7[%dma_wait3A_660, %dma_wait3A_661] : memref<2x4x!tpu.dma_semaphore, #tpu.memory_space<semaphore_mem>> -> memref<1x1x!tpu.dma_semaphore, #tpu.memory_space<semaphore_mem>>
      %dma_wait3A_671 = tpu.memref_squeeze %dma_wait3A_670 : memref<1x1x!tpu.dma_semaphore, #tpu.memory_space<semaphore_mem>> -> memref<!tpu.dma_semaphore, #tpu.memory_space<semaphore_mem>>
      tpu.wait_indirect_dma semaphore(%dma_wait3A_671 : memref<!tpu.dma_semaphore, #tpu.memory_space<semaphore_mem>>) src(%dma_wait3A_669 : memref<1000000x64xf32, #tpu.memory_space<hbm>>) dst(%dma_wait3A_665 : memref<128x64xf32, #tpu.memory_space<vmem>>)
      %parallel_loop3A_672 = arith.constant 0 : i32
      %parallel_loop3A_673 = arith.constant 128 : i32
      %parallel_loop3A_674 = arith.constant 1 : i32
      scf.for %parallel_loop3A_1273 = %parallel_loop3A_672 to %parallel_loop3A_673 step %parallel_loop3A_674  : i32 {
        %parallel_loop3A_1274 = arith.constant 0 : i32
        %parallel_loop3A_1275 = arith.constant 1 : i32
        %parallel_loop3A_1276 = arith.index_cast %parallel_loop3A_1274 : i32 to index
        %parallel_loop3A_1277 = arith.index_cast %parallel_loop3A_1275 : i32 to index
        %parallel_loop3A_1278 = arith.index_cast %parallel_loop3A_1273 : i32 to index
        %parallel_loop3A_1279 = arith.constant 0 : index
        %parallel_loop3A_1280 = tpu.vector_load %arg6[%parallel_loop3A_1276, %parallel_loop3A_1277, %parallel_loop3A_1278, %parallel_loop3A_1279] {strides = array<i32>} : memref<2x4x128x64xf32, #tpu.memory_space<vmem>>, vector<1x1x1x16xf32>,
        %parallel_loop3A_1281 = vector.shape_cast %parallel_loop3A_1280 : vector<1x1x1x16xf32> to vector<16xf32>
        %parallel_loop3A_1282 = arith.constant 8.000000e+00 : f32
        %parallel_loop3A_1283 = vector.broadcast %parallel_loop3A_1282 : f32 to vector<16xf32>
        %parallel_loop3A_1284 = arith.mulf %parallel_loop3A_1281, %parallel_loop3A_1283 : vector<16xf32>
        %parallel_loop3A_1285 = arith.constant 0 : i32
        %parallel_loop3A_1286 = arith.constant 1 : i32
        %parallel_loop3A_1287 = arith.index_cast %parallel_loop3A_1285 : i32 to index
        %parallel_loop3A_1288 = arith.index_cast %parallel_loop3A_1286 : i32 to index
        %parallel_loop3A_1289 = arith.index_cast %parallel_loop3A_1273 : i32 to index
        %parallel_loop3A_1290 = arith.constant 0 : index
        %parallel_loop3A_1291 = tpu.vector_load %arg6[%parallel_loop3A_1287, %parallel_loop3A_1288, %parallel_loop3A_1289, %parallel_loop3A_1290] {strides = array<i32>} : memref<2x4x128x64xf32, #tpu.memory_space<vmem>>, vector<1x1x1x16xf32>,
        %parallel_loop3A_1292 = vector.shape_cast %parallel_loop3A_1291 : vector<1x1x1x16xf32> to vector<16xf32>
        %parallel_loop3A_1293 = vector.shape_cast %parallel_loop3A_1284 : vector<16xf32> to vector<1x1x1x16xf32>
        tpu.vector_store %arg6[%parallel_loop3A_1287, %parallel_loop3A_1288, %parallel_loop3A_1289, %parallel_loop3A_1290], %parallel_loop3A_1293 {strides = array<i32>} : memref<2x4x128x64xf32, #tpu.memory_space<vmem>>, vector<1x1x1x16xf32>,
        %parallel_loop3A_1294 = arith.constant 0 : i32
        %parallel_loop3A_1295 = arith.constant 1 : i32
        %parallel_loop3A_1296 = arith.index_cast %parallel_loop3A_1294 : i32 to index
        %parallel_loop3A_1297 = arith.index_cast %parallel_loop3A_1295 : i32 to index
        %parallel_loop3A_1298 = arith.index_cast %parallel_loop3A_1273 : i32 to index
        %parallel_loop3A_1299 = arith.constant 16 : index
        %parallel_loop3A_1300 = tpu.vector_load %arg6[%parallel_loop3A_1296, %parallel_loop3A_1297, %parallel_loop3A_1298, %parallel_loop3A_1299] {strides = array<i32>} : memref<2x4x128x64xf32, #tpu.memory_space<vmem>>, vector<1x1x1x16xf32>,
        %parallel_loop3A_1301 = vector.shape_cast %parallel_loop3A_1300 : vector<1x1x1x16xf32> to vector<16xf32>
        %parallel_loop3A_1302 = arith.constant 8.000000e+00 : f32
        %parallel_loop3A_1303 = vector.broadcast %parallel_loop3A_1302 : f32 to vector<16xf32>
        %parallel_loop3A_1304 = arith.mulf %parallel_loop3A_1301, %parallel_loop3A_1303 : vector<16xf32>
        %parallel_loop3A_1305 = arith.constant 0 : i32
        %parallel_loop3A_1306 = arith.constant 1 : i32
        %parallel_loop3A_1307 = arith.index_cast %parallel_loop3A_1305 : i32 to index
        %parallel_loop3A_1308 = arith.index_cast %parallel_loop3A_1306 : i32 to index
        %parallel_loop3A_1309 = arith.index_cast %parallel_loop3A_1273 : i32 to index
        %parallel_loop3A_1310 = arith.constant 16 : index
        %parallel_loop3A_1311 = tpu.vector_load %arg6[%parallel_loop3A_1307, %parallel_loop3A_1308, %parallel_loop3A_1309, %parallel_loop3A_1310] {strides = array<i32>} : memref<2x4x128x64xf32, #tpu.memory_space<vmem>>, vector<1x1x1x16xf32>,
        %parallel_loop3A_1312 = vector.shape_cast %parallel_loop3A_1311 : vector<1x1x1x16xf32> to vector<16xf32>
        %parallel_loop3A_1313 = vector.shape_cast %parallel_loop3A_1304 : vector<16xf32> to vector<1x1x1x16xf32>
        tpu.vector_store %arg6[%parallel_loop3A_1307, %parallel_loop3A_1308, %parallel_loop3A_1309, %parallel_loop3A_1310], %parallel_loop3A_1313 {strides = array<i32>} : memref<2x4x128x64xf32, #tpu.memory_space<vmem>>, vector<1x1x1x16xf32>,
        %parallel_loop3A_1314 = arith.constant 0 : i32
        %parallel_loop3A_1315 = arith.constant 1 : i32
        %parallel_loop3A_1316 = arith.index_cast %parallel_loop3A_1314 : i32 to index
        %parallel_loop3A_1317 = arith.index_cast %parallel_loop3A_1315 : i32 to index
        %parallel_loop3A_1318 = arith.index_cast %parallel_loop3A_1273 : i32 to index
        %parallel_loop3A_1319 = arith.constant 32 : index
        %parallel_loop3A_1320 = tpu.vector_load %arg6[%parallel_loop3A_1316, %parallel_loop3A_1317, %parallel_loop3A_1318, %parallel_loop3A_1319] {strides = array<i32>} : memref<2x4x128x64xf32, #tpu.memory_space<vmem>>, vector<1x1x1x16xf32>,
        %parallel_loop3A_1321 = vector.shape_cast %parallel_loop3A_1320 : vector<1x1x1x16xf32> to vector<16xf32>
        %parallel_loop3A_1322 = arith.constant 8.000000e+00 : f32
        %parallel_loop3A_1323 = vector.broadcast %parallel_loop3A_1322 : f32 to vector<16xf32>
        %parallel_loop3A_1324 = arith.mulf %parallel_loop3A_1321, %parallel_loop3A_1323 : vector<16xf32>
        %parallel_loop3A_1325 = arith.constant 0 : i32
        %parallel_loop3A_1326 = arith.constant 1 : i32
        %parallel_loop3A_1327 = arith.index_cast %parallel_loop3A_1325 : i32 to index
        %parallel_loop3A_1328 = arith.index_cast %parallel_loop3A_1326 : i32 to index
        %parallel_loop3A_1329 = arith.index_cast %parallel_loop3A_1273 : i32 to index
        %parallel_loop3A_1330 = arith.constant 32 : index
        %parallel_loop3A_1331 = tpu.vector_load %arg6[%parallel_loop3A_1327, %parallel_loop3A_1328, %parallel_loop3A_1329, %parallel_loop3A_1330] {strides = array<i32>} : memref<2x4x128x64xf32, #tpu.memory_space<vmem>>, vector<1x1x1x16xf32>,
        %parallel_loop3A_1332 = vector.shape_cast %parallel_loop3A_1331 : vector<1x1x1x16xf32> to vector<16xf32>
        %parallel_loop3A_1333 = vector.shape_cast %parallel_loop3A_1324 : vector<16xf32> to vector<1x1x1x16xf32>
        tpu.vector_store %arg6[%parallel_loop3A_1327, %parallel_loop3A_1328, %parallel_loop3A_1329, %parallel_loop3A_1330], %parallel_loop3A_1333 {strides = array<i32>} : memref<2x4x128x64xf32, #tpu.memory_space<vmem>>, vector<1x1x1x16xf32>,
        %parallel_loop3A_1334 = arith.constant 0 : i32
        %parallel_loop3A_1335 = arith.constant 1 : i32
        %parallel_loop3A_1336 = arith.index_cast %parallel_loop3A_1334 : i32 to index
        %parallel_loop3A_1337 = arith.index_cast %parallel_loop3A_1335 : i32 to index
        %parallel_loop3A_1338 = arith.index_cast %parallel_loop3A_1273 : i32 to index
        %parallel_loop3A_1339 = arith.constant 48 : index
        %parallel_loop3A_1340 = tpu.vector_load %arg6[%parallel_loop3A_1336, %parallel_loop3A_1337, %parallel_loop3A_1338, %parallel_loop3A_1339] {strides = array<i32>} : memref<2x4x128x64xf32, #tpu.memory_space<vmem>>, vector<1x1x1x16xf32>,
        %parallel_loop3A_1341 = vector.shape_cast %parallel_loop3A_1340 : vector<1x1x1x16xf32> to vector<16xf32>
        %parallel_loop3A_1342 = arith.constant 8.000000e+00 : f32
        %parallel_loop3A_1343 = vector.broadcast %parallel_loop3A_1342 : f32 to vector<16xf32>
        %parallel_loop3A_1344 = arith.mulf %parallel_loop3A_1341, %parallel_loop3A_1343 : vector<16xf32>
        %parallel_loop3A_1345 = arith.constant 0 : i32
        %parallel_loop3A_1346 = arith.constant 1 : i32
        %parallel_loop3A_1347 = arith.index_cast %parallel_loop3A_1345 : i32 to index
        %parallel_loop3A_1348 = arith.index_cast %parallel_loop3A_1346 : i32 to index
        %parallel_loop3A_1349 = arith.index_cast %parallel_loop3A_1273 : i32 to index
        %parallel_loop3A_1350 = arith.constant 48 : index
        %parallel_loop3A_1351 = tpu.vector_load %arg6[%parallel_loop3A_1347, %parallel_loop3A_1348, %parallel_loop3A_1349, %parallel_loop3A_1350] {strides = array<i32>} : memref<2x4x128x64xf32, #tpu.memory_space<vmem>>, vector<1x1x1x16xf32>,
        %parallel_loop3A_1352 = vector.shape_cast %parallel_loop3A_1351 : vector<1x1x1x16xf32> to vector<16xf32>
        %parallel_loop3A_1353 = vector.shape_cast %parallel_loop3A_1344 : vector<16xf32> to vector<1x1x1x16xf32>
        tpu.vector_store %arg6[%parallel_loop3A_1347, %parallel_loop3A_1348, %parallel_loop3A_1349, %parallel_loop3A_1350], %parallel_loop3A_1353 {strides = array<i32>} : memref<2x4x128x64xf32, #tpu.memory_space<vmem>>, vector<1x1x1x16xf32>,
      } {sc.loop_unroll_factor = 8 : i64, sc.parallel_access}
      %mul3A_675 = arith.constant 512 : i32
      %mul3A_676 = arith.muli %mul3A_609, %mul3A_675 : i32
      %add3A_677 = arith.addi %mul3A_2, %mul3A_676 : i32
      %add3A_678 = arith.constant 128 : i32
      %add3A_679 = arith.addi %add3A_677, %add3A_678 : i32
      %dma_start3A_680 = arith.constant 0 : i32
      %dma_start3A_681 = arith.constant 1 : i32
      %dma_start3A_682 = arith.constant 0 : i32
      %dma_start3A_683 = arith.constant 1 : i32
      %dma_start3A_684 = arith.constant 0 : i32
      %dma_start3A_685 = arith.constant 0 : i32
      %dma_start3A_686 = tpu.memref_slice %arg6[%dma_start3A_680, %dma_start3A_681, %dma_start3A_684, %dma_start3A_685] : memref<2x4x128x64xf32, #tpu.memory_space<vmem>> -> memref<1x1x128x64xf32, #tpu.memory_space<vmem>>
      %dma_start3A_687 = tpu.memref_squeeze %dma_start3A_686 : memref<1x1x128x64xf32, #tpu.memory_space<vmem>> -> memref<128x64xf32, #tpu.memory_space<vmem>>
      %dma_start3A_688 = arith.constant 0 : i32
      %dma_start3A_689 = tpu.memref_slice %arg4[%add3A_679, %dma_start3A_688] : memref<819200x64xf32, #tpu.memory_space<hbm>> -> memref<128x64xf32, #tpu.memory_space<hbm>>
      %dma_start3A_690 = tpu.memref_slice %arg8[%dma_start3A_682, %dma_start3A_683] : memref<2x4x!tpu.dma_semaphore, #tpu.memory_space<semaphore_mem>> -> memref<1x1x!tpu.dma_semaphore, #tpu.memory_space<semaphore_mem>>
      %dma_start3A_691 = tpu.memref_squeeze %dma_start3A_690 : memref<1x1x!tpu.dma_semaphore, #tpu.memory_space<semaphore_mem>> -> memref<!tpu.dma_semaphore, #tpu.memory_space<semaphore_mem>>
      %dma_start3A_692 = arith.constant 0 : i32
      %dma_start3A_693 = tpu.memref_slice %arg4[%add3A_679, %dma_start3A_692] : memref<819200x64xf32, #tpu.memory_space<hbm>> -> memref<128x64xf32, #tpu.memory_space<hbm>>
      %dma_start3A_694 = arith.constant 0 : i32
      %dma_start3A_695 = arith.constant 0 : i32
      %dma_start3A_696 = tpu.memref_slice %arg6[%dma_start3A_680, %dma_start3A_681, %dma_start3A_694, %dma_start3A_695] : memref<2x4x128x64xf32, #tpu.memory_space<vmem>> -> memref<1x1x128x64xf32, #tpu.memory_space<vmem>>
      %dma_start3A_697 = tpu.memref_squeeze %dma_start3A_696 : memref<1x1x128x64xf32, #tpu.memory_space<vmem>> -> memref<128x64xf32, #tpu.memory_space<vmem>>
      tpu.enqueue_dma source(%dma_start3A_697 : memref<128x64xf32, #tpu.memory_space<vmem>>) target(%dma_start3A_693 : memref<128x64xf32, #tpu.memory_space<hbm>>) target_semaphore(%dma_start3A_691 : memref<!tpu.dma_semaphore, #tpu.memory_space<semaphore_mem>>)
      %mul3A_698 = arith.constant 512 : i32
      %mul3A_699 = arith.muli %mul3A_609, %mul3A_698 : i32
      %add3A_700 = arith.constant 256 : i32
      %add3A_701 = arith.addi %mul3A_699, %add3A_700 : i32
      %dma_wait3A_702 = arith.constant 0 : i32
      %dma_wait3A_703 = arith.constant 2 : i32
      %dma_wait3A_704 = arith.constant 0 : i32
      %dma_wait3A_705 = arith.constant 2 : i32
      %dma_wait3A_706 = arith.constant 0 : i32
      %dma_wait3A_707 = arith.constant 0 : i32
      %dma_wait3A_708 = tpu.memref_slice %arg6[%dma_wait3A_702, %dma_wait3A_703, %dma_wait3A_706, %dma_wait3A_707] : memref<2x4x128x64xf32, #tpu.memory_space<vmem>> -> memref<1x1x128x64xf32, #tpu.memory_space<vmem>>
      %dma_wait3A_709 = tpu.memref_squeeze %dma_wait3A_708 : memref<1x1x128x64xf32, #tpu.memory_space<vmem>> -> memref<128x64xf32, #tpu.memory_space<vmem>>
      %dma_wait3A_710 = tpu.memref_slice %arg5[%add3A_701] : memref<25600xi32, #tpu.memory_space<vmem>> -> memref<128xi32, #tpu.memory_space<vmem>>
      %dma_wait3A_711 = arith.constant 0 : i32
      %dma_wait3A_712 = arith.constant 0 : i32
      %dma_wait3A_713 = tpu.memref_slice %arg2[%dma_wait3A_711, %dma_wait3A_712] : memref<1000000x64xf32, #tpu.memory_space<hbm>> -> memref<1000000x64xf32, #tpu.memory_space<hbm>>
      %dma_wait3A_714 = tpu.memref_slice %arg7[%dma_wait3A_704, %dma_wait3A_705] : memref<2x4x!tpu.dma_semaphore, #tpu.memory_space<semaphore_mem>> -> memref<1x1x!tpu.dma_semaphore, #tpu.memory_space<semaphore_mem>>
      %dma_wait3A_715 = tpu.memref_squeeze %dma_wait3A_714 : memref<1x1x!tpu.dma_semaphore, #tpu.memory_space<semaphore_mem>> -> memref<!tpu.dma_semaphore, #tpu.memory_space<semaphore_mem>>
      tpu.wait_indirect_dma semaphore(%dma_wait3A_715 : memref<!tpu.dma_semaphore, #tpu.memory_space<semaphore_mem>>) src(%dma_wait3A_713 : memref<1000000x64xf32, #tpu.memory_space<hbm>>) dst(%dma_wait3A_709 : memref<128x64xf32, #tpu.memory_space<vmem>>)
      %parallel_loop3A_716 = arith.constant 0 : i32
      %parallel_loop3A_717 = arith.constant 128 : i32
      %parallel_loop3A_718 = arith.constant 1 : i32
      scf.for %parallel_loop3A_1273 = %parallel_loop3A_716 to %parallel_loop3A_717 step %parallel_loop3A_718  : i32 {
        %parallel_loop3A_1274 = arith.constant 0 : i32
        %parallel_loop3A_1275 = arith.constant 2 : i32
        %parallel_loop3A_1276 = arith.index_cast %parallel_loop3A_1274 : i32 to index
        %parallel_loop3A_1277 = arith.index_cast %parallel_loop3A_1275 : i32 to index
        %parallel_loop3A_1278 = arith.index_cast %parallel_loop3A_1273 : i32 to index
        %parallel_loop3A_1279 = arith.constant 0 : index
        %parallel_loop3A_1280 = tpu.vector_load %arg6[%parallel_loop3A_1276, %parallel_loop3A_1277, %parallel_loop3A_1278, %parallel_loop3A_1279] {strides = array<i32>} : memref<2x4x128x64xf32, #tpu.memory_space<vmem>>, vector<1x1x1x16xf32>,
        %parallel_loop3A_1281 = vector.shape_cast %parallel_loop3A_1280 : vector<1x1x1x16xf32> to vector<16xf32>
        %parallel_loop3A_1282 = arith.constant 8.000000e+00 : f32
        %parallel_loop3A_1283 = vector.broadcast %parallel_loop3A_1282 : f32 to vector<16xf32>
        %parallel_loop3A_1284 = arith.mulf %parallel_loop3A_1281, %parallel_loop3A_1283 : vector<16xf32>
        %parallel_loop3A_1285 = arith.constant 0 : i32
        %parallel_loop3A_1286 = arith.constant 2 : i32
        %parallel_loop3A_1287 = arith.index_cast %parallel_loop3A_1285 : i32 to index
        %parallel_loop3A_1288 = arith.index_cast %parallel_loop3A_1286 : i32 to index
        %parallel_loop3A_1289 = arith.index_cast %parallel_loop3A_1273 : i32 to index
        %parallel_loop3A_1290 = arith.constant 0 : index
        %parallel_loop3A_1291 = tpu.vector_load %arg6[%parallel_loop3A_1287, %parallel_loop3A_1288, %parallel_loop3A_1289, %parallel_loop3A_1290] {strides = array<i32>} : memref<2x4x128x64xf32, #tpu.memory_space<vmem>>, vector<1x1x1x16xf32>,
        %parallel_loop3A_1292 = vector.shape_cast %parallel_loop3A_1291 : vector<1x1x1x16xf32> to vector<16xf32>
        %parallel_loop3A_1293 = vector.shape_cast %parallel_loop3A_1284 : vector<16xf32> to vector<1x1x1x16xf32>
        tpu.vector_store %arg6[%parallel_loop3A_1287, %parallel_loop3A_1288, %parallel_loop3A_1289, %parallel_loop3A_1290], %parallel_loop3A_1293 {strides = array<i32>} : memref<2x4x128x64xf32, #tpu.memory_space<vmem>>, vector<1x1x1x16xf32>,
        %parallel_loop3A_1294 = arith.constant 0 : i32
        %parallel_loop3A_1295 = arith.constant 2 : i32
        %parallel_loop3A_1296 = arith.index_cast %parallel_loop3A_1294 : i32 to index
        %parallel_loop3A_1297 = arith.index_cast %parallel_loop3A_1295 : i32 to index
        %parallel_loop3A_1298 = arith.index_cast %parallel_loop3A_1273 : i32 to index
        %parallel_loop3A_1299 = arith.constant 16 : index
        %parallel_loop3A_1300 = tpu.vector_load %arg6[%parallel_loop3A_1296, %parallel_loop3A_1297, %parallel_loop3A_1298, %parallel_loop3A_1299] {strides = array<i32>} : memref<2x4x128x64xf32, #tpu.memory_space<vmem>>, vector<1x1x1x16xf32>,
        %parallel_loop3A_1301 = vector.shape_cast %parallel_loop3A_1300 : vector<1x1x1x16xf32> to vector<16xf32>
        %parallel_loop3A_1302 = arith.constant 8.000000e+00 : f32
        %parallel_loop3A_1303 = vector.broadcast %parallel_loop3A_1302 : f32 to vector<16xf32>
        %parallel_loop3A_1304 = arith.mulf %parallel_loop3A_1301, %parallel_loop3A_1303 : vector<16xf32>
        %parallel_loop3A_1305 = arith.constant 0 : i32
        %parallel_loop3A_1306 = arith.constant 2 : i32
        %parallel_loop3A_1307 = arith.index_cast %parallel_loop3A_1305 : i32 to index
        %parallel_loop3A_1308 = arith.index_cast %parallel_loop3A_1306 : i32 to index
        %parallel_loop3A_1309 = arith.index_cast %parallel_loop3A_1273 : i32 to index
        %parallel_loop3A_1310 = arith.constant 16 : index
        %parallel_loop3A_1311 = tpu.vector_load %arg6[%parallel_loop3A_1307, %parallel_loop3A_1308, %parallel_loop3A_1309, %parallel_loop3A_1310] {strides = array<i32>} : memref<2x4x128x64xf32, #tpu.memory_space<vmem>>, vector<1x1x1x16xf32>,
        %parallel_loop3A_1312 = vector.shape_cast %parallel_loop3A_1311 : vector<1x1x1x16xf32> to vector<16xf32>
        %parallel_loop3A_1313 = vector.shape_cast %parallel_loop3A_1304 : vector<16xf32> to vector<1x1x1x16xf32>
        tpu.vector_store %arg6[%parallel_loop3A_1307, %parallel_loop3A_1308, %parallel_loop3A_1309, %parallel_loop3A_1310], %parallel_loop3A_1313 {strides = array<i32>} : memref<2x4x128x64xf32, #tpu.memory_space<vmem>>, vector<1x1x1x16xf32>,
        %parallel_loop3A_1314 = arith.constant 0 : i32
        %parallel_loop3A_1315 = arith.constant 2 : i32
        %parallel_loop3A_1316 = arith.index_cast %parallel_loop3A_1314 : i32 to index
        %parallel_loop3A_1317 = arith.index_cast %parallel_loop3A_1315 : i32 to index
        %parallel_loop3A_1318 = arith.index_cast %parallel_loop3A_1273 : i32 to index
        %parallel_loop3A_1319 = arith.constant 32 : index
        %parallel_loop3A_1320 = tpu.vector_load %arg6[%parallel_loop3A_1316, %parallel_loop3A_1317, %parallel_loop3A_1318, %parallel_loop3A_1319] {strides = array<i32>} : memref<2x4x128x64xf32, #tpu.memory_space<vmem>>, vector<1x1x1x16xf32>,
        %parallel_loop3A_1321 = vector.shape_cast %parallel_loop3A_1320 : vector<1x1x1x16xf32> to vector<16xf32>
        %parallel_loop3A_1322 = arith.constant 8.000000e+00 : f32
        %parallel_loop3A_1323 = vector.broadcast %parallel_loop3A_1322 : f32 to vector<16xf32>
        %parallel_loop3A_1324 = arith.mulf %parallel_loop3A_1321, %parallel_loop3A_1323 : vector<16xf32>
        %parallel_loop3A_1325 = arith.constant 0 : i32
        %parallel_loop3A_1326 = arith.constant 2 : i32
        %parallel_loop3A_1327 = arith.index_cast %parallel_loop3A_1325 : i32 to index
        %parallel_loop3A_1328 = arith.index_cast %parallel_loop3A_1326 : i32 to index
        %parallel_loop3A_1329 = arith.index_cast %parallel_loop3A_1273 : i32 to index
        %parallel_loop3A_1330 = arith.constant 32 : index
        %parallel_loop3A_1331 = tpu.vector_load %arg6[%parallel_loop3A_1327, %parallel_loop3A_1328, %parallel_loop3A_1329, %parallel_loop3A_1330] {strides = array<i32>} : memref<2x4x128x64xf32, #tpu.memory_space<vmem>>, vector<1x1x1x16xf32>,
        %parallel_loop3A_1332 = vector.shape_cast %parallel_loop3A_1331 : vector<1x1x1x16xf32> to vector<16xf32>
        %parallel_loop3A_1333 = vector.shape_cast %parallel_loop3A_1324 : vector<16xf32> to vector<1x1x1x16xf32>
        tpu.vector_store %arg6[%parallel_loop3A_1327, %parallel_loop3A_1328, %parallel_loop3A_1329, %parallel_loop3A_1330], %parallel_loop3A_1333 {strides = array<i32>} : memref<2x4x128x64xf32, #tpu.memory_space<vmem>>, vector<1x1x1x16xf32>,
        %parallel_loop3A_1334 = arith.constant 0 : i32
        %parallel_loop3A_1335 = arith.constant 2 : i32
        %parallel_loop3A_1336 = arith.index_cast %parallel_loop3A_1334 : i32 to index
        %parallel_loop3A_1337 = arith.index_cast %parallel_loop3A_1335 : i32 to index
        %parallel_loop3A_1338 = arith.index_cast %parallel_loop3A_1273 : i32 to index
        %parallel_loop3A_1339 = arith.constant 48 : index
        %parallel_loop3A_1340 = tpu.vector_load %arg6[%parallel_loop3A_1336, %parallel_loop3A_1337, %parallel_loop3A_1338, %parallel_loop3A_1339] {strides = array<i32>} : memref<2x4x128x64xf32, #tpu.memory_space<vmem>>, vector<1x1x1x16xf32>,
        %parallel_loop3A_1341 = vector.shape_cast %parallel_loop3A_1340 : vector<1x1x1x16xf32> to vector<16xf32>
        %parallel_loop3A_1342 = arith.constant 8.000000e+00 : f32
        %parallel_loop3A_1343 = vector.broadcast %parallel_loop3A_1342 : f32 to vector<16xf32>
        %parallel_loop3A_1344 = arith.mulf %parallel_loop3A_1341, %parallel_loop3A_1343 : vector<16xf32>
        %parallel_loop3A_1345 = arith.constant 0 : i32
        %parallel_loop3A_1346 = arith.constant 2 : i32
        %parallel_loop3A_1347 = arith.index_cast %parallel_loop3A_1345 : i32 to index
        %parallel_loop3A_1348 = arith.index_cast %parallel_loop3A_1346 : i32 to index
        %parallel_loop3A_1349 = arith.index_cast %parallel_loop3A_1273 : i32 to index
        %parallel_loop3A_1350 = arith.constant 48 : index
        %parallel_loop3A_1351 = tpu.vector_load %arg6[%parallel_loop3A_1347, %parallel_loop3A_1348, %parallel_loop3A_1349, %parallel_loop3A_1350] {strides = array<i32>} : memref<2x4x128x64xf32, #tpu.memory_space<vmem>>, vector<1x1x1x16xf32>,
        %parallel_loop3A_1352 = vector.shape_cast %parallel_loop3A_1351 : vector<1x1x1x16xf32> to vector<16xf32>
        %parallel_loop3A_1353 = vector.shape_cast %parallel_loop3A_1344 : vector<16xf32> to vector<1x1x1x16xf32>
        tpu.vector_store %arg6[%parallel_loop3A_1347, %parallel_loop3A_1348, %parallel_loop3A_1349, %parallel_loop3A_1350], %parallel_loop3A_1353 {strides = array<i32>} : memref<2x4x128x64xf32, #tpu.memory_space<vmem>>, vector<1x1x1x16xf32>,
      } {sc.loop_unroll_factor = 8 : i64, sc.parallel_access}
      %mul3A_719 = arith.constant 512 : i32
      %mul3A_720 = arith.muli %mul3A_609, %mul3A_719 : i32
      %add3A_721 = arith.addi %mul3A_2, %mul3A_720 : i32
      %add3A_722 = arith.constant 256 : i32
      %add3A_723 = arith.addi %add3A_721, %add3A_722 : i32
      %dma_start3A_724 = arith.constant 0 : i32
      %dma_start3A_725 = arith.constant 2 : i32
      %dma_start3A_726 = arith.constant 0 : i32
      %dma_start3A_727 = arith.constant 2 : i32
      %dma_start3A_728 = arith.constant 0 : i32
      %dma_start3A_729 = arith.constant 0 : i32
      %dma_start3A_730 = tpu.memref_slice %arg6[%dma_start3A_724, %dma_start3A_725, %dma_start3A_728, %dma_start3A_729] : memref<2x4x128x64xf32, #tpu.memory_space<vmem>> -> memref<1x1x128x64xf32, #tpu.memory_space<vmem>>
      %dma_start3A_731 = tpu.memref_squeeze %dma_start3A_730 : memref<1x1x128x64xf32, #tpu.memory_space<vmem>> -> memref<128x64xf32, #tpu.memory_space<vmem>>
      %dma_start3A_732 = arith.constant 0 : i32
      %dma_start3A_733 = tpu.memref_slice %arg4[%add3A_723, %dma_start3A_732] : memref<819200x64xf32, #tpu.memory_space<hbm>> -> memref<128x64xf32, #tpu.memory_space<hbm>>
      %dma_start3A_734 = tpu.memref_slice %arg8[%dma_start3A_726, %dma_start3A_727] : memref<2x4x!tpu.dma_semaphore, #tpu.memory_space<semaphore_mem>> -> memref<1x1x!tpu.dma_semaphore, #tpu.memory_space<semaphore_mem>>
      %dma_start3A_735 = tpu.memref_squeeze %dma_start3A_734 : memref<1x1x!tpu.dma_semaphore, #tpu.memory_space<semaphore_mem>> -> memref<!tpu.dma_semaphore, #tpu.memory_space<semaphore_mem>>
      %dma_start3A_736 = arith.constant 0 : i32
      %dma_start3A_737 = tpu.memref_slice %arg4[%add3A_723, %dma_start3A_736] : memref<819200x64xf32, #tpu.memory_space<hbm>> -> memref<128x64xf32, #tpu.memory_space<hbm>>
      %dma_start3A_738 = arith.constant 0 : i32
      %dma_start3A_739 = arith.constant 0 : i32
      %dma_start3A_740 = tpu.memref_slice %arg6[%dma_start3A_724, %dma_start3A_725, %dma_start3A_738, %dma_start3A_739] : memref<2x4x128x64xf32, #tpu.memory_space<vmem>> -> memref<1x1x128x64xf32, #tpu.memory_space<vmem>>
      %dma_start3A_741 = tpu.memref_squeeze %dma_start3A_740 : memref<1x1x128x64xf32, #tpu.memory_space<vmem>> -> memref<128x64xf32, #tpu.memory_space<vmem>>
      tpu.enqueue_dma source(%dma_start3A_741 : memref<128x64xf32, #tpu.memory_space<vmem>>) target(%dma_start3A_737 : memref<128x64xf32, #tpu.memory_space<hbm>>) target_semaphore(%dma_start3A_735 : memref<!tpu.dma_semaphore, #tpu.memory_space<semaphore_mem>>)
      %mul3A_742 = arith.constant 512 : i32
      %mul3A_743 = arith.muli %mul3A_609, %mul3A_742 : i32
      %add3A_744 = arith.constant 384 : i32
      %add3A_745 = arith.addi %mul3A_743, %add3A_744 : i32
      %dma_wait3A_746 = arith.constant 0 : i32
      %dma_wait3A_747 = arith.constant 3 : i32
      %dma_wait3A_748 = arith.constant 0 : i32
      %dma_wait3A_749 = arith.constant 3 : i32
      %dma_wait3A_750 = arith.constant 0 : i32
      %dma_wait3A_751 = arith.constant 0 : i32
      %dma_wait3A_752 = tpu.memref_slice %arg6[%dma_wait3A_746, %dma_wait3A_747, %dma_wait3A_750, %dma_wait3A_751] : memref<2x4x128x64xf32, #tpu.memory_space<vmem>> -> memref<1x1x128x64xf32, #tpu.memory_space<vmem>>
      %dma_wait3A_753 = tpu.memref_squeeze %dma_wait3A_752 : memref<1x1x128x64xf32, #tpu.memory_space<vmem>> -> memref<128x64xf32, #tpu.memory_space<vmem>>
      %dma_wait3A_754 = tpu.memref_slice %arg5[%add3A_745] : memref<25600xi32, #tpu.memory_space<vmem>> -> memref<128xi32, #tpu.memory_space<vmem>>
      %dma_wait3A_755 = arith.constant 0 : i32
      %dma_wait3A_756 = arith.constant 0 : i32
      %dma_wait3A_757 = tpu.memref_slice %arg2[%dma_wait3A_755, %dma_wait3A_756] : memref<1000000x64xf32, #tpu.memory_space<hbm>> -> memref<1000000x64xf32, #tpu.memory_space<hbm>>
      %dma_wait3A_758 = tpu.memref_slice %arg7[%dma_wait3A_748, %dma_wait3A_749] : memref<2x4x!tpu.dma_semaphore, #tpu.memory_space<semaphore_mem>> -> memref<1x1x!tpu.dma_semaphore, #tpu.memory_space<semaphore_mem>>
      %dma_wait3A_759 = tpu.memref_squeeze %dma_wait3A_758 : memref<1x1x!tpu.dma_semaphore, #tpu.memory_space<semaphore_mem>> -> memref<!tpu.dma_semaphore, #tpu.memory_space<semaphore_mem>>
      tpu.wait_indirect_dma semaphore(%dma_wait3A_759 : memref<!tpu.dma_semaphore, #tpu.memory_space<semaphore_mem>>) src(%dma_wait3A_757 : memref<1000000x64xf32, #tpu.memory_space<hbm>>) dst(%dma_wait3A_753 : memref<128x64xf32, #tpu.memory_space<vmem>>)
      %parallel_loop3A_760 = arith.constant 0 : i32
      %parallel_loop3A_761 = arith.constant 128 : i32
      %parallel_loop3A_762 = arith.constant 1 : i32
      scf.for %parallel_loop3A_1273 = %parallel_loop3A_760 to %parallel_loop3A_761 step %parallel_loop3A_762  : i32 {
        %parallel_loop3A_1274 = arith.constant 0 : i32
        %parallel_loop3A_1275 = arith.constant 3 : i32
        %parallel_loop3A_1276 = arith.index_cast %parallel_loop3A_1274 : i32 to index
        %parallel_loop3A_1277 = arith.index_cast %parallel_loop3A_1275 : i32 to index
        %parallel_loop3A_1278 = arith.index_cast %parallel_loop3A_1273 : i32 to index
        %parallel_loop3A_1279 = arith.constant 0 : index
        %parallel_loop3A_1280 = tpu.vector_load %arg6[%parallel_loop3A_1276, %parallel_loop3A_1277, %parallel_loop3A_1278, %parallel_loop3A_1279] {strides = array<i32>} : memref<2x4x128x64xf32, #tpu.memory_space<vmem>>, vector<1x1x1x16xf32>,
        %parallel_loop3A_1281 = vector.shape_cast %parallel_loop3A_1280 : vector<1x1x1x16xf32> to vector<16xf32>
        %parallel_loop3A_1282 = arith.constant 8.000000e+00 : f32
        %parallel_loop3A_1283 = vector.broadcast %parallel_loop3A_1282 : f32 to vector<16xf32>
        %parallel_loop3A_1284 = arith.mulf %parallel_loop3A_1281, %parallel_loop3A_1283 : vector<16xf32>
        %parallel_loop3A_1285 = arith.constant 0 : i32
        %parallel_loop3A_1286 = arith.constant 3 : i32
        %parallel_loop3A_1287 = arith.index_cast %parallel_loop3A_1285 : i32 to index
        %parallel_loop3A_1288 = arith.index_cast %parallel_loop3A_1286 : i32 to index
        %parallel_loop3A_1289 = arith.index_cast %parallel_loop3A_1273 : i32 to index
        %parallel_loop3A_1290 = arith.constant 0 : index
        %parallel_loop3A_1291 = tpu.vector_load %arg6[%parallel_loop3A_1287, %parallel_loop3A_1288, %parallel_loop3A_1289, %parallel_loop3A_1290] {strides = array<i32>} : memref<2x4x128x64xf32, #tpu.memory_space<vmem>>, vector<1x1x1x16xf32>,
        %parallel_loop3A_1292 = vector.shape_cast %parallel_loop3A_1291 : vector<1x1x1x16xf32> to vector<16xf32>
        %parallel_loop3A_1293 = vector.shape_cast %parallel_loop3A_1284 : vector<16xf32> to vector<1x1x1x16xf32>
        tpu.vector_store %arg6[%parallel_loop3A_1287, %parallel_loop3A_1288, %parallel_loop3A_1289, %parallel_loop3A_1290], %parallel_loop3A_1293 {strides = array<i32>} : memref<2x4x128x64xf32, #tpu.memory_space<vmem>>, vector<1x1x1x16xf32>,
        %parallel_loop3A_1294 = arith.constant 0 : i32
        %parallel_loop3A_1295 = arith.constant 3 : i32
        %parallel_loop3A_1296 = arith.index_cast %parallel_loop3A_1294 : i32 to index
        %parallel_loop3A_1297 = arith.index_cast %parallel_loop3A_1295 : i32 to index
        %parallel_loop3A_1298 = arith.index_cast %parallel_loop3A_1273 : i32 to index
        %parallel_loop3A_1299 = arith.constant 16 : index
        %parallel_loop3A_1300 = tpu.vector_load %arg6[%parallel_loop3A_1296, %parallel_loop3A_1297, %parallel_loop3A_1298, %parallel_loop3A_1299] {strides = array<i32>} : memref<2x4x128x64xf32, #tpu.memory_space<vmem>>, vector<1x1x1x16xf32>,
        %parallel_loop3A_1301 = vector.shape_cast %parallel_loop3A_1300 : vector<1x1x1x16xf32> to vector<16xf32>
        %parallel_loop3A_1302 = arith.constant 8.000000e+00 : f32
        %parallel_loop3A_1303 = vector.broadcast %parallel_loop3A_1302 : f32 to vector<16xf32>
        %parallel_loop3A_1304 = arith.mulf %parallel_loop3A_1301, %parallel_loop3A_1303 : vector<16xf32>
        %parallel_loop3A_1305 = arith.constant 0 : i32
        %parallel_loop3A_1306 = arith.constant 3 : i32
        %parallel_loop3A_1307 = arith.index_cast %parallel_loop3A_1305 : i32 to index
        %parallel_loop3A_1308 = arith.index_cast %parallel_loop3A_1306 : i32 to index
        %parallel_loop3A_1309 = arith.index_cast %parallel_loop3A_1273 : i32 to index
        %parallel_loop3A_1310 = arith.constant 16 : index
        %parallel_loop3A_1311 = tpu.vector_load %arg6[%parallel_loop3A_1307, %parallel_loop3A_1308, %parallel_loop3A_1309, %parallel_loop3A_1310] {strides = array<i32>} : memref<2x4x128x64xf32, #tpu.memory_space<vmem>>, vector<1x1x1x16xf32>,
        %parallel_loop3A_1312 = vector.shape_cast %parallel_loop3A_1311 : vector<1x1x1x16xf32> to vector<16xf32>
        %parallel_loop3A_1313 = vector.shape_cast %parallel_loop3A_1304 : vector<16xf32> to vector<1x1x1x16xf32>
        tpu.vector_store %arg6[%parallel_loop3A_1307, %parallel_loop3A_1308, %parallel_loop3A_1309, %parallel_loop3A_1310], %parallel_loop3A_1313 {strides = array<i32>} : memref<2x4x128x64xf32, #tpu.memory_space<vmem>>, vector<1x1x1x16xf32>,
        %parallel_loop3A_1314 = arith.constant 0 : i32
        %parallel_loop3A_1315 = arith.constant 3 : i32
        %parallel_loop3A_1316 = arith.index_cast %parallel_loop3A_1314 : i32 to index
        %parallel_loop3A_1317 = arith.index_cast %parallel_loop3A_1315 : i32 to index
        %parallel_loop3A_1318 = arith.index_cast %parallel_loop3A_1273 : i32 to index
        %parallel_loop3A_1319 = arith.constant 32 : index
        %parallel_loop3A_1320 = tpu.vector_load %arg6[%parallel_loop3A_1316, %parallel_loop3A_1317, %parallel_loop3A_1318, %parallel_loop3A_1319] {strides = array<i32>} : memref<2x4x128x64xf32, #tpu.memory_space<vmem>>, vector<1x1x1x16xf32>,
        %parallel_loop3A_1321 = vector.shape_cast %parallel_loop3A_1320 : vector<1x1x1x16xf32> to vector<16xf32>
        %parallel_loop3A_1322 = arith.constant 8.000000e+00 : f32
        %parallel_loop3A_1323 = vector.broadcast %parallel_loop3A_1322 : f32 to vector<16xf32>
        %parallel_loop3A_1324 = arith.mulf %parallel_loop3A_1321, %parallel_loop3A_1323 : vector<16xf32>
        %parallel_loop3A_1325 = arith.constant 0 : i32
        %parallel_loop3A_1326 = arith.constant 3 : i32
        %parallel_loop3A_1327 = arith.index_cast %parallel_loop3A_1325 : i32 to index
        %parallel_loop3A_1328 = arith.index_cast %parallel_loop3A_1326 : i32 to index
        %parallel_loop3A_1329 = arith.index_cast %parallel_loop3A_1273 : i32 to index
        %parallel_loop3A_1330 = arith.constant 32 : index
        %parallel_loop3A_1331 = tpu.vector_load %arg6[%parallel_loop3A_1327, %parallel_loop3A_1328, %parallel_loop3A_1329, %parallel_loop3A_1330] {strides = array<i32>} : memref<2x4x128x64xf32, #tpu.memory_space<vmem>>, vector<1x1x1x16xf32>,
        %parallel_loop3A_1332 = vector.shape_cast %parallel_loop3A_1331 : vector<1x1x1x16xf32> to vector<16xf32>
        %parallel_loop3A_1333 = vector.shape_cast %parallel_loop3A_1324 : vector<16xf32> to vector<1x1x1x16xf32>
        tpu.vector_store %arg6[%parallel_loop3A_1327, %parallel_loop3A_1328, %parallel_loop3A_1329, %parallel_loop3A_1330], %parallel_loop3A_1333 {strides = array<i32>} : memref<2x4x128x64xf32, #tpu.memory_space<vmem>>, vector<1x1x1x16xf32>,
        %parallel_loop3A_1334 = arith.constant 0 : i32
        %parallel_loop3A_1335 = arith.constant 3 : i32
        %parallel_loop3A_1336 = arith.index_cast %parallel_loop3A_1334 : i32 to index
        %parallel_loop3A_1337 = arith.index_cast %parallel_loop3A_1335 : i32 to index
        %parallel_loop3A_1338 = arith.index_cast %parallel_loop3A_1273 : i32 to index
        %parallel_loop3A_1339 = arith.constant 48 : index
        %parallel_loop3A_1340 = tpu.vector_load %arg6[%parallel_loop3A_1336, %parallel_loop3A_1337, %parallel_loop3A_1338, %parallel_loop3A_1339] {strides = array<i32>} : memref<2x4x128x64xf32, #tpu.memory_space<vmem>>, vector<1x1x1x16xf32>,
        %parallel_loop3A_1341 = vector.shape_cast %parallel_loop3A_1340 : vector<1x1x1x16xf32> to vector<16xf32>
        %parallel_loop3A_1342 = arith.constant 8.000000e+00 : f32
        %parallel_loop3A_1343 = vector.broadcast %parallel_loop3A_1342 : f32 to vector<16xf32>
        %parallel_loop3A_1344 = arith.mulf %parallel_loop3A_1341, %parallel_loop3A_1343 : vector<16xf32>
        %parallel_loop3A_1345 = arith.constant 0 : i32
        %parallel_loop3A_1346 = arith.constant 3 : i32
        %parallel_loop3A_1347 = arith.index_cast %parallel_loop3A_1345 : i32 to index
        %parallel_loop3A_1348 = arith.index_cast %parallel_loop3A_1346 : i32 to index
        %parallel_loop3A_1349 = arith.index_cast %parallel_loop3A_1273 : i32 to index
        %parallel_loop3A_1350 = arith.constant 48 : index
        %parallel_loop3A_1351 = tpu.vector_load %arg6[%parallel_loop3A_1347, %parallel_loop3A_1348, %parallel_loop3A_1349, %parallel_loop3A_1350] {strides = array<i32>} : memref<2x4x128x64xf32, #tpu.memory_space<vmem>>, vector<1x1x1x16xf32>,
        %parallel_loop3A_1352 = vector.shape_cast %parallel_loop3A_1351 : vector<1x1x1x16xf32> to vector<16xf32>
        %parallel_loop3A_1353 = vector.shape_cast %parallel_loop3A_1344 : vector<16xf32> to vector<1x1x1x16xf32>
        tpu.vector_store %arg6[%parallel_loop3A_1347, %parallel_loop3A_1348, %parallel_loop3A_1349, %parallel_loop3A_1350], %parallel_loop3A_1353 {strides = array<i32>} : memref<2x4x128x64xf32, #tpu.memory_space<vmem>>, vector<1x1x1x16xf32>,
      } {sc.loop_unroll_factor = 8 : i64, sc.parallel_access}
      %mul3A_763 = arith.constant 512 : i32
      %mul3A_764 = arith.muli %mul3A_609, %mul3A_763 : i32
      %add3A_765 = arith.addi %mul3A_2, %mul3A_764 : i32
      %add3A_766 = arith.constant 384 : i32
      %add3A_767 = arith.addi %add3A_765, %add3A_766 : i32
      %dma_start3A_768 = arith.constant 0 : i32
      %dma_start3A_769 = arith.constant 3 : i32
      %dma_start3A_770 = arith.constant 0 : i32
      %dma_start3A_771 = arith.constant 3 : i32
      %dma_start3A_772 = arith.constant 0 : i32
      %dma_start3A_773 = arith.constant 0 : i32
      %dma_start3A_774 = tpu.memref_slice %arg6[%dma_start3A_768, %dma_start3A_769, %dma_start3A_772, %dma_start3A_773] : memref<2x4x128x64xf32, #tpu.memory_space<vmem>> -> memref<1x1x128x64xf32, #tpu.memory_space<vmem>>
      %dma_start3A_775 = tpu.memref_squeeze %dma_start3A_774 : memref<1x1x128x64xf32, #tpu.memory_space<vmem>> -> memref<128x64xf32, #tpu.memory_space<vmem>>
      %dma_start3A_776 = arith.constant 0 : i32
      %dma_start3A_777 = tpu.memref_slice %arg4[%add3A_767, %dma_start3A_776] : memref<819200x64xf32, #tpu.memory_space<hbm>> -> memref<128x64xf32, #tpu.memory_space<hbm>>
      %dma_start3A_778 = tpu.memref_slice %arg8[%dma_start3A_770, %dma_start3A_771] : memref<2x4x!tpu.dma_semaphore, #tpu.memory_space<semaphore_mem>> -> memref<1x1x!tpu.dma_semaphore, #tpu.memory_space<semaphore_mem>>
      %dma_start3A_779 = tpu.memref_squeeze %dma_start3A_778 : memref<1x1x!tpu.dma_semaphore, #tpu.memory_space<semaphore_mem>> -> memref<!tpu.dma_semaphore, #tpu.memory_space<semaphore_mem>>
      %dma_start3A_780 = arith.constant 0 : i32
      %dma_start3A_781 = tpu.memref_slice %arg4[%add3A_767, %dma_start3A_780] : memref<819200x64xf32, #tpu.memory_space<hbm>> -> memref<128x64xf32, #tpu.memory_space<hbm>>
      %dma_start3A_782 = arith.constant 0 : i32
      %dma_start3A_783 = arith.constant 0 : i32
      %dma_start3A_784 = tpu.memref_slice %arg6[%dma_start3A_768, %dma_start3A_769, %dma_start3A_782, %dma_start3A_783] : memref<2x4x128x64xf32, #tpu.memory_space<vmem>> -> memref<1x1x128x64xf32, #tpu.memory_space<vmem>>
      %dma_start3A_785 = tpu.memref_squeeze %dma_start3A_784 : memref<1x1x128x64xf32, #tpu.memory_space<vmem>> -> memref<128x64xf32, #tpu.memory_space<vmem>>
      tpu.enqueue_dma source(%dma_start3A_785 : memref<128x64xf32, #tpu.memory_space<vmem>>) target(%dma_start3A_781 : memref<128x64xf32, #tpu.memory_space<hbm>>) target_semaphore(%dma_start3A_779 : memref<!tpu.dma_semaphore, #tpu.memory_space<semaphore_mem>>)
      %add3A_786 = arith.constant 2 : i32
      %add3A_787 = arith.addi %mul3A_609, %add3A_786 : i32
      %mul3A_788 = arith.constant 512 : i32
      %mul3A_789 = arith.muli %add3A_787, %mul3A_788 : i32
      %add3A_790 = arith.constant 0 : i32
      %add3A_791 = arith.addi %mul3A_789, %add3A_790 : i32
      %dma_wait3A_792 = arith.constant 0 : i32
      %dma_wait3A_793 = arith.constant 0 : i32
      %dma_wait3A_794 = arith.constant 0 : i32
      %dma_wait3A_795 = arith.constant 0 : i32
      %dma_wait3A_796 = arith.constant 0 : i32
      %dma_wait3A_797 = arith.constant 0 : i32
      %dma_wait3A_798 = tpu.memref_slice %arg6[%dma_wait3A_792, %dma_wait3A_793, %dma_wait3A_796, %dma_wait3A_797] : memref<2x4x128x64xf32, #tpu.memory_space<vmem>> -> memref<1x1x128x64xf32, #tpu.memory_space<vmem>>
      %dma_wait3A_799 = tpu.memref_squeeze %dma_wait3A_798 : memref<1x1x128x64xf32, #tpu.memory_space<vmem>> -> memref<128x64xf32, #tpu.memory_space<vmem>>
      %dma_wait3A_800 = arith.constant 0 : i32
      %dma_wait3A_801 = arith.constant 0 : i32
      %dma_wait3A_802 = tpu.memref_slice %arg4[%dma_wait3A_800, %dma_wait3A_801] : memref<819200x64xf32, #tpu.memory_space<hbm>> -> memref<128x64xf32, #tpu.memory_space<hbm>>
      %dma_wait3A_803 = tpu.memref_slice %arg8[%dma_wait3A_794, %dma_wait3A_795] : memref<2x4x!tpu.dma_semaphore, #tpu.memory_space<semaphore_mem>> -> memref<1x1x!tpu.dma_semaphore, #tpu.memory_space<semaphore_mem>>
      %dma_wait3A_804 = tpu.memref_squeeze %dma_wait3A_803 : memref<1x1x!tpu.dma_semaphore, #tpu.memory_space<semaphore_mem>> -> memref<!tpu.dma_semaphore, #tpu.memory_space<semaphore_mem>>
      %dma_wait3A_805 = arith.constant 0 : i32
      %dma_wait3A_806 = arith.constant 0 : i32
      %dma_wait3A_807 = tpu.memref_slice %arg4[%dma_wait3A_805, %dma_wait3A_806] : memref<819200x64xf32, #tpu.memory_space<hbm>> -> memref<128x64xf32, #tpu.memory_space<hbm>>
      %dma_wait3A_808 = arith.constant 0 : i32
      %dma_wait3A_809 = arith.constant 0 : i32
      %dma_wait3A_810 = tpu.memref_slice %arg6[%dma_wait3A_792, %dma_wait3A_793, %dma_wait3A_808, %dma_wait3A_809] : memref<2x4x128x64xf32, #tpu.memory_space<vmem>> -> memref<1x1x128x64xf32, #tpu.memory_space<vmem>>
      %dma_wait3A_811 = tpu.memref_squeeze %dma_wait3A_810 : memref<1x1x128x64xf32, #tpu.memory_space<vmem>> -> memref<128x64xf32, #tpu.memory_space<vmem>>
      tpu.wait_dma2 semaphore(%dma_wait3A_804 : memref<!tpu.dma_semaphore, #tpu.memory_space<semaphore_mem>>) src(%dma_wait3A_811 : memref<128x64xf32, #tpu.memory_space<vmem>>) dst(%dma_wait3A_807 : memref<128x64xf32, #tpu.memory_space<hbm>>)
      %dma_start3A_812 = arith.constant 0 : i32
      %dma_start3A_813 = arith.constant 0 : i32
      %dma_start3A_814 = arith.constant 0 : i32
      %dma_start3A_815 = arith.constant 0 : i32
      %dma_start3A_816 = arith.constant 0 : i32
      %dma_start3A_817 = arith.constant 0 : i32
      %dma_start3A_818 = tpu.memref_slice %arg6[%dma_start3A_812, %dma_start3A_813, %dma_start3A_816, %dma_start3A_817] : memref<2x4x128x64xf32, #tpu.memory_space<vmem>> -> memref<1x1x128x64xf32, #tpu.memory_space<vmem>>
      %dma_start3A_819 = tpu.memref_squeeze %dma_start3A_818 : memref<1x1x128x64xf32, #tpu.memory_space<vmem>> -> memref<128x64xf32, #tpu.memory_space<vmem>>
      %dma_start3A_820 = tpu.memref_slice %arg5[%add3A_791] : memref<25600xi32, #tpu.memory_space<vmem>> -> memref<128xi32, #tpu.memory_space<vmem>>
      %dma_start3A_821 = arith.constant 0 : i32
      %dma_start3A_822 = arith.constant 0 : i32
      %dma_start3A_823 = tpu.memref_slice %arg2[%dma_start3A_821, %dma_start3A_822] : memref<1000000x64xf32, #tpu.memory_space<hbm>> -> memref<1000000x64xf32, #tpu.memory_space<hbm>>
      %dma_start3A_824 = tpu.memref_slice %arg7[%dma_start3A_814, %dma_start3A_815] : memref<2x4x!tpu.dma_semaphore, #tpu.memory_space<semaphore_mem>> -> memref<1x1x!tpu.dma_semaphore, #tpu.memory_space<semaphore_mem>>
      %dma_start3A_825 = tpu.memref_squeeze %dma_start3A_824 : memref<1x1x!tpu.dma_semaphore, #tpu.memory_space<semaphore_mem>> -> memref<!tpu.dma_semaphore, #tpu.memory_space<semaphore_mem>>
      tpu.enqueue_indirect_dma source(%dma_start3A_823 : memref<1000000x64xf32, #tpu.memory_space<hbm>>) target(%dma_start3A_819 : memref<128x64xf32, #tpu.memory_space<vmem>>) offsets(%dma_start3A_820 : memref<128xi32, #tpu.memory_space<vmem>>) semaphore(%dma_start3A_825 : memref<!tpu.dma_semaphore, #tpu.memory_space<semaphore_mem>>)
      %mul3A_826 = arith.constant 512 : i32
      %mul3A_827 = arith.muli %add3A_787, %mul3A_826 : i32
      %add3A_828 = arith.constant 128 : i32
      %add3A_829 = arith.addi %mul3A_827, %add3A_828 : i32
      %dma_wait3A_830 = arith.constant 0 : i32
      %dma_wait3A_831 = arith.constant 1 : i32
      %dma_wait3A_832 = arith.constant 0 : i32
      %dma_wait3A_833 = arith.constant 1 : i32
      %dma_wait3A_834 = arith.constant 0 : i32
      %dma_wait3A_835 = arith.constant 0 : i32
      %dma_wait3A_836 = tpu.memref_slice %arg6[%dma_wait3A_830, %dma_wait3A_831, %dma_wait3A_834, %dma_wait3A_835] : memref<2x4x128x64xf32, #tpu.memory_space<vmem>> -> memref<1x1x128x64xf32, #tpu.memory_space<vmem>>
      %dma_wait3A_837 = tpu.memref_squeeze %dma_wait3A_836 : memref<1x1x128x64xf32, #tpu.memory_space<vmem>> -> memref<128x64xf32, #tpu.memory_space<vmem>>
      %dma_wait3A_838 = arith.constant 0 : i32
      %dma_wait3A_839 = arith.constant 0 : i32
      %dma_wait3A_840 = tpu.memref_slice %arg4[%dma_wait3A_838, %dma_wait3A_839] : memref<819200x64xf32, #tpu.memory_space<hbm>> -> memref<128x64xf32, #tpu.memory_space<hbm>>
      %dma_wait3A_841 = tpu.memref_slice %arg8[%dma_wait3A_832, %dma_wait3A_833] : memref<2x4x!tpu.dma_semaphore, #tpu.memory_space<semaphore_mem>> -> memref<1x1x!tpu.dma_semaphore, #tpu.memory_space<semaphore_mem>>
      %dma_wait3A_842 = tpu.memref_squeeze %dma_wait3A_841 : memref<1x1x!tpu.dma_semaphore, #tpu.memory_space<semaphore_mem>> -> memref<!tpu.dma_semaphore, #tpu.memory_space<semaphore_mem>>
      %dma_wait3A_843 = arith.constant 0 : i32
      %dma_wait3A_844 = arith.constant 0 : i32
      %dma_wait3A_845 = tpu.memref_slice %arg4[%dma_wait3A_843, %dma_wait3A_844] : memref<819200x64xf32, #tpu.memory_space<hbm>> -> memref<128x64xf32, #tpu.memory_space<hbm>>
      %dma_wait3A_846 = arith.constant 0 : i32
      %dma_wait3A_847 = arith.constant 0 : i32
      %dma_wait3A_848 = tpu.memref_slice %arg6[%dma_wait3A_830, %dma_wait3A_831, %dma_wait3A_846, %dma_wait3A_847] : memref<2x4x128x64xf32, #tpu.memory_space<vmem>> -> memref<1x1x128x64xf32, #tpu.memory_space<vmem>>
      %dma_wait3A_849 = tpu.memref_squeeze %dma_wait3A_848 : memref<1x1x128x64xf32, #tpu.memory_space<vmem>> -> memref<128x64xf32, #tpu.memory_space<vmem>>
      tpu.wait_dma2 semaphore(%dma_wait3A_842 : memref<!tpu.dma_semaphore, #tpu.memory_space<semaphore_mem>>) src(%dma_wait3A_849 : memref<128x64xf32, #tpu.memory_space<vmem>>) dst(%dma_wait3A_845 : memref<128x64xf32, #tpu.memory_space<hbm>>)
      %dma_start3A_850 = arith.constant 0 : i32
      %dma_start3A_851 = arith.constant 1 : i32
      %dma_start3A_852 = arith.constant 0 : i32
      %dma_start3A_853 = arith.constant 1 : i32
      %dma_start3A_854 = arith.constant 0 : i32
      %dma_start3A_855 = arith.constant 0 : i32
      %dma_start3A_856 = tpu.memref_slice %arg6[%dma_start3A_850, %dma_start3A_851, %dma_start3A_854, %dma_start3A_855] : memref<2x4x128x64xf32, #tpu.memory_space<vmem>> -> memref<1x1x128x64xf32, #tpu.memory_space<vmem>>
      %dma_start3A_857 = tpu.memref_squeeze %dma_start3A_856 : memref<1x1x128x64xf32, #tpu.memory_space<vmem>> -> memref<128x64xf32, #tpu.memory_space<vmem>>
      %dma_start3A_858 = tpu.memref_slice %arg5[%add3A_829] : memref<25600xi32, #tpu.memory_space<vmem>> -> memref<128xi32, #tpu.memory_space<vmem>>
      %dma_start3A_859 = arith.constant 0 : i32
      %dma_start3A_860 = arith.constant 0 : i32
      %dma_start3A_861 = tpu.memref_slice %arg2[%dma_start3A_859, %dma_start3A_860] : memref<1000000x64xf32, #tpu.memory_space<hbm>> -> memref<1000000x64xf32, #tpu.memory_space<hbm>>
      %dma_start3A_862 = tpu.memref_slice %arg7[%dma_start3A_852, %dma_start3A_853] : memref<2x4x!tpu.dma_semaphore, #tpu.memory_space<semaphore_mem>> -> memref<1x1x!tpu.dma_semaphore, #tpu.memory_space<semaphore_mem>>
      %dma_start3A_863 = tpu.memref_squeeze %dma_start3A_862 : memref<1x1x!tpu.dma_semaphore, #tpu.memory_space<semaphore_mem>> -> memref<!tpu.dma_semaphore, #tpu.memory_space<semaphore_mem>>
      tpu.enqueue_indirect_dma source(%dma_start3A_861 : memref<1000000x64xf32, #tpu.memory_space<hbm>>) target(%dma_start3A_857 : memref<128x64xf32, #tpu.memory_space<vmem>>) offsets(%dma_start3A_858 : memref<128xi32, #tpu.memory_space<vmem>>) semaphore(%dma_start3A_863 : memref<!tpu.dma_semaphore, #tpu.memory_space<semaphore_mem>>)
      %mul3A_864 = arith.constant 512 : i32
      %mul3A_865 = arith.muli %add3A_787, %mul3A_864 : i32
      %add3A_866 = arith.constant 256 : i32
      %add3A_867 = arith.addi %mul3A_865, %add3A_866 : i32
      %dma_wait3A_868 = arith.constant 0 : i32
      %dma_wait3A_869 = arith.constant 2 : i32
      %dma_wait3A_870 = arith.constant 0 : i32
      %dma_wait3A_871 = arith.constant 2 : i32
      %dma_wait3A_872 = arith.constant 0 : i32
      %dma_wait3A_873 = arith.constant 0 : i32
      %dma_wait3A_874 = tpu.memref_slice %arg6[%dma_wait3A_868, %dma_wait3A_869, %dma_wait3A_872, %dma_wait3A_873] : memref<2x4x128x64xf32, #tpu.memory_space<vmem>> -> memref<1x1x128x64xf32, #tpu.memory_space<vmem>>
      %dma_wait3A_875 = tpu.memref_squeeze %dma_wait3A_874 : memref<1x1x128x64xf32, #tpu.memory_space<vmem>> -> memref<128x64xf32, #tpu.memory_space<vmem>>
      %dma_wait3A_876 = arith.constant 0 : i32
      %dma_wait3A_877 = arith.constant 0 : i32
      %dma_wait3A_878 = tpu.memref_slice %arg4[%dma_wait3A_876, %dma_wait3A_877] : memref<819200x64xf32, #tpu.memory_space<hbm>> -> memref<128x64xf32, #tpu.memory_space<hbm>>
      %dma_wait3A_879 = tpu.memref_slice %arg8[%dma_wait3A_870, %dma_wait3A_871] : memref<2x4x!tpu.dma_semaphore, #tpu.memory_space<semaphore_mem>> -> memref<1x1x!tpu.dma_semaphore, #tpu.memory_space<semaphore_mem>>
      %dma_wait3A_880 = tpu.memref_squeeze %dma_wait3A_879 : memref<1x1x!tpu.dma_semaphore, #tpu.memory_space<semaphore_mem>> -> memref<!tpu.dma_semaphore, #tpu.memory_space<semaphore_mem>>
      %dma_wait3A_881 = arith.constant 0 : i32
      %dma_wait3A_882 = arith.constant 0 : i32
      %dma_wait3A_883 = tpu.memref_slice %arg4[%dma_wait3A_881, %dma_wait3A_882] : memref<819200x64xf32, #tpu.memory_space<hbm>> -> memref<128x64xf32, #tpu.memory_space<hbm>>
      %dma_wait3A_884 = arith.constant 0 : i32
      %dma_wait3A_885 = arith.constant 0 : i32
      %dma_wait3A_886 = tpu.memref_slice %arg6[%dma_wait3A_868, %dma_wait3A_869, %dma_wait3A_884, %dma_wait3A_885] : memref<2x4x128x64xf32, #tpu.memory_space<vmem>> -> memref<1x1x128x64xf32, #tpu.memory_space<vmem>>
      %dma_wait3A_887 = tpu.memref_squeeze %dma_wait3A_886 : memref<1x1x128x64xf32, #tpu.memory_space<vmem>> -> memref<128x64xf32, #tpu.memory_space<vmem>>
      tpu.wait_dma2 semaphore(%dma_wait3A_880 : memref<!tpu.dma_semaphore, #tpu.memory_space<semaphore_mem>>) src(%dma_wait3A_887 : memref<128x64xf32, #tpu.memory_space<vmem>>) dst(%dma_wait3A_883 : memref<128x64xf32, #tpu.memory_space<hbm>>)
      %dma_start3A_888 = arith.constant 0 : i32
      %dma_start3A_889 = arith.constant 2 : i32
      %dma_start3A_890 = arith.constant 0 : i32
      %dma_start3A_891 = arith.constant 2 : i32
      %dma_start3A_892 = arith.constant 0 : i32
      %dma_start3A_893 = arith.constant 0 : i32
      %dma_start3A_894 = tpu.memref_slice %arg6[%dma_start3A_888, %dma_start3A_889, %dma_start3A_892, %dma_start3A_893] : memref<2x4x128x64xf32, #tpu.memory_space<vmem>> -> memref<1x1x128x64xf32, #tpu.memory_space<vmem>>
      %dma_start3A_895 = tpu.memref_squeeze %dma_start3A_894 : memref<1x1x128x64xf32, #tpu.memory_space<vmem>> -> memref<128x64xf32, #tpu.memory_space<vmem>>
      %dma_start3A_896 = tpu.memref_slice %arg5[%add3A_867] : memref<25600xi32, #tpu.memory_space<vmem>> -> memref<128xi32, #tpu.memory_space<vmem>>
      %dma_start3A_897 = arith.constant 0 : i32
      %dma_start3A_898 = arith.constant 0 : i32
      %dma_start3A_899 = tpu.memref_slice %arg2[%dma_start3A_897, %dma_start3A_898] : memref<1000000x64xf32, #tpu.memory_space<hbm>> -> memref<1000000x64xf32, #tpu.memory_space<hbm>>
      %dma_start3A_900 = tpu.memref_slice %arg7[%dma_start3A_890, %dma_start3A_891] : memref<2x4x!tpu.dma_semaphore, #tpu.memory_space<semaphore_mem>> -> memref<1x1x!tpu.dma_semaphore, #tpu.memory_space<semaphore_mem>>
      %dma_start3A_901 = tpu.memref_squeeze %dma_start3A_900 : memref<1x1x!tpu.dma_semaphore, #tpu.memory_space<semaphore_mem>> -> memref<!tpu.dma_semaphore, #tpu.memory_space<semaphore_mem>>
      tpu.enqueue_indirect_dma source(%dma_start3A_899 : memref<1000000x64xf32, #tpu.memory_space<hbm>>) target(%dma_start3A_895 : memref<128x64xf32, #tpu.memory_space<vmem>>) offsets(%dma_start3A_896 : memref<128xi32, #tpu.memory_space<vmem>>) semaphore(%dma_start3A_901 : memref<!tpu.dma_semaphore, #tpu.memory_space<semaphore_mem>>)
      %mul3A_902 = arith.constant 512 : i32
      %mul3A_903 = arith.muli %add3A_787, %mul3A_902 : i32
      %add3A_904 = arith.constant 384 : i32
      %add3A_905 = arith.addi %mul3A_903, %add3A_904 : i32
      %dma_wait3A_906 = arith.constant 0 : i32
      %dma_wait3A_907 = arith.constant 3 : i32
      %dma_wait3A_908 = arith.constant 0 : i32
      %dma_wait3A_909 = arith.constant 3 : i32
      %dma_wait3A_910 = arith.constant 0 : i32
      %dma_wait3A_911 = arith.constant 0 : i32
      %dma_wait3A_912 = tpu.memref_slice %arg6[%dma_wait3A_906, %dma_wait3A_907, %dma_wait3A_910, %dma_wait3A_911] : memref<2x4x128x64xf32, #tpu.memory_space<vmem>> -> memref<1x1x128x64xf32, #tpu.memory_space<vmem>>
      %dma_wait3A_913 = tpu.memref_squeeze %dma_wait3A_912 : memref<1x1x128x64xf32, #tpu.memory_space<vmem>> -> memref<128x64xf32, #tpu.memory_space<vmem>>
      %dma_wait3A_914 = arith.constant 0 : i32
      %dma_wait3A_915 = arith.constant 0 : i32
      %dma_wait3A_916 = tpu.memref_slice %arg4[%dma_wait3A_914, %dma_wait3A_915] : memref<819200x64xf32, #tpu.memory_space<hbm>> -> memref<128x64xf32, #tpu.memory_space<hbm>>
      %dma_wait3A_917 = tpu.memref_slice %arg8[%dma_wait3A_908, %dma_wait3A_909] : memref<2x4x!tpu.dma_semaphore, #tpu.memory_space<semaphore_mem>> -> memref<1x1x!tpu.dma_semaphore, #tpu.memory_space<semaphore_mem>>
      %dma_wait3A_918 = tpu.memref_squeeze %dma_wait3A_917 : memref<1x1x!tpu.dma_semaphore, #tpu.memory_space<semaphore_mem>> -> memref<!tpu.dma_semaphore, #tpu.memory_space<semaphore_mem>>
      %dma_wait3A_919 = arith.constant 0 : i32
      %dma_wait3A_920 = arith.constant 0 : i32
      %dma_wait3A_921 = tpu.memref_slice %arg4[%dma_wait3A_919, %dma_wait3A_920] : memref<819200x64xf32, #tpu.memory_space<hbm>> -> memref<128x64xf32, #tpu.memory_space<hbm>>
      %dma_wait3A_922 = arith.constant 0 : i32
      %dma_wait3A_923 = arith.constant 0 : i32
      %dma_wait3A_924 = tpu.memref_slice %arg6[%dma_wait3A_906, %dma_wait3A_907, %dma_wait3A_922, %dma_wait3A_923] : memref<2x4x128x64xf32, #tpu.memory_space<vmem>> -> memref<1x1x128x64xf32, #tpu.memory_space<vmem>>
      %dma_wait3A_925 = tpu.memref_squeeze %dma_wait3A_924 : memref<1x1x128x64xf32, #tpu.memory_space<vmem>> -> memref<128x64xf32, #tpu.memory_space<vmem>>
      tpu.wait_dma2 semaphore(%dma_wait3A_918 : memref<!tpu.dma_semaphore, #tpu.memory_space<semaphore_mem>>) src(%dma_wait3A_925 : memref<128x64xf32, #tpu.memory_space<vmem>>) dst(%dma_wait3A_921 : memref<128x64xf32, #tpu.memory_space<hbm>>)
      %dma_start3A_926 = arith.constant 0 : i32
      %dma_start3A_927 = arith.constant 3 : i32
      %dma_start3A_928 = arith.constant 0 : i32
      %dma_start3A_929 = arith.constant 3 : i32
      %dma_start3A_930 = arith.constant 0 : i32
      %dma_start3A_931 = arith.constant 0 : i32
      %dma_start3A_932 = tpu.memref_slice %arg6[%dma_start3A_926, %dma_start3A_927, %dma_start3A_930, %dma_start3A_931] : memref<2x4x128x64xf32, #tpu.memory_space<vmem>> -> memref<1x1x128x64xf32, #tpu.memory_space<vmem>>
      %dma_start3A_933 = tpu.memref_squeeze %dma_start3A_932 : memref<1x1x128x64xf32, #tpu.memory_space<vmem>> -> memref<128x64xf32, #tpu.memory_space<vmem>>
      %dma_start3A_934 = tpu.memref_slice %arg5[%add3A_905] : memref<25600xi32, #tpu.memory_space<vmem>> -> memref<128xi32, #tpu.memory_space<vmem>>
      %dma_start3A_935 = arith.constant 0 : i32
      %dma_start3A_936 = arith.constant 0 : i32
      %dma_start3A_937 = tpu.memref_slice %arg2[%dma_start3A_935, %dma_start3A_936] : memref<1000000x64xf32, #tpu.memory_space<hbm>> -> memref<1000000x64xf32, #tpu.memory_space<hbm>>
      %dma_start3A_938 = tpu.memref_slice %arg7[%dma_start3A_928, %dma_start3A_929] : memref<2x4x!tpu.dma_semaphore, #tpu.memory_space<semaphore_mem>> -> memref<1x1x!tpu.dma_semaphore, #tpu.memory_space<semaphore_mem>>
      %dma_start3A_939 = tpu.memref_squeeze %dma_start3A_938 : memref<1x1x!tpu.dma_semaphore, #tpu.memory_space<semaphore_mem>> -> memref<!tpu.dma_semaphore, #tpu.memory_space<semaphore_mem>>
      tpu.enqueue_indirect_dma source(%dma_start3A_937 : memref<1000000x64xf32, #tpu.memory_space<hbm>>) target(%dma_start3A_933 : memref<128x64xf32, #tpu.memory_space<vmem>>) offsets(%dma_start3A_934 : memref<128xi32, #tpu.memory_space<vmem>>) semaphore(%dma_start3A_939 : memref<!tpu.dma_semaphore, #tpu.memory_space<semaphore_mem>>)
      %add3A_940 = arith.constant 1 : i32
      %add3A_941 = arith.addi %mul3A_609, %add3A_940 : i32
      %mul3A_942 = arith.constant 512 : i32
      %mul3A_943 = arith.muli %add3A_941, %mul3A_942 : i32
      %add3A_944 = arith.constant 0 : i32
      %add3A_945 = arith.addi %mul3A_943, %add3A_944 : i32
      %dma_wait3A_946 = arith.constant 1 : i32
      %dma_wait3A_947 = arith.constant 0 : i32
      %dma_wait3A_948 = arith.constant 1 : i32
      %dma_wait3A_949 = arith.constant 0 : i32
      %dma_wait3A_950 = arith.constant 0 : i32
      %dma_wait3A_951 = arith.constant 0 : i32
      %dma_wait3A_952 = tpu.memref_slice %arg6[%dma_wait3A_946, %dma_wait3A_947, %dma_wait3A_950, %dma_wait3A_951] : memref<2x4x128x64xf32, #tpu.memory_space<vmem>> -> memref<1x1x128x64xf32, #tpu.memory_space<vmem>>
      %dma_wait3A_953 = tpu.memref_squeeze %dma_wait3A_952 : memref<1x1x128x64xf32, #tpu.memory_space<vmem>> -> memref<128x64xf32, #tpu.memory_space<vmem>>
      %dma_wait3A_954 = tpu.memref_slice %arg5[%add3A_945] : memref<25600xi32, #tpu.memory_space<vmem>> -> memref<128xi32, #tpu.memory_space<vmem>>
      %dma_wait3A_955 = arith.constant 0 : i32
      %dma_wait3A_956 = arith.constant 0 : i32
      %dma_wait3A_957 = tpu.memref_slice %arg2[%dma_wait3A_955, %dma_wait3A_956] : memref<1000000x64xf32, #tpu.memory_space<hbm>> -> memref<1000000x64xf32, #tpu.memory_space<hbm>>
      %dma_wait3A_958 = tpu.memref_slice %arg7[%dma_wait3A_948, %dma_wait3A_949] : memref<2x4x!tpu.dma_semaphore, #tpu.memory_space<semaphore_mem>> -> memref<1x1x!tpu.dma_semaphore, #tpu.memory_space<semaphore_mem>>
      %dma_wait3A_959 = tpu.memref_squeeze %dma_wait3A_958 : memref<1x1x!tpu.dma_semaphore, #tpu.memory_space<semaphore_mem>> -> memref<!tpu.dma_semaphore, #tpu.memory_space<semaphore_mem>>
      tpu.wait_indirect_dma semaphore(%dma_wait3A_959 : memref<!tpu.dma_semaphore, #tpu.memory_space<semaphore_mem>>) src(%dma_wait3A_957 : memref<1000000x64xf32, #tpu.memory_space<hbm>>) dst(%dma_wait3A_953 : memref<128x64xf32, #tpu.memory_space<vmem>>)
      %parallel_loop3A_960 = arith.constant 0 : i32
      %parallel_loop3A_961 = arith.constant 128 : i32
      %parallel_loop3A_962 = arith.constant 1 : i32
      scf.for %parallel_loop3A_1273 = %parallel_loop3A_960 to %parallel_loop3A_961 step %parallel_loop3A_962  : i32 {
        %parallel_loop3A_1274 = arith.constant 1 : i32
        %parallel_loop3A_1275 = arith.constant 0 : i32
        %parallel_loop3A_1276 = arith.index_cast %parallel_loop3A_1274 : i32 to index
        %parallel_loop3A_1277 = arith.index_cast %parallel_loop3A_1275 : i32 to index
        %parallel_loop3A_1278 = arith.index_cast %parallel_loop3A_1273 : i32 to index
        %parallel_loop3A_1279 = arith.constant 0 : index
        %parallel_loop3A_1280 = tpu.vector_load %arg6[%parallel_loop3A_1276, %parallel_loop3A_1277, %parallel_loop3A_1278, %parallel_loop3A_1279] {strides = array<i32>} : memref<2x4x128x64xf32, #tpu.memory_space<vmem>>, vector<1x1x1x16xf32>,
        %parallel_loop3A_1281 = vector.shape_cast %parallel_loop3A_1280 : vector<1x1x1x16xf32> to vector<16xf32>
        %parallel_loop3A_1282 = arith.constant 8.000000e+00 : f32
        %parallel_loop3A_1283 = vector.broadcast %parallel_loop3A_1282 : f32 to vector<16xf32>
        %parallel_loop3A_1284 = arith.mulf %parallel_loop3A_1281, %parallel_loop3A_1283 : vector<16xf32>
        %parallel_loop3A_1285 = arith.constant 1 : i32
        %parallel_loop3A_1286 = arith.constant 0 : i32
        %parallel_loop3A_1287 = arith.index_cast %parallel_loop3A_1285 : i32 to index
        %parallel_loop3A_1288 = arith.index_cast %parallel_loop3A_1286 : i32 to index
        %parallel_loop3A_1289 = arith.index_cast %parallel_loop3A_1273 : i32 to index
        %parallel_loop3A_1290 = arith.constant 0 : index
        %parallel_loop3A_1291 = tpu.vector_load %arg6[%parallel_loop3A_1287, %parallel_loop3A_1288, %parallel_loop3A_1289, %parallel_loop3A_1290] {strides = array<i32>} : memref<2x4x128x64xf32, #tpu.memory_space<vmem>>, vector<1x1x1x16xf32>,
        %parallel_loop3A_1292 = vector.shape_cast %parallel_loop3A_1291 : vector<1x1x1x16xf32> to vector<16xf32>
        %parallel_loop3A_1293 = vector.shape_cast %parallel_loop3A_1284 : vector<16xf32> to vector<1x1x1x16xf32>
        tpu.vector_store %arg6[%parallel_loop3A_1287, %parallel_loop3A_1288, %parallel_loop3A_1289, %parallel_loop3A_1290], %parallel_loop3A_1293 {strides = array<i32>} : memref<2x4x128x64xf32, #tpu.memory_space<vmem>>, vector<1x1x1x16xf32>,
        %parallel_loop3A_1294 = arith.constant 1 : i32
        %parallel_loop3A_1295 = arith.constant 0 : i32
        %parallel_loop3A_1296 = arith.index_cast %parallel_loop3A_1294 : i32 to index
        %parallel_loop3A_1297 = arith.index_cast %parallel_loop3A_1295 : i32 to index
        %parallel_loop3A_1298 = arith.index_cast %parallel_loop3A_1273 : i32 to index
        %parallel_loop3A_1299 = arith.constant 16 : index
        %parallel_loop3A_1300 = tpu.vector_load %arg6[%parallel_loop3A_1296, %parallel_loop3A_1297, %parallel_loop3A_1298, %parallel_loop3A_1299] {strides = array<i32>} : memref<2x4x128x64xf32, #tpu.memory_space<vmem>>, vector<1x1x1x16xf32>,
        %parallel_loop3A_1301 = vector.shape_cast %parallel_loop3A_1300 : vector<1x1x1x16xf32> to vector<16xf32>
        %parallel_loop3A_1302 = arith.constant 8.000000e+00 : f32
        %parallel_loop3A_1303 = vector.broadcast %parallel_loop3A_1302 : f32 to vector<16xf32>
        %parallel_loop3A_1304 = arith.mulf %parallel_loop3A_1301, %parallel_loop3A_1303 : vector<16xf32>
        %parallel_loop3A_1305 = arith.constant 1 : i32
        %parallel_loop3A_1306 = arith.constant 0 : i32
        %parallel_loop3A_1307 = arith.index_cast %parallel_loop3A_1305 : i32 to index
        %parallel_loop3A_1308 = arith.index_cast %parallel_loop3A_1306 : i32 to index
        %parallel_loop3A_1309 = arith.index_cast %parallel_loop3A_1273 : i32 to index
        %parallel_loop3A_1310 = arith.constant 16 : index
        %parallel_loop3A_1311 = tpu.vector_load %arg6[%parallel_loop3A_1307, %parallel_loop3A_1308, %parallel_loop3A_1309, %parallel_loop3A_1310] {strides = array<i32>} : memref<2x4x128x64xf32, #tpu.memory_space<vmem>>, vector<1x1x1x16xf32>,
        %parallel_loop3A_1312 = vector.shape_cast %parallel_loop3A_1311 : vector<1x1x1x16xf32> to vector<16xf32>
        %parallel_loop3A_1313 = vector.shape_cast %parallel_loop3A_1304 : vector<16xf32> to vector<1x1x1x16xf32>
        tpu.vector_store %arg6[%parallel_loop3A_1307, %parallel_loop3A_1308, %parallel_loop3A_1309, %parallel_loop3A_1310], %parallel_loop3A_1313 {strides = array<i32>} : memref<2x4x128x64xf32, #tpu.memory_space<vmem>>, vector<1x1x1x16xf32>,
        %parallel_loop3A_1314 = arith.constant 1 : i32
        %parallel_loop3A_1315 = arith.constant 0 : i32
        %parallel_loop3A_1316 = arith.index_cast %parallel_loop3A_1314 : i32 to index
        %parallel_loop3A_1317 = arith.index_cast %parallel_loop3A_1315 : i32 to index
        %parallel_loop3A_1318 = arith.index_cast %parallel_loop3A_1273 : i32 to index
        %parallel_loop3A_1319 = arith.constant 32 : index
        %parallel_loop3A_1320 = tpu.vector_load %arg6[%parallel_loop3A_1316, %parallel_loop3A_1317, %parallel_loop3A_1318, %parallel_loop3A_1319] {strides = array<i32>} : memref<2x4x128x64xf32, #tpu.memory_space<vmem>>, vector<1x1x1x16xf32>,
        %parallel_loop3A_1321 = vector.shape_cast %parallel_loop3A_1320 : vector<1x1x1x16xf32> to vector<16xf32>
        %parallel_loop3A_1322 = arith.constant 8.000000e+00 : f32
        %parallel_loop3A_1323 = vector.broadcast %parallel_loop3A_1322 : f32 to vector<16xf32>
        %parallel_loop3A_1324 = arith.mulf %parallel_loop3A_1321, %parallel_loop3A_1323 : vector<16xf32>
        %parallel_loop3A_1325 = arith.constant 1 : i32
        %parallel_loop3A_1326 = arith.constant 0 : i32
        %parallel_loop3A_1327 = arith.index_cast %parallel_loop3A_1325 : i32 to index
        %parallel_loop3A_1328 = arith.index_cast %parallel_loop3A_1326 : i32 to index
        %parallel_loop3A_1329 = arith.index_cast %parallel_loop3A_1273 : i32 to index
        %parallel_loop3A_1330 = arith.constant 32 : index
        %parallel_loop3A_1331 = tpu.vector_load %arg6[%parallel_loop3A_1327, %parallel_loop3A_1328, %parallel_loop3A_1329, %parallel_loop3A_1330] {strides = array<i32>} : memref<2x4x128x64xf32, #tpu.memory_space<vmem>>, vector<1x1x1x16xf32>,
        %parallel_loop3A_1332 = vector.shape_cast %parallel_loop3A_1331 : vector<1x1x1x16xf32> to vector<16xf32>
        %parallel_loop3A_1333 = vector.shape_cast %parallel_loop3A_1324 : vector<16xf32> to vector<1x1x1x16xf32>
        tpu.vector_store %arg6[%parallel_loop3A_1327, %parallel_loop3A_1328, %parallel_loop3A_1329, %parallel_loop3A_1330], %parallel_loop3A_1333 {strides = array<i32>} : memref<2x4x128x64xf32, #tpu.memory_space<vmem>>, vector<1x1x1x16xf32>,
        %parallel_loop3A_1334 = arith.constant 1 : i32
        %parallel_loop3A_1335 = arith.constant 0 : i32
        %parallel_loop3A_1336 = arith.index_cast %parallel_loop3A_1334 : i32 to index
        %parallel_loop3A_1337 = arith.index_cast %parallel_loop3A_1335 : i32 to index
        %parallel_loop3A_1338 = arith.index_cast %parallel_loop3A_1273 : i32 to index
        %parallel_loop3A_1339 = arith.constant 48 : index
        %parallel_loop3A_1340 = tpu.vector_load %arg6[%parallel_loop3A_1336, %parallel_loop3A_1337, %parallel_loop3A_1338, %parallel_loop3A_1339] {strides = array<i32>} : memref<2x4x128x64xf32, #tpu.memory_space<vmem>>, vector<1x1x1x16xf32>,
        %parallel_loop3A_1341 = vector.shape_cast %parallel_loop3A_1340 : vector<1x1x1x16xf32> to vector<16xf32>
        %parallel_loop3A_1342 = arith.constant 8.000000e+00 : f32
        %parallel_loop3A_1343 = vector.broadcast %parallel_loop3A_1342 : f32 to vector<16xf32>
        %parallel_loop3A_1344 = arith.mulf %parallel_loop3A_1341, %parallel_loop3A_1343 : vector<16xf32>
        %parallel_loop3A_1345 = arith.constant 1 : i32
        %parallel_loop3A_1346 = arith.constant 0 : i32
        %parallel_loop3A_1347 = arith.index_cast %parallel_loop3A_1345 : i32 to index
        %parallel_loop3A_1348 = arith.index_cast %parallel_loop3A_1346 : i32 to index
        %parallel_loop3A_1349 = arith.index_cast %parallel_loop3A_1273 : i32 to index
        %parallel_loop3A_1350 = arith.constant 48 : index
        %parallel_loop3A_1351 = tpu.vector_load %arg6[%parallel_loop3A_1347, %parallel_loop3A_1348, %parallel_loop3A_1349, %parallel_loop3A_1350] {strides = array<i32>} : memref<2x4x128x64xf32, #tpu.memory_space<vmem>>, vector<1x1x1x16xf32>,
        %parallel_loop3A_1352 = vector.shape_cast %parallel_loop3A_1351 : vector<1x1x1x16xf32> to vector<16xf32>
        %parallel_loop3A_1353 = vector.shape_cast %parallel_loop3A_1344 : vector<16xf32> to vector<1x1x1x16xf32>
        tpu.vector_store %arg6[%parallel_loop3A_1347, %parallel_loop3A_1348, %parallel_loop3A_1349, %parallel_loop3A_1350], %parallel_loop3A_1353 {strides = array<i32>} : memref<2x4x128x64xf32, #tpu.memory_space<vmem>>, vector<1x1x1x16xf32>,
      } {sc.loop_unroll_factor = 8 : i64, sc.parallel_access}
      %mul3A_963 = arith.constant 512 : i32
      %mul3A_964 = arith.muli %add3A_941, %mul3A_963 : i32
      %add3A_965 = arith.addi %mul3A_2, %mul3A_964 : i32
      %add3A_966 = arith.constant 0 : i32
      %add3A_967 = arith.addi %add3A_965, %add3A_966 : i32
      %dma_start3A_968 = arith.constant 1 : i32
      %dma_start3A_969 = arith.constant 0 : i32
      %dma_start3A_970 = arith.constant 1 : i32
      %dma_start3A_971 = arith.constant 0 : i32
      %dma_start3A_972 = arith.constant 0 : i32
      %dma_start3A_973 = arith.constant 0 : i32
      %dma_start3A_974 = tpu.memref_slice %arg6[%dma_start3A_968, %dma_start3A_969, %dma_start3A_972, %dma_start3A_973] : memref<2x4x128x64xf32, #tpu.memory_space<vmem>> -> memref<1x1x128x64xf32, #tpu.memory_space<vmem>>
      %dma_start3A_975 = tpu.memref_squeeze %dma_start3A_974 : memref<1x1x128x64xf32, #tpu.memory_space<vmem>> -> memref<128x64xf32, #tpu.memory_space<vmem>>
      %dma_start3A_976 = arith.constant 0 : i32
      %dma_start3A_977 = tpu.memref_slice %arg4[%add3A_967, %dma_start3A_976] : memref<819200x64xf32, #tpu.memory_space<hbm>> -> memref<128x64xf32, #tpu.memory_space<hbm>>
      %dma_start3A_978 = tpu.memref_slice %arg8[%dma_start3A_970, %dma_start3A_971] : memref<2x4x!tpu.dma_semaphore, #tpu.memory_space<semaphore_mem>> -> memref<1x1x!tpu.dma_semaphore, #tpu.memory_space<semaphore_mem>>
      %dma_start3A_979 = tpu.memref_squeeze %dma_start3A_978 : memref<1x1x!tpu.dma_semaphore, #tpu.memory_space<semaphore_mem>> -> memref<!tpu.dma_semaphore, #tpu.memory_space<semaphore_mem>>
      %dma_start3A_980 = arith.constant 0 : i32
      %dma_start3A_981 = tpu.memref_slice %arg4[%add3A_967, %dma_start3A_980] : memref<819200x64xf32, #tpu.memory_space<hbm>> -> memref<128x64xf32, #tpu.memory_space<hbm>>
      %dma_start3A_982 = arith.constant 0 : i32
      %dma_start3A_983 = arith.constant 0 : i32
      %dma_start3A_984 = tpu.memref_slice %arg6[%dma_start3A_968, %dma_start3A_969, %dma_start3A_982, %dma_start3A_983] : memref<2x4x128x64xf32, #tpu.memory_space<vmem>> -> memref<1x1x128x64xf32, #tpu.memory_space<vmem>>
      %dma_start3A_985 = tpu.memref_squeeze %dma_start3A_984 : memref<1x1x128x64xf32, #tpu.memory_space<vmem>> -> memref<128x64xf32, #tpu.memory_space<vmem>>
      tpu.enqueue_dma source(%dma_start3A_985 : memref<128x64xf32, #tpu.memory_space<vmem>>) target(%dma_start3A_981 : memref<128x64xf32, #tpu.memory_space<hbm>>) target_semaphore(%dma_start3A_979 : memref<!tpu.dma_semaphore, #tpu.memory_space<semaphore_mem>>)
      %mul3A_986 = arith.constant 512 : i32
      %mul3A_987 = arith.muli %add3A_941, %mul3A_986 : i32
      %add3A_988 = arith.constant 128 : i32
      %add3A_989 = arith.addi %mul3A_987, %add3A_988 : i32
      %dma_wait3A_990 = arith.constant 1 : i32
      %dma_wait3A_991 = arith.constant 1 : i32
      %dma_wait3A_992 = arith.constant 1 : i32
      %dma_wait3A_993 = arith.constant 1 : i32
      %dma_wait3A_994 = arith.constant 0 : i32
      %dma_wait3A_995 = arith.constant 0 : i32
      %dma_wait3A_996 = tpu.memref_slice %arg6[%dma_wait3A_990, %dma_wait3A_991, %dma_wait3A_994, %dma_wait3A_995] : memref<2x4x128x64xf32, #tpu.memory_space<vmem>> -> memref<1x1x128x64xf32, #tpu.memory_space<vmem>>
      %dma_wait3A_997 = tpu.memref_squeeze %dma_wait3A_996 : memref<1x1x128x64xf32, #tpu.memory_space<vmem>> -> memref<128x64xf32, #tpu.memory_space<vmem>>
      %dma_wait3A_998 = tpu.memref_slice %arg5[%add3A_989] : memref<25600xi32, #tpu.memory_space<vmem>> -> memref<128xi32, #tpu.memory_space<vmem>>
      %dma_wait3A_999 = arith.constant 0 : i32
      %dma_wait3A_1000 = arith.constant 0 : i32
      %dma_wait3A_1001 = tpu.memref_slice %arg2[%dma_wait3A_999, %dma_wait3A_1000] : memref<1000000x64xf32, #tpu.memory_space<hbm>> -> memref<1000000x64xf32, #tpu.memory_space<hbm>>
      %dma_wait3A_1002 = tpu.memref_slice %arg7[%dma_wait3A_992, %dma_wait3A_993] : memref<2x4x!tpu.dma_semaphore, #tpu.memory_space<semaphore_mem>> -> memref<1x1x!tpu.dma_semaphore, #tpu.memory_space<semaphore_mem>>
      %dma_wait3A_1003 = tpu.memref_squeeze %dma_wait3A_1002 : memref<1x1x!tpu.dma_semaphore, #tpu.memory_space<semaphore_mem>> -> memref<!tpu.dma_semaphore, #tpu.memory_space<semaphore_mem>>
      tpu.wait_indirect_dma semaphore(%dma_wait3A_1003 : memref<!tpu.dma_semaphore, #tpu.memory_space<semaphore_mem>>) src(%dma_wait3A_1001 : memref<1000000x64xf32, #tpu.memory_space<hbm>>) dst(%dma_wait3A_997 : memref<128x64xf32, #tpu.memory_space<vmem>>)
      %parallel_loop3A_1004 = arith.constant 0 : i32
      %parallel_loop3A_1005 = arith.constant 128 : i32
      %parallel_loop3A_1006 = arith.constant 1 : i32
      scf.for %parallel_loop3A_1273 = %parallel_loop3A_1004 to %parallel_loop3A_1005 step %parallel_loop3A_1006  : i32 {
        %parallel_loop3A_1274 = arith.constant 1 : i32
        %parallel_loop3A_1275 = arith.constant 1 : i32
        %parallel_loop3A_1276 = arith.index_cast %parallel_loop3A_1274 : i32 to index
        %parallel_loop3A_1277 = arith.index_cast %parallel_loop3A_1275 : i32 to index
        %parallel_loop3A_1278 = arith.index_cast %parallel_loop3A_1273 : i32 to index
        %parallel_loop3A_1279 = arith.constant 0 : index
        %parallel_loop3A_1280 = tpu.vector_load %arg6[%parallel_loop3A_1276, %parallel_loop3A_1277, %parallel_loop3A_1278, %parallel_loop3A_1279] {strides = array<i32>} : memref<2x4x128x64xf32, #tpu.memory_space<vmem>>, vector<1x1x1x16xf32>,
        %parallel_loop3A_1281 = vector.shape_cast %parallel_loop3A_1280 : vector<1x1x1x16xf32> to vector<16xf32>
        %parallel_loop3A_1282 = arith.constant 8.000000e+00 : f32
        %parallel_loop3A_1283 = vector.broadcast %parallel_loop3A_1282 : f32 to vector<16xf32>
        %parallel_loop3A_1284 = arith.mulf %parallel_loop3A_1281, %parallel_loop3A_1283 : vector<16xf32>
        %parallel_loop3A_1285 = arith.constant 1 : i32
        %parallel_loop3A_1286 = arith.constant 1 : i32
        %parallel_loop3A_1287 = arith.index_cast %parallel_loop3A_1285 : i32 to index
        %parallel_loop3A_1288 = arith.index_cast %parallel_loop3A_1286 : i32 to index
        %parallel_loop3A_1289 = arith.index_cast %parallel_loop3A_1273 : i32 to index
        %parallel_loop3A_1290 = arith.constant 0 : index
        %parallel_loop3A_1291 = tpu.vector_load %arg6[%parallel_loop3A_1287, %parallel_loop3A_1288, %parallel_loop3A_1289, %parallel_loop3A_1290] {strides = array<i32>} : memref<2x4x128x64xf32, #tpu.memory_space<vmem>>, vector<1x1x1x16xf32>,
        %parallel_loop3A_1292 = vector.shape_cast %parallel_loop3A_1291 : vector<1x1x1x16xf32> to vector<16xf32>
        %parallel_loop3A_1293 = vector.shape_cast %parallel_loop3A_1284 : vector<16xf32> to vector<1x1x1x16xf32>
        tpu.vector_store %arg6[%parallel_loop3A_1287, %parallel_loop3A_1288, %parallel_loop3A_1289, %parallel_loop3A_1290], %parallel_loop3A_1293 {strides = array<i32>} : memref<2x4x128x64xf32, #tpu.memory_space<vmem>>, vector<1x1x1x16xf32>,
        %parallel_loop3A_1294 = arith.constant 1 : i32
        %parallel_loop3A_1295 = arith.constant 1 : i32
        %parallel_loop3A_1296 = arith.index_cast %parallel_loop3A_1294 : i32 to index
        %parallel_loop3A_1297 = arith.index_cast %parallel_loop3A_1295 : i32 to index
        %parallel_loop3A_1298 = arith.index_cast %parallel_loop3A_1273 : i32 to index
        %parallel_loop3A_1299 = arith.constant 16 : index
        %parallel_loop3A_1300 = tpu.vector_load %arg6[%parallel_loop3A_1296, %parallel_loop3A_1297, %parallel_loop3A_1298, %parallel_loop3A_1299] {strides = array<i32>} : memref<2x4x128x64xf32, #tpu.memory_space<vmem>>, vector<1x1x1x16xf32>,
        %parallel_loop3A_1301 = vector.shape_cast %parallel_loop3A_1300 : vector<1x1x1x16xf32> to vector<16xf32>
        %parallel_loop3A_1302 = arith.constant 8.000000e+00 : f32
        %parallel_loop3A_1303 = vector.broadcast %parallel_loop3A_1302 : f32 to vector<16xf32>
        %parallel_loop3A_1304 = arith.mulf %parallel_loop3A_1301, %parallel_loop3A_1303 : vector<16xf32>
        %parallel_loop3A_1305 = arith.constant 1 : i32
        %parallel_loop3A_1306 = arith.constant 1 : i32
        %parallel_loop3A_1307 = arith.index_cast %parallel_loop3A_1305 : i32 to index
        %parallel_loop3A_1308 = arith.index_cast %parallel_loop3A_1306 : i32 to index
        %parallel_loop3A_1309 = arith.index_cast %parallel_loop3A_1273 : i32 to index
        %parallel_loop3A_1310 = arith.constant 16 : index
        %parallel_loop3A_1311 = tpu.vector_load %arg6[%parallel_loop3A_1307, %parallel_loop3A_1308, %parallel_loop3A_1309, %parallel_loop3A_1310] {strides = array<i32>} : memref<2x4x128x64xf32, #tpu.memory_space<vmem>>, vector<1x1x1x16xf32>,
        %parallel_loop3A_1312 = vector.shape_cast %parallel_loop3A_1311 : vector<1x1x1x16xf32> to vector<16xf32>
        %parallel_loop3A_1313 = vector.shape_cast %parallel_loop3A_1304 : vector<16xf32> to vector<1x1x1x16xf32>
        tpu.vector_store %arg6[%parallel_loop3A_1307, %parallel_loop3A_1308, %parallel_loop3A_1309, %parallel_loop3A_1310], %parallel_loop3A_1313 {strides = array<i32>} : memref<2x4x128x64xf32, #tpu.memory_space<vmem>>, vector<1x1x1x16xf32>,
        %parallel_loop3A_1314 = arith.constant 1 : i32
        %parallel_loop3A_1315 = arith.constant 1 : i32
        %parallel_loop3A_1316 = arith.index_cast %parallel_loop3A_1314 : i32 to index
        %parallel_loop3A_1317 = arith.index_cast %parallel_loop3A_1315 : i32 to index
        %parallel_loop3A_1318 = arith.index_cast %parallel_loop3A_1273 : i32 to index
        %parallel_loop3A_1319 = arith.constant 32 : index
        %parallel_loop3A_1320 = tpu.vector_load %arg6[%parallel_loop3A_1316, %parallel_loop3A_1317, %parallel_loop3A_1318, %parallel_loop3A_1319] {strides = array<i32>} : memref<2x4x128x64xf32, #tpu.memory_space<vmem>>, vector<1x1x1x16xf32>,
        %parallel_loop3A_1321 = vector.shape_cast %parallel_loop3A_1320 : vector<1x1x1x16xf32> to vector<16xf32>
        %parallel_loop3A_1322 = arith.constant 8.000000e+00 : f32
        %parallel_loop3A_1323 = vector.broadcast %parallel_loop3A_1322 : f32 to vector<16xf32>
        %parallel_loop3A_1324 = arith.mulf %parallel_loop3A_1321, %parallel_loop3A_1323 : vector<16xf32>
        %parallel_loop3A_1325 = arith.constant 1 : i32
        %parallel_loop3A_1326 = arith.constant 1 : i32
        %parallel_loop3A_1327 = arith.index_cast %parallel_loop3A_1325 : i32 to index
        %parallel_loop3A_1328 = arith.index_cast %parallel_loop3A_1326 : i32 to index
        %parallel_loop3A_1329 = arith.index_cast %parallel_loop3A_1273 : i32 to index
        %parallel_loop3A_1330 = arith.constant 32 : index
        %parallel_loop3A_1331 = tpu.vector_load %arg6[%parallel_loop3A_1327, %parallel_loop3A_1328, %parallel_loop3A_1329, %parallel_loop3A_1330] {strides = array<i32>} : memref<2x4x128x64xf32, #tpu.memory_space<vmem>>, vector<1x1x1x16xf32>,
        %parallel_loop3A_1332 = vector.shape_cast %parallel_loop3A_1331 : vector<1x1x1x16xf32> to vector<16xf32>
        %parallel_loop3A_1333 = vector.shape_cast %parallel_loop3A_1324 : vector<16xf32> to vector<1x1x1x16xf32>
        tpu.vector_store %arg6[%parallel_loop3A_1327, %parallel_loop3A_1328, %parallel_loop3A_1329, %parallel_loop3A_1330], %parallel_loop3A_1333 {strides = array<i32>} : memref<2x4x128x64xf32, #tpu.memory_space<vmem>>, vector<1x1x1x16xf32>,
        %parallel_loop3A_1334 = arith.constant 1 : i32
        %parallel_loop3A_1335 = arith.constant 1 : i32
        %parallel_loop3A_1336 = arith.index_cast %parallel_loop3A_1334 : i32 to index
        %parallel_loop3A_1337 = arith.index_cast %parallel_loop3A_1335 : i32 to index
        %parallel_loop3A_1338 = arith.index_cast %parallel_loop3A_1273 : i32 to index
        %parallel_loop3A_1339 = arith.constant 48 : index
        %parallel_loop3A_1340 = tpu.vector_load %arg6[%parallel_loop3A_1336, %parallel_loop3A_1337, %parallel_loop3A_1338, %parallel_loop3A_1339] {strides = array<i32>} : memref<2x4x128x64xf32, #tpu.memory_space<vmem>>, vector<1x1x1x16xf32>,
        %parallel_loop3A_1341 = vector.shape_cast %parallel_loop3A_1340 : vector<1x1x1x16xf32> to vector<16xf32>
        %parallel_loop3A_1342 = arith.constant 8.000000e+00 : f32
        %parallel_loop3A_1343 = vector.broadcast %parallel_loop3A_1342 : f32 to vector<16xf32>
        %parallel_loop3A_1344 = arith.mulf %parallel_loop3A_1341, %parallel_loop3A_1343 : vector<16xf32>
        %parallel_loop3A_1345 = arith.constant 1 : i32
        %parallel_loop3A_1346 = arith.constant 1 : i32
        %parallel_loop3A_1347 = arith.index_cast %parallel_loop3A_1345 : i32 to index
        %parallel_loop3A_1348 = arith.index_cast %parallel_loop3A_1346 : i32 to index
        %parallel_loop3A_1349 = arith.index_cast %parallel_loop3A_1273 : i32 to index
        %parallel_loop3A_1350 = arith.constant 48 : index
        %parallel_loop3A_1351 = tpu.vector_load %arg6[%parallel_loop3A_1347, %parallel_loop3A_1348, %parallel_loop3A_1349, %parallel_loop3A_1350] {strides = array<i32>} : memref<2x4x128x64xf32, #tpu.memory_space<vmem>>, vector<1x1x1x16xf32>,
        %parallel_loop3A_1352 = vector.shape_cast %parallel_loop3A_1351 : vector<1x1x1x16xf32> to vector<16xf32>
        %parallel_loop3A_1353 = vector.shape_cast %parallel_loop3A_1344 : vector<16xf32> to vector<1x1x1x16xf32>
        tpu.vector_store %arg6[%parallel_loop3A_1347, %parallel_loop3A_1348, %parallel_loop3A_1349, %parallel_loop3A_1350], %parallel_loop3A_1353 {strides = array<i32>} : memref<2x4x128x64xf32, #tpu.memory_space<vmem>>, vector<1x1x1x16xf32>,
      } {sc.loop_unroll_factor = 8 : i64, sc.parallel_access}
      %mul3A_1007 = arith.constant 512 : i32
      %mul3A_1008 = arith.muli %add3A_941, %mul3A_1007 : i32
      %add3A_1009 = arith.addi %mul3A_2, %mul3A_1008 : i32
      %add3A_1010 = arith.constant 128 : i32
      %add3A_1011 = arith.addi %add3A_1009, %add3A_1010 : i32
      %dma_start3A_1012 = arith.constant 1 : i32
      %dma_start3A_1013 = arith.constant 1 : i32
      %dma_start3A_1014 = arith.constant 1 : i32
      %dma_start3A_1015 = arith.constant 1 : i32
      %dma_start3A_1016 = arith.constant 0 : i32
      %dma_start3A_1017 = arith.constant 0 : i32
      %dma_start3A_1018 = tpu.memref_slice %arg6[%dma_start3A_1012, %dma_start3A_1013, %dma_start3A_1016, %dma_start3A_1017] : memref<2x4x128x64xf32, #tpu.memory_space<vmem>> -> memref<1x1x128x64xf32, #tpu.memory_space<vmem>>
      %dma_start3A_1019 = tpu.memref_squeeze %dma_start3A_1018 : memref<1x1x128x64xf32, #tpu.memory_space<vmem>> -> memref<128x64xf32, #tpu.memory_space<vmem>>
      %dma_start3A_1020 = arith.constant 0 : i32
      %dma_start3A_1021 = tpu.memref_slice %arg4[%add3A_1011, %dma_start3A_1020] : memref<819200x64xf32, #tpu.memory_space<hbm>> -> memref<128x64xf32, #tpu.memory_space<hbm>>
      %dma_start3A_1022 = tpu.memref_slice %arg8[%dma_start3A_1014, %dma_start3A_1015] : memref<2x4x!tpu.dma_semaphore, #tpu.memory_space<semaphore_mem>> -> memref<1x1x!tpu.dma_semaphore, #tpu.memory_space<semaphore_mem>>
      %dma_start3A_1023 = tpu.memref_squeeze %dma_start3A_1022 : memref<1x1x!tpu.dma_semaphore, #tpu.memory_space<semaphore_mem>> -> memref<!tpu.dma_semaphore, #tpu.memory_space<semaphore_mem>>
      %dma_start3A_1024 = arith.constant 0 : i32
      %dma_start3A_1025 = tpu.memref_slice %arg4[%add3A_1011, %dma_start3A_1024] : memref<819200x64xf32, #tpu.memory_space<hbm>> -> memref<128x64xf32, #tpu.memory_space<hbm>>
      %dma_start3A_1026 = arith.constant 0 : i32
      %dma_start3A_1027 = arith.constant 0 : i32
      %dma_start3A_1028 = tpu.memref_slice %arg6[%dma_start3A_1012, %dma_start3A_1013, %dma_start3A_1026, %dma_start3A_1027] : memref<2x4x128x64xf32, #tpu.memory_space<vmem>> -> memref<1x1x128x64xf32, #tpu.memory_space<vmem>>
      %dma_start3A_1029 = tpu.memref_squeeze %dma_start3A_1028 : memref<1x1x128x64xf32, #tpu.memory_space<vmem>> -> memref<128x64xf32, #tpu.memory_space<vmem>>
      tpu.enqueue_dma source(%dma_start3A_1029 : memref<128x64xf32, #tpu.memory_space<vmem>>) target(%dma_start3A_1025 : memref<128x64xf32, #tpu.memory_space<hbm>>) target_semaphore(%dma_start3A_1023 : memref<!tpu.dma_semaphore, #tpu.memory_space<semaphore_mem>>)
      %mul3A_1030 = arith.constant 512 : i32
      %mul3A_1031 = arith.muli %add3A_941, %mul3A_1030 : i32
      %add3A_1032 = arith.constant 256 : i32
      %add3A_1033 = arith.addi %mul3A_1031, %add3A_1032 : i32
      %dma_wait3A_1034 = arith.constant 1 : i32
      %dma_wait3A_1035 = arith.constant 2 : i32
      %dma_wait3A_1036 = arith.constant 1 : i32
      %dma_wait3A_1037 = arith.constant 2 : i32
      %dma_wait3A_1038 = arith.constant 0 : i32
      %dma_wait3A_1039 = arith.constant 0 : i32
      %dma_wait3A_1040 = tpu.memref_slice %arg6[%dma_wait3A_1034, %dma_wait3A_1035, %dma_wait3A_1038, %dma_wait3A_1039] : memref<2x4x128x64xf32, #tpu.memory_space<vmem>> -> memref<1x1x128x64xf32, #tpu.memory_space<vmem>>
      %dma_wait3A_1041 = tpu.memref_squeeze %dma_wait3A_1040 : memref<1x1x128x64xf32, #tpu.memory_space<vmem>> -> memref<128x64xf32, #tpu.memory_space<vmem>>
      %dma_wait3A_1042 = tpu.memref_slice %arg5[%add3A_1033] : memref<25600xi32, #tpu.memory_space<vmem>> -> memref<128xi32, #tpu.memory_space<vmem>>
      %dma_wait3A_1043 = arith.constant 0 : i32
      %dma_wait3A_1044 = arith.constant 0 : i32
      %dma_wait3A_1045 = tpu.memref_slice %arg2[%dma_wait3A_1043, %dma_wait3A_1044] : memref<1000000x64xf32, #tpu.memory_space<hbm>> -> memref<1000000x64xf32, #tpu.memory_space<hbm>>
      %dma_wait3A_1046 = tpu.memref_slice %arg7[%dma_wait3A_1036, %dma_wait3A_1037] : memref<2x4x!tpu.dma_semaphore, #tpu.memory_space<semaphore_mem>> -> memref<1x1x!tpu.dma_semaphore, #tpu.memory_space<semaphore_mem>>
      %dma_wait3A_1047 = tpu.memref_squeeze %dma_wait3A_1046 : memref<1x1x!tpu.dma_semaphore, #tpu.memory_space<semaphore_mem>> -> memref<!tpu.dma_semaphore, #tpu.memory_space<semaphore_mem>>
      tpu.wait_indirect_dma semaphore(%dma_wait3A_1047 : memref<!tpu.dma_semaphore, #tpu.memory_space<semaphore_mem>>) src(%dma_wait3A_1045 : memref<1000000x64xf32, #tpu.memory_space<hbm>>) dst(%dma_wait3A_1041 : memref<128x64xf32, #tpu.memory_space<vmem>>)
      %parallel_loop3A_1048 = arith.constant 0 : i32
      %parallel_loop3A_1049 = arith.constant 128 : i32
      %parallel_loop3A_1050 = arith.constant 1 : i32
      scf.for %parallel_loop3A_1273 = %parallel_loop3A_1048 to %parallel_loop3A_1049 step %parallel_loop3A_1050  : i32 {
        %parallel_loop3A_1274 = arith.constant 1 : i32
        %parallel_loop3A_1275 = arith.constant 2 : i32
        %parallel_loop3A_1276 = arith.index_cast %parallel_loop3A_1274 : i32 to index
        %parallel_loop3A_1277 = arith.index_cast %parallel_loop3A_1275 : i32 to index
        %parallel_loop3A_1278 = arith.index_cast %parallel_loop3A_1273 : i32 to index
        %parallel_loop3A_1279 = arith.constant 0 : index
        %parallel_loop3A_1280 = tpu.vector_load %arg6[%parallel_loop3A_1276, %parallel_loop3A_1277, %parallel_loop3A_1278, %parallel_loop3A_1279] {strides = array<i32>} : memref<2x4x128x64xf32, #tpu.memory_space<vmem>>, vector<1x1x1x16xf32>,
        %parallel_loop3A_1281 = vector.shape_cast %parallel_loop3A_1280 : vector<1x1x1x16xf32> to vector<16xf32>
        %parallel_loop3A_1282 = arith.constant 8.000000e+00 : f32
        %parallel_loop3A_1283 = vector.broadcast %parallel_loop3A_1282 : f32 to vector<16xf32>
        %parallel_loop3A_1284 = arith.mulf %parallel_loop3A_1281, %parallel_loop3A_1283 : vector<16xf32>
        %parallel_loop3A_1285 = arith.constant 1 : i32
        %parallel_loop3A_1286 = arith.constant 2 : i32
        %parallel_loop3A_1287 = arith.index_cast %parallel_loop3A_1285 : i32 to index
        %parallel_loop3A_1288 = arith.index_cast %parallel_loop3A_1286 : i32 to index
        %parallel_loop3A_1289 = arith.index_cast %parallel_loop3A_1273 : i32 to index
        %parallel_loop3A_1290 = arith.constant 0 : index
        %parallel_loop3A_1291 = tpu.vector_load %arg6[%parallel_loop3A_1287, %parallel_loop3A_1288, %parallel_loop3A_1289, %parallel_loop3A_1290] {strides = array<i32>} : memref<2x4x128x64xf32, #tpu.memory_space<vmem>>, vector<1x1x1x16xf32>,
        %parallel_loop3A_1292 = vector.shape_cast %parallel_loop3A_1291 : vector<1x1x1x16xf32> to vector<16xf32>
        %parallel_loop3A_1293 = vector.shape_cast %parallel_loop3A_1284 : vector<16xf32> to vector<1x1x1x16xf32>
        tpu.vector_store %arg6[%parallel_loop3A_1287, %parallel_loop3A_1288, %parallel_loop3A_1289, %parallel_loop3A_1290], %parallel_loop3A_1293 {strides = array<i32>} : memref<2x4x128x64xf32, #tpu.memory_space<vmem>>, vector<1x1x1x16xf32>,
        %parallel_loop3A_1294 = arith.constant 1 : i32
        %parallel_loop3A_1295 = arith.constant 2 : i32
        %parallel_loop3A_1296 = arith.index_cast %parallel_loop3A_1294 : i32 to index
        %parallel_loop3A_1297 = arith.index_cast %parallel_loop3A_1295 : i32 to index
        %parallel_loop3A_1298 = arith.index_cast %parallel_loop3A_1273 : i32 to index
        %parallel_loop3A_1299 = arith.constant 16 : index
        %parallel_loop3A_1300 = tpu.vector_load %arg6[%parallel_loop3A_1296, %parallel_loop3A_1297, %parallel_loop3A_1298, %parallel_loop3A_1299] {strides = array<i32>} : memref<2x4x128x64xf32, #tpu.memory_space<vmem>>, vector<1x1x1x16xf32>,
        %parallel_loop3A_1301 = vector.shape_cast %parallel_loop3A_1300 : vector<1x1x1x16xf32> to vector<16xf32>
        %parallel_loop3A_1302 = arith.constant 8.000000e+00 : f32
        %parallel_loop3A_1303 = vector.broadcast %parallel_loop3A_1302 : f32 to vector<16xf32>
        %parallel_loop3A_1304 = arith.mulf %parallel_loop3A_1301, %parallel_loop3A_1303 : vector<16xf32>
        %parallel_loop3A_1305 = arith.constant 1 : i32
        %parallel_loop3A_1306 = arith.constant 2 : i32
        %parallel_loop3A_1307 = arith.index_cast %parallel_loop3A_1305 : i32 to index
        %parallel_loop3A_1308 = arith.index_cast %parallel_loop3A_1306 : i32 to index
        %parallel_loop3A_1309 = arith.index_cast %parallel_loop3A_1273 : i32 to index
        %parallel_loop3A_1310 = arith.constant 16 : index
        %parallel_loop3A_1311 = tpu.vector_load %arg6[%parallel_loop3A_1307, %parallel_loop3A_1308, %parallel_loop3A_1309, %parallel_loop3A_1310] {strides = array<i32>} : memref<2x4x128x64xf32, #tpu.memory_space<vmem>>, vector<1x1x1x16xf32>,
        %parallel_loop3A_1312 = vector.shape_cast %parallel_loop3A_1311 : vector<1x1x1x16xf32> to vector<16xf32>
        %parallel_loop3A_1313 = vector.shape_cast %parallel_loop3A_1304 : vector<16xf32> to vector<1x1x1x16xf32>
        tpu.vector_store %arg6[%parallel_loop3A_1307, %parallel_loop3A_1308, %parallel_loop3A_1309, %parallel_loop3A_1310], %parallel_loop3A_1313 {strides = array<i32>} : memref<2x4x128x64xf32, #tpu.memory_space<vmem>>, vector<1x1x1x16xf32>,
        %parallel_loop3A_1314 = arith.constant 1 : i32
        %parallel_loop3A_1315 = arith.constant 2 : i32
        %parallel_loop3A_1316 = arith.index_cast %parallel_loop3A_1314 : i32 to index
        %parallel_loop3A_1317 = arith.index_cast %parallel_loop3A_1315 : i32 to index
        %parallel_loop3A_1318 = arith.index_cast %parallel_loop3A_1273 : i32 to index
        %parallel_loop3A_1319 = arith.constant 32 : index
        %parallel_loop3A_1320 = tpu.vector_load %arg6[%parallel_loop3A_1316, %parallel_loop3A_1317, %parallel_loop3A_1318, %parallel_loop3A_1319] {strides = array<i32>} : memref<2x4x128x64xf32, #tpu.memory_space<vmem>>, vector<1x1x1x16xf32>,
        %parallel_loop3A_1321 = vector.shape_cast %parallel_loop3A_1320 : vector<1x1x1x16xf32> to vector<16xf32>
        %parallel_loop3A_1322 = arith.constant 8.000000e+00 : f32
        %parallel_loop3A_1323 = vector.broadcast %parallel_loop3A_1322 : f32 to vector<16xf32>
        %parallel_loop3A_1324 = arith.mulf %parallel_loop3A_1321, %parallel_loop3A_1323 : vector<16xf32>
        %parallel_loop3A_1325 = arith.constant 1 : i32
        %parallel_loop3A_1326 = arith.constant 2 : i32
        %parallel_loop3A_1327 = arith.index_cast %parallel_loop3A_1325 : i32 to index
        %parallel_loop3A_1328 = arith.index_cast %parallel_loop3A_1326 : i32 to index
        %parallel_loop3A_1329 = arith.index_cast %parallel_loop3A_1273 : i32 to index
        %parallel_loop3A_1330 = arith.constant 32 : index
        %parallel_loop3A_1331 = tpu.vector_load %arg6[%parallel_loop3A_1327, %parallel_loop3A_1328, %parallel_loop3A_1329, %parallel_loop3A_1330] {strides = array<i32>} : memref<2x4x128x64xf32, #tpu.memory_space<vmem>>, vector<1x1x1x16xf32>,
        %parallel_loop3A_1332 = vector.shape_cast %parallel_loop3A_1331 : vector<1x1x1x16xf32> to vector<16xf32>
        %parallel_loop3A_1333 = vector.shape_cast %parallel_loop3A_1324 : vector<16xf32> to vector<1x1x1x16xf32>
        tpu.vector_store %arg6[%parallel_loop3A_1327, %parallel_loop3A_1328, %parallel_loop3A_1329, %parallel_loop3A_1330], %parallel_loop3A_1333 {strides = array<i32>} : memref<2x4x128x64xf32, #tpu.memory_space<vmem>>, vector<1x1x1x16xf32>,
        %parallel_loop3A_1334 = arith.constant 1 : i32
        %parallel_loop3A_1335 = arith.constant 2 : i32
        %parallel_loop3A_1336 = arith.index_cast %parallel_loop3A_1334 : i32 to index
        %parallel_loop3A_1337 = arith.index_cast %parallel_loop3A_1335 : i32 to index
        %parallel_loop3A_1338 = arith.index_cast %parallel_loop3A_1273 : i32 to index
        %parallel_loop3A_1339 = arith.constant 48 : index
        %parallel_loop3A_1340 = tpu.vector_load %arg6[%parallel_loop3A_1336, %parallel_loop3A_1337, %parallel_loop3A_1338, %parallel_loop3A_1339] {strides = array<i32>} : memref<2x4x128x64xf32, #tpu.memory_space<vmem>>, vector<1x1x1x16xf32>,
        %parallel_loop3A_1341 = vector.shape_cast %parallel_loop3A_1340 : vector<1x1x1x16xf32> to vector<16xf32>
        %parallel_loop3A_1342 = arith.constant 8.000000e+00 : f32
        %parallel_loop3A_1343 = vector.broadcast %parallel_loop3A_1342 : f32 to vector<16xf32>
        %parallel_loop3A_1344 = arith.mulf %parallel_loop3A_1341, %parallel_loop3A_1343 : vector<16xf32>
        %parallel_loop3A_1345 = arith.constant 1 : i32
        %parallel_loop3A_1346 = arith.constant 2 : i32
        %parallel_loop3A_1347 = arith.index_cast %parallel_loop3A_1345 : i32 to index
        %parallel_loop3A_1348 = arith.index_cast %parallel_loop3A_1346 : i32 to index
        %parallel_loop3A_1349 = arith.index_cast %parallel_loop3A_1273 : i32 to index
        %parallel_loop3A_1350 = arith.constant 48 : index
        %parallel_loop3A_1351 = tpu.vector_load %arg6[%parallel_loop3A_1347, %parallel_loop3A_1348, %parallel_loop3A_1349, %parallel_loop3A_1350] {strides = array<i32>} : memref<2x4x128x64xf32, #tpu.memory_space<vmem>>, vector<1x1x1x16xf32>,
        %parallel_loop3A_1352 = vector.shape_cast %parallel_loop3A_1351 : vector<1x1x1x16xf32> to vector<16xf32>
        %parallel_loop3A_1353 = vector.shape_cast %parallel_loop3A_1344 : vector<16xf32> to vector<1x1x1x16xf32>
        tpu.vector_store %arg6[%parallel_loop3A_1347, %parallel_loop3A_1348, %parallel_loop3A_1349, %parallel_loop3A_1350], %parallel_loop3A_1353 {strides = array<i32>} : memref<2x4x128x64xf32, #tpu.memory_space<vmem>>, vector<1x1x1x16xf32>,
      } {sc.loop_unroll_factor = 8 : i64, sc.parallel_access}
      %mul3A_1051 = arith.constant 512 : i32
      %mul3A_1052 = arith.muli %add3A_941, %mul3A_1051 : i32
      %add3A_1053 = arith.addi %mul3A_2, %mul3A_1052 : i32
      %add3A_1054 = arith.constant 256 : i32
      %add3A_1055 = arith.addi %add3A_1053, %add3A_1054 : i32
      %dma_start3A_1056 = arith.constant 1 : i32
      %dma_start3A_1057 = arith.constant 2 : i32
      %dma_start3A_1058 = arith.constant 1 : i32
      %dma_start3A_1059 = arith.constant 2 : i32
      %dma_start3A_1060 = arith.constant 0 : i32
      %dma_start3A_1061 = arith.constant 0 : i32
      %dma_start3A_1062 = tpu.memref_slice %arg6[%dma_start3A_1056, %dma_start3A_1057, %dma_start3A_1060, %dma_start3A_1061] : memref<2x4x128x64xf32, #tpu.memory_space<vmem>> -> memref<1x1x128x64xf32, #tpu.memory_space<vmem>>
      %dma_start3A_1063 = tpu.memref_squeeze %dma_start3A_1062 : memref<1x1x128x64xf32, #tpu.memory_space<vmem>> -> memref<128x64xf32, #tpu.memory_space<vmem>>
      %dma_start3A_1064 = arith.constant 0 : i32
      %dma_start3A_1065 = tpu.memref_slice %arg4[%add3A_1055, %dma_start3A_1064] : memref<819200x64xf32, #tpu.memory_space<hbm>> -> memref<128x64xf32, #tpu.memory_space<hbm>>
      %dma_start3A_1066 = tpu.memref_slice %arg8[%dma_start3A_1058, %dma_start3A_1059] : memref<2x4x!tpu.dma_semaphore, #tpu.memory_space<semaphore_mem>> -> memref<1x1x!tpu.dma_semaphore, #tpu.memory_space<semaphore_mem>>
      %dma_start3A_1067 = tpu.memref_squeeze %dma_start3A_1066 : memref<1x1x!tpu.dma_semaphore, #tpu.memory_space<semaphore_mem>> -> memref<!tpu.dma_semaphore, #tpu.memory_space<semaphore_mem>>
      %dma_start3A_1068 = arith.constant 0 : i32
      %dma_start3A_1069 = tpu.memref_slice %arg4[%add3A_1055, %dma_start3A_1068] : memref<819200x64xf32, #tpu.memory_space<hbm>> -> memref<128x64xf32, #tpu.memory_space<hbm>>
      %dma_start3A_1070 = arith.constant 0 : i32
      %dma_start3A_1071 = arith.constant 0 : i32
      %dma_start3A_1072 = tpu.memref_slice %arg6[%dma_start3A_1056, %dma_start3A_1057, %dma_start3A_1070, %dma_start3A_1071] : memref<2x4x128x64xf32, #tpu.memory_space<vmem>> -> memref<1x1x128x64xf32, #tpu.memory_space<vmem>>
      %dma_start3A_1073 = tpu.memref_squeeze %dma_start3A_1072 : memref<1x1x128x64xf32, #tpu.memory_space<vmem>> -> memref<128x64xf32, #tpu.memory_space<vmem>>
      tpu.enqueue_dma source(%dma_start3A_1073 : memref<128x64xf32, #tpu.memory_space<vmem>>) target(%dma_start3A_1069 : memref<128x64xf32, #tpu.memory_space<hbm>>) target_semaphore(%dma_start3A_1067 : memref<!tpu.dma_semaphore, #tpu.memory_space<semaphore_mem>>)
      %mul3A_1074 = arith.constant 512 : i32
      %mul3A_1075 = arith.muli %add3A_941, %mul3A_1074 : i32
      %add3A_1076 = arith.constant 384 : i32
      %add3A_1077 = arith.addi %mul3A_1075, %add3A_1076 : i32
      %dma_wait3A_1078 = arith.constant 1 : i32
      %dma_wait3A_1079 = arith.constant 3 : i32
      %dma_wait3A_1080 = arith.constant 1 : i32
      %dma_wait3A_1081 = arith.constant 3 : i32
      %dma_wait3A_1082 = arith.constant 0 : i32
      %dma_wait3A_1083 = arith.constant 0 : i32
      %dma_wait3A_1084 = tpu.memref_slice %arg6[%dma_wait3A_1078, %dma_wait3A_1079, %dma_wait3A_1082, %dma_wait3A_1083] : memref<2x4x128x64xf32, #tpu.memory_space<vmem>> -> memref<1x1x128x64xf32, #tpu.memory_space<vmem>>
      %dma_wait3A_1085 = tpu.memref_squeeze %dma_wait3A_1084 : memref<1x1x128x64xf32, #tpu.memory_space<vmem>> -> memref<128x64xf32, #tpu.memory_space<vmem>>
      %dma_wait3A_1086 = tpu.memref_slice %arg5[%add3A_1077] : memref<25600xi32, #tpu.memory_space<vmem>> -> memref<128xi32, #tpu.memory_space<vmem>>
      %dma_wait3A_1087 = arith.constant 0 : i32
      %dma_wait3A_1088 = arith.constant 0 : i32
      %dma_wait3A_1089 = tpu.memref_slice %arg2[%dma_wait3A_1087, %dma_wait3A_1088] : memref<1000000x64xf32, #tpu.memory_space<hbm>> -> memref<1000000x64xf32, #tpu.memory_space<hbm>>
      %dma_wait3A_1090 = tpu.memref_slice %arg7[%dma_wait3A_1080, %dma_wait3A_1081] : memref<2x4x!tpu.dma_semaphore, #tpu.memory_space<semaphore_mem>> -> memref<1x1x!tpu.dma_semaphore, #tpu.memory_space<semaphore_mem>>
      %dma_wait3A_1091 = tpu.memref_squeeze %dma_wait3A_1090 : memref<1x1x!tpu.dma_semaphore, #tpu.memory_space<semaphore_mem>> -> memref<!tpu.dma_semaphore, #tpu.memory_space<semaphore_mem>>
      tpu.wait_indirect_dma semaphore(%dma_wait3A_1091 : memref<!tpu.dma_semaphore, #tpu.memory_space<semaphore_mem>>) src(%dma_wait3A_1089 : memref<1000000x64xf32, #tpu.memory_space<hbm>>) dst(%dma_wait3A_1085 : memref<128x64xf32, #tpu.memory_space<vmem>>)
      %parallel_loop3A_1092 = arith.constant 0 : i32
      %parallel_loop3A_1093 = arith.constant 128 : i32
      %parallel_loop3A_1094 = arith.constant 1 : i32
      scf.for %parallel_loop3A_1273 = %parallel_loop3A_1092 to %parallel_loop3A_1093 step %parallel_loop3A_1094  : i32 {
        %parallel_loop3A_1274 = arith.constant 1 : i32
        %parallel_loop3A_1275 = arith.constant 3 : i32
        %parallel_loop3A_1276 = arith.index_cast %parallel_loop3A_1274 : i32 to index
        %parallel_loop3A_1277 = arith.index_cast %parallel_loop3A_1275 : i32 to index
        %parallel_loop3A_1278 = arith.index_cast %parallel_loop3A_1273 : i32 to index
        %parallel_loop3A_1279 = arith.constant 0 : index
        %parallel_loop3A_1280 = tpu.vector_load %arg6[%parallel_loop3A_1276, %parallel_loop3A_1277, %parallel_loop3A_1278, %parallel_loop3A_1279] {strides = array<i32>} : memref<2x4x128x64xf32, #tpu.memory_space<vmem>>, vector<1x1x1x16xf32>,
        %parallel_loop3A_1281 = vector.shape_cast %parallel_loop3A_1280 : vector<1x1x1x16xf32> to vector<16xf32>
        %parallel_loop3A_1282 = arith.constant 8.000000e+00 : f32
        %parallel_loop3A_1283 = vector.broadcast %parallel_loop3A_1282 : f32 to vector<16xf32>
        %parallel_loop3A_1284 = arith.mulf %parallel_loop3A_1281, %parallel_loop3A_1283 : vector<16xf32>
        %parallel_loop3A_1285 = arith.constant 1 : i32
        %parallel_loop3A_1286 = arith.constant 3 : i32
        %parallel_loop3A_1287 = arith.index_cast %parallel_loop3A_1285 : i32 to index
        %parallel_loop3A_1288 = arith.index_cast %parallel_loop3A_1286 : i32 to index
        %parallel_loop3A_1289 = arith.index_cast %parallel_loop3A_1273 : i32 to index
        %parallel_loop3A_1290 = arith.constant 0 : index
        %parallel_loop3A_1291 = tpu.vector_load %arg6[%parallel_loop3A_1287, %parallel_loop3A_1288, %parallel_loop3A_1289, %parallel_loop3A_1290] {strides = array<i32>} : memref<2x4x128x64xf32, #tpu.memory_space<vmem>>, vector<1x1x1x16xf32>,
        %parallel_loop3A_1292 = vector.shape_cast %parallel_loop3A_1291 : vector<1x1x1x16xf32> to vector<16xf32>
        %parallel_loop3A_1293 = vector.shape_cast %parallel_loop3A_1284 : vector<16xf32> to vector<1x1x1x16xf32>
        tpu.vector_store %arg6[%parallel_loop3A_1287, %parallel_loop3A_1288, %parallel_loop3A_1289, %parallel_loop3A_1290], %parallel_loop3A_1293 {strides = array<i32>} : memref<2x4x128x64xf32, #tpu.memory_space<vmem>>, vector<1x1x1x16xf32>,
        %parallel_loop3A_1294 = arith.constant 1 : i32
        %parallel_loop3A_1295 = arith.constant 3 : i32
        %parallel_loop3A_1296 = arith.index_cast %parallel_loop3A_1294 : i32 to index
        %parallel_loop3A_1297 = arith.index_cast %parallel_loop3A_1295 : i32 to index
        %parallel_loop3A_1298 = arith.index_cast %parallel_loop3A_1273 : i32 to index
        %parallel_loop3A_1299 = arith.constant 16 : index
        %parallel_loop3A_1300 = tpu.vector_load %arg6[%parallel_loop3A_1296, %parallel_loop3A_1297, %parallel_loop3A_1298, %parallel_loop3A_1299] {strides = array<i32>} : memref<2x4x128x64xf32, #tpu.memory_space<vmem>>, vector<1x1x1x16xf32>,
        %parallel_loop3A_1301 = vector.shape_cast %parallel_loop3A_1300 : vector<1x1x1x16xf32> to vector<16xf32>
        %parallel_loop3A_1302 = arith.constant 8.000000e+00 : f32
        %parallel_loop3A_1303 = vector.broadcast %parallel_loop3A_1302 : f32 to vector<16xf32>
        %parallel_loop3A_1304 = arith.mulf %parallel_loop3A_1301, %parallel_loop3A_1303 : vector<16xf32>
        %parallel_loop3A_1305 = arith.constant 1 : i32
        %parallel_loop3A_1306 = arith.constant 3 : i32
        %parallel_loop3A_1307 = arith.index_cast %parallel_loop3A_1305 : i32 to index
        %parallel_loop3A_1308 = arith.index_cast %parallel_loop3A_1306 : i32 to index
        %parallel_loop3A_1309 = arith.index_cast %parallel_loop3A_1273 : i32 to index
        %parallel_loop3A_1310 = arith.constant 16 : index
        %parallel_loop3A_1311 = tpu.vector_load %arg6[%parallel_loop3A_1307, %parallel_loop3A_1308, %parallel_loop3A_1309, %parallel_loop3A_1310] {strides = array<i32>} : memref<2x4x128x64xf32, #tpu.memory_space<vmem>>, vector<1x1x1x16xf32>,
        %parallel_loop3A_1312 = vector.shape_cast %parallel_loop3A_1311 : vector<1x1x1x16xf32> to vector<16xf32>
        %parallel_loop3A_1313 = vector.shape_cast %parallel_loop3A_1304 : vector<16xf32> to vector<1x1x1x16xf32>
        tpu.vector_store %arg6[%parallel_loop3A_1307, %parallel_loop3A_1308, %parallel_loop3A_1309, %parallel_loop3A_1310], %parallel_loop3A_1313 {strides = array<i32>} : memref<2x4x128x64xf32, #tpu.memory_space<vmem>>, vector<1x1x1x16xf32>,
        %parallel_loop3A_1314 = arith.constant 1 : i32
        %parallel_loop3A_1315 = arith.constant 3 : i32
        %parallel_loop3A_1316 = arith.index_cast %parallel_loop3A_1314 : i32 to index
        %parallel_loop3A_1317 = arith.index_cast %parallel_loop3A_1315 : i32 to index
        %parallel_loop3A_1318 = arith.index_cast %parallel_loop3A_1273 : i32 to index
        %parallel_loop3A_1319 = arith.constant 32 : index
        %parallel_loop3A_1320 = tpu.vector_load %arg6[%parallel_loop3A_1316, %parallel_loop3A_1317, %parallel_loop3A_1318, %parallel_loop3A_1319] {strides = array<i32>} : memref<2x4x128x64xf32, #tpu.memory_space<vmem>>, vector<1x1x1x16xf32>,
        %parallel_loop3A_1321 = vector.shape_cast %parallel_loop3A_1320 : vector<1x1x1x16xf32> to vector<16xf32>
        %parallel_loop3A_1322 = arith.constant 8.000000e+00 : f32
        %parallel_loop3A_1323 = vector.broadcast %parallel_loop3A_1322 : f32 to vector<16xf32>
        %parallel_loop3A_1324 = arith.mulf %parallel_loop3A_1321, %parallel_loop3A_1323 : vector<16xf32>
        %parallel_loop3A_1325 = arith.constant 1 : i32
        %parallel_loop3A_1326 = arith.constant 3 : i32
        %parallel_loop3A_1327 = arith.index_cast %parallel_loop3A_1325 : i32 to index
        %parallel_loop3A_1328 = arith.index_cast %parallel_loop3A_1326 : i32 to index
        %parallel_loop3A_1329 = arith.index_cast %parallel_loop3A_1273 : i32 to index
        %parallel_loop3A_1330 = arith.constant 32 : index
        %parallel_loop3A_1331 = tpu.vector_load %arg6[%parallel_loop3A_1327, %parallel_loop3A_1328, %parallel_loop3A_1329, %parallel_loop3A_1330] {strides = array<i32>} : memref<2x4x128x64xf32, #tpu.memory_space<vmem>>, vector<1x1x1x16xf32>,
        %parallel_loop3A_1332 = vector.shape_cast %parallel_loop3A_1331 : vector<1x1x1x16xf32> to vector<16xf32>
        %parallel_loop3A_1333 = vector.shape_cast %parallel_loop3A_1324 : vector<16xf32> to vector<1x1x1x16xf32>
        tpu.vector_store %arg6[%parallel_loop3A_1327, %parallel_loop3A_1328, %parallel_loop3A_1329, %parallel_loop3A_1330], %parallel_loop3A_1333 {strides = array<i32>} : memref<2x4x128x64xf32, #tpu.memory_space<vmem>>, vector<1x1x1x16xf32>,
        %parallel_loop3A_1334 = arith.constant 1 : i32
        %parallel_loop3A_1335 = arith.constant 3 : i32
        %parallel_loop3A_1336 = arith.index_cast %parallel_loop3A_1334 : i32 to index
        %parallel_loop3A_1337 = arith.index_cast %parallel_loop3A_1335 : i32 to index
        %parallel_loop3A_1338 = arith.index_cast %parallel_loop3A_1273 : i32 to index
        %parallel_loop3A_1339 = arith.constant 48 : index
        %parallel_loop3A_1340 = tpu.vector_load %arg6[%parallel_loop3A_1336, %parallel_loop3A_1337, %parallel_loop3A_1338, %parallel_loop3A_1339] {strides = array<i32>} : memref<2x4x128x64xf32, #tpu.memory_space<vmem>>, vector<1x1x1x16xf32>,
        %parallel_loop3A_1341 = vector.shape_cast %parallel_loop3A_1340 : vector<1x1x1x16xf32> to vector<16xf32>
        %parallel_loop3A_1342 = arith.constant 8.000000e+00 : f32
        %parallel_loop3A_1343 = vector.broadcast %parallel_loop3A_1342 : f32 to vector<16xf32>
        %parallel_loop3A_1344 = arith.mulf %parallel_loop3A_1341, %parallel_loop3A_1343 : vector<16xf32>
        %parallel_loop3A_1345 = arith.constant 1 : i32
        %parallel_loop3A_1346 = arith.constant 3 : i32
        %parallel_loop3A_1347 = arith.index_cast %parallel_loop3A_1345 : i32 to index
        %parallel_loop3A_1348 = arith.index_cast %parallel_loop3A_1346 : i32 to index
        %parallel_loop3A_1349 = arith.index_cast %parallel_loop3A_1273 : i32 to index
        %parallel_loop3A_1350 = arith.constant 48 : index
        %parallel_loop3A_1351 = tpu.vector_load %arg6[%parallel_loop3A_1347, %parallel_loop3A_1348, %parallel_loop3A_1349, %parallel_loop3A_1350] {strides = array<i32>} : memref<2x4x128x64xf32, #tpu.memory_space<vmem>>, vector<1x1x1x16xf32>,
        %parallel_loop3A_1352 = vector.shape_cast %parallel_loop3A_1351 : vector<1x1x1x16xf32> to vector<16xf32>
        %parallel_loop3A_1353 = vector.shape_cast %parallel_loop3A_1344 : vector<16xf32> to vector<1x1x1x16xf32>
        tpu.vector_store %arg6[%parallel_loop3A_1347, %parallel_loop3A_1348, %parallel_loop3A_1349, %parallel_loop3A_1350], %parallel_loop3A_1353 {strides = array<i32>} : memref<2x4x128x64xf32, #tpu.memory_space<vmem>>, vector<1x1x1x16xf32>,
      } {sc.loop_unroll_factor = 8 : i64, sc.parallel_access}
      %mul3A_1095 = arith.constant 512 : i32
      %mul3A_1096 = arith.muli %add3A_941, %mul3A_1095 : i32
      %add3A_1097 = arith.addi %mul3A_2, %mul3A_1096 : i32
      %add3A_1098 = arith.constant 384 : i32
      %add3A_1099 = arith.addi %add3A_1097, %add3A_1098 : i32
      %dma_start3A_1100 = arith.constant 1 : i32
      %dma_start3A_1101 = arith.constant 3 : i32
      %dma_start3A_1102 = arith.constant 1 : i32
      %dma_start3A_1103 = arith.constant 3 : i32
      %dma_start3A_1104 = arith.constant 0 : i32
      %dma_start3A_1105 = arith.constant 0 : i32
      %dma_start3A_1106 = tpu.memref_slice %arg6[%dma_start3A_1100, %dma_start3A_1101, %dma_start3A_1104, %dma_start3A_1105] : memref<2x4x128x64xf32, #tpu.memory_space<vmem>> -> memref<1x1x128x64xf32, #tpu.memory_space<vmem>>
      %dma_start3A_1107 = tpu.memref_squeeze %dma_start3A_1106 : memref<1x1x128x64xf32, #tpu.memory_space<vmem>> -> memref<128x64xf32, #tpu.memory_space<vmem>>
      %dma_start3A_1108 = arith.constant 0 : i32
      %dma_start3A_1109 = tpu.memref_slice %arg4[%add3A_1099, %dma_start3A_1108] : memref<819200x64xf32, #tpu.memory_space<hbm>> -> memref<128x64xf32, #tpu.memory_space<hbm>>
      %dma_start3A_1110 = tpu.memref_slice %arg8[%dma_start3A_1102, %dma_start3A_1103] : memref<2x4x!tpu.dma_semaphore, #tpu.memory_space<semaphore_mem>> -> memref<1x1x!tpu.dma_semaphore, #tpu.memory_space<semaphore_mem>>
      %dma_start3A_1111 = tpu.memref_squeeze %dma_start3A_1110 : memref<1x1x!tpu.dma_semaphore, #tpu.memory_space<semaphore_mem>> -> memref<!tpu.dma_semaphore, #tpu.memory_space<semaphore_mem>>
      %dma_start3A_1112 = arith.constant 0 : i32
      %dma_start3A_1113 = tpu.memref_slice %arg4[%add3A_1099, %dma_start3A_1112] : memref<819200x64xf32, #tpu.memory_space<hbm>> -> memref<128x64xf32, #tpu.memory_space<hbm>>
      %dma_start3A_1114 = arith.constant 0 : i32
      %dma_start3A_1115 = arith.constant 0 : i32
      %dma_start3A_1116 = tpu.memref_slice %arg6[%dma_start3A_1100, %dma_start3A_1101, %dma_start3A_1114, %dma_start3A_1115] : memref<2x4x128x64xf32, #tpu.memory_space<vmem>> -> memref<1x1x128x64xf32, #tpu.memory_space<vmem>>
      %dma_start3A_1117 = tpu.memref_squeeze %dma_start3A_1116 : memref<1x1x128x64xf32, #tpu.memory_space<vmem>> -> memref<128x64xf32, #tpu.memory_space<vmem>>
      tpu.enqueue_dma source(%dma_start3A_1117 : memref<128x64xf32, #tpu.memory_space<vmem>>) target(%dma_start3A_1113 : memref<128x64xf32, #tpu.memory_space<hbm>>) target_semaphore(%dma_start3A_1111 : memref<!tpu.dma_semaphore, #tpu.memory_space<semaphore_mem>>)
      %add3A_1118 = arith.constant 3 : i32
      %add3A_1119 = arith.addi %mul3A_609, %add3A_1118 : i32
      %mul3A_1120 = arith.constant 512 : i32
      %mul3A_1121 = arith.muli %add3A_1119, %mul3A_1120 : i32
      %add3A_1122 = arith.constant 0 : i32
      %add3A_1123 = arith.addi %mul3A_1121, %add3A_1122 : i32
      %dma_wait3A_1124 = arith.constant 1 : i32
      %dma_wait3A_1125 = arith.constant 0 : i32
      %dma_wait3A_1126 = arith.constant 1 : i32
      %dma_wait3A_1127 = arith.constant 0 : i32
      %dma_wait3A_1128 = arith.constant 0 : i32
      %dma_wait3A_1129 = arith.constant 0 : i32
      %dma_wait3A_1130 = tpu.memref_slice %arg6[%dma_wait3A_1124, %dma_wait3A_1125, %dma_wait3A_1128, %dma_wait3A_1129] : memref<2x4x128x64xf32, #tpu.memory_space<vmem>> -> memref<1x1x128x64xf32, #tpu.memory_space<vmem>>
      %dma_wait3A_1131 = tpu.memref_squeeze %dma_wait3A_1130 : memref<1x1x128x64xf32, #tpu.memory_space<vmem>> -> memref<128x64xf32, #tpu.memory_space<vmem>>
      %dma_wait3A_1132 = arith.constant 0 : i32
      %dma_wait3A_1133 = arith.constant 0 : i32
      %dma_wait3A_1134 = tpu.memref_slice %arg4[%dma_wait3A_1132, %dma_wait3A_1133] : memref<819200x64xf32, #tpu.memory_space<hbm>> -> memref<128x64xf32, #tpu.memory_space<hbm>>
      %dma_wait3A_1135 = tpu.memref_slice %arg8[%dma_wait3A_1126, %dma_wait3A_1127] : memref<2x4x!tpu.dma_semaphore, #tpu.memory_space<semaphore_mem>> -> memref<1x1x!tpu.dma_semaphore, #tpu.memory_space<semaphore_mem>>
      %dma_wait3A_1136 = tpu.memref_squeeze %dma_wait3A_1135 : memref<1x1x!tpu.dma_semaphore, #tpu.memory_space<semaphore_mem>> -> memref<!tpu.dma_semaphore, #tpu.memory_space<semaphore_mem>>
      %dma_wait3A_1137 = arith.constant 0 : i32
      %dma_wait3A_1138 = arith.constant 0 : i32
      %dma_wait3A_1139 = tpu.memref_slice %arg4[%dma_wait3A_1137, %dma_wait3A_1138] : memref<819200x64xf32, #tpu.memory_space<hbm>> -> memref<128x64xf32, #tpu.memory_space<hbm>>
      %dma_wait3A_1140 = arith.constant 0 : i32
      %dma_wait3A_1141 = arith.constant 0 : i32
      %dma_wait3A_1142 = tpu.memref_slice %arg6[%dma_wait3A_1124, %dma_wait3A_1125, %dma_wait3A_1140, %dma_wait3A_1141] : memref<2x4x128x64xf32, #tpu.memory_space<vmem>> -> memref<1x1x128x64xf32, #tpu.memory_space<vmem>>
      %dma_wait3A_1143 = tpu.memref_squeeze %dma_wait3A_1142 : memref<1x1x128x64xf32, #tpu.memory_space<vmem>> -> memref<128x64xf32, #tpu.memory_space<vmem>>
      tpu.wait_dma2 semaphore(%dma_wait3A_1136 : memref<!tpu.dma_semaphore, #tpu.memory_space<semaphore_mem>>) src(%dma_wait3A_1143 : memref<128x64xf32, #tpu.memory_space<vmem>>) dst(%dma_wait3A_1139 : memref<128x64xf32, #tpu.memory_space<hbm>>)
      %dma_start3A_1144 = arith.constant 1 : i32
      %dma_start3A_1145 = arith.constant 0 : i32
      %dma_start3A_1146 = arith.constant 1 : i32
      %dma_start3A_1147 = arith.constant 0 : i32
      %dma_start3A_1148 = arith.constant 0 : i32
      %dma_start3A_1149 = arith.constant 0 : i32
      %dma_start3A_1150 = tpu.memref_slice %arg6[%dma_start3A_1144, %dma_start3A_1145, %dma_start3A_1148, %dma_start3A_1149] : memref<2x4x128x64xf32, #tpu.memory_space<vmem>> -> memref<1x1x128x64xf32, #tpu.memory_space<vmem>>
      %dma_start3A_1151 = tpu.memref_squeeze %dma_start3A_1150 : memref<1x1x128x64xf32, #tpu.memory_space<vmem>> -> memref<128x64xf32, #tpu.memory_space<vmem>>
      %dma_start3A_1152 = tpu.memref_slice %arg5[%add3A_1123] : memref<25600xi32, #tpu.memory_space<vmem>> -> memref<128xi32, #tpu.memory_space<vmem>>
      %dma_start3A_1153 = arith.constant 0 : i32
      %dma_start3A_1154 = arith.constant 0 : i32
      %dma_start3A_1155 = tpu.memref_slice %arg2[%dma_start3A_1153, %dma_start3A_1154] : memref<1000000x64xf32, #tpu.memory_space<hbm>> -> memref<1000000x64xf32, #tpu.memory_space<hbm>>
      %dma_start3A_1156 = tpu.memref_slice %arg7[%dma_start3A_1146, %dma_start3A_1147] : memref<2x4x!tpu.dma_semaphore, #tpu.memory_space<semaphore_mem>> -> memref<1x1x!tpu.dma_semaphore, #tpu.memory_space<semaphore_mem>>
      %dma_start3A_1157 = tpu.memref_squeeze %dma_start3A_1156 : memref<1x1x!tpu.dma_semaphore, #tpu.memory_space<semaphore_mem>> -> memref<!tpu.dma_semaphore, #tpu.memory_space<semaphore_mem>>
      tpu.enqueue_indirect_dma source(%dma_start3A_1155 : memref<1000000x64xf32, #tpu.memory_space<hbm>>) target(%dma_start3A_1151 : memref<128x64xf32, #tpu.memory_space<vmem>>) offsets(%dma_start3A_1152 : memref<128xi32, #tpu.memory_space<vmem>>) semaphore(%dma_start3A_1157 : memref<!tpu.dma_semaphore, #tpu.memory_space<semaphore_mem>>)
      %mul3A_1158 = arith.constant 512 : i32
      %mul3A_1159 = arith.muli %add3A_1119, %mul3A_1158 : i32
      %add3A_1160 = arith.constant 128 : i32
      %add3A_1161 = arith.addi %mul3A_1159, %add3A_1160 : i32
      %dma_wait3A_1162 = arith.constant 1 : i32
      %dma_wait3A_1163 = arith.constant 1 : i32
      %dma_wait3A_1164 = arith.constant 1 : i32
      %dma_wait3A_1165 = arith.constant 1 : i32
      %dma_wait3A_1166 = arith.constant 0 : i32
      %dma_wait3A_1167 = arith.constant 0 : i32
      %dma_wait3A_1168 = tpu.memref_slice %arg6[%dma_wait3A_1162, %dma_wait3A_1163, %dma_wait3A_1166, %dma_wait3A_1167] : memref<2x4x128x64xf32, #tpu.memory_space<vmem>> -> memref<1x1x128x64xf32, #tpu.memory_space<vmem>>
      %dma_wait3A_1169 = tpu.memref_squeeze %dma_wait3A_1168 : memref<1x1x128x64xf32, #tpu.memory_space<vmem>> -> memref<128x64xf32, #tpu.memory_space<vmem>>
      %dma_wait3A_1170 = arith.constant 0 : i32
      %dma_wait3A_1171 = arith.constant 0 : i32
      %dma_wait3A_1172 = tpu.memref_slice %arg4[%dma_wait3A_1170, %dma_wait3A_1171] : memref<819200x64xf32, #tpu.memory_space<hbm>> -> memref<128x64xf32, #tpu.memory_space<hbm>>
      %dma_wait3A_1173 = tpu.memref_slice %arg8[%dma_wait3A_1164, %dma_wait3A_1165] : memref<2x4x!tpu.dma_semaphore, #tpu.memory_space<semaphore_mem>> -> memref<1x1x!tpu.dma_semaphore, #tpu.memory_space<semaphore_mem>>
      %dma_wait3A_1174 = tpu.memref_squeeze %dma_wait3A_1173 : memref<1x1x!tpu.dma_semaphore, #tpu.memory_space<semaphore_mem>> -> memref<!tpu.dma_semaphore, #tpu.memory_space<semaphore_mem>>
      %dma_wait3A_1175 = arith.constant 0 : i32
      %dma_wait3A_1176 = arith.constant 0 : i32
      %dma_wait3A_1177 = tpu.memref_slice %arg4[%dma_wait3A_1175, %dma_wait3A_1176] : memref<819200x64xf32, #tpu.memory_space<hbm>> -> memref<128x64xf32, #tpu.memory_space<hbm>>
      %dma_wait3A_1178 = arith.constant 0 : i32
      %dma_wait3A_1179 = arith.constant 0 : i32
      %dma_wait3A_1180 = tpu.memref_slice %arg6[%dma_wait3A_1162, %dma_wait3A_1163, %dma_wait3A_1178, %dma_wait3A_1179] : memref<2x4x128x64xf32, #tpu.memory_space<vmem>> -> memref<1x1x128x64xf32, #tpu.memory_space<vmem>>
      %dma_wait3A_1181 = tpu.memref_squeeze %dma_wait3A_1180 : memref<1x1x128x64xf32, #tpu.memory_space<vmem>> -> memref<128x64xf32, #tpu.memory_space<vmem>>
      tpu.wait_dma2 semaphore(%dma_wait3A_1174 : memref<!tpu.dma_semaphore, #tpu.memory_space<semaphore_mem>>) src(%dma_wait3A_1181 : memref<128x64xf32, #tpu.memory_space<vmem>>) dst(%dma_wait3A_1177 : memref<128x64xf32, #tpu.memory_space<hbm>>)
      %dma_start3A_1182 = arith.constant 1 : i32
      %dma_start3A_1183 = arith.constant 1 : i32
      %dma_start3A_1184 = arith.constant 1 : i32
      %dma_start3A_1185 = arith.constant 1 : i32
      %dma_start3A_1186 = arith.constant 0 : i32
      %dma_start3A_1187 = arith.constant 0 : i32
      %dma_start3A_1188 = tpu.memref_slice %arg6[%dma_start3A_1182, %dma_start3A_1183, %dma_start3A_1186, %dma_start3A_1187] : memref<2x4x128x64xf32, #tpu.memory_space<vmem>> -> memref<1x1x128x64xf32, #tpu.memory_space<vmem>>
      %dma_start3A_1189 = tpu.memref_squeeze %dma_start3A_1188 : memref<1x1x128x64xf32, #tpu.memory_space<vmem>> -> memref<128x64xf32, #tpu.memory_space<vmem>>
      %dma_start3A_1190 = tpu.memref_slice %arg5[%add3A_1161] : memref<25600xi32, #tpu.memory_space<vmem>> -> memref<128xi32, #tpu.memory_space<vmem>>
      %dma_start3A_1191 = arith.constant 0 : i32
      %dma_start3A_1192 = arith.constant 0 : i32
      %dma_start3A_1193 = tpu.memref_slice %arg2[%dma_start3A_1191, %dma_start3A_1192] : memref<1000000x64xf32, #tpu.memory_space<hbm>> -> memref<1000000x64xf32, #tpu.memory_space<hbm>>
      %dma_start3A_1194 = tpu.memref_slice %arg7[%dma_start3A_1184, %dma_start3A_1185] : memref<2x4x!tpu.dma_semaphore, #tpu.memory_space<semaphore_mem>> -> memref<1x1x!tpu.dma_semaphore, #tpu.memory_space<semaphore_mem>>
      %dma_start3A_1195 = tpu.memref_squeeze %dma_start3A_1194 : memref<1x1x!tpu.dma_semaphore, #tpu.memory_space<semaphore_mem>> -> memref<!tpu.dma_semaphore, #tpu.memory_space<semaphore_mem>>
      tpu.enqueue_indirect_dma source(%dma_start3A_1193 : memref<1000000x64xf32, #tpu.memory_space<hbm>>) target(%dma_start3A_1189 : memref<128x64xf32, #tpu.memory_space<vmem>>) offsets(%dma_start3A_1190 : memref<128xi32, #tpu.memory_space<vmem>>) semaphore(%dma_start3A_1195 : memref<!tpu.dma_semaphore, #tpu.memory_space<semaphore_mem>>)
      %mul3A_1196 = arith.constant 512 : i32
      %mul3A_1197 = arith.muli %add3A_1119, %mul3A_1196 : i32
      %add3A_1198 = arith.constant 256 : i32
      %add3A_1199 = arith.addi %mul3A_1197, %add3A_1198 : i32
      %dma_wait3A_1200 = arith.constant 1 : i32
      %dma_wait3A_1201 = arith.constant 2 : i32
      %dma_wait3A_1202 = arith.constant 1 : i32
      %dma_wait3A_1203 = arith.constant 2 : i32
      %dma_wait3A_1204 = arith.constant 0 : i32
      %dma_wait3A_1205 = arith.constant 0 : i32
      %dma_wait3A_1206 = tpu.memref_slice %arg6[%dma_wait3A_1200, %dma_wait3A_1201, %dma_wait3A_1204, %dma_wait3A_1205] : memref<2x4x128x64xf32, #tpu.memory_space<vmem>> -> memref<1x1x128x64xf32, #tpu.memory_space<vmem>>
      %dma_wait3A_1207 = tpu.memref_squeeze %dma_wait3A_1206 : memref<1x1x128x64xf32, #tpu.memory_space<vmem>> -> memref<128x64xf32, #tpu.memory_space<vmem>>
      %dma_wait3A_1208 = arith.constant 0 : i32
      %dma_wait3A_1209 = arith.constant 0 : i32
      %dma_wait3A_1210 = tpu.memref_slice %arg4[%dma_wait3A_1208, %dma_wait3A_1209] : memref<819200x64xf32, #tpu.memory_space<hbm>> -> memref<128x64xf32, #tpu.memory_space<hbm>>
      %dma_wait3A_1211 = tpu.memref_slice %arg8[%dma_wait3A_1202, %dma_wait3A_1203] : memref<2x4x!tpu.dma_semaphore, #tpu.memory_space<semaphore_mem>> -> memref<1x1x!tpu.dma_semaphore, #tpu.memory_space<semaphore_mem>>
      %dma_wait3A_1212 = tpu.memref_squeeze %dma_wait3A_1211 : memref<1x1x!tpu.dma_semaphore, #tpu.memory_space<semaphore_mem>> -> memref<!tpu.dma_semaphore, #tpu.memory_space<semaphore_mem>>
      %dma_wait3A_1213 = arith.constant 0 : i32
      %dma_wait3A_1214 = arith.constant 0 : i32
      %dma_wait3A_1215 = tpu.memref_slice %arg4[%dma_wait3A_1213, %dma_wait3A_1214] : memref<819200x64xf32, #tpu.memory_space<hbm>> -> memref<128x64xf32, #tpu.memory_space<hbm>>
      %dma_wait3A_1216 = arith.constant 0 : i32
      %dma_wait3A_1217 = arith.constant 0 : i32
      %dma_wait3A_1218 = tpu.memref_slice %arg6[%dma_wait3A_1200, %dma_wait3A_1201, %dma_wait3A_1216, %dma_wait3A_1217] : memref<2x4x128x64xf32, #tpu.memory_space<vmem>> -> memref<1x1x128x64xf32, #tpu.memory_space<vmem>>
      %dma_wait3A_1219 = tpu.memref_squeeze %dma_wait3A_1218 : memref<1x1x128x64xf32, #tpu.memory_space<vmem>> -> memref<128x64xf32, #tpu.memory_space<vmem>>
      tpu.wait_dma2 semaphore(%dma_wait3A_1212 : memref<!tpu.dma_semaphore, #tpu.memory_space<semaphore_mem>>) src(%dma_wait3A_1219 : memref<128x64xf32, #tpu.memory_space<vmem>>) dst(%dma_wait3A_1215 : memref<128x64xf32, #tpu.memory_space<hbm>>)
      %dma_start3A_1220 = arith.constant 1 : i32
      %dma_start3A_1221 = arith.constant 2 : i32
      %dma_start3A_1222 = arith.constant 1 : i32
      %dma_start3A_1223 = arith.constant 2 : i32
      %dma_start3A_1224 = arith.constant 0 : i32
      %dma_start3A_1225 = arith.constant 0 : i32
      %dma_start3A_1226 = tpu.memref_slice %arg6[%dma_start3A_1220, %dma_start3A_1221, %dma_start3A_1224, %dma_start3A_1225] : memref<2x4x128x64xf32, #tpu.memory_space<vmem>> -> memref<1x1x128x64xf32, #tpu.memory_space<vmem>>
      %dma_start3A_1227 = tpu.memref_squeeze %dma_start3A_1226 : memref<1x1x128x64xf32, #tpu.memory_space<vmem>> -> memref<128x64xf32, #tpu.memory_space<vmem>>
      %dma_start3A_1228 = tpu.memref_slice %arg5[%add3A_1199] : memref<25600xi32, #tpu.memory_space<vmem>> -> memref<128xi32, #tpu.memory_space<vmem>>
      %dma_start3A_1229 = arith.constant 0 : i32
      %dma_start3A_1230 = arith.constant 0 : i32
      %dma_start3A_1231 = tpu.memref_slice %arg2[%dma_start3A_1229, %dma_start3A_1230] : memref<1000000x64xf32, #tpu.memory_space<hbm>> -> memref<1000000x64xf32, #tpu.memory_space<hbm>>
      %dma_start3A_1232 = tpu.memref_slice %arg7[%dma_start3A_1222, %dma_start3A_1223] : memref<2x4x!tpu.dma_semaphore, #tpu.memory_space<semaphore_mem>> -> memref<1x1x!tpu.dma_semaphore, #tpu.memory_space<semaphore_mem>>
      %dma_start3A_1233 = tpu.memref_squeeze %dma_start3A_1232 : memref<1x1x!tpu.dma_semaphore, #tpu.memory_space<semaphore_mem>> -> memref<!tpu.dma_semaphore, #tpu.memory_space<semaphore_mem>>
      tpu.enqueue_indirect_dma source(%dma_start3A_1231 : memref<1000000x64xf32, #tpu.memory_space<hbm>>) target(%dma_start3A_1227 : memref<128x64xf32, #tpu.memory_space<vmem>>) offsets(%dma_start3A_1228 : memref<128xi32, #tpu.memory_space<vmem>>) semaphore(%dma_start3A_1233 : memref<!tpu.dma_semaphore, #tpu.memory_space<semaphore_mem>>)
      %mul3A_1234 = arith.constant 512 : i32
      %mul3A_1235 = arith.muli %add3A_1119, %mul3A_1234 : i32
      %add3A_1236 = arith.constant 384 : i32
      %add3A_1237 = arith.addi %mul3A_1235, %add3A_1236 : i32
      %dma_wait3A_1238 = arith.constant 1 : i32
      %dma_wait3A_1239 = arith.constant 3 : i32
      %dma_wait3A_1240 = arith.constant 1 : i32
      %dma_wait3A_1241 = arith.constant 3 : i32
      %dma_wait3A_1242 = arith.constant 0 : i32
      %dma_wait3A_1243 = arith.constant 0 : i32
      %dma_wait3A_1244 = tpu.memref_slice %arg6[%dma_wait3A_1238, %dma_wait3A_1239, %dma_wait3A_1242, %dma_wait3A_1243] : memref<2x4x128x64xf32, #tpu.memory_space<vmem>> -> memref<1x1x128x64xf32, #tpu.memory_space<vmem>>
      %dma_wait3A_1245 = tpu.memref_squeeze %dma_wait3A_1244 : memref<1x1x128x64xf32, #tpu.memory_space<vmem>> -> memref<128x64xf32, #tpu.memory_space<vmem>>
      %dma_wait3A_1246 = arith.constant 0 : i32
      %dma_wait3A_1247 = arith.constant 0 : i32
      %dma_wait3A_1248 = tpu.memref_slice %arg4[%dma_wait3A_1246, %dma_wait3A_1247] : memref<819200x64xf32, #tpu.memory_space<hbm>> -> memref<128x64xf32, #tpu.memory_space<hbm>>
      %dma_wait3A_1249 = tpu.memref_slice %arg8[%dma_wait3A_1240, %dma_wait3A_1241] : memref<2x4x!tpu.dma_semaphore, #tpu.memory_space<semaphore_mem>> -> memref<1x1x!tpu.dma_semaphore, #tpu.memory_space<semaphore_mem>>
      %dma_wait3A_1250 = tpu.memref_squeeze %dma_wait3A_1249 : memref<1x1x!tpu.dma_semaphore, #tpu.memory_space<semaphore_mem>> -> memref<!tpu.dma_semaphore, #tpu.memory_space<semaphore_mem>>
      %dma_wait3A_1251 = arith.constant 0 : i32
      %dma_wait3A_1252 = arith.constant 0 : i32
      %dma_wait3A_1253 = tpu.memref_slice %arg4[%dma_wait3A_1251, %dma_wait3A_1252] : memref<819200x64xf32, #tpu.memory_space<hbm>> -> memref<128x64xf32, #tpu.memory_space<hbm>>
      %dma_wait3A_1254 = arith.constant 0 : i32
      %dma_wait3A_1255 = arith.constant 0 : i32
      %dma_wait3A_1256 = tpu.memref_slice %arg6[%dma_wait3A_1238, %dma_wait3A_1239, %dma_wait3A_1254, %dma_wait3A_1255] : memref<2x4x128x64xf32, #tpu.memory_space<vmem>> -> memref<1x1x128x64xf32, #tpu.memory_space<vmem>>
      %dma_wait3A_1257 = tpu.memref_squeeze %dma_wait3A_1256 : memref<1x1x128x64xf32, #tpu.memory_space<vmem>> -> memref<128x64xf32, #tpu.memory_space<vmem>>
      tpu.wait_dma2 semaphore(%dma_wait3A_1250 : memref<!tpu.dma_semaphore, #tpu.memory_space<semaphore_mem>>) src(%dma_wait3A_1257 : memref<128x64xf32, #tpu.memory_space<vmem>>) dst(%dma_wait3A_1253 : memref<128x64xf32, #tpu.memory_space<hbm>>)
      %dma_start3A_1258 = arith.constant 1 : i32
      %dma_start3A_1259 = arith.constant 3 : i32
      %dma_start3A_1260 = arith.constant 1 : i32
      %dma_start3A_1261 = arith.constant 3 : i32
      %dma_start3A_1262 = arith.constant 0 : i32
      %dma_start3A_1263 = arith.constant 0 : i32
      %dma_start3A_1264 = tpu.memref_slice %arg6[%dma_start3A_1258, %dma_start3A_1259, %dma_start3A_1262, %dma_start3A_1263] : memref<2x4x128x64xf32, #tpu.memory_space<vmem>> -> memref<1x1x128x64xf32, #tpu.memory_space<vmem>>
      %dma_start3A_1265 = tpu.memref_squeeze %dma_start3A_1264 : memref<1x1x128x64xf32, #tpu.memory_space<vmem>> -> memref<128x64xf32, #tpu.memory_space<vmem>>
      %dma_start3A_1266 = tpu.memref_slice %arg5[%add3A_1237] : memref<25600xi32, #tpu.memory_space<vmem>> -> memref<128xi32, #tpu.memory_space<vmem>>
      %dma_start3A_1267 = arith.constant 0 : i32
      %dma_start3A_1268 = arith.constant 0 : i32
      %dma_start3A_1269 = tpu.memref_slice %arg2[%dma_start3A_1267, %dma_start3A_1268] : memref<1000000x64xf32, #tpu.memory_space<hbm>> -> memref<1000000x64xf32, #tpu.memory_space<hbm>>
      %dma_start3A_1270 = tpu.memref_slice %arg7[%dma_start3A_1260, %dma_start3A_1261] : memref<2x4x!tpu.dma_semaphore, #tpu.memory_space<semaphore_mem>> -> memref<1x1x!tpu.dma_semaphore, #tpu.memory_space<semaphore_mem>>
      %dma_start3A_1271 = tpu.memref_squeeze %dma_start3A_1270 : memref<1x1x!tpu.dma_semaphore, #tpu.memory_space<semaphore_mem>> -> memref<!tpu.dma_semaphore, #tpu.memory_space<semaphore_mem>>
      tpu.enqueue_indirect_dma source(%dma_start3A_1269 : memref<1000000x64xf32, #tpu.memory_space<hbm>>) target(%dma_start3A_1265 : memref<128x64xf32, #tpu.memory_space<vmem>>) offsets(%dma_start3A_1266 : memref<128xi32, #tpu.memory_space<vmem>>) semaphore(%dma_start3A_1271 : memref<!tpu.dma_semaphore, #tpu.memory_space<semaphore_mem>>)
      %scan3A_1272 = arith.constant 0 : i32
      scf.yield %scan3A_1272 : i32
    }
    %scan3A_127 = arith.constant 24 : i32
    %dma_wait3A = arith.constant 0 : i32
    %dma_wait3A_128 = arith.constant 0 : i32
    %dma_wait3A_129 = arith.constant 0 : i32
    %dma_wait3A_130 = arith.constant 0 : i32
    %dma_wait3A_131 = arith.constant 0 : i32
    %dma_wait3A_132 = arith.constant 0 : i32
    %dma_wait3A_133 = tpu.memref_slice %arg6[%dma_wait3A, %dma_wait3A_128, %dma_wait3A_131, %dma_wait3A_132] : memref<2x4x128x64xf32, #tpu.memory_space<vmem>> -> memref<1x1x128x64xf32, #tpu.memory_space<vmem>>
    %dma_wait3A_134 = tpu.memref_squeeze %dma_wait3A_133 : memref<1x1x128x64xf32, #tpu.memory_space<vmem>> -> memref<128x64xf32, #tpu.memory_space<vmem>>
    %dma_wait3A_135 = arith.constant 24576 : i32
    %dma_wait3A_136 = tpu.memref_slice %arg5[%dma_wait3A_135] : memref<25600xi32, #tpu.memory_space<vmem>> -> memref<128xi32, #tpu.memory_space<vmem>>
    %dma_wait3A_137 = arith.constant 0 : i32
    %dma_wait3A_138 = arith.constant 0 : i32
    %dma_wait3A_139 = tpu.memref_slice %arg2[%dma_wait3A_137, %dma_wait3A_138] : memref<1000000x64xf32, #tpu.memory_space<hbm>> -> memref<1000000x64xf32, #tpu.memory_space<hbm>>
    %dma_wait3A_140 = tpu.memref_slice %arg7[%dma_wait3A_129, %dma_wait3A_130] : memref<2x4x!tpu.dma_semaphore, #tpu.memory_space<semaphore_mem>> -> memref<1x1x!tpu.dma_semaphore, #tpu.memory_space<semaphore_mem>>
    %dma_wait3A_141 = tpu.memref_squeeze %dma_wait3A_140 : memref<1x1x!tpu.dma_semaphore, #tpu.memory_space<semaphore_mem>> -> memref<!tpu.dma_semaphore, #tpu.memory_space<semaphore_mem>>
    tpu.wait_indirect_dma semaphore(%dma_wait3A_141 : memref<!tpu.dma_semaphore, #tpu.memory_space<semaphore_mem>>) src(%dma_wait3A_139 : memref<1000000x64xf32, #tpu.memory_space<hbm>>) dst(%dma_wait3A_134 : memref<128x64xf32, #tpu.memory_space<vmem>>)
    %parallel_loop3A = arith.constant 0 : i32
    %parallel_loop3A_142 = arith.constant 128 : i32
    %parallel_loop3A_143 = arith.constant 1 : i32
    scf.for %parallel_loop3A_606 = %parallel_loop3A to %parallel_loop3A_142 step %parallel_loop3A_143  : i32 {
      %parallel_loop3A_607 = arith.constant 0 : i32
      %parallel_loop3A_608 = arith.constant 0 : i32
      %parallel_loop3A_609 = arith.index_cast %parallel_loop3A_607 : i32 to index
      %parallel_loop3A_610 = arith.index_cast %parallel_loop3A_608 : i32 to index
      %parallel_loop3A_611 = arith.index_cast %parallel_loop3A_606 : i32 to index
      %parallel_loop3A_612 = arith.constant 0 : index
      %parallel_loop3A_613 = tpu.vector_load %arg6[%parallel_loop3A_609, %parallel_loop3A_610, %parallel_loop3A_611, %parallel_loop3A_612] {strides = array<i32>} : memref<2x4x128x64xf32, #tpu.memory_space<vmem>>, vector<1x1x1x16xf32>,
      %parallel_loop3A_614 = vector.shape_cast %parallel_loop3A_613 : vector<1x1x1x16xf32> to vector<16xf32>
      %parallel_loop3A_615 = arith.constant 8.000000e+00 : f32
      %parallel_loop3A_616 = vector.broadcast %parallel_loop3A_615 : f32 to vector<16xf32>
      %parallel_loop3A_617 = arith.mulf %parallel_loop3A_614, %parallel_loop3A_616 : vector<16xf32>
      %parallel_loop3A_618 = arith.constant 0 : i32
      %parallel_loop3A_619 = arith.constant 0 : i32
      %parallel_loop3A_620 = arith.index_cast %parallel_loop3A_618 : i32 to index
      %parallel_loop3A_621 = arith.index_cast %parallel_loop3A_619 : i32 to index
      %parallel_loop3A_622 = arith.index_cast %parallel_loop3A_606 : i32 to index
      %parallel_loop3A_623 = arith.constant 0 : index
      %parallel_loop3A_624 = tpu.vector_load %arg6[%parallel_loop3A_620, %parallel_loop3A_621, %parallel_loop3A_622, %parallel_loop3A_623] {strides = array<i32>} : memref<2x4x128x64xf32, #tpu.memory_space<vmem>>, vector<1x1x1x16xf32>,
      %parallel_loop3A_625 = vector.shape_cast %parallel_loop3A_624 : vector<1x1x1x16xf32> to vector<16xf32>
      %parallel_loop3A_626 = vector.shape_cast %parallel_loop3A_617 : vector<16xf32> to vector<1x1x1x16xf32>
      tpu.vector_store %arg6[%parallel_loop3A_620, %parallel_loop3A_621, %parallel_loop3A_622, %parallel_loop3A_623], %parallel_loop3A_626 {strides = array<i32>} : memref<2x4x128x64xf32, #tpu.memory_space<vmem>>, vector<1x1x1x16xf32>,
      %parallel_loop3A_627 = arith.constant 0 : i32
      %parallel_loop3A_628 = arith.constant 0 : i32
      %parallel_loop3A_629 = arith.index_cast %parallel_loop3A_627 : i32 to index
      %parallel_loop3A_630 = arith.index_cast %parallel_loop3A_628 : i32 to index
      %parallel_loop3A_631 = arith.index_cast %parallel_loop3A_606 : i32 to index
      %parallel_loop3A_632 = arith.constant 16 : index
      %parallel_loop3A_633 = tpu.vector_load %arg6[%parallel_loop3A_629, %parallel_loop3A_630, %parallel_loop3A_631, %parallel_loop3A_632] {strides = array<i32>} : memref<2x4x128x64xf32, #tpu.memory_space<vmem>>, vector<1x1x1x16xf32>,
      %parallel_loop3A_634 = vector.shape_cast %parallel_loop3A_633 : vector<1x1x1x16xf32> to vector<16xf32>
      %parallel_loop3A_635 = arith.constant 8.000000e+00 : f32
      %parallel_loop3A_636 = vector.broadcast %parallel_loop3A_635 : f32 to vector<16xf32>
      %parallel_loop3A_637 = arith.mulf %parallel_loop3A_634, %parallel_loop3A_636 : vector<16xf32>
      %parallel_loop3A_638 = arith.constant 0 : i32
      %parallel_loop3A_639 = arith.constant 0 : i32
      %parallel_loop3A_640 = arith.index_cast %parallel_loop3A_638 : i32 to index
      %parallel_loop3A_641 = arith.index_cast %parallel_loop3A_639 : i32 to index
      %parallel_loop3A_642 = arith.index_cast %parallel_loop3A_606 : i32 to index
      %parallel_loop3A_643 = arith.constant 16 : index
      %parallel_loop3A_644 = tpu.vector_load %arg6[%parallel_loop3A_640, %parallel_loop3A_641, %parallel_loop3A_642, %parallel_loop3A_643] {strides = array<i32>} : memref<2x4x128x64xf32, #tpu.memory_space<vmem>>, vector<1x1x1x16xf32>,
      %parallel_loop3A_645 = vector.shape_cast %parallel_loop3A_644 : vector<1x1x1x16xf32> to vector<16xf32>
      %parallel_loop3A_646 = vector.shape_cast %parallel_loop3A_637 : vector<16xf32> to vector<1x1x1x16xf32>
      tpu.vector_store %arg6[%parallel_loop3A_640, %parallel_loop3A_641, %parallel_loop3A_642, %parallel_loop3A_643], %parallel_loop3A_646 {strides = array<i32>} : memref<2x4x128x64xf32, #tpu.memory_space<vmem>>, vector<1x1x1x16xf32>,
      %parallel_loop3A_647 = arith.constant 0 : i32
      %parallel_loop3A_648 = arith.constant 0 : i32
      %parallel_loop3A_649 = arith.index_cast %parallel_loop3A_647 : i32 to index
      %parallel_loop3A_650 = arith.index_cast %parallel_loop3A_648 : i32 to index
      %parallel_loop3A_651 = arith.index_cast %parallel_loop3A_606 : i32 to index
      %parallel_loop3A_652 = arith.constant 32 : index
      %parallel_loop3A_653 = tpu.vector_load %arg6[%parallel_loop3A_649, %parallel_loop3A_650, %parallel_loop3A_651, %parallel_loop3A_652] {strides = array<i32>} : memref<2x4x128x64xf32, #tpu.memory_space<vmem>>, vector<1x1x1x16xf32>,
      %parallel_loop3A_654 = vector.shape_cast %parallel_loop3A_653 : vector<1x1x1x16xf32> to vector<16xf32>
      %parallel_loop3A_655 = arith.constant 8.000000e+00 : f32
      %parallel_loop3A_656 = vector.broadcast %parallel_loop3A_655 : f32 to vector<16xf32>
      %parallel_loop3A_657 = arith.mulf %parallel_loop3A_654, %parallel_loop3A_656 : vector<16xf32>
      %parallel_loop3A_658 = arith.constant 0 : i32
      %parallel_loop3A_659 = arith.constant 0 : i32
      %parallel_loop3A_660 = arith.index_cast %parallel_loop3A_658 : i32 to index
      %parallel_loop3A_661 = arith.index_cast %parallel_loop3A_659 : i32 to index
      %parallel_loop3A_662 = arith.index_cast %parallel_loop3A_606 : i32 to index
      %parallel_loop3A_663 = arith.constant 32 : index
      %parallel_loop3A_664 = tpu.vector_load %arg6[%parallel_loop3A_660, %parallel_loop3A_661, %parallel_loop3A_662, %parallel_loop3A_663] {strides = array<i32>} : memref<2x4x128x64xf32, #tpu.memory_space<vmem>>, vector<1x1x1x16xf32>,
      %parallel_loop3A_665 = vector.shape_cast %parallel_loop3A_664 : vector<1x1x1x16xf32> to vector<16xf32>
      %parallel_loop3A_666 = vector.shape_cast %parallel_loop3A_657 : vector<16xf32> to vector<1x1x1x16xf32>
      tpu.vector_store %arg6[%parallel_loop3A_660, %parallel_loop3A_661, %parallel_loop3A_662, %parallel_loop3A_663], %parallel_loop3A_666 {strides = array<i32>} : memref<2x4x128x64xf32, #tpu.memory_space<vmem>>, vector<1x1x1x16xf32>,
      %parallel_loop3A_667 = arith.constant 0 : i32
      %parallel_loop3A_668 = arith.constant 0 : i32
      %parallel_loop3A_669 = arith.index_cast %parallel_loop3A_667 : i32 to index
      %parallel_loop3A_670 = arith.index_cast %parallel_loop3A_668 : i32 to index
      %parallel_loop3A_671 = arith.index_cast %parallel_loop3A_606 : i32 to index
      %parallel_loop3A_672 = arith.constant 48 : index
      %parallel_loop3A_673 = tpu.vector_load %arg6[%parallel_loop3A_669, %parallel_loop3A_670, %parallel_loop3A_671, %parallel_loop3A_672] {strides = array<i32>} : memref<2x4x128x64xf32, #tpu.memory_space<vmem>>, vector<1x1x1x16xf32>,
      %parallel_loop3A_674 = vector.shape_cast %parallel_loop3A_673 : vector<1x1x1x16xf32> to vector<16xf32>
      %parallel_loop3A_675 = arith.constant 8.000000e+00 : f32
      %parallel_loop3A_676 = vector.broadcast %parallel_loop3A_675 : f32 to vector<16xf32>
      %parallel_loop3A_677 = arith.mulf %parallel_loop3A_674, %parallel_loop3A_676 : vector<16xf32>
      %parallel_loop3A_678 = arith.constant 0 : i32
      %parallel_loop3A_679 = arith.constant 0 : i32
      %parallel_loop3A_680 = arith.index_cast %parallel_loop3A_678 : i32 to index
      %parallel_loop3A_681 = arith.index_cast %parallel_loop3A_679 : i32 to index
      %parallel_loop3A_682 = arith.index_cast %parallel_loop3A_606 : i32 to index
      %parallel_loop3A_683 = arith.constant 48 : index
      %parallel_loop3A_684 = tpu.vector_load %arg6[%parallel_loop3A_680, %parallel_loop3A_681, %parallel_loop3A_682, %parallel_loop3A_683] {strides = array<i32>} : memref<2x4x128x64xf32, #tpu.memory_space<vmem>>, vector<1x1x1x16xf32>,
      %parallel_loop3A_685 = vector.shape_cast %parallel_loop3A_684 : vector<1x1x1x16xf32> to vector<16xf32>
      %parallel_loop3A_686 = vector.shape_cast %parallel_loop3A_677 : vector<16xf32> to vector<1x1x1x16xf32>
      tpu.vector_store %arg6[%parallel_loop3A_680, %parallel_loop3A_681, %parallel_loop3A_682, %parallel_loop3A_683], %parallel_loop3A_686 {strides = array<i32>} : memref<2x4x128x64xf32, #tpu.memory_space<vmem>>, vector<1x1x1x16xf32>,
    } {sc.loop_unroll_factor = 8 : i64, sc.parallel_access}
    %add3A_144 = arith.constant 24576 : i32
    %add3A_145 = arith.addi %mul3A_2, %add3A_144 : i32
    %add3A_146 = arith.constant 0 : i32
    %add3A_147 = arith.addi %add3A_145, %add3A_146 : i32
    %dma_start3A_148 = arith.constant 0 : i32
    %dma_start3A_149 = arith.constant 0 : i32
    %dma_start3A_150 = arith.constant 0 : i32
    %dma_start3A_151 = arith.constant 0 : i32
    %dma_start3A_152 = arith.constant 0 : i32
    %dma_start3A_153 = arith.constant 0 : i32
    %dma_start3A_154 = tpu.memref_slice %arg6[%dma_start3A_148, %dma_start3A_149, %dma_start3A_152, %dma_start3A_153] : memref<2x4x128x64xf32, #tpu.memory_space<vmem>> -> memref<1x1x128x64xf32, #tpu.memory_space<vmem>>
    %dma_start3A_155 = tpu.memref_squeeze %dma_start3A_154 : memref<1x1x128x64xf32, #tpu.memory_space<vmem>> -> memref<128x64xf32, #tpu.memory_space<vmem>>
    %dma_start3A_156 = arith.constant 0 : i32
    %dma_start3A_157 = tpu.memref_slice %arg4[%add3A_147, %dma_start3A_156] : memref<819200x64xf32, #tpu.memory_space<hbm>> -> memref<128x64xf32, #tpu.memory_space<hbm>>
    %dma_start3A_158 = tpu.memref_slice %arg8[%dma_start3A_150, %dma_start3A_151] : memref<2x4x!tpu.dma_semaphore, #tpu.memory_space<semaphore_mem>> -> memref<1x1x!tpu.dma_semaphore, #tpu.memory_space<semaphore_mem>>
    %dma_start3A_159 = tpu.memref_squeeze %dma_start3A_158 : memref<1x1x!tpu.dma_semaphore, #tpu.memory_space<semaphore_mem>> -> memref<!tpu.dma_semaphore, #tpu.memory_space<semaphore_mem>>
    %dma_start3A_160 = arith.constant 0 : i32
    %dma_start3A_161 = tpu.memref_slice %arg4[%add3A_147, %dma_start3A_160] : memref<819200x64xf32, #tpu.memory_space<hbm>> -> memref<128x64xf32, #tpu.memory_space<hbm>>
    %dma_start3A_162 = arith.constant 0 : i32
    %dma_start3A_163 = arith.constant 0 : i32
    %dma_start3A_164 = tpu.memref_slice %arg6[%dma_start3A_148, %dma_start3A_149, %dma_start3A_162, %dma_start3A_163] : memref<2x4x128x64xf32, #tpu.memory_space<vmem>> -> memref<1x1x128x64xf32, #tpu.memory_space<vmem>>
    %dma_start3A_165 = tpu.memref_squeeze %dma_start3A_164 : memref<1x1x128x64xf32, #tpu.memory_space<vmem>> -> memref<128x64xf32, #tpu.memory_space<vmem>>
    tpu.enqueue_dma source(%dma_start3A_165 : memref<128x64xf32, #tpu.memory_space<vmem>>) target(%dma_start3A_161 : memref<128x64xf32, #tpu.memory_space<hbm>>) target_semaphore(%dma_start3A_159 : memref<!tpu.dma_semaphore, #tpu.memory_space<semaphore_mem>>)
    %dma_wait3A_166 = arith.constant 0 : i32
    %dma_wait3A_167 = arith.constant 1 : i32
    %dma_wait3A_168 = arith.constant 0 : i32
    %dma_wait3A_169 = arith.constant 1 : i32
    %dma_wait3A_170 = arith.constant 0 : i32
    %dma_wait3A_171 = arith.constant 0 : i32
    %dma_wait3A_172 = tpu.memref_slice %arg6[%dma_wait3A_166, %dma_wait3A_167, %dma_wait3A_170, %dma_wait3A_171] : memref<2x4x128x64xf32, #tpu.memory_space<vmem>> -> memref<1x1x128x64xf32, #tpu.memory_space<vmem>>
    %dma_wait3A_173 = tpu.memref_squeeze %dma_wait3A_172 : memref<1x1x128x64xf32, #tpu.memory_space<vmem>> -> memref<128x64xf32, #tpu.memory_space<vmem>>
    %dma_wait3A_174 = arith.constant 24704 : i32
    %dma_wait3A_175 = tpu.memref_slice %arg5[%dma_wait3A_174] : memref<25600xi32, #tpu.memory_space<vmem>> -> memref<128xi32, #tpu.memory_space<vmem>>
    %dma_wait3A_176 = arith.constant 0 : i32
    %dma_wait3A_177 = arith.constant 0 : i32
    %dma_wait3A_178 = tpu.memref_slice %arg2[%dma_wait3A_176, %dma_wait3A_177] : memref<1000000x64xf32, #tpu.memory_space<hbm>> -> memref<1000000x64xf32, #tpu.memory_space<hbm>>
    %dma_wait3A_179 = tpu.memref_slice %arg7[%dma_wait3A_168, %dma_wait3A_169] : memref<2x4x!tpu.dma_semaphore, #tpu.memory_space<semaphore_mem>> -> memref<1x1x!tpu.dma_semaphore, #tpu.memory_space<semaphore_mem>>
    %dma_wait3A_180 = tpu.memref_squeeze %dma_wait3A_179 : memref<1x1x!tpu.dma_semaphore, #tpu.memory_space<semaphore_mem>> -> memref<!tpu.dma_semaphore, #tpu.memory_space<semaphore_mem>>
    tpu.wait_indirect_dma semaphore(%dma_wait3A_180 : memref<!tpu.dma_semaphore, #tpu.memory_space<semaphore_mem>>) src(%dma_wait3A_178 : memref<1000000x64xf32, #tpu.memory_space<hbm>>) dst(%dma_wait3A_173 : memref<128x64xf32, #tpu.memory_space<vmem>>)
    %parallel_loop3A_181 = arith.constant 0 : i32
    %parallel_loop3A_182 = arith.constant 128 : i32
    %parallel_loop3A_183 = arith.constant 1 : i32
    scf.for %parallel_loop3A_606 = %parallel_loop3A_181 to %parallel_loop3A_182 step %parallel_loop3A_183  : i32 {
      %parallel_loop3A_607 = arith.constant 0 : i32
      %parallel_loop3A_608 = arith.constant 1 : i32
      %parallel_loop3A_609 = arith.index_cast %parallel_loop3A_607 : i32 to index
      %parallel_loop3A_610 = arith.index_cast %parallel_loop3A_608 : i32 to index
      %parallel_loop3A_611 = arith.index_cast %parallel_loop3A_606 : i32 to index
      %parallel_loop3A_612 = arith.constant 0 : index
      %parallel_loop3A_613 = tpu.vector_load %arg6[%parallel_loop3A_609, %parallel_loop3A_610, %parallel_loop3A_611, %parallel_loop3A_612] {strides = array<i32>} : memref<2x4x128x64xf32, #tpu.memory_space<vmem>>, vector<1x1x1x16xf32>,
      %parallel_loop3A_614 = vector.shape_cast %parallel_loop3A_613 : vector<1x1x1x16xf32> to vector<16xf32>
      %parallel_loop3A_615 = arith.constant 8.000000e+00 : f32
      %parallel_loop3A_616 = vector.broadcast %parallel_loop3A_615 : f32 to vector<16xf32>
      %parallel_loop3A_617 = arith.mulf %parallel_loop3A_614, %parallel_loop3A_616 : vector<16xf32>
      %parallel_loop3A_618 = arith.constant 0 : i32
      %parallel_loop3A_619 = arith.constant 1 : i32
      %parallel_loop3A_620 = arith.index_cast %parallel_loop3A_618 : i32 to index
      %parallel_loop3A_621 = arith.index_cast %parallel_loop3A_619 : i32 to index
      %parallel_loop3A_622 = arith.index_cast %parallel_loop3A_606 : i32 to index
      %parallel_loop3A_623 = arith.constant 0 : index
      %parallel_loop3A_624 = tpu.vector_load %arg6[%parallel_loop3A_620, %parallel_loop3A_621, %parallel_loop3A_622, %parallel_loop3A_623] {strides = array<i32>} : memref<2x4x128x64xf32, #tpu.memory_space<vmem>>, vector<1x1x1x16xf32>,
      %parallel_loop3A_625 = vector.shape_cast %parallel_loop3A_624 : vector<1x1x1x16xf32> to vector<16xf32>
      %parallel_loop3A_626 = vector.shape_cast %parallel_loop3A_617 : vector<16xf32> to vector<1x1x1x16xf32>
      tpu.vector_store %arg6[%parallel_loop3A_620, %parallel_loop3A_621, %parallel_loop3A_622, %parallel_loop3A_623], %parallel_loop3A_626 {strides = array<i32>} : memref<2x4x128x64xf32, #tpu.memory_space<vmem>>, vector<1x1x1x16xf32>,
      %parallel_loop3A_627 = arith.constant 0 : i32
      %parallel_loop3A_628 = arith.constant 1 : i32
      %parallel_loop3A_629 = arith.index_cast %parallel_loop3A_627 : i32 to index
      %parallel_loop3A_630 = arith.index_cast %parallel_loop3A_628 : i32 to index
      %parallel_loop3A_631 = arith.index_cast %parallel_loop3A_606 : i32 to index
      %parallel_loop3A_632 = arith.constant 16 : index
      %parallel_loop3A_633 = tpu.vector_load %arg6[%parallel_loop3A_629, %parallel_loop3A_630, %parallel_loop3A_631, %parallel_loop3A_632] {strides = array<i32>} : memref<2x4x128x64xf32, #tpu.memory_space<vmem>>, vector<1x1x1x16xf32>,
      %parallel_loop3A_634 = vector.shape_cast %parallel_loop3A_633 : vector<1x1x1x16xf32> to vector<16xf32>
      %parallel_loop3A_635 = arith.constant 8.000000e+00 : f32
      %parallel_loop3A_636 = vector.broadcast %parallel_loop3A_635 : f32 to vector<16xf32>
      %parallel_loop3A_637 = arith.mulf %parallel_loop3A_634, %parallel_loop3A_636 : vector<16xf32>
      %parallel_loop3A_638 = arith.constant 0 : i32
      %parallel_loop3A_639 = arith.constant 1 : i32
      %parallel_loop3A_640 = arith.index_cast %parallel_loop3A_638 : i32 to index
      %parallel_loop3A_641 = arith.index_cast %parallel_loop3A_639 : i32 to index
      %parallel_loop3A_642 = arith.index_cast %parallel_loop3A_606 : i32 to index
      %parallel_loop3A_643 = arith.constant 16 : index
      %parallel_loop3A_644 = tpu.vector_load %arg6[%parallel_loop3A_640, %parallel_loop3A_641, %parallel_loop3A_642, %parallel_loop3A_643] {strides = array<i32>} : memref<2x4x128x64xf32, #tpu.memory_space<vmem>>, vector<1x1x1x16xf32>,
      %parallel_loop3A_645 = vector.shape_cast %parallel_loop3A_644 : vector<1x1x1x16xf32> to vector<16xf32>
      %parallel_loop3A_646 = vector.shape_cast %parallel_loop3A_637 : vector<16xf32> to vector<1x1x1x16xf32>
      tpu.vector_store %arg6[%parallel_loop3A_640, %parallel_loop3A_641, %parallel_loop3A_642, %parallel_loop3A_643], %parallel_loop3A_646 {strides = array<i32>} : memref<2x4x128x64xf32, #tpu.memory_space<vmem>>, vector<1x1x1x16xf32>,
      %parallel_loop3A_647 = arith.constant 0 : i32
      %parallel_loop3A_648 = arith.constant 1 : i32
      %parallel_loop3A_649 = arith.index_cast %parallel_loop3A_647 : i32 to index
      %parallel_loop3A_650 = arith.index_cast %parallel_loop3A_648 : i32 to index
      %parallel_loop3A_651 = arith.index_cast %parallel_loop3A_606 : i32 to index
      %parallel_loop3A_652 = arith.constant 32 : index
      %parallel_loop3A_653 = tpu.vector_load %arg6[%parallel_loop3A_649, %parallel_loop3A_650, %parallel_loop3A_651, %parallel_loop3A_652] {strides = array<i32>} : memref<2x4x128x64xf32, #tpu.memory_space<vmem>>, vector<1x1x1x16xf32>,
      %parallel_loop3A_654 = vector.shape_cast %parallel_loop3A_653 : vector<1x1x1x16xf32> to vector<16xf32>
      %parallel_loop3A_655 = arith.constant 8.000000e+00 : f32
      %parallel_loop3A_656 = vector.broadcast %parallel_loop3A_655 : f32 to vector<16xf32>
      %parallel_loop3A_657 = arith.mulf %parallel_loop3A_654, %parallel_loop3A_656 : vector<16xf32>
      %parallel_loop3A_658 = arith.constant 0 : i32
      %parallel_loop3A_659 = arith.constant 1 : i32
      %parallel_loop3A_660 = arith.index_cast %parallel_loop3A_658 : i32 to index
      %parallel_loop3A_661 = arith.index_cast %parallel_loop3A_659 : i32 to index
      %parallel_loop3A_662 = arith.index_cast %parallel_loop3A_606 : i32 to index
      %parallel_loop3A_663 = arith.constant 32 : index
      %parallel_loop3A_664 = tpu.vector_load %arg6[%parallel_loop3A_660, %parallel_loop3A_661, %parallel_loop3A_662, %parallel_loop3A_663] {strides = array<i32>} : memref<2x4x128x64xf32, #tpu.memory_space<vmem>>, vector<1x1x1x16xf32>,
      %parallel_loop3A_665 = vector.shape_cast %parallel_loop3A_664 : vector<1x1x1x16xf32> to vector<16xf32>
      %parallel_loop3A_666 = vector.shape_cast %parallel_loop3A_657 : vector<16xf32> to vector<1x1x1x16xf32>
      tpu.vector_store %arg6[%parallel_loop3A_660, %parallel_loop3A_661, %parallel_loop3A_662, %parallel_loop3A_663], %parallel_loop3A_666 {strides = array<i32>} : memref<2x4x128x64xf32, #tpu.memory_space<vmem>>, vector<1x1x1x16xf32>,
      %parallel_loop3A_667 = arith.constant 0 : i32
      %parallel_loop3A_668 = arith.constant 1 : i32
      %parallel_loop3A_669 = arith.index_cast %parallel_loop3A_667 : i32 to index
      %parallel_loop3A_670 = arith.index_cast %parallel_loop3A_668 : i32 to index
      %parallel_loop3A_671 = arith.index_cast %parallel_loop3A_606 : i32 to index
      %parallel_loop3A_672 = arith.constant 48 : index
      %parallel_loop3A_673 = tpu.vector_load %arg6[%parallel_loop3A_669, %parallel_loop3A_670, %parallel_loop3A_671, %parallel_loop3A_672] {strides = array<i32>} : memref<2x4x128x64xf32, #tpu.memory_space<vmem>>, vector<1x1x1x16xf32>,
      %parallel_loop3A_674 = vector.shape_cast %parallel_loop3A_673 : vector<1x1x1x16xf32> to vector<16xf32>
      %parallel_loop3A_675 = arith.constant 8.000000e+00 : f32
      %parallel_loop3A_676 = vector.broadcast %parallel_loop3A_675 : f32 to vector<16xf32>
      %parallel_loop3A_677 = arith.mulf %parallel_loop3A_674, %parallel_loop3A_676 : vector<16xf32>
      %parallel_loop3A_678 = arith.constant 0 : i32
      %parallel_loop3A_679 = arith.constant 1 : i32
      %parallel_loop3A_680 = arith.index_cast %parallel_loop3A_678 : i32 to index
      %parallel_loop3A_681 = arith.index_cast %parallel_loop3A_679 : i32 to index
      %parallel_loop3A_682 = arith.index_cast %parallel_loop3A_606 : i32 to index
      %parallel_loop3A_683 = arith.constant 48 : index
      %parallel_loop3A_684 = tpu.vector_load %arg6[%parallel_loop3A_680, %parallel_loop3A_681, %parallel_loop3A_682, %parallel_loop3A_683] {strides = array<i32>} : memref<2x4x128x64xf32, #tpu.memory_space<vmem>>, vector<1x1x1x16xf32>,
      %parallel_loop3A_685 = vector.shape_cast %parallel_loop3A_684 : vector<1x1x1x16xf32> to vector<16xf32>
      %parallel_loop3A_686 = vector.shape_cast %parallel_loop3A_677 : vector<16xf32> to vector<1x1x1x16xf32>
      tpu.vector_store %arg6[%parallel_loop3A_680, %parallel_loop3A_681, %parallel_loop3A_682, %parallel_loop3A_683], %parallel_loop3A_686 {strides = array<i32>} : memref<2x4x128x64xf32, #tpu.memory_space<vmem>>, vector<1x1x1x16xf32>,
    } {sc.loop_unroll_factor = 8 : i64, sc.parallel_access}
    %add3A_184 = arith.constant 24576 : i32
    %add3A_185 = arith.addi %mul3A_2, %add3A_184 : i32
    %add3A_186 = arith.constant 128 : i32
    %add3A_187 = arith.addi %add3A_185, %add3A_186 : i32
    %dma_start3A_188 = arith.constant 0 : i32
    %dma_start3A_189 = arith.constant 1 : i32
    %dma_start3A_190 = arith.constant 0 : i32
    %dma_start3A_191 = arith.constant 1 : i32
    %dma_start3A_192 = arith.constant 0 : i32
    %dma_start3A_193 = arith.constant 0 : i32
    %dma_start3A_194 = tpu.memref_slice %arg6[%dma_start3A_188, %dma_start3A_189, %dma_start3A_192, %dma_start3A_193] : memref<2x4x128x64xf32, #tpu.memory_space<vmem>> -> memref<1x1x128x64xf32, #tpu.memory_space<vmem>>
    %dma_start3A_195 = tpu.memref_squeeze %dma_start3A_194 : memref<1x1x128x64xf32, #tpu.memory_space<vmem>> -> memref<128x64xf32, #tpu.memory_space<vmem>>
    %dma_start3A_196 = arith.constant 0 : i32
    %dma_start3A_197 = tpu.memref_slice %arg4[%add3A_187, %dma_start3A_196] : memref<819200x64xf32, #tpu.memory_space<hbm>> -> memref<128x64xf32, #tpu.memory_space<hbm>>
    %dma_start3A_198 = tpu.memref_slice %arg8[%dma_start3A_190, %dma_start3A_191] : memref<2x4x!tpu.dma_semaphore, #tpu.memory_space<semaphore_mem>> -> memref<1x1x!tpu.dma_semaphore, #tpu.memory_space<semaphore_mem>>
    %dma_start3A_199 = tpu.memref_squeeze %dma_start3A_198 : memref<1x1x!tpu.dma_semaphore, #tpu.memory_space<semaphore_mem>> -> memref<!tpu.dma_semaphore, #tpu.memory_space<semaphore_mem>>
    %dma_start3A_200 = arith.constant 0 : i32
    %dma_start3A_201 = tpu.memref_slice %arg4[%add3A_187, %dma_start3A_200] : memref<819200x64xf32, #tpu.memory_space<hbm>> -> memref<128x64xf32, #tpu.memory_space<hbm>>
    %dma_start3A_202 = arith.constant 0 : i32
    %dma_start3A_203 = arith.constant 0 : i32
    %dma_start3A_204 = tpu.memref_slice %arg6[%dma_start3A_188, %dma_start3A_189, %dma_start3A_202, %dma_start3A_203] : memref<2x4x128x64xf32, #tpu.memory_space<vmem>> -> memref<1x1x128x64xf32, #tpu.memory_space<vmem>>
    %dma_start3A_205 = tpu.memref_squeeze %dma_start3A_204 : memref<1x1x128x64xf32, #tpu.memory_space<vmem>> -> memref<128x64xf32, #tpu.memory_space<vmem>>
    tpu.enqueue_dma source(%dma_start3A_205 : memref<128x64xf32, #tpu.memory_space<vmem>>) target(%dma_start3A_201 : memref<128x64xf32, #tpu.memory_space<hbm>>) target_semaphore(%dma_start3A_199 : memref<!tpu.dma_semaphore, #tpu.memory_space<semaphore_mem>>)
    %dma_wait3A_206 = arith.constant 0 : i32
    %dma_wait3A_207 = arith.constant 2 : i32
    %dma_wait3A_208 = arith.constant 0 : i32
    %dma_wait3A_209 = arith.constant 2 : i32
    %dma_wait3A_210 = arith.constant 0 : i32
    %dma_wait3A_211 = arith.constant 0 : i32
    %dma_wait3A_212 = tpu.memref_slice %arg6[%dma_wait3A_206, %dma_wait3A_207, %dma_wait3A_210, %dma_wait3A_211] : memref<2x4x128x64xf32, #tpu.memory_space<vmem>> -> memref<1x1x128x64xf32, #tpu.memory_space<vmem>>
    %dma_wait3A_213 = tpu.memref_squeeze %dma_wait3A_212 : memref<1x1x128x64xf32, #tpu.memory_space<vmem>> -> memref<128x64xf32, #tpu.memory_space<vmem>>
    %dma_wait3A_214 = arith.constant 24832 : i32
    %dma_wait3A_215 = tpu.memref_slice %arg5[%dma_wait3A_214] : memref<25600xi32, #tpu.memory_space<vmem>> -> memref<128xi32, #tpu.memory_space<vmem>>
    %dma_wait3A_216 = arith.constant 0 : i32
    %dma_wait3A_217 = arith.constant 0 : i32
    %dma_wait3A_218 = tpu.memref_slice %arg2[%dma_wait3A_216, %dma_wait3A_217] : memref<1000000x64xf32, #tpu.memory_space<hbm>> -> memref<1000000x64xf32, #tpu.memory_space<hbm>>
    %dma_wait3A_219 = tpu.memref_slice %arg7[%dma_wait3A_208, %dma_wait3A_209] : memref<2x4x!tpu.dma_semaphore, #tpu.memory_space<semaphore_mem>> -> memref<1x1x!tpu.dma_semaphore, #tpu.memory_space<semaphore_mem>>
    %dma_wait3A_220 = tpu.memref_squeeze %dma_wait3A_219 : memref<1x1x!tpu.dma_semaphore, #tpu.memory_space<semaphore_mem>> -> memref<!tpu.dma_semaphore, #tpu.memory_space<semaphore_mem>>
    tpu.wait_indirect_dma semaphore(%dma_wait3A_220 : memref<!tpu.dma_semaphore, #tpu.memory_space<semaphore_mem>>) src(%dma_wait3A_218 : memref<1000000x64xf32, #tpu.memory_space<hbm>>) dst(%dma_wait3A_213 : memref<128x64xf32, #tpu.memory_space<vmem>>)
    %parallel_loop3A_221 = arith.constant 0 : i32
    %parallel_loop3A_222 = arith.constant 128 : i32
    %parallel_loop3A_223 = arith.constant 1 : i32
    scf.for %parallel_loop3A_606 = %parallel_loop3A_221 to %parallel_loop3A_222 step %parallel_loop3A_223  : i32 {
      %parallel_loop3A_607 = arith.constant 0 : i32
      %parallel_loop3A_608 = arith.constant 2 : i32
      %parallel_loop3A_609 = arith.index_cast %parallel_loop3A_607 : i32 to index
      %parallel_loop3A_610 = arith.index_cast %parallel_loop3A_608 : i32 to index
      %parallel_loop3A_611 = arith.index_cast %parallel_loop3A_606 : i32 to index
      %parallel_loop3A_612 = arith.constant 0 : index
      %parallel_loop3A_613 = tpu.vector_load %arg6[%parallel_loop3A_609, %parallel_loop3A_610, %parallel_loop3A_611, %parallel_loop3A_612] {strides = array<i32>} : memref<2x4x128x64xf32, #tpu.memory_space<vmem>>, vector<1x1x1x16xf32>,
      %parallel_loop3A_614 = vector.shape_cast %parallel_loop3A_613 : vector<1x1x1x16xf32> to vector<16xf32>
      %parallel_loop3A_615 = arith.constant 8.000000e+00 : f32
      %parallel_loop3A_616 = vector.broadcast %parallel_loop3A_615 : f32 to vector<16xf32>
      %parallel_loop3A_617 = arith.mulf %parallel_loop3A_614, %parallel_loop3A_616 : vector<16xf32>
      %parallel_loop3A_618 = arith.constant 0 : i32
      %parallel_loop3A_619 = arith.constant 2 : i32
      %parallel_loop3A_620 = arith.index_cast %parallel_loop3A_618 : i32 to index
      %parallel_loop3A_621 = arith.index_cast %parallel_loop3A_619 : i32 to index
      %parallel_loop3A_622 = arith.index_cast %parallel_loop3A_606 : i32 to index
      %parallel_loop3A_623 = arith.constant 0 : index
      %parallel_loop3A_624 = tpu.vector_load %arg6[%parallel_loop3A_620, %parallel_loop3A_621, %parallel_loop3A_622, %parallel_loop3A_623] {strides = array<i32>} : memref<2x4x128x64xf32, #tpu.memory_space<vmem>>, vector<1x1x1x16xf32>,
      %parallel_loop3A_625 = vector.shape_cast %parallel_loop3A_624 : vector<1x1x1x16xf32> to vector<16xf32>
      %parallel_loop3A_626 = vector.shape_cast %parallel_loop3A_617 : vector<16xf32> to vector<1x1x1x16xf32>
      tpu.vector_store %arg6[%parallel_loop3A_620, %parallel_loop3A_621, %parallel_loop3A_622, %parallel_loop3A_623], %parallel_loop3A_626 {strides = array<i32>} : memref<2x4x128x64xf32, #tpu.memory_space<vmem>>, vector<1x1x1x16xf32>,
      %parallel_loop3A_627 = arith.constant 0 : i32
      %parallel_loop3A_628 = arith.constant 2 : i32
      %parallel_loop3A_629 = arith.index_cast %parallel_loop3A_627 : i32 to index
      %parallel_loop3A_630 = arith.index_cast %parallel_loop3A_628 : i32 to index
      %parallel_loop3A_631 = arith.index_cast %parallel_loop3A_606 : i32 to index
      %parallel_loop3A_632 = arith.constant 16 : index
      %parallel_loop3A_633 = tpu.vector_load %arg6[%parallel_loop3A_629, %parallel_loop3A_630, %parallel_loop3A_631, %parallel_loop3A_632] {strides = array<i32>} : memref<2x4x128x64xf32, #tpu.memory_space<vmem>>, vector<1x1x1x16xf32>,
      %parallel_loop3A_634 = vector.shape_cast %parallel_loop3A_633 : vector<1x1x1x16xf32> to vector<16xf32>
      %parallel_loop3A_635 = arith.constant 8.000000e+00 : f32
      %parallel_loop3A_636 = vector.broadcast %parallel_loop3A_635 : f32 to vector<16xf32>
      %parallel_loop3A_637 = arith.mulf %parallel_loop3A_634, %parallel_loop3A_636 : vector<16xf32>
      %parallel_loop3A_638 = arith.constant 0 : i32
      %parallel_loop3A_639 = arith.constant 2 : i32
      %parallel_loop3A_640 = arith.index_cast %parallel_loop3A_638 : i32 to index
      %parallel_loop3A_641 = arith.index_cast %parallel_loop3A_639 : i32 to index
      %parallel_loop3A_642 = arith.index_cast %parallel_loop3A_606 : i32 to index
      %parallel_loop3A_643 = arith.constant 16 : index
      %parallel_loop3A_644 = tpu.vector_load %arg6[%parallel_loop3A_640, %parallel_loop3A_641, %parallel_loop3A_642, %parallel_loop3A_643] {strides = array<i32>} : memref<2x4x128x64xf32, #tpu.memory_space<vmem>>, vector<1x1x1x16xf32>,
      %parallel_loop3A_645 = vector.shape_cast %parallel_loop3A_644 : vector<1x1x1x16xf32> to vector<16xf32>
      %parallel_loop3A_646 = vector.shape_cast %parallel_loop3A_637 : vector<16xf32> to vector<1x1x1x16xf32>
      tpu.vector_store %arg6[%parallel_loop3A_640, %parallel_loop3A_641, %parallel_loop3A_642, %parallel_loop3A_643], %parallel_loop3A_646 {strides = array<i32>} : memref<2x4x128x64xf32, #tpu.memory_space<vmem>>, vector<1x1x1x16xf32>,
      %parallel_loop3A_647 = arith.constant 0 : i32
      %parallel_loop3A_648 = arith.constant 2 : i32
      %parallel_loop3A_649 = arith.index_cast %parallel_loop3A_647 : i32 to index
      %parallel_loop3A_650 = arith.index_cast %parallel_loop3A_648 : i32 to index
      %parallel_loop3A_651 = arith.index_cast %parallel_loop3A_606 : i32 to index
      %parallel_loop3A_652 = arith.constant 32 : index
      %parallel_loop3A_653 = tpu.vector_load %arg6[%parallel_loop3A_649, %parallel_loop3A_650, %parallel_loop3A_651, %parallel_loop3A_652] {strides = array<i32>} : memref<2x4x128x64xf32, #tpu.memory_space<vmem>>, vector<1x1x1x16xf32>,
      %parallel_loop3A_654 = vector.shape_cast %parallel_loop3A_653 : vector<1x1x1x16xf32> to vector<16xf32>
      %parallel_loop3A_655 = arith.constant 8.000000e+00 : f32
      %parallel_loop3A_656 = vector.broadcast %parallel_loop3A_655 : f32 to vector<16xf32>
      %parallel_loop3A_657 = arith.mulf %parallel_loop3A_654, %parallel_loop3A_656 : vector<16xf32>
      %parallel_loop3A_658 = arith.constant 0 : i32
      %parallel_loop3A_659 = arith.constant 2 : i32
      %parallel_loop3A_660 = arith.index_cast %parallel_loop3A_658 : i32 to index
      %parallel_loop3A_661 = arith.index_cast %parallel_loop3A_659 : i32 to index
      %parallel_loop3A_662 = arith.index_cast %parallel_loop3A_606 : i32 to index
      %parallel_loop3A_663 = arith.constant 32 : index
      %parallel_loop3A_664 = tpu.vector_load %arg6[%parallel_loop3A_660, %parallel_loop3A_661, %parallel_loop3A_662, %parallel_loop3A_663] {strides = array<i32>} : memref<2x4x128x64xf32, #tpu.memory_space<vmem>>, vector<1x1x1x16xf32>,
      %parallel_loop3A_665 = vector.shape_cast %parallel_loop3A_664 : vector<1x1x1x16xf32> to vector<16xf32>
      %parallel_loop3A_666 = vector.shape_cast %parallel_loop3A_657 : vector<16xf32> to vector<1x1x1x16xf32>
      tpu.vector_store %arg6[%parallel_loop3A_660, %parallel_loop3A_661, %parallel_loop3A_662, %parallel_loop3A_663], %parallel_loop3A_666 {strides = array<i32>} : memref<2x4x128x64xf32, #tpu.memory_space<vmem>>, vector<1x1x1x16xf32>,
      %parallel_loop3A_667 = arith.constant 0 : i32
      %parallel_loop3A_668 = arith.constant 2 : i32
      %parallel_loop3A_669 = arith.index_cast %parallel_loop3A_667 : i32 to index
      %parallel_loop3A_670 = arith.index_cast %parallel_loop3A_668 : i32 to index
      %parallel_loop3A_671 = arith.index_cast %parallel_loop3A_606 : i32 to index
      %parallel_loop3A_672 = arith.constant 48 : index
      %parallel_loop3A_673 = tpu.vector_load %arg6[%parallel_loop3A_669, %parallel_loop3A_670, %parallel_loop3A_671, %parallel_loop3A_672] {strides = array<i32>} : memref<2x4x128x64xf32, #tpu.memory_space<vmem>>, vector<1x1x1x16xf32>,
      %parallel_loop3A_674 = vector.shape_cast %parallel_loop3A_673 : vector<1x1x1x16xf32> to vector<16xf32>
      %parallel_loop3A_675 = arith.constant 8.000000e+00 : f32
      %parallel_loop3A_676 = vector.broadcast %parallel_loop3A_675 : f32 to vector<16xf32>
      %parallel_loop3A_677 = arith.mulf %parallel_loop3A_674, %parallel_loop3A_676 : vector<16xf32>
      %parallel_loop3A_678 = arith.constant 0 : i32
      %parallel_loop3A_679 = arith.constant 2 : i32
      %parallel_loop3A_680 = arith.index_cast %parallel_loop3A_678 : i32 to index
      %parallel_loop3A_681 = arith.index_cast %parallel_loop3A_679 : i32 to index
      %parallel_loop3A_682 = arith.index_cast %parallel_loop3A_606 : i32 to index
      %parallel_loop3A_683 = arith.constant 48 : index
      %parallel_loop3A_684 = tpu.vector_load %arg6[%parallel_loop3A_680, %parallel_loop3A_681, %parallel_loop3A_682, %parallel_loop3A_683] {strides = array<i32>} : memref<2x4x128x64xf32, #tpu.memory_space<vmem>>, vector<1x1x1x16xf32>,
      %parallel_loop3A_685 = vector.shape_cast %parallel_loop3A_684 : vector<1x1x1x16xf32> to vector<16xf32>
      %parallel_loop3A_686 = vector.shape_cast %parallel_loop3A_677 : vector<16xf32> to vector<1x1x1x16xf32>
      tpu.vector_store %arg6[%parallel_loop3A_680, %parallel_loop3A_681, %parallel_loop3A_682, %parallel_loop3A_683], %parallel_loop3A_686 {strides = array<i32>} : memref<2x4x128x64xf32, #tpu.memory_space<vmem>>, vector<1x1x1x16xf32>,
    } {sc.loop_unroll_factor = 8 : i64, sc.parallel_access}
    %add3A_224 = arith.constant 24576 : i32
    %add3A_225 = arith.addi %mul3A_2, %add3A_224 : i32
    %add3A_226 = arith.constant 256 : i32
    %add3A_227 = arith.addi %add3A_225, %add3A_226 : i32
    %dma_start3A_228 = arith.constant 0 : i32
    %dma_start3A_229 = arith.constant 2 : i32
    %dma_start3A_230 = arith.constant 0 : i32
    %dma_start3A_231 = arith.constant 2 : i32
    %dma_start3A_232 = arith.constant 0 : i32
    %dma_start3A_233 = arith.constant 0 : i32
    %dma_start3A_234 = tpu.memref_slice %arg6[%dma_start3A_228, %dma_start3A_229, %dma_start3A_232, %dma_start3A_233] : memref<2x4x128x64xf32, #tpu.memory_space<vmem>> -> memref<1x1x128x64xf32, #tpu.memory_space<vmem>>
    %dma_start3A_235 = tpu.memref_squeeze %dma_start3A_234 : memref<1x1x128x64xf32, #tpu.memory_space<vmem>> -> memref<128x64xf32, #tpu.memory_space<vmem>>
    %dma_start3A_236 = arith.constant 0 : i32
    %dma_start3A_237 = tpu.memref_slice %arg4[%add3A_227, %dma_start3A_236] : memref<819200x64xf32, #tpu.memory_space<hbm>> -> memref<128x64xf32, #tpu.memory_space<hbm>>
    %dma_start3A_238 = tpu.memref_slice %arg8[%dma_start3A_230, %dma_start3A_231] : memref<2x4x!tpu.dma_semaphore, #tpu.memory_space<semaphore_mem>> -> memref<1x1x!tpu.dma_semaphore, #tpu.memory_space<semaphore_mem>>
    %dma_start3A_239 = tpu.memref_squeeze %dma_start3A_238 : memref<1x1x!tpu.dma_semaphore, #tpu.memory_space<semaphore_mem>> -> memref<!tpu.dma_semaphore, #tpu.memory_space<semaphore_mem>>
    %dma_start3A_240 = arith.constant 0 : i32
    %dma_start3A_241 = tpu.memref_slice %arg4[%add3A_227, %dma_start3A_240] : memref<819200x64xf32, #tpu.memory_space<hbm>> -> memref<128x64xf32, #tpu.memory_space<hbm>>
    %dma_start3A_242 = arith.constant 0 : i32
    %dma_start3A_243 = arith.constant 0 : i32
    %dma_start3A_244 = tpu.memref_slice %arg6[%dma_start3A_228, %dma_start3A_229, %dma_start3A_242, %dma_start3A_243] : memref<2x4x128x64xf32, #tpu.memory_space<vmem>> -> memref<1x1x128x64xf32, #tpu.memory_space<vmem>>
    %dma_start3A_245 = tpu.memref_squeeze %dma_start3A_244 : memref<1x1x128x64xf32, #tpu.memory_space<vmem>> -> memref<128x64xf32, #tpu.memory_space<vmem>>
    tpu.enqueue_dma source(%dma_start3A_245 : memref<128x64xf32, #tpu.memory_space<vmem>>) target(%dma_start3A_241 : memref<128x64xf32, #tpu.memory_space<hbm>>) target_semaphore(%dma_start3A_239 : memref<!tpu.dma_semaphore, #tpu.memory_space<semaphore_mem>>)
    %dma_wait3A_246 = arith.constant 0 : i32
    %dma_wait3A_247 = arith.constant 3 : i32
    %dma_wait3A_248 = arith.constant 0 : i32
    %dma_wait3A_249 = arith.constant 3 : i32
    %dma_wait3A_250 = arith.constant 0 : i32
    %dma_wait3A_251 = arith.constant 0 : i32
    %dma_wait3A_252 = tpu.memref_slice %arg6[%dma_wait3A_246, %dma_wait3A_247, %dma_wait3A_250, %dma_wait3A_251] : memref<2x4x128x64xf32, #tpu.memory_space<vmem>> -> memref<1x1x128x64xf32, #tpu.memory_space<vmem>>
    %dma_wait3A_253 = tpu.memref_squeeze %dma_wait3A_252 : memref<1x1x128x64xf32, #tpu.memory_space<vmem>> -> memref<128x64xf32, #tpu.memory_space<vmem>>
    %dma_wait3A_254 = arith.constant 24960 : i32
    %dma_wait3A_255 = tpu.memref_slice %arg5[%dma_wait3A_254] : memref<25600xi32, #tpu.memory_space<vmem>> -> memref<128xi32, #tpu.memory_space<vmem>>
    %dma_wait3A_256 = arith.constant 0 : i32
    %dma_wait3A_257 = arith.constant 0 : i32
    %dma_wait3A_258 = tpu.memref_slice %arg2[%dma_wait3A_256, %dma_wait3A_257] : memref<1000000x64xf32, #tpu.memory_space<hbm>> -> memref<1000000x64xf32, #tpu.memory_space<hbm>>
    %dma_wait3A_259 = tpu.memref_slice %arg7[%dma_wait3A_248, %dma_wait3A_249] : memref<2x4x!tpu.dma_semaphore, #tpu.memory_space<semaphore_mem>> -> memref<1x1x!tpu.dma_semaphore, #tpu.memory_space<semaphore_mem>>
    %dma_wait3A_260 = tpu.memref_squeeze %dma_wait3A_259 : memref<1x1x!tpu.dma_semaphore, #tpu.memory_space<semaphore_mem>> -> memref<!tpu.dma_semaphore, #tpu.memory_space<semaphore_mem>>
    tpu.wait_indirect_dma semaphore(%dma_wait3A_260 : memref<!tpu.dma_semaphore, #tpu.memory_space<semaphore_mem>>) src(%dma_wait3A_258 : memref<1000000x64xf32, #tpu.memory_space<hbm>>) dst(%dma_wait3A_253 : memref<128x64xf32, #tpu.memory_space<vmem>>)
    %parallel_loop3A_261 = arith.constant 0 : i32
    %parallel_loop3A_262 = arith.constant 128 : i32
    %parallel_loop3A_263 = arith.constant 1 : i32
    scf.for %parallel_loop3A_606 = %parallel_loop3A_261 to %parallel_loop3A_262 step %parallel_loop3A_263  : i32 {
      %parallel_loop3A_607 = arith.constant 0 : i32
      %parallel_loop3A_608 = arith.constant 3 : i32
      %parallel_loop3A_609 = arith.index_cast %parallel_loop3A_607 : i32 to index
      %parallel_loop3A_610 = arith.index_cast %parallel_loop3A_608 : i32 to index
      %parallel_loop3A_611 = arith.index_cast %parallel_loop3A_606 : i32 to index
      %parallel_loop3A_612 = arith.constant 0 : index
      %parallel_loop3A_613 = tpu.vector_load %arg6[%parallel_loop3A_609, %parallel_loop3A_610, %parallel_loop3A_611, %parallel_loop3A_612] {strides = array<i32>} : memref<2x4x128x64xf32, #tpu.memory_space<vmem>>, vector<1x1x1x16xf32>,
      %parallel_loop3A_614 = vector.shape_cast %parallel_loop3A_613 : vector<1x1x1x16xf32> to vector<16xf32>
      %parallel_loop3A_615 = arith.constant 8.000000e+00 : f32
      %parallel_loop3A_616 = vector.broadcast %parallel_loop3A_615 : f32 to vector<16xf32>
      %parallel_loop3A_617 = arith.mulf %parallel_loop3A_614, %parallel_loop3A_616 : vector<16xf32>
      %parallel_loop3A_618 = arith.constant 0 : i32
      %parallel_loop3A_619 = arith.constant 3 : i32
      %parallel_loop3A_620 = arith.index_cast %parallel_loop3A_618 : i32 to index
      %parallel_loop3A_621 = arith.index_cast %parallel_loop3A_619 : i32 to index
      %parallel_loop3A_622 = arith.index_cast %parallel_loop3A_606 : i32 to index
      %parallel_loop3A_623 = arith.constant 0 : index
      %parallel_loop3A_624 = tpu.vector_load %arg6[%parallel_loop3A_620, %parallel_loop3A_621, %parallel_loop3A_622, %parallel_loop3A_623] {strides = array<i32>} : memref<2x4x128x64xf32, #tpu.memory_space<vmem>>, vector<1x1x1x16xf32>,
      %parallel_loop3A_625 = vector.shape_cast %parallel_loop3A_624 : vector<1x1x1x16xf32> to vector<16xf32>
      %parallel_loop3A_626 = vector.shape_cast %parallel_loop3A_617 : vector<16xf32> to vector<1x1x1x16xf32>
      tpu.vector_store %arg6[%parallel_loop3A_620, %parallel_loop3A_621, %parallel_loop3A_622, %parallel_loop3A_623], %parallel_loop3A_626 {strides = array<i32>} : memref<2x4x128x64xf32, #tpu.memory_space<vmem>>, vector<1x1x1x16xf32>,
      %parallel_loop3A_627 = arith.constant 0 : i32
      %parallel_loop3A_628 = arith.constant 3 : i32
      %parallel_loop3A_629 = arith.index_cast %parallel_loop3A_627 : i32 to index
      %parallel_loop3A_630 = arith.index_cast %parallel_loop3A_628 : i32 to index
      %parallel_loop3A_631 = arith.index_cast %parallel_loop3A_606 : i32 to index
      %parallel_loop3A_632 = arith.constant 16 : index
      %parallel_loop3A_633 = tpu.vector_load %arg6[%parallel_loop3A_629, %parallel_loop3A_630, %parallel_loop3A_631, %parallel_loop3A_632] {strides = array<i32>} : memref<2x4x128x64xf32, #tpu.memory_space<vmem>>, vector<1x1x1x16xf32>,
      %parallel_loop3A_634 = vector.shape_cast %parallel_loop3A_633 : vector<1x1x1x16xf32> to vector<16xf32>
      %parallel_loop3A_635 = arith.constant 8.000000e+00 : f32
      %parallel_loop3A_636 = vector.broadcast %parallel_loop3A_635 : f32 to vector<16xf32>
      %parallel_loop3A_637 = arith.mulf %parallel_loop3A_634, %parallel_loop3A_636 : vector<16xf32>
      %parallel_loop3A_638 = arith.constant 0 : i32
      %parallel_loop3A_639 = arith.constant 3 : i32
      %parallel_loop3A_640 = arith.index_cast %parallel_loop3A_638 : i32 to index
      %parallel_loop3A_641 = arith.index_cast %parallel_loop3A_639 : i32 to index
      %parallel_loop3A_642 = arith.index_cast %parallel_loop3A_606 : i32 to index
      %parallel_loop3A_643 = arith.constant 16 : index
      %parallel_loop3A_644 = tpu.vector_load %arg6[%parallel_loop3A_640, %parallel_loop3A_641, %parallel_loop3A_642, %parallel_loop3A_643] {strides = array<i32>} : memref<2x4x128x64xf32, #tpu.memory_space<vmem>>, vector<1x1x1x16xf32>,
      %parallel_loop3A_645 = vector.shape_cast %parallel_loop3A_644 : vector<1x1x1x16xf32> to vector<16xf32>
      %parallel_loop3A_646 = vector.shape_cast %parallel_loop3A_637 : vector<16xf32> to vector<1x1x1x16xf32>
      tpu.vector_store %arg6[%parallel_loop3A_640, %parallel_loop3A_641, %parallel_loop3A_642, %parallel_loop3A_643], %parallel_loop3A_646 {strides = array<i32>} : memref<2x4x128x64xf32, #tpu.memory_space<vmem>>, vector<1x1x1x16xf32>,
      %parallel_loop3A_647 = arith.constant 0 : i32
      %parallel_loop3A_648 = arith.constant 3 : i32
      %parallel_loop3A_649 = arith.index_cast %parallel_loop3A_647 : i32 to index
      %parallel_loop3A_650 = arith.index_cast %parallel_loop3A_648 : i32 to index
      %parallel_loop3A_651 = arith.index_cast %parallel_loop3A_606 : i32 to index
      %parallel_loop3A_652 = arith.constant 32 : index
      %parallel_loop3A_653 = tpu.vector_load %arg6[%parallel_loop3A_649, %parallel_loop3A_650, %parallel_loop3A_651, %parallel_loop3A_652] {strides = array<i32>} : memref<2x4x128x64xf32, #tpu.memory_space<vmem>>, vector<1x1x1x16xf32>,
      %parallel_loop3A_654 = vector.shape_cast %parallel_loop3A_653 : vector<1x1x1x16xf32> to vector<16xf32>
      %parallel_loop3A_655 = arith.constant 8.000000e+00 : f32
      %parallel_loop3A_656 = vector.broadcast %parallel_loop3A_655 : f32 to vector<16xf32>
      %parallel_loop3A_657 = arith.mulf %parallel_loop3A_654, %parallel_loop3A_656 : vector<16xf32>
      %parallel_loop3A_658 = arith.constant 0 : i32
      %parallel_loop3A_659 = arith.constant 3 : i32
      %parallel_loop3A_660 = arith.index_cast %parallel_loop3A_658 : i32 to index
      %parallel_loop3A_661 = arith.index_cast %parallel_loop3A_659 : i32 to index
      %parallel_loop3A_662 = arith.index_cast %parallel_loop3A_606 : i32 to index
      %parallel_loop3A_663 = arith.constant 32 : index
      %parallel_loop3A_664 = tpu.vector_load %arg6[%parallel_loop3A_660, %parallel_loop3A_661, %parallel_loop3A_662, %parallel_loop3A_663] {strides = array<i32>} : memref<2x4x128x64xf32, #tpu.memory_space<vmem>>, vector<1x1x1x16xf32>,
      %parallel_loop3A_665 = vector.shape_cast %parallel_loop3A_664 : vector<1x1x1x16xf32> to vector<16xf32>
      %parallel_loop3A_666 = vector.shape_cast %parallel_loop3A_657 : vector<16xf32> to vector<1x1x1x16xf32>
      tpu.vector_store %arg6[%parallel_loop3A_660, %parallel_loop3A_661, %parallel_loop3A_662, %parallel_loop3A_663], %parallel_loop3A_666 {strides = array<i32>} : memref<2x4x128x64xf32, #tpu.memory_space<vmem>>, vector<1x1x1x16xf32>,
      %parallel_loop3A_667 = arith.constant 0 : i32
      %parallel_loop3A_668 = arith.constant 3 : i32
      %parallel_loop3A_669 = arith.index_cast %parallel_loop3A_667 : i32 to index
      %parallel_loop3A_670 = arith.index_cast %parallel_loop3A_668 : i32 to index
      %parallel_loop3A_671 = arith.index_cast %parallel_loop3A_606 : i32 to index
      %parallel_loop3A_672 = arith.constant 48 : index
      %parallel_loop3A_673 = tpu.vector_load %arg6[%parallel_loop3A_669, %parallel_loop3A_670, %parallel_loop3A_671, %parallel_loop3A_672] {strides = array<i32>} : memref<2x4x128x64xf32, #tpu.memory_space<vmem>>, vector<1x1x1x16xf32>,
      %parallel_loop3A_674 = vector.shape_cast %parallel_loop3A_673 : vector<1x1x1x16xf32> to vector<16xf32>
      %parallel_loop3A_675 = arith.constant 8.000000e+00 : f32
      %parallel_loop3A_676 = vector.broadcast %parallel_loop3A_675 : f32 to vector<16xf32>
      %parallel_loop3A_677 = arith.mulf %parallel_loop3A_674, %parallel_loop3A_676 : vector<16xf32>
      %parallel_loop3A_678 = arith.constant 0 : i32
      %parallel_loop3A_679 = arith.constant 3 : i32
      %parallel_loop3A_680 = arith.index_cast %parallel_loop3A_678 : i32 to index
      %parallel_loop3A_681 = arith.index_cast %parallel_loop3A_679 : i32 to index
      %parallel_loop3A_682 = arith.index_cast %parallel_loop3A_606 : i32 to index
      %parallel_loop3A_683 = arith.constant 48 : index
      %parallel_loop3A_684 = tpu.vector_load %arg6[%parallel_loop3A_680, %parallel_loop3A_681, %parallel_loop3A_682, %parallel_loop3A_683] {strides = array<i32>} : memref<2x4x128x64xf32, #tpu.memory_space<vmem>>, vector<1x1x1x16xf32>,
      %parallel_loop3A_685 = vector.shape_cast %parallel_loop3A_684 : vector<1x1x1x16xf32> to vector<16xf32>
      %parallel_loop3A_686 = vector.shape_cast %parallel_loop3A_677 : vector<16xf32> to vector<1x1x1x16xf32>
      tpu.vector_store %arg6[%parallel_loop3A_680, %parallel_loop3A_681, %parallel_loop3A_682, %parallel_loop3A_683], %parallel_loop3A_686 {strides = array<i32>} : memref<2x4x128x64xf32, #tpu.memory_space<vmem>>, vector<1x1x1x16xf32>,
    } {sc.loop_unroll_factor = 8 : i64, sc.parallel_access}
    %add3A_264 = arith.constant 24576 : i32
    %add3A_265 = arith.addi %mul3A_2, %add3A_264 : i32
    %add3A_266 = arith.constant 384 : i32
    %add3A_267 = arith.addi %add3A_265, %add3A_266 : i32
    %dma_start3A_268 = arith.constant 0 : i32
    %dma_start3A_269 = arith.constant 3 : i32
    %dma_start3A_270 = arith.constant 0 : i32
    %dma_start3A_271 = arith.constant 3 : i32
    %dma_start3A_272 = arith.constant 0 : i32
    %dma_start3A_273 = arith.constant 0 : i32
    %dma_start3A_274 = tpu.memref_slice %arg6[%dma_start3A_268, %dma_start3A_269, %dma_start3A_272, %dma_start3A_273] : memref<2x4x128x64xf32, #tpu.memory_space<vmem>> -> memref<1x1x128x64xf32, #tpu.memory_space<vmem>>
    %dma_start3A_275 = tpu.memref_squeeze %dma_start3A_274 : memref<1x1x128x64xf32, #tpu.memory_space<vmem>> -> memref<128x64xf32, #tpu.memory_space<vmem>>
    %dma_start3A_276 = arith.constant 0 : i32
    %dma_start3A_277 = tpu.memref_slice %arg4[%add3A_267, %dma_start3A_276] : memref<819200x64xf32, #tpu.memory_space<hbm>> -> memref<128x64xf32, #tpu.memory_space<hbm>>
    %dma_start3A_278 = tpu.memref_slice %arg8[%dma_start3A_270, %dma_start3A_271] : memref<2x4x!tpu.dma_semaphore, #tpu.memory_space<semaphore_mem>> -> memref<1x1x!tpu.dma_semaphore, #tpu.memory_space<semaphore_mem>>
    %dma_start3A_279 = tpu.memref_squeeze %dma_start3A_278 : memref<1x1x!tpu.dma_semaphore, #tpu.memory_space<semaphore_mem>> -> memref<!tpu.dma_semaphore, #tpu.memory_space<semaphore_mem>>
    %dma_start3A_280 = arith.constant 0 : i32
    %dma_start3A_281 = tpu.memref_slice %arg4[%add3A_267, %dma_start3A_280] : memref<819200x64xf32, #tpu.memory_space<hbm>> -> memref<128x64xf32, #tpu.memory_space<hbm>>
    %dma_start3A_282 = arith.constant 0 : i32
    %dma_start3A_283 = arith.constant 0 : i32
    %dma_start3A_284 = tpu.memref_slice %arg6[%dma_start3A_268, %dma_start3A_269, %dma_start3A_282, %dma_start3A_283] : memref<2x4x128x64xf32, #tpu.memory_space<vmem>> -> memref<1x1x128x64xf32, #tpu.memory_space<vmem>>
    %dma_start3A_285 = tpu.memref_squeeze %dma_start3A_284 : memref<1x1x128x64xf32, #tpu.memory_space<vmem>> -> memref<128x64xf32, #tpu.memory_space<vmem>>
    tpu.enqueue_dma source(%dma_start3A_285 : memref<128x64xf32, #tpu.memory_space<vmem>>) target(%dma_start3A_281 : memref<128x64xf32, #tpu.memory_space<hbm>>) target_semaphore(%dma_start3A_279 : memref<!tpu.dma_semaphore, #tpu.memory_space<semaphore_mem>>)
    %dma_wait3A_286 = arith.constant 1 : i32
    %dma_wait3A_287 = arith.constant 0 : i32
    %dma_wait3A_288 = arith.constant 1 : i32
    %dma_wait3A_289 = arith.constant 0 : i32
    %dma_wait3A_290 = arith.constant 0 : i32
    %dma_wait3A_291 = arith.constant 0 : i32
    %dma_wait3A_292 = tpu.memref_slice %arg6[%dma_wait3A_286, %dma_wait3A_287, %dma_wait3A_290, %dma_wait3A_291] : memref<2x4x128x64xf32, #tpu.memory_space<vmem>> -> memref<1x1x128x64xf32, #tpu.memory_space<vmem>>
    %dma_wait3A_293 = tpu.memref_squeeze %dma_wait3A_292 : memref<1x1x128x64xf32, #tpu.memory_space<vmem>> -> memref<128x64xf32, #tpu.memory_space<vmem>>
    %dma_wait3A_294 = arith.constant 25088 : i32
    %dma_wait3A_295 = tpu.memref_slice %arg5[%dma_wait3A_294] : memref<25600xi32, #tpu.memory_space<vmem>> -> memref<128xi32, #tpu.memory_space<vmem>>
    %dma_wait3A_296 = arith.constant 0 : i32
    %dma_wait3A_297 = arith.constant 0 : i32
    %dma_wait3A_298 = tpu.memref_slice %arg2[%dma_wait3A_296, %dma_wait3A_297] : memref<1000000x64xf32, #tpu.memory_space<hbm>> -> memref<1000000x64xf32, #tpu.memory_space<hbm>>
    %dma_wait3A_299 = tpu.memref_slice %arg7[%dma_wait3A_288, %dma_wait3A_289] : memref<2x4x!tpu.dma_semaphore, #tpu.memory_space<semaphore_mem>> -> memref<1x1x!tpu.dma_semaphore, #tpu.memory_space<semaphore_mem>>
    %dma_wait3A_300 = tpu.memref_squeeze %dma_wait3A_299 : memref<1x1x!tpu.dma_semaphore, #tpu.memory_space<semaphore_mem>> -> memref<!tpu.dma_semaphore, #tpu.memory_space<semaphore_mem>>
    tpu.wait_indirect_dma semaphore(%dma_wait3A_300 : memref<!tpu.dma_semaphore, #tpu.memory_space<semaphore_mem>>) src(%dma_wait3A_298 : memref<1000000x64xf32, #tpu.memory_space<hbm>>) dst(%dma_wait3A_293 : memref<128x64xf32, #tpu.memory_space<vmem>>)
    %parallel_loop3A_301 = arith.constant 0 : i32
    %parallel_loop3A_302 = arith.constant 128 : i32
    %parallel_loop3A_303 = arith.constant 1 : i32
    scf.for %parallel_loop3A_606 = %parallel_loop3A_301 to %parallel_loop3A_302 step %parallel_loop3A_303  : i32 {
      %parallel_loop3A_607 = arith.constant 1 : i32
      %parallel_loop3A_608 = arith.constant 0 : i32
      %parallel_loop3A_609 = arith.index_cast %parallel_loop3A_607 : i32 to index
      %parallel_loop3A_610 = arith.index_cast %parallel_loop3A_608 : i32 to index
      %parallel_loop3A_611 = arith.index_cast %parallel_loop3A_606 : i32 to index
      %parallel_loop3A_612 = arith.constant 0 : index
      %parallel_loop3A_613 = tpu.vector_load %arg6[%parallel_loop3A_609, %parallel_loop3A_610, %parallel_loop3A_611, %parallel_loop3A_612] {strides = array<i32>} : memref<2x4x128x64xf32, #tpu.memory_space<vmem>>, vector<1x1x1x16xf32>,
      %parallel_loop3A_614 = vector.shape_cast %parallel_loop3A_613 : vector<1x1x1x16xf32> to vector<16xf32>
      %parallel_loop3A_615 = arith.constant 8.000000e+00 : f32
      %parallel_loop3A_616 = vector.broadcast %parallel_loop3A_615 : f32 to vector<16xf32>
      %parallel_loop3A_617 = arith.mulf %parallel_loop3A_614, %parallel_loop3A_616 : vector<16xf32>
      %parallel_loop3A_618 = arith.constant 1 : i32
      %parallel_loop3A_619 = arith.constant 0 : i32
      %parallel_loop3A_620 = arith.index_cast %parallel_loop3A_618 : i32 to index
      %parallel_loop3A_621 = arith.index_cast %parallel_loop3A_619 : i32 to index
      %parallel_loop3A_622 = arith.index_cast %parallel_loop3A_606 : i32 to index
      %parallel_loop3A_623 = arith.constant 0 : index
      %parallel_loop3A_624 = tpu.vector_load %arg6[%parallel_loop3A_620, %parallel_loop3A_621, %parallel_loop3A_622, %parallel_loop3A_623] {strides = array<i32>} : memref<2x4x128x64xf32, #tpu.memory_space<vmem>>, vector<1x1x1x16xf32>,
      %parallel_loop3A_625 = vector.shape_cast %parallel_loop3A_624 : vector<1x1x1x16xf32> to vector<16xf32>
      %parallel_loop3A_626 = vector.shape_cast %parallel_loop3A_617 : vector<16xf32> to vector<1x1x1x16xf32>
      tpu.vector_store %arg6[%parallel_loop3A_620, %parallel_loop3A_621, %parallel_loop3A_622, %parallel_loop3A_623], %parallel_loop3A_626 {strides = array<i32>} : memref<2x4x128x64xf32, #tpu.memory_space<vmem>>, vector<1x1x1x16xf32>,
      %parallel_loop3A_627 = arith.constant 1 : i32
      %parallel_loop3A_628 = arith.constant 0 : i32
      %parallel_loop3A_629 = arith.index_cast %parallel_loop3A_627 : i32 to index
      %parallel_loop3A_630 = arith.index_cast %parallel_loop3A_628 : i32 to index
      %parallel_loop3A_631 = arith.index_cast %parallel_loop3A_606 : i32 to index
      %parallel_loop3A_632 = arith.constant 16 : index
      %parallel_loop3A_633 = tpu.vector_load %arg6[%parallel_loop3A_629, %parallel_loop3A_630, %parallel_loop3A_631, %parallel_loop3A_632] {strides = array<i32>} : memref<2x4x128x64xf32, #tpu.memory_space<vmem>>, vector<1x1x1x16xf32>,
      %parallel_loop3A_634 = vector.shape_cast %parallel_loop3A_633 : vector<1x1x1x16xf32> to vector<16xf32>
      %parallel_loop3A_635 = arith.constant 8.000000e+00 : f32
      %parallel_loop3A_636 = vector.broadcast %parallel_loop3A_635 : f32 to vector<16xf32>
      %parallel_loop3A_637 = arith.mulf %parallel_loop3A_634, %parallel_loop3A_636 : vector<16xf32>
      %parallel_loop3A_638 = arith.constant 1 : i32
      %parallel_loop3A_639 = arith.constant 0 : i32
      %parallel_loop3A_640 = arith.index_cast %parallel_loop3A_638 : i32 to index
      %parallel_loop3A_641 = arith.index_cast %parallel_loop3A_639 : i32 to index
      %parallel_loop3A_642 = arith.index_cast %parallel_loop3A_606 : i32 to index
      %parallel_loop3A_643 = arith.constant 16 : index
      %parallel_loop3A_644 = tpu.vector_load %arg6[%parallel_loop3A_640, %parallel_loop3A_641, %parallel_loop3A_642, %parallel_loop3A_643] {strides = array<i32>} : memref<2x4x128x64xf32, #tpu.memory_space<vmem>>, vector<1x1x1x16xf32>,
      %parallel_loop3A_645 = vector.shape_cast %parallel_loop3A_644 : vector<1x1x1x16xf32> to vector<16xf32>
      %parallel_loop3A_646 = vector.shape_cast %parallel_loop3A_637 : vector<16xf32> to vector<1x1x1x16xf32>
      tpu.vector_store %arg6[%parallel_loop3A_640, %parallel_loop3A_641, %parallel_loop3A_642, %parallel_loop3A_643], %parallel_loop3A_646 {strides = array<i32>} : memref<2x4x128x64xf32, #tpu.memory_space<vmem>>, vector<1x1x1x16xf32>,
      %parallel_loop3A_647 = arith.constant 1 : i32
      %parallel_loop3A_648 = arith.constant 0 : i32
      %parallel_loop3A_649 = arith.index_cast %parallel_loop3A_647 : i32 to index
      %parallel_loop3A_650 = arith.index_cast %parallel_loop3A_648 : i32 to index
      %parallel_loop3A_651 = arith.index_cast %parallel_loop3A_606 : i32 to index
      %parallel_loop3A_652 = arith.constant 32 : index
      %parallel_loop3A_653 = tpu.vector_load %arg6[%parallel_loop3A_649, %parallel_loop3A_650, %parallel_loop3A_651, %parallel_loop3A_652] {strides = array<i32>} : memref<2x4x128x64xf32, #tpu.memory_space<vmem>>, vector<1x1x1x16xf32>,
      %parallel_loop3A_654 = vector.shape_cast %parallel_loop3A_653 : vector<1x1x1x16xf32> to vector<16xf32>
      %parallel_loop3A_655 = arith.constant 8.000000e+00 : f32
      %parallel_loop3A_656 = vector.broadcast %parallel_loop3A_655 : f32 to vector<16xf32>
      %parallel_loop3A_657 = arith.mulf %parallel_loop3A_654, %parallel_loop3A_656 : vector<16xf32>
      %parallel_loop3A_658 = arith.constant 1 : i32
      %parallel_loop3A_659 = arith.constant 0 : i32
      %parallel_loop3A_660 = arith.index_cast %parallel_loop3A_658 : i32 to index
      %parallel_loop3A_661 = arith.index_cast %parallel_loop3A_659 : i32 to index
      %parallel_loop3A_662 = arith.index_cast %parallel_loop3A_606 : i32 to index
      %parallel_loop3A_663 = arith.constant 32 : index
      %parallel_loop3A_664 = tpu.vector_load %arg6[%parallel_loop3A_660, %parallel_loop3A_661, %parallel_loop3A_662, %parallel_loop3A_663] {strides = array<i32>} : memref<2x4x128x64xf32, #tpu.memory_space<vmem>>, vector<1x1x1x16xf32>,
      %parallel_loop3A_665 = vector.shape_cast %parallel_loop3A_664 : vector<1x1x1x16xf32> to vector<16xf32>
      %parallel_loop3A_666 = vector.shape_cast %parallel_loop3A_657 : vector<16xf32> to vector<1x1x1x16xf32>
      tpu.vector_store %arg6[%parallel_loop3A_660, %parallel_loop3A_661, %parallel_loop3A_662, %parallel_loop3A_663], %parallel_loop3A_666 {strides = array<i32>} : memref<2x4x128x64xf32, #tpu.memory_space<vmem>>, vector<1x1x1x16xf32>,
      %parallel_loop3A_667 = arith.constant 1 : i32
      %parallel_loop3A_668 = arith.constant 0 : i32
      %parallel_loop3A_669 = arith.index_cast %parallel_loop3A_667 : i32 to index
      %parallel_loop3A_670 = arith.index_cast %parallel_loop3A_668 : i32 to index
      %parallel_loop3A_671 = arith.index_cast %parallel_loop3A_606 : i32 to index
      %parallel_loop3A_672 = arith.constant 48 : index
      %parallel_loop3A_673 = tpu.vector_load %arg6[%parallel_loop3A_669, %parallel_loop3A_670, %parallel_loop3A_671, %parallel_loop3A_672] {strides = array<i32>} : memref<2x4x128x64xf32, #tpu.memory_space<vmem>>, vector<1x1x1x16xf32>,
      %parallel_loop3A_674 = vector.shape_cast %parallel_loop3A_673 : vector<1x1x1x16xf32> to vector<16xf32>
      %parallel_loop3A_675 = arith.constant 8.000000e+00 : f32
      %parallel_loop3A_676 = vector.broadcast %parallel_loop3A_675 : f32 to vector<16xf32>
      %parallel_loop3A_677 = arith.mulf %parallel_loop3A_674, %parallel_loop3A_676 : vector<16xf32>
      %parallel_loop3A_678 = arith.constant 1 : i32
      %parallel_loop3A_679 = arith.constant 0 : i32
      %parallel_loop3A_680 = arith.index_cast %parallel_loop3A_678 : i32 to index
      %parallel_loop3A_681 = arith.index_cast %parallel_loop3A_679 : i32 to index
      %parallel_loop3A_682 = arith.index_cast %parallel_loop3A_606 : i32 to index
      %parallel_loop3A_683 = arith.constant 48 : index
      %parallel_loop3A_684 = tpu.vector_load %arg6[%parallel_loop3A_680, %parallel_loop3A_681, %parallel_loop3A_682, %parallel_loop3A_683] {strides = array<i32>} : memref<2x4x128x64xf32, #tpu.memory_space<vmem>>, vector<1x1x1x16xf32>,
      %parallel_loop3A_685 = vector.shape_cast %parallel_loop3A_684 : vector<1x1x1x16xf32> to vector<16xf32>
      %parallel_loop3A_686 = vector.shape_cast %parallel_loop3A_677 : vector<16xf32> to vector<1x1x1x16xf32>
      tpu.vector_store %arg6[%parallel_loop3A_680, %parallel_loop3A_681, %parallel_loop3A_682, %parallel_loop3A_683], %parallel_loop3A_686 {strides = array<i32>} : memref<2x4x128x64xf32, #tpu.memory_space<vmem>>, vector<1x1x1x16xf32>,
    } {sc.loop_unroll_factor = 8 : i64, sc.parallel_access}
    %add3A_304 = arith.constant 25088 : i32
    %add3A_305 = arith.addi %mul3A_2, %add3A_304 : i32
    %add3A_306 = arith.constant 0 : i32
    %add3A_307 = arith.addi %add3A_305, %add3A_306 : i32
    %dma_start3A_308 = arith.constant 1 : i32
    %dma_start3A_309 = arith.constant 0 : i32
    %dma_start3A_310 = arith.constant 1 : i32
    %dma_start3A_311 = arith.constant 0 : i32
    %dma_start3A_312 = arith.constant 0 : i32
    %dma_start3A_313 = arith.constant 0 : i32
    %dma_start3A_314 = tpu.memref_slice %arg6[%dma_start3A_308, %dma_start3A_309, %dma_start3A_312, %dma_start3A_313] : memref<2x4x128x64xf32, #tpu.memory_space<vmem>> -> memref<1x1x128x64xf32, #tpu.memory_space<vmem>>
    %dma_start3A_315 = tpu.memref_squeeze %dma_start3A_314 : memref<1x1x128x64xf32, #tpu.memory_space<vmem>> -> memref<128x64xf32, #tpu.memory_space<vmem>>
    %dma_start3A_316 = arith.constant 0 : i32
    %dma_start3A_317 = tpu.memref_slice %arg4[%add3A_307, %dma_start3A_316] : memref<819200x64xf32, #tpu.memory_space<hbm>> -> memref<128x64xf32, #tpu.memory_space<hbm>>
    %dma_start3A_318 = tpu.memref_slice %arg8[%dma_start3A_310, %dma_start3A_311] : memref<2x4x!tpu.dma_semaphore, #tpu.memory_space<semaphore_mem>> -> memref<1x1x!tpu.dma_semaphore, #tpu.memory_space<semaphore_mem>>
    %dma_start3A_319 = tpu.memref_squeeze %dma_start3A_318 : memref<1x1x!tpu.dma_semaphore, #tpu.memory_space<semaphore_mem>> -> memref<!tpu.dma_semaphore, #tpu.memory_space<semaphore_mem>>
    %dma_start3A_320 = arith.constant 0 : i32
    %dma_start3A_321 = tpu.memref_slice %arg4[%add3A_307, %dma_start3A_320] : memref<819200x64xf32, #tpu.memory_space<hbm>> -> memref<128x64xf32, #tpu.memory_space<hbm>>
    %dma_start3A_322 = arith.constant 0 : i32
    %dma_start3A_323 = arith.constant 0 : i32
    %dma_start3A_324 = tpu.memref_slice %arg6[%dma_start3A_308, %dma_start3A_309, %dma_start3A_322, %dma_start3A_323] : memref<2x4x128x64xf32, #tpu.memory_space<vmem>> -> memref<1x1x128x64xf32, #tpu.memory_space<vmem>>
    %dma_start3A_325 = tpu.memref_squeeze %dma_start3A_324 : memref<1x1x128x64xf32, #tpu.memory_space<vmem>> -> memref<128x64xf32, #tpu.memory_space<vmem>>
    tpu.enqueue_dma source(%dma_start3A_325 : memref<128x64xf32, #tpu.memory_space<vmem>>) target(%dma_start3A_321 : memref<128x64xf32, #tpu.memory_space<hbm>>) target_semaphore(%dma_start3A_319 : memref<!tpu.dma_semaphore, #tpu.memory_space<semaphore_mem>>)
    %dma_wait3A_326 = arith.constant 1 : i32
    %dma_wait3A_327 = arith.constant 1 : i32
    %dma_wait3A_328 = arith.constant 1 : i32
    %dma_wait3A_329 = arith.constant 1 : i32
    %dma_wait3A_330 = arith.constant 0 : i32
    %dma_wait3A_331 = arith.constant 0 : i32
    %dma_wait3A_332 = tpu.memref_slice %arg6[%dma_wait3A_326, %dma_wait3A_327, %dma_wait3A_330, %dma_wait3A_331] : memref<2x4x128x64xf32, #tpu.memory_space<vmem>> -> memref<1x1x128x64xf32, #tpu.memory_space<vmem>>
    %dma_wait3A_333 = tpu.memref_squeeze %dma_wait3A_332 : memref<1x1x128x64xf32, #tpu.memory_space<vmem>> -> memref<128x64xf32, #tpu.memory_space<vmem>>
    %dma_wait3A_334 = arith.constant 25216 : i32
    %dma_wait3A_335 = tpu.memref_slice %arg5[%dma_wait3A_334] : memref<25600xi32, #tpu.memory_space<vmem>> -> memref<128xi32, #tpu.memory_space<vmem>>
    %dma_wait3A_336 = arith.constant 0 : i32
    %dma_wait3A_337 = arith.constant 0 : i32
    %dma_wait3A_338 = tpu.memref_slice %arg2[%dma_wait3A_336, %dma_wait3A_337] : memref<1000000x64xf32, #tpu.memory_space<hbm>> -> memref<1000000x64xf32, #tpu.memory_space<hbm>>
    %dma_wait3A_339 = tpu.memref_slice %arg7[%dma_wait3A_328, %dma_wait3A_329] : memref<2x4x!tpu.dma_semaphore, #tpu.memory_space<semaphore_mem>> -> memref<1x1x!tpu.dma_semaphore, #tpu.memory_space<semaphore_mem>>
    %dma_wait3A_340 = tpu.memref_squeeze %dma_wait3A_339 : memref<1x1x!tpu.dma_semaphore, #tpu.memory_space<semaphore_mem>> -> memref<!tpu.dma_semaphore, #tpu.memory_space<semaphore_mem>>
    tpu.wait_indirect_dma semaphore(%dma_wait3A_340 : memref<!tpu.dma_semaphore, #tpu.memory_space<semaphore_mem>>) src(%dma_wait3A_338 : memref<1000000x64xf32, #tpu.memory_space<hbm>>) dst(%dma_wait3A_333 : memref<128x64xf32, #tpu.memory_space<vmem>>)
    %parallel_loop3A_341 = arith.constant 0 : i32
    %parallel_loop3A_342 = arith.constant 128 : i32
    %parallel_loop3A_343 = arith.constant 1 : i32
    scf.for %parallel_loop3A_606 = %parallel_loop3A_341 to %parallel_loop3A_342 step %parallel_loop3A_343  : i32 {
      %parallel_loop3A_607 = arith.constant 1 : i32
      %parallel_loop3A_608 = arith.constant 1 : i32
      %parallel_loop3A_609 = arith.index_cast %parallel_loop3A_607 : i32 to index
      %parallel_loop3A_610 = arith.index_cast %parallel_loop3A_608 : i32 to index
      %parallel_loop3A_611 = arith.index_cast %parallel_loop3A_606 : i32 to index
      %parallel_loop3A_612 = arith.constant 0 : index
      %parallel_loop3A_613 = tpu.vector_load %arg6[%parallel_loop3A_609, %parallel_loop3A_610, %parallel_loop3A_611, %parallel_loop3A_612] {strides = array<i32>} : memref<2x4x128x64xf32, #tpu.memory_space<vmem>>, vector<1x1x1x16xf32>,
      %parallel_loop3A_614 = vector.shape_cast %parallel_loop3A_613 : vector<1x1x1x16xf32> to vector<16xf32>
      %parallel_loop3A_615 = arith.constant 8.000000e+00 : f32
      %parallel_loop3A_616 = vector.broadcast %parallel_loop3A_615 : f32 to vector<16xf32>
      %parallel_loop3A_617 = arith.mulf %parallel_loop3A_614, %parallel_loop3A_616 : vector<16xf32>
      %parallel_loop3A_618 = arith.constant 1 : i32
      %parallel_loop3A_619 = arith.constant 1 : i32
      %parallel_loop3A_620 = arith.index_cast %parallel_loop3A_618 : i32 to index
      %parallel_loop3A_621 = arith.index_cast %parallel_loop3A_619 : i32 to index
      %parallel_loop3A_622 = arith.index_cast %parallel_loop3A_606 : i32 to index
      %parallel_loop3A_623 = arith.constant 0 : index
      %parallel_loop3A_624 = tpu.vector_load %arg6[%parallel_loop3A_620, %parallel_loop3A_621, %parallel_loop3A_622, %parallel_loop3A_623] {strides = array<i32>} : memref<2x4x128x64xf32, #tpu.memory_space<vmem>>, vector<1x1x1x16xf32>,
      %parallel_loop3A_625 = vector.shape_cast %parallel_loop3A_624 : vector<1x1x1x16xf32> to vector<16xf32>
      %parallel_loop3A_626 = vector.shape_cast %parallel_loop3A_617 : vector<16xf32> to vector<1x1x1x16xf32>
      tpu.vector_store %arg6[%parallel_loop3A_620, %parallel_loop3A_621, %parallel_loop3A_622, %parallel_loop3A_623], %parallel_loop3A_626 {strides = array<i32>} : memref<2x4x128x64xf32, #tpu.memory_space<vmem>>, vector<1x1x1x16xf32>,
      %parallel_loop3A_627 = arith.constant 1 : i32
      %parallel_loop3A_628 = arith.constant 1 : i32
      %parallel_loop3A_629 = arith.index_cast %parallel_loop3A_627 : i32 to index
      %parallel_loop3A_630 = arith.index_cast %parallel_loop3A_628 : i32 to index
      %parallel_loop3A_631 = arith.index_cast %parallel_loop3A_606 : i32 to index
      %parallel_loop3A_632 = arith.constant 16 : index
      %parallel_loop3A_633 = tpu.vector_load %arg6[%parallel_loop3A_629, %parallel_loop3A_630, %parallel_loop3A_631, %parallel_loop3A_632] {strides = array<i32>} : memref<2x4x128x64xf32, #tpu.memory_space<vmem>>, vector<1x1x1x16xf32>,
      %parallel_loop3A_634 = vector.shape_cast %parallel_loop3A_633 : vector<1x1x1x16xf32> to vector<16xf32>
      %parallel_loop3A_635 = arith.constant 8.000000e+00 : f32
      %parallel_loop3A_636 = vector.broadcast %parallel_loop3A_635 : f32 to vector<16xf32>
      %parallel_loop3A_637 = arith.mulf %parallel_loop3A_634, %parallel_loop3A_636 : vector<16xf32>
      %parallel_loop3A_638 = arith.constant 1 : i32
      %parallel_loop3A_639 = arith.constant 1 : i32
      %parallel_loop3A_640 = arith.index_cast %parallel_loop3A_638 : i32 to index
      %parallel_loop3A_641 = arith.index_cast %parallel_loop3A_639 : i32 to index
      %parallel_loop3A_642 = arith.index_cast %parallel_loop3A_606 : i32 to index
      %parallel_loop3A_643 = arith.constant 16 : index
      %parallel_loop3A_644 = tpu.vector_load %arg6[%parallel_loop3A_640, %parallel_loop3A_641, %parallel_loop3A_642, %parallel_loop3A_643] {strides = array<i32>} : memref<2x4x128x64xf32, #tpu.memory_space<vmem>>, vector<1x1x1x16xf32>,
      %parallel_loop3A_645 = vector.shape_cast %parallel_loop3A_644 : vector<1x1x1x16xf32> to vector<16xf32>
      %parallel_loop3A_646 = vector.shape_cast %parallel_loop3A_637 : vector<16xf32> to vector<1x1x1x16xf32>
      tpu.vector_store %arg6[%parallel_loop3A_640, %parallel_loop3A_641, %parallel_loop3A_642, %parallel_loop3A_643], %parallel_loop3A_646 {strides = array<i32>} : memref<2x4x128x64xf32, #tpu.memory_space<vmem>>, vector<1x1x1x16xf32>,
      %parallel_loop3A_647 = arith.constant 1 : i32
      %parallel_loop3A_648 = arith.constant 1 : i32
      %parallel_loop3A_649 = arith.index_cast %parallel_loop3A_647 : i32 to index
      %parallel_loop3A_650 = arith.index_cast %parallel_loop3A_648 : i32 to index
      %parallel_loop3A_651 = arith.index_cast %parallel_loop3A_606 : i32 to index
      %parallel_loop3A_652 = arith.constant 32 : index
      %parallel_loop3A_653 = tpu.vector_load %arg6[%parallel_loop3A_649, %parallel_loop3A_650, %parallel_loop3A_651, %parallel_loop3A_652] {strides = array<i32>} : memref<2x4x128x64xf32, #tpu.memory_space<vmem>>, vector<1x1x1x16xf32>,
      %parallel_loop3A_654 = vector.shape_cast %parallel_loop3A_653 : vector<1x1x1x16xf32> to vector<16xf32>
      %parallel_loop3A_655 = arith.constant 8.000000e+00 : f32
      %parallel_loop3A_656 = vector.broadcast %parallel_loop3A_655 : f32 to vector<16xf32>
      %parallel_loop3A_657 = arith.mulf %parallel_loop3A_654, %parallel_loop3A_656 : vector<16xf32>
      %parallel_loop3A_658 = arith.constant 1 : i32
      %parallel_loop3A_659 = arith.constant 1 : i32
      %parallel_loop3A_660 = arith.index_cast %parallel_loop3A_658 : i32 to index
      %parallel_loop3A_661 = arith.index_cast %parallel_loop3A_659 : i32 to index
      %parallel_loop3A_662 = arith.index_cast %parallel_loop3A_606 : i32 to index
      %parallel_loop3A_663 = arith.constant 32 : index
      %parallel_loop3A_664 = tpu.vector_load %arg6[%parallel_loop3A_660, %parallel_loop3A_661, %parallel_loop3A_662, %parallel_loop3A_663] {strides = array<i32>} : memref<2x4x128x64xf32, #tpu.memory_space<vmem>>, vector<1x1x1x16xf32>,
      %parallel_loop3A_665 = vector.shape_cast %parallel_loop3A_664 : vector<1x1x1x16xf32> to vector<16xf32>
      %parallel_loop3A_666 = vector.shape_cast %parallel_loop3A_657 : vector<16xf32> to vector<1x1x1x16xf32>
      tpu.vector_store %arg6[%parallel_loop3A_660, %parallel_loop3A_661, %parallel_loop3A_662, %parallel_loop3A_663], %parallel_loop3A_666 {strides = array<i32>} : memref<2x4x128x64xf32, #tpu.memory_space<vmem>>, vector<1x1x1x16xf32>,
      %parallel_loop3A_667 = arith.constant 1 : i32
      %parallel_loop3A_668 = arith.constant 1 : i32
      %parallel_loop3A_669 = arith.index_cast %parallel_loop3A_667 : i32 to index
      %parallel_loop3A_670 = arith.index_cast %parallel_loop3A_668 : i32 to index
      %parallel_loop3A_671 = arith.index_cast %parallel_loop3A_606 : i32 to index
      %parallel_loop3A_672 = arith.constant 48 : index
      %parallel_loop3A_673 = tpu.vector_load %arg6[%parallel_loop3A_669, %parallel_loop3A_670, %parallel_loop3A_671, %parallel_loop3A_672] {strides = array<i32>} : memref<2x4x128x64xf32, #tpu.memory_space<vmem>>, vector<1x1x1x16xf32>,
      %parallel_loop3A_674 = vector.shape_cast %parallel_loop3A_673 : vector<1x1x1x16xf32> to vector<16xf32>
      %parallel_loop3A_675 = arith.constant 8.000000e+00 : f32
      %parallel_loop3A_676 = vector.broadcast %parallel_loop3A_675 : f32 to vector<16xf32>
      %parallel_loop3A_677 = arith.mulf %parallel_loop3A_674, %parallel_loop3A_676 : vector<16xf32>
      %parallel_loop3A_678 = arith.constant 1 : i32
      %parallel_loop3A_679 = arith.constant 1 : i32
      %parallel_loop3A_680 = arith.index_cast %parallel_loop3A_678 : i32 to index
      %parallel_loop3A_681 = arith.index_cast %parallel_loop3A_679 : i32 to index
      %parallel_loop3A_682 = arith.index_cast %parallel_loop3A_606 : i32 to index
      %parallel_loop3A_683 = arith.constant 48 : index
      %parallel_loop3A_684 = tpu.vector_load %arg6[%parallel_loop3A_680, %parallel_loop3A_681, %parallel_loop3A_682, %parallel_loop3A_683] {strides = array<i32>} : memref<2x4x128x64xf32, #tpu.memory_space<vmem>>, vector<1x1x1x16xf32>,
      %parallel_loop3A_685 = vector.shape_cast %parallel_loop3A_684 : vector<1x1x1x16xf32> to vector<16xf32>
      %parallel_loop3A_686 = vector.shape_cast %parallel_loop3A_677 : vector<16xf32> to vector<1x1x1x16xf32>
      tpu.vector_store %arg6[%parallel_loop3A_680, %parallel_loop3A_681, %parallel_loop3A_682, %parallel_loop3A_683], %parallel_loop3A_686 {strides = array<i32>} : memref<2x4x128x64xf32, #tpu.memory_space<vmem>>, vector<1x1x1x16xf32>,
    } {sc.loop_unroll_factor = 8 : i64, sc.parallel_access}
    %add3A_344 = arith.constant 25088 : i32
    %add3A_345 = arith.addi %mul3A_2, %add3A_344 : i32
    %add3A_346 = arith.constant 128 : i32
    %add3A_347 = arith.addi %add3A_345, %add3A_346 : i32
    %dma_start3A_348 = arith.constant 1 : i32
    %dma_start3A_349 = arith.constant 1 : i32
    %dma_start3A_350 = arith.constant 1 : i32
    %dma_start3A_351 = arith.constant 1 : i32
    %dma_start3A_352 = arith.constant 0 : i32
    %dma_start3A_353 = arith.constant 0 : i32
    %dma_start3A_354 = tpu.memref_slice %arg6[%dma_start3A_348, %dma_start3A_349, %dma_start3A_352, %dma_start3A_353] : memref<2x4x128x64xf32, #tpu.memory_space<vmem>> -> memref<1x1x128x64xf32, #tpu.memory_space<vmem>>
    %dma_start3A_355 = tpu.memref_squeeze %dma_start3A_354 : memref<1x1x128x64xf32, #tpu.memory_space<vmem>> -> memref<128x64xf32, #tpu.memory_space<vmem>>
    %dma_start3A_356 = arith.constant 0 : i32
    %dma_start3A_357 = tpu.memref_slice %arg4[%add3A_347, %dma_start3A_356] : memref<819200x64xf32, #tpu.memory_space<hbm>> -> memref<128x64xf32, #tpu.memory_space<hbm>>
    %dma_start3A_358 = tpu.memref_slice %arg8[%dma_start3A_350, %dma_start3A_351] : memref<2x4x!tpu.dma_semaphore, #tpu.memory_space<semaphore_mem>> -> memref<1x1x!tpu.dma_semaphore, #tpu.memory_space<semaphore_mem>>
    %dma_start3A_359 = tpu.memref_squeeze %dma_start3A_358 : memref<1x1x!tpu.dma_semaphore, #tpu.memory_space<semaphore_mem>> -> memref<!tpu.dma_semaphore, #tpu.memory_space<semaphore_mem>>
    %dma_start3A_360 = arith.constant 0 : i32
    %dma_start3A_361 = tpu.memref_slice %arg4[%add3A_347, %dma_start3A_360] : memref<819200x64xf32, #tpu.memory_space<hbm>> -> memref<128x64xf32, #tpu.memory_space<hbm>>
    %dma_start3A_362 = arith.constant 0 : i32
    %dma_start3A_363 = arith.constant 0 : i32
    %dma_start3A_364 = tpu.memref_slice %arg6[%dma_start3A_348, %dma_start3A_349, %dma_start3A_362, %dma_start3A_363] : memref<2x4x128x64xf32, #tpu.memory_space<vmem>> -> memref<1x1x128x64xf32, #tpu.memory_space<vmem>>
    %dma_start3A_365 = tpu.memref_squeeze %dma_start3A_364 : memref<1x1x128x64xf32, #tpu.memory_space<vmem>> -> memref<128x64xf32, #tpu.memory_space<vmem>>
    tpu.enqueue_dma source(%dma_start3A_365 : memref<128x64xf32, #tpu.memory_space<vmem>>) target(%dma_start3A_361 : memref<128x64xf32, #tpu.memory_space<hbm>>) target_semaphore(%dma_start3A_359 : memref<!tpu.dma_semaphore, #tpu.memory_space<semaphore_mem>>)
    %dma_wait3A_366 = arith.constant 1 : i32
    %dma_wait3A_367 = arith.constant 2 : i32
    %dma_wait3A_368 = arith.constant 1 : i32
    %dma_wait3A_369 = arith.constant 2 : i32
    %dma_wait3A_370 = arith.constant 0 : i32
    %dma_wait3A_371 = arith.constant 0 : i32
    %dma_wait3A_372 = tpu.memref_slice %arg6[%dma_wait3A_366, %dma_wait3A_367, %dma_wait3A_370, %dma_wait3A_371] : memref<2x4x128x64xf32, #tpu.memory_space<vmem>> -> memref<1x1x128x64xf32, #tpu.memory_space<vmem>>
    %dma_wait3A_373 = tpu.memref_squeeze %dma_wait3A_372 : memref<1x1x128x64xf32, #tpu.memory_space<vmem>> -> memref<128x64xf32, #tpu.memory_space<vmem>>
    %dma_wait3A_374 = arith.constant 25344 : i32
    %dma_wait3A_375 = tpu.memref_slice %arg5[%dma_wait3A_374] : memref<25600xi32, #tpu.memory_space<vmem>> -> memref<128xi32, #tpu.memory_space<vmem>>
    %dma_wait3A_376 = arith.constant 0 : i32
    %dma_wait3A_377 = arith.constant 0 : i32
    %dma_wait3A_378 = tpu.memref_slice %arg2[%dma_wait3A_376, %dma_wait3A_377] : memref<1000000x64xf32, #tpu.memory_space<hbm>> -> memref<1000000x64xf32, #tpu.memory_space<hbm>>
    %dma_wait3A_379 = tpu.memref_slice %arg7[%dma_wait3A_368, %dma_wait3A_369] : memref<2x4x!tpu.dma_semaphore, #tpu.memory_space<semaphore_mem>> -> memref<1x1x!tpu.dma_semaphore, #tpu.memory_space<semaphore_mem>>
    %dma_wait3A_380 = tpu.memref_squeeze %dma_wait3A_379 : memref<1x1x!tpu.dma_semaphore, #tpu.memory_space<semaphore_mem>> -> memref<!tpu.dma_semaphore, #tpu.memory_space<semaphore_mem>>
    tpu.wait_indirect_dma semaphore(%dma_wait3A_380 : memref<!tpu.dma_semaphore, #tpu.memory_space<semaphore_mem>>) src(%dma_wait3A_378 : memref<1000000x64xf32, #tpu.memory_space<hbm>>) dst(%dma_wait3A_373 : memref<128x64xf32, #tpu.memory_space<vmem>>)
    %parallel_loop3A_381 = arith.constant 0 : i32
    %parallel_loop3A_382 = arith.constant 128 : i32
    %parallel_loop3A_383 = arith.constant 1 : i32
    scf.for %parallel_loop3A_606 = %parallel_loop3A_381 to %parallel_loop3A_382 step %parallel_loop3A_383  : i32 {
      %parallel_loop3A_607 = arith.constant 1 : i32
      %parallel_loop3A_608 = arith.constant 2 : i32
      %parallel_loop3A_609 = arith.index_cast %parallel_loop3A_607 : i32 to index
      %parallel_loop3A_610 = arith.index_cast %parallel_loop3A_608 : i32 to index
      %parallel_loop3A_611 = arith.index_cast %parallel_loop3A_606 : i32 to index
      %parallel_loop3A_612 = arith.constant 0 : index
      %parallel_loop3A_613 = tpu.vector_load %arg6[%parallel_loop3A_609, %parallel_loop3A_610, %parallel_loop3A_611, %parallel_loop3A_612] {strides = array<i32>} : memref<2x4x128x64xf32, #tpu.memory_space<vmem>>, vector<1x1x1x16xf32>,
      %parallel_loop3A_614 = vector.shape_cast %parallel_loop3A_613 : vector<1x1x1x16xf32> to vector<16xf32>
      %parallel_loop3A_615 = arith.constant 8.000000e+00 : f32
      %parallel_loop3A_616 = vector.broadcast %parallel_loop3A_615 : f32 to vector<16xf32>
      %parallel_loop3A_617 = arith.mulf %parallel_loop3A_614, %parallel_loop3A_616 : vector<16xf32>
      %parallel_loop3A_618 = arith.constant 1 : i32
      %parallel_loop3A_619 = arith.constant 2 : i32
      %parallel_loop3A_620 = arith.index_cast %parallel_loop3A_618 : i32 to index
      %parallel_loop3A_621 = arith.index_cast %parallel_loop3A_619 : i32 to index
      %parallel_loop3A_622 = arith.index_cast %parallel_loop3A_606 : i32 to index
      %parallel_loop3A_623 = arith.constant 0 : index
      %parallel_loop3A_624 = tpu.vector_load %arg6[%parallel_loop3A_620, %parallel_loop3A_621, %parallel_loop3A_622, %parallel_loop3A_623] {strides = array<i32>} : memref<2x4x128x64xf32, #tpu.memory_space<vmem>>, vector<1x1x1x16xf32>,
      %parallel_loop3A_625 = vector.shape_cast %parallel_loop3A_624 : vector<1x1x1x16xf32> to vector<16xf32>
      %parallel_loop3A_626 = vector.shape_cast %parallel_loop3A_617 : vector<16xf32> to vector<1x1x1x16xf32>
      tpu.vector_store %arg6[%parallel_loop3A_620, %parallel_loop3A_621, %parallel_loop3A_622, %parallel_loop3A_623], %parallel_loop3A_626 {strides = array<i32>} : memref<2x4x128x64xf32, #tpu.memory_space<vmem>>, vector<1x1x1x16xf32>,
      %parallel_loop3A_627 = arith.constant 1 : i32
      %parallel_loop3A_628 = arith.constant 2 : i32
      %parallel_loop3A_629 = arith.index_cast %parallel_loop3A_627 : i32 to index
      %parallel_loop3A_630 = arith.index_cast %parallel_loop3A_628 : i32 to index
      %parallel_loop3A_631 = arith.index_cast %parallel_loop3A_606 : i32 to index
      %parallel_loop3A_632 = arith.constant 16 : index
      %parallel_loop3A_633 = tpu.vector_load %arg6[%parallel_loop3A_629, %parallel_loop3A_630, %parallel_loop3A_631, %parallel_loop3A_632] {strides = array<i32>} : memref<2x4x128x64xf32, #tpu.memory_space<vmem>>, vector<1x1x1x16xf32>,
      %parallel_loop3A_634 = vector.shape_cast %parallel_loop3A_633 : vector<1x1x1x16xf32> to vector<16xf32>
      %parallel_loop3A_635 = arith.constant 8.000000e+00 : f32
      %parallel_loop3A_636 = vector.broadcast %parallel_loop3A_635 : f32 to vector<16xf32>
      %parallel_loop3A_637 = arith.mulf %parallel_loop3A_634, %parallel_loop3A_636 : vector<16xf32>
      %parallel_loop3A_638 = arith.constant 1 : i32
      %parallel_loop3A_639 = arith.constant 2 : i32
      %parallel_loop3A_640 = arith.index_cast %parallel_loop3A_638 : i32 to index
      %parallel_loop3A_641 = arith.index_cast %parallel_loop3A_639 : i32 to index
      %parallel_loop3A_642 = arith.index_cast %parallel_loop3A_606 : i32 to index
      %parallel_loop3A_643 = arith.constant 16 : index
      %parallel_loop3A_644 = tpu.vector_load %arg6[%parallel_loop3A_640, %parallel_loop3A_641, %parallel_loop3A_642, %parallel_loop3A_643] {strides = array<i32>} : memref<2x4x128x64xf32, #tpu.memory_space<vmem>>, vector<1x1x1x16xf32>,
      %parallel_loop3A_645 = vector.shape_cast %parallel_loop3A_644 : vector<1x1x1x16xf32> to vector<16xf32>
      %parallel_loop3A_646 = vector.shape_cast %parallel_loop3A_637 : vector<16xf32> to vector<1x1x1x16xf32>
      tpu.vector_store %arg6[%parallel_loop3A_640, %parallel_loop3A_641, %parallel_loop3A_642, %parallel_loop3A_643], %parallel_loop3A_646 {strides = array<i32>} : memref<2x4x128x64xf32, #tpu.memory_space<vmem>>, vector<1x1x1x16xf32>,
      %parallel_loop3A_647 = arith.constant 1 : i32
      %parallel_loop3A_648 = arith.constant 2 : i32
      %parallel_loop3A_649 = arith.index_cast %parallel_loop3A_647 : i32 to index
      %parallel_loop3A_650 = arith.index_cast %parallel_loop3A_648 : i32 to index
      %parallel_loop3A_651 = arith.index_cast %parallel_loop3A_606 : i32 to index
      %parallel_loop3A_652 = arith.constant 32 : index
      %parallel_loop3A_653 = tpu.vector_load %arg6[%parallel_loop3A_649, %parallel_loop3A_650, %parallel_loop3A_651, %parallel_loop3A_652] {strides = array<i32>} : memref<2x4x128x64xf32, #tpu.memory_space<vmem>>, vector<1x1x1x16xf32>,
      %parallel_loop3A_654 = vector.shape_cast %parallel_loop3A_653 : vector<1x1x1x16xf32> to vector<16xf32>
      %parallel_loop3A_655 = arith.constant 8.000000e+00 : f32
      %parallel_loop3A_656 = vector.broadcast %parallel_loop3A_655 : f32 to vector<16xf32>
      %parallel_loop3A_657 = arith.mulf %parallel_loop3A_654, %parallel_loop3A_656 : vector<16xf32>
      %parallel_loop3A_658 = arith.constant 1 : i32
      %parallel_loop3A_659 = arith.constant 2 : i32
      %parallel_loop3A_660 = arith.index_cast %parallel_loop3A_658 : i32 to index
      %parallel_loop3A_661 = arith.index_cast %parallel_loop3A_659 : i32 to index
      %parallel_loop3A_662 = arith.index_cast %parallel_loop3A_606 : i32 to index
      %parallel_loop3A_663 = arith.constant 32 : index
      %parallel_loop3A_664 = tpu.vector_load %arg6[%parallel_loop3A_660, %parallel_loop3A_661, %parallel_loop3A_662, %parallel_loop3A_663] {strides = array<i32>} : memref<2x4x128x64xf32, #tpu.memory_space<vmem>>, vector<1x1x1x16xf32>,
      %parallel_loop3A_665 = vector.shape_cast %parallel_loop3A_664 : vector<1x1x1x16xf32> to vector<16xf32>
      %parallel_loop3A_666 = vector.shape_cast %parallel_loop3A_657 : vector<16xf32> to vector<1x1x1x16xf32>
      tpu.vector_store %arg6[%parallel_loop3A_660, %parallel_loop3A_661, %parallel_loop3A_662, %parallel_loop3A_663], %parallel_loop3A_666 {strides = array<i32>} : memref<2x4x128x64xf32, #tpu.memory_space<vmem>>, vector<1x1x1x16xf32>,
      %parallel_loop3A_667 = arith.constant 1 : i32
      %parallel_loop3A_668 = arith.constant 2 : i32
      %parallel_loop3A_669 = arith.index_cast %parallel_loop3A_667 : i32 to index
      %parallel_loop3A_670 = arith.index_cast %parallel_loop3A_668 : i32 to index
      %parallel_loop3A_671 = arith.index_cast %parallel_loop3A_606 : i32 to index
      %parallel_loop3A_672 = arith.constant 48 : index
      %parallel_loop3A_673 = tpu.vector_load %arg6[%parallel_loop3A_669, %parallel_loop3A_670, %parallel_loop3A_671, %parallel_loop3A_672] {strides = array<i32>} : memref<2x4x128x64xf32, #tpu.memory_space<vmem>>, vector<1x1x1x16xf32>,
      %parallel_loop3A_674 = vector.shape_cast %parallel_loop3A_673 : vector<1x1x1x16xf32> to vector<16xf32>
      %parallel_loop3A_675 = arith.constant 8.000000e+00 : f32
      %parallel_loop3A_676 = vector.broadcast %parallel_loop3A_675 : f32 to vector<16xf32>
      %parallel_loop3A_677 = arith.mulf %parallel_loop3A_674, %parallel_loop3A_676 : vector<16xf32>
      %parallel_loop3A_678 = arith.constant 1 : i32
      %parallel_loop3A_679 = arith.constant 2 : i32
      %parallel_loop3A_680 = arith.index_cast %parallel_loop3A_678 : i32 to index
      %parallel_loop3A_681 = arith.index_cast %parallel_loop3A_679 : i32 to index
      %parallel_loop3A_682 = arith.index_cast %parallel_loop3A_606 : i32 to index
      %parallel_loop3A_683 = arith.constant 48 : index
      %parallel_loop3A_684 = tpu.vector_load %arg6[%parallel_loop3A_680, %parallel_loop3A_681, %parallel_loop3A_682, %parallel_loop3A_683] {strides = array<i32>} : memref<2x4x128x64xf32, #tpu.memory_space<vmem>>, vector<1x1x1x16xf32>,
      %parallel_loop3A_685 = vector.shape_cast %parallel_loop3A_684 : vector<1x1x1x16xf32> to vector<16xf32>
      %parallel_loop3A_686 = vector.shape_cast %parallel_loop3A_677 : vector<16xf32> to vector<1x1x1x16xf32>
      tpu.vector_store %arg6[%parallel_loop3A_680, %parallel_loop3A_681, %parallel_loop3A_682, %parallel_loop3A_683], %parallel_loop3A_686 {strides = array<i32>} : memref<2x4x128x64xf32, #tpu.memory_space<vmem>>, vector<1x1x1x16xf32>,
    } {sc.loop_unroll_factor = 8 : i64, sc.parallel_access}
    %add3A_384 = arith.constant 25088 : i32
    %add3A_385 = arith.addi %mul3A_2, %add3A_384 : i32
    %add3A_386 = arith.constant 256 : i32
    %add3A_387 = arith.addi %add3A_385, %add3A_386 : i32
    %dma_start3A_388 = arith.constant 1 : i32
    %dma_start3A_389 = arith.constant 2 : i32
    %dma_start3A_390 = arith.constant 1 : i32
    %dma_start3A_391 = arith.constant 2 : i32
    %dma_start3A_392 = arith.constant 0 : i32
    %dma_start3A_393 = arith.constant 0 : i32
    %dma_start3A_394 = tpu.memref_slice %arg6[%dma_start3A_388, %dma_start3A_389, %dma_start3A_392, %dma_start3A_393] : memref<2x4x128x64xf32, #tpu.memory_space<vmem>> -> memref<1x1x128x64xf32, #tpu.memory_space<vmem>>
    %dma_start3A_395 = tpu.memref_squeeze %dma_start3A_394 : memref<1x1x128x64xf32, #tpu.memory_space<vmem>> -> memref<128x64xf32, #tpu.memory_space<vmem>>
    %dma_start3A_396 = arith.constant 0 : i32
    %dma_start3A_397 = tpu.memref_slice %arg4[%add3A_387, %dma_start3A_396] : memref<819200x64xf32, #tpu.memory_space<hbm>> -> memref<128x64xf32, #tpu.memory_space<hbm>>
    %dma_start3A_398 = tpu.memref_slice %arg8[%dma_start3A_390, %dma_start3A_391] : memref<2x4x!tpu.dma_semaphore, #tpu.memory_space<semaphore_mem>> -> memref<1x1x!tpu.dma_semaphore, #tpu.memory_space<semaphore_mem>>
    %dma_start3A_399 = tpu.memref_squeeze %dma_start3A_398 : memref<1x1x!tpu.dma_semaphore, #tpu.memory_space<semaphore_mem>> -> memref<!tpu.dma_semaphore, #tpu.memory_space<semaphore_mem>>
    %dma_start3A_400 = arith.constant 0 : i32
    %dma_start3A_401 = tpu.memref_slice %arg4[%add3A_387, %dma_start3A_400] : memref<819200x64xf32, #tpu.memory_space<hbm>> -> memref<128x64xf32, #tpu.memory_space<hbm>>
    %dma_start3A_402 = arith.constant 0 : i32
    %dma_start3A_403 = arith.constant 0 : i32
    %dma_start3A_404 = tpu.memref_slice %arg6[%dma_start3A_388, %dma_start3A_389, %dma_start3A_402, %dma_start3A_403] : memref<2x4x128x64xf32, #tpu.memory_space<vmem>> -> memref<1x1x128x64xf32, #tpu.memory_space<vmem>>
    %dma_start3A_405 = tpu.memref_squeeze %dma_start3A_404 : memref<1x1x128x64xf32, #tpu.memory_space<vmem>> -> memref<128x64xf32, #tpu.memory_space<vmem>>
    tpu.enqueue_dma source(%dma_start3A_405 : memref<128x64xf32, #tpu.memory_space<vmem>>) target(%dma_start3A_401 : memref<128x64xf32, #tpu.memory_space<hbm>>) target_semaphore(%dma_start3A_399 : memref<!tpu.dma_semaphore, #tpu.memory_space<semaphore_mem>>)
    %dma_wait3A_406 = arith.constant 1 : i32
    %dma_wait3A_407 = arith.constant 3 : i32
    %dma_wait3A_408 = arith.constant 1 : i32
    %dma_wait3A_409 = arith.constant 3 : i32
    %dma_wait3A_410 = arith.constant 0 : i32
    %dma_wait3A_411 = arith.constant 0 : i32
    %dma_wait3A_412 = tpu.memref_slice %arg6[%dma_wait3A_406, %dma_wait3A_407, %dma_wait3A_410, %dma_wait3A_411] : memref<2x4x128x64xf32, #tpu.memory_space<vmem>> -> memref<1x1x128x64xf32, #tpu.memory_space<vmem>>
    %dma_wait3A_413 = tpu.memref_squeeze %dma_wait3A_412 : memref<1x1x128x64xf32, #tpu.memory_space<vmem>> -> memref<128x64xf32, #tpu.memory_space<vmem>>
    %dma_wait3A_414 = arith.constant 25472 : i32
    %dma_wait3A_415 = tpu.memref_slice %arg5[%dma_wait3A_414] : memref<25600xi32, #tpu.memory_space<vmem>> -> memref<128xi32, #tpu.memory_space<vmem>>
    %dma_wait3A_416 = arith.constant 0 : i32
    %dma_wait3A_417 = arith.constant 0 : i32
    %dma_wait3A_418 = tpu.memref_slice %arg2[%dma_wait3A_416, %dma_wait3A_417] : memref<1000000x64xf32, #tpu.memory_space<hbm>> -> memref<1000000x64xf32, #tpu.memory_space<hbm>>
    %dma_wait3A_419 = tpu.memref_slice %arg7[%dma_wait3A_408, %dma_wait3A_409] : memref<2x4x!tpu.dma_semaphore, #tpu.memory_space<semaphore_mem>> -> memref<1x1x!tpu.dma_semaphore, #tpu.memory_space<semaphore_mem>>
    %dma_wait3A_420 = tpu.memref_squeeze %dma_wait3A_419 : memref<1x1x!tpu.dma_semaphore, #tpu.memory_space<semaphore_mem>> -> memref<!tpu.dma_semaphore, #tpu.memory_space<semaphore_mem>>
    tpu.wait_indirect_dma semaphore(%dma_wait3A_420 : memref<!tpu.dma_semaphore, #tpu.memory_space<semaphore_mem>>) src(%dma_wait3A_418 : memref<1000000x64xf32, #tpu.memory_space<hbm>>) dst(%dma_wait3A_413 : memref<128x64xf32, #tpu.memory_space<vmem>>)
    %parallel_loop3A_421 = arith.constant 0 : i32
    %parallel_loop3A_422 = arith.constant 128 : i32
    %parallel_loop3A_423 = arith.constant 1 : i32
    scf.for %parallel_loop3A_606 = %parallel_loop3A_421 to %parallel_loop3A_422 step %parallel_loop3A_423  : i32 {
      %parallel_loop3A_607 = arith.constant 1 : i32
      %parallel_loop3A_608 = arith.constant 3 : i32
      %parallel_loop3A_609 = arith.index_cast %parallel_loop3A_607 : i32 to index
      %parallel_loop3A_610 = arith.index_cast %parallel_loop3A_608 : i32 to index
      %parallel_loop3A_611 = arith.index_cast %parallel_loop3A_606 : i32 to index
      %parallel_loop3A_612 = arith.constant 0 : index
      %parallel_loop3A_613 = tpu.vector_load %arg6[%parallel_loop3A_609, %parallel_loop3A_610, %parallel_loop3A_611, %parallel_loop3A_612] {strides = array<i32>} : memref<2x4x128x64xf32, #tpu.memory_space<vmem>>, vector<1x1x1x16xf32>,
      %parallel_loop3A_614 = vector.shape_cast %parallel_loop3A_613 : vector<1x1x1x16xf32> to vector<16xf32>
      %parallel_loop3A_615 = arith.constant 8.000000e+00 : f32
      %parallel_loop3A_616 = vector.broadcast %parallel_loop3A_615 : f32 to vector<16xf32>
      %parallel_loop3A_617 = arith.mulf %parallel_loop3A_614, %parallel_loop3A_616 : vector<16xf32>
      %parallel_loop3A_618 = arith.constant 1 : i32
      %parallel_loop3A_619 = arith.constant 3 : i32
      %parallel_loop3A_620 = arith.index_cast %parallel_loop3A_618 : i32 to index
      %parallel_loop3A_621 = arith.index_cast %parallel_loop3A_619 : i32 to index
      %parallel_loop3A_622 = arith.index_cast %parallel_loop3A_606 : i32 to index
      %parallel_loop3A_623 = arith.constant 0 : index
      %parallel_loop3A_624 = tpu.vector_load %arg6[%parallel_loop3A_620, %parallel_loop3A_621, %parallel_loop3A_622, %parallel_loop3A_623] {strides = array<i32>} : memref<2x4x128x64xf32, #tpu.memory_space<vmem>>, vector<1x1x1x16xf32>,
      %parallel_loop3A_625 = vector.shape_cast %parallel_loop3A_624 : vector<1x1x1x16xf32> to vector<16xf32>
      %parallel_loop3A_626 = vector.shape_cast %parallel_loop3A_617 : vector<16xf32> to vector<1x1x1x16xf32>
      tpu.vector_store %arg6[%parallel_loop3A_620, %parallel_loop3A_621, %parallel_loop3A_622, %parallel_loop3A_623], %parallel_loop3A_626 {strides = array<i32>} : memref<2x4x128x64xf32, #tpu.memory_space<vmem>>, vector<1x1x1x16xf32>,
      %parallel_loop3A_627 = arith.constant 1 : i32
      %parallel_loop3A_628 = arith.constant 3 : i32
      %parallel_loop3A_629 = arith.index_cast %parallel_loop3A_627 : i32 to index
      %parallel_loop3A_630 = arith.index_cast %parallel_loop3A_628 : i32 to index
      %parallel_loop3A_631 = arith.index_cast %parallel_loop3A_606 : i32 to index
      %parallel_loop3A_632 = arith.constant 16 : index
      %parallel_loop3A_633 = tpu.vector_load %arg6[%parallel_loop3A_629, %parallel_loop3A_630, %parallel_loop3A_631, %parallel_loop3A_632] {strides = array<i32>} : memref<2x4x128x64xf32, #tpu.memory_space<vmem>>, vector<1x1x1x16xf32>,
      %parallel_loop3A_634 = vector.shape_cast %parallel_loop3A_633 : vector<1x1x1x16xf32> to vector<16xf32>
      %parallel_loop3A_635 = arith.constant 8.000000e+00 : f32
      %parallel_loop3A_636 = vector.broadcast %parallel_loop3A_635 : f32 to vector<16xf32>
      %parallel_loop3A_637 = arith.mulf %parallel_loop3A_634, %parallel_loop3A_636 : vector<16xf32>
      %parallel_loop3A_638 = arith.constant 1 : i32
      %parallel_loop3A_639 = arith.constant 3 : i32
      %parallel_loop3A_640 = arith.index_cast %parallel_loop3A_638 : i32 to index
      %parallel_loop3A_641 = arith.index_cast %parallel_loop3A_639 : i32 to index
      %parallel_loop3A_642 = arith.index_cast %parallel_loop3A_606 : i32 to index
      %parallel_loop3A_643 = arith.constant 16 : index
      %parallel_loop3A_644 = tpu.vector_load %arg6[%parallel_loop3A_640, %parallel_loop3A_641, %parallel_loop3A_642, %parallel_loop3A_643] {strides = array<i32>} : memref<2x4x128x64xf32, #tpu.memory_space<vmem>>, vector<1x1x1x16xf32>,
      %parallel_loop3A_645 = vector.shape_cast %parallel_loop3A_644 : vector<1x1x1x16xf32> to vector<16xf32>
      %parallel_loop3A_646 = vector.shape_cast %parallel_loop3A_637 : vector<16xf32> to vector<1x1x1x16xf32>
      tpu.vector_store %arg6[%parallel_loop3A_640, %parallel_loop3A_641, %parallel_loop3A_642, %parallel_loop3A_643], %parallel_loop3A_646 {strides = array<i32>} : memref<2x4x128x64xf32, #tpu.memory_space<vmem>>, vector<1x1x1x16xf32>,
      %parallel_loop3A_647 = arith.constant 1 : i32
      %parallel_loop3A_648 = arith.constant 3 : i32
      %parallel_loop3A_649 = arith.index_cast %parallel_loop3A_647 : i32 to index
      %parallel_loop3A_650 = arith.index_cast %parallel_loop3A_648 : i32 to index
      %parallel_loop3A_651 = arith.index_cast %parallel_loop3A_606 : i32 to index
      %parallel_loop3A_652 = arith.constant 32 : index
      %parallel_loop3A_653 = tpu.vector_load %arg6[%parallel_loop3A_649, %parallel_loop3A_650, %parallel_loop3A_651, %parallel_loop3A_652] {strides = array<i32>} : memref<2x4x128x64xf32, #tpu.memory_space<vmem>>, vector<1x1x1x16xf32>,
      %parallel_loop3A_654 = vector.shape_cast %parallel_loop3A_653 : vector<1x1x1x16xf32> to vector<16xf32>
      %parallel_loop3A_655 = arith.constant 8.000000e+00 : f32
      %parallel_loop3A_656 = vector.broadcast %parallel_loop3A_655 : f32 to vector<16xf32>
      %parallel_loop3A_657 = arith.mulf %parallel_loop3A_654, %parallel_loop3A_656 : vector<16xf32>
      %parallel_loop3A_658 = arith.constant 1 : i32
      %parallel_loop3A_659 = arith.constant 3 : i32
      %parallel_loop3A_660 = arith.index_cast %parallel_loop3A_658 : i32 to index
      %parallel_loop3A_661 = arith.index_cast %parallel_loop3A_659 : i32 to index
      %parallel_loop3A_662 = arith.index_cast %parallel_loop3A_606 : i32 to index
      %parallel_loop3A_663 = arith.constant 32 : index
      %parallel_loop3A_664 = tpu.vector_load %arg6[%parallel_loop3A_660, %parallel_loop3A_661, %parallel_loop3A_662, %parallel_loop3A_663] {strides = array<i32>} : memref<2x4x128x64xf32, #tpu.memory_space<vmem>>, vector<1x1x1x16xf32>,
      %parallel_loop3A_665 = vector.shape_cast %parallel_loop3A_664 : vector<1x1x1x16xf32> to vector<16xf32>
      %parallel_loop3A_666 = vector.shape_cast %parallel_loop3A_657 : vector<16xf32> to vector<1x1x1x16xf32>
      tpu.vector_store %arg6[%parallel_loop3A_660, %parallel_loop3A_661, %parallel_loop3A_662, %parallel_loop3A_663], %parallel_loop3A_666 {strides = array<i32>} : memref<2x4x128x64xf32, #tpu.memory_space<vmem>>, vector<1x1x1x16xf32>,
      %parallel_loop3A_667 = arith.constant 1 : i32
      %parallel_loop3A_668 = arith.constant 3 : i32
      %parallel_loop3A_669 = arith.index_cast %parallel_loop3A_667 : i32 to index
      %parallel_loop3A_670 = arith.index_cast %parallel_loop3A_668 : i32 to index
      %parallel_loop3A_671 = arith.index_cast %parallel_loop3A_606 : i32 to index
      %parallel_loop3A_672 = arith.constant 48 : index
      %parallel_loop3A_673 = tpu.vector_load %arg6[%parallel_loop3A_669, %parallel_loop3A_670, %parallel_loop3A_671, %parallel_loop3A_672] {strides = array<i32>} : memref<2x4x128x64xf32, #tpu.memory_space<vmem>>, vector<1x1x1x16xf32>,
      %parallel_loop3A_674 = vector.shape_cast %parallel_loop3A_673 : vector<1x1x1x16xf32> to vector<16xf32>
      %parallel_loop3A_675 = arith.constant 8.000000e+00 : f32
      %parallel_loop3A_676 = vector.broadcast %parallel_loop3A_675 : f32 to vector<16xf32>
      %parallel_loop3A_677 = arith.mulf %parallel_loop3A_674, %parallel_loop3A_676 : vector<16xf32>
      %parallel_loop3A_678 = arith.constant 1 : i32
      %parallel_loop3A_679 = arith.constant 3 : i32
      %parallel_loop3A_680 = arith.index_cast %parallel_loop3A_678 : i32 to index
      %parallel_loop3A_681 = arith.index_cast %parallel_loop3A_679 : i32 to index
      %parallel_loop3A_682 = arith.index_cast %parallel_loop3A_606 : i32 to index
      %parallel_loop3A_683 = arith.constant 48 : index
      %parallel_loop3A_684 = tpu.vector_load %arg6[%parallel_loop3A_680, %parallel_loop3A_681, %parallel_loop3A_682, %parallel_loop3A_683] {strides = array<i32>} : memref<2x4x128x64xf32, #tpu.memory_space<vmem>>, vector<1x1x1x16xf32>,
      %parallel_loop3A_685 = vector.shape_cast %parallel_loop3A_684 : vector<1x1x1x16xf32> to vector<16xf32>
      %parallel_loop3A_686 = vector.shape_cast %parallel_loop3A_677 : vector<16xf32> to vector<1x1x1x16xf32>
      tpu.vector_store %arg6[%parallel_loop3A_680, %parallel_loop3A_681, %parallel_loop3A_682, %parallel_loop3A_683], %parallel_loop3A_686 {strides = array<i32>} : memref<2x4x128x64xf32, #tpu.memory_space<vmem>>, vector<1x1x1x16xf32>,
    } {sc.loop_unroll_factor = 8 : i64, sc.parallel_access}
    %add3A_424 = arith.constant 25088 : i32
    %add3A_425 = arith.addi %mul3A_2, %add3A_424 : i32
    %add3A_426 = arith.constant 384 : i32
    %add3A_427 = arith.addi %add3A_425, %add3A_426 : i32
    %dma_start3A_428 = arith.constant 1 : i32
    %dma_start3A_429 = arith.constant 3 : i32
    %dma_start3A_430 = arith.constant 1 : i32
    %dma_start3A_431 = arith.constant 3 : i32
    %dma_start3A_432 = arith.constant 0 : i32
    %dma_start3A_433 = arith.constant 0 : i32
    %dma_start3A_434 = tpu.memref_slice %arg6[%dma_start3A_428, %dma_start3A_429, %dma_start3A_432, %dma_start3A_433] : memref<2x4x128x64xf32, #tpu.memory_space<vmem>> -> memref<1x1x128x64xf32, #tpu.memory_space<vmem>>
    %dma_start3A_435 = tpu.memref_squeeze %dma_start3A_434 : memref<1x1x128x64xf32, #tpu.memory_space<vmem>> -> memref<128x64xf32, #tpu.memory_space<vmem>>
    %dma_start3A_436 = arith.constant 0 : i32
    %dma_start3A_437 = tpu.memref_slice %arg4[%add3A_427, %dma_start3A_436] : memref<819200x64xf32, #tpu.memory_space<hbm>> -> memref<128x64xf32, #tpu.memory_space<hbm>>
    %dma_start3A_438 = tpu.memref_slice %arg8[%dma_start3A_430, %dma_start3A_431] : memref<2x4x!tpu.dma_semaphore, #tpu.memory_space<semaphore_mem>> -> memref<1x1x!tpu.dma_semaphore, #tpu.memory_space<semaphore_mem>>
    %dma_start3A_439 = tpu.memref_squeeze %dma_start3A_438 : memref<1x1x!tpu.dma_semaphore, #tpu.memory_space<semaphore_mem>> -> memref<!tpu.dma_semaphore, #tpu.memory_space<semaphore_mem>>
    %dma_start3A_440 = arith.constant 0 : i32
    %dma_start3A_441 = tpu.memref_slice %arg4[%add3A_427, %dma_start3A_440] : memref<819200x64xf32, #tpu.memory_space<hbm>> -> memref<128x64xf32, #tpu.memory_space<hbm>>
    %dma_start3A_442 = arith.constant 0 : i32
    %dma_start3A_443 = arith.constant 0 : i32
    %dma_start3A_444 = tpu.memref_slice %arg6[%dma_start3A_428, %dma_start3A_429, %dma_start3A_442, %dma_start3A_443] : memref<2x4x128x64xf32, #tpu.memory_space<vmem>> -> memref<1x1x128x64xf32, #tpu.memory_space<vmem>>
    %dma_start3A_445 = tpu.memref_squeeze %dma_start3A_444 : memref<1x1x128x64xf32, #tpu.memory_space<vmem>> -> memref<128x64xf32, #tpu.memory_space<vmem>>
    tpu.enqueue_dma source(%dma_start3A_445 : memref<128x64xf32, #tpu.memory_space<vmem>>) target(%dma_start3A_441 : memref<128x64xf32, #tpu.memory_space<hbm>>) target_semaphore(%dma_start3A_439 : memref<!tpu.dma_semaphore, #tpu.memory_space<semaphore_mem>>)
    %dma_wait3A_446 = arith.constant 0 : i32
    %dma_wait3A_447 = arith.constant 0 : i32
    %dma_wait3A_448 = arith.constant 0 : i32
    %dma_wait3A_449 = arith.constant 0 : i32
    %dma_wait3A_450 = arith.constant 0 : i32
    %dma_wait3A_451 = arith.constant 0 : i32
    %dma_wait3A_452 = tpu.memref_slice %arg6[%dma_wait3A_446, %dma_wait3A_447, %dma_wait3A_450, %dma_wait3A_451] : memref<2x4x128x64xf32, #tpu.memory_space<vmem>> -> memref<1x1x128x64xf32, #tpu.memory_space<vmem>>
    %dma_wait3A_453 = tpu.memref_squeeze %dma_wait3A_452 : memref<1x1x128x64xf32, #tpu.memory_space<vmem>> -> memref<128x64xf32, #tpu.memory_space<vmem>>
    %dma_wait3A_454 = arith.constant 0 : i32
    %dma_wait3A_455 = arith.constant 0 : i32
    %dma_wait3A_456 = tpu.memref_slice %arg4[%dma_wait3A_454, %dma_wait3A_455] : memref<819200x64xf32, #tpu.memory_space<hbm>> -> memref<128x64xf32, #tpu.memory_space<hbm>>
    %dma_wait3A_457 = tpu.memref_slice %arg8[%dma_wait3A_448, %dma_wait3A_449] : memref<2x4x!tpu.dma_semaphore, #tpu.memory_space<semaphore_mem>> -> memref<1x1x!tpu.dma_semaphore, #tpu.memory_space<semaphore_mem>>
    %dma_wait3A_458 = tpu.memref_squeeze %dma_wait3A_457 : memref<1x1x!tpu.dma_semaphore, #tpu.memory_space<semaphore_mem>> -> memref<!tpu.dma_semaphore, #tpu.memory_space<semaphore_mem>>
    %dma_wait3A_459 = arith.constant 0 : i32
    %dma_wait3A_460 = arith.constant 0 : i32
    %dma_wait3A_461 = tpu.memref_slice %arg4[%dma_wait3A_459, %dma_wait3A_460] : memref<819200x64xf32, #tpu.memory_space<hbm>> -> memref<128x64xf32, #tpu.memory_space<hbm>>
    %dma_wait3A_462 = arith.constant 0 : i32
    %dma_wait3A_463 = arith.constant 0 : i32
    %dma_wait3A_464 = tpu.memref_slice %arg6[%dma_wait3A_446, %dma_wait3A_447, %dma_wait3A_462, %dma_wait3A_463] : memref<2x4x128x64xf32, #tpu.memory_space<vmem>> -> memref<1x1x128x64xf32, #tpu.memory_space<vmem>>
    %dma_wait3A_465 = tpu.memref_squeeze %dma_wait3A_464 : memref<1x1x128x64xf32, #tpu.memory_space<vmem>> -> memref<128x64xf32, #tpu.memory_space<vmem>>
    tpu.wait_dma2 semaphore(%dma_wait3A_458 : memref<!tpu.dma_semaphore, #tpu.memory_space<semaphore_mem>>) src(%dma_wait3A_465 : memref<128x64xf32, #tpu.memory_space<vmem>>) dst(%dma_wait3A_461 : memref<128x64xf32, #tpu.memory_space<hbm>>)
    %dma_wait3A_466 = arith.constant 0 : i32
    %dma_wait3A_467 = arith.constant 1 : i32
    %dma_wait3A_468 = arith.constant 0 : i32
    %dma_wait3A_469 = arith.constant 1 : i32
    %dma_wait3A_470 = arith.constant 0 : i32
    %dma_wait3A_471 = arith.constant 0 : i32
    %dma_wait3A_472 = tpu.memref_slice %arg6[%dma_wait3A_466, %dma_wait3A_467, %dma_wait3A_470, %dma_wait3A_471] : memref<2x4x128x64xf32, #tpu.memory_space<vmem>> -> memref<1x1x128x64xf32, #tpu.memory_space<vmem>>
    %dma_wait3A_473 = tpu.memref_squeeze %dma_wait3A_472 : memref<1x1x128x64xf32, #tpu.memory_space<vmem>> -> memref<128x64xf32, #tpu.memory_space<vmem>>
    %dma_wait3A_474 = arith.constant 0 : i32
    %dma_wait3A_475 = arith.constant 0 : i32
    %dma_wait3A_476 = tpu.memref_slice %arg4[%dma_wait3A_474, %dma_wait3A_475] : memref<819200x64xf32, #tpu.memory_space<hbm>> -> memref<128x64xf32, #tpu.memory_space<hbm>>
    %dma_wait3A_477 = tpu.memref_slice %arg8[%dma_wait3A_468, %dma_wait3A_469] : memref<2x4x!tpu.dma_semaphore, #tpu.memory_space<semaphore_mem>> -> memref<1x1x!tpu.dma_semaphore, #tpu.memory_space<semaphore_mem>>
    %dma_wait3A_478 = tpu.memref_squeeze %dma_wait3A_477 : memref<1x1x!tpu.dma_semaphore, #tpu.memory_space<semaphore_mem>> -> memref<!tpu.dma_semaphore, #tpu.memory_space<semaphore_mem>>
    %dma_wait3A_479 = arith.constant 0 : i32
    %dma_wait3A_480 = arith.constant 0 : i32
    %dma_wait3A_481 = tpu.memref_slice %arg4[%dma_wait3A_479, %dma_wait3A_480] : memref<819200x64xf32, #tpu.memory_space<hbm>> -> memref<128x64xf32, #tpu.memory_space<hbm>>
    %dma_wait3A_482 = arith.constant 0 : i32
    %dma_wait3A_483 = arith.constant 0 : i32
    %dma_wait3A_484 = tpu.memref_slice %arg6[%dma_wait3A_466, %dma_wait3A_467, %dma_wait3A_482, %dma_wait3A_483] : memref<2x4x128x64xf32, #tpu.memory_space<vmem>> -> memref<1x1x128x64xf32, #tpu.memory_space<vmem>>
    %dma_wait3A_485 = tpu.memref_squeeze %dma_wait3A_484 : memref<1x1x128x64xf32, #tpu.memory_space<vmem>> -> memref<128x64xf32, #tpu.memory_space<vmem>>
    tpu.wait_dma2 semaphore(%dma_wait3A_478 : memref<!tpu.dma_semaphore, #tpu.memory_space<semaphore_mem>>) src(%dma_wait3A_485 : memref<128x64xf32, #tpu.memory_space<vmem>>) dst(%dma_wait3A_481 : memref<128x64xf32, #tpu.memory_space<hbm>>)
    %dma_wait3A_486 = arith.constant 0 : i32
    %dma_wait3A_487 = arith.constant 2 : i32
    %dma_wait3A_488 = arith.constant 0 : i32
    %dma_wait3A_489 = arith.constant 2 : i32
    %dma_wait3A_490 = arith.constant 0 : i32
    %dma_wait3A_491 = arith.constant 0 : i32
    %dma_wait3A_492 = tpu.memref_slice %arg6[%dma_wait3A_486, %dma_wait3A_487, %dma_wait3A_490, %dma_wait3A_491] : memref<2x4x128x64xf32, #tpu.memory_space<vmem>> -> memref<1x1x128x64xf32, #tpu.memory_space<vmem>>
    %dma_wait3A_493 = tpu.memref_squeeze %dma_wait3A_492 : memref<1x1x128x64xf32, #tpu.memory_space<vmem>> -> memref<128x64xf32, #tpu.memory_space<vmem>>
    %dma_wait3A_494 = arith.constant 0 : i32
    %dma_wait3A_495 = arith.constant 0 : i32
    %dma_wait3A_496 = tpu.memref_slice %arg4[%dma_wait3A_494, %dma_wait3A_495] : memref<819200x64xf32, #tpu.memory_space<hbm>> -> memref<128x64xf32, #tpu.memory_space<hbm>>
    %dma_wait3A_497 = tpu.memref_slice %arg8[%dma_wait3A_488, %dma_wait3A_489] : memref<2x4x!tpu.dma_semaphore, #tpu.memory_space<semaphore_mem>> -> memref<1x1x!tpu.dma_semaphore, #tpu.memory_space<semaphore_mem>>
    %dma_wait3A_498 = tpu.memref_squeeze %dma_wait3A_497 : memref<1x1x!tpu.dma_semaphore, #tpu.memory_space<semaphore_mem>> -> memref<!tpu.dma_semaphore, #tpu.memory_space<semaphore_mem>>
    %dma_wait3A_499 = arith.constant 0 : i32
    %dma_wait3A_500 = arith.constant 0 : i32
    %dma_wait3A_501 = tpu.memref_slice %arg4[%dma_wait3A_499, %dma_wait3A_500] : memref<819200x64xf32, #tpu.memory_space<hbm>> -> memref<128x64xf32, #tpu.memory_space<hbm>>
    %dma_wait3A_502 = arith.constant 0 : i32
    %dma_wait3A_503 = arith.constant 0 : i32
    %dma_wait3A_504 = tpu.memref_slice %arg6[%dma_wait3A_486, %dma_wait3A_487, %dma_wait3A_502, %dma_wait3A_503] : memref<2x4x128x64xf32, #tpu.memory_space<vmem>> -> memref<1x1x128x64xf32, #tpu.memory_space<vmem>>
    %dma_wait3A_505 = tpu.memref_squeeze %dma_wait3A_504 : memref<1x1x128x64xf32, #tpu.memory_space<vmem>> -> memref<128x64xf32, #tpu.memory_space<vmem>>
    tpu.wait_dma2 semaphore(%dma_wait3A_498 : memref<!tpu.dma_semaphore, #tpu.memory_space<semaphore_mem>>) src(%dma_wait3A_505 : memref<128x64xf32, #tpu.memory_space<vmem>>) dst(%dma_wait3A_501 : memref<128x64xf32, #tpu.memory_space<hbm>>)
    %dma_wait3A_506 = arith.constant 0 : i32
    %dma_wait3A_507 = arith.constant 3 : i32
    %dma_wait3A_508 = arith.constant 0 : i32
    %dma_wait3A_509 = arith.constant 3 : i32
    %dma_wait3A_510 = arith.constant 0 : i32
    %dma_wait3A_511 = arith.constant 0 : i32
    %dma_wait3A_512 = tpu.memref_slice %arg6[%dma_wait3A_506, %dma_wait3A_507, %dma_wait3A_510, %dma_wait3A_511] : memref<2x4x128x64xf32, #tpu.memory_space<vmem>> -> memref<1x1x128x64xf32, #tpu.memory_space<vmem>>
    %dma_wait3A_513 = tpu.memref_squeeze %dma_wait3A_512 : memref<1x1x128x64xf32, #tpu.memory_space<vmem>> -> memref<128x64xf32, #tpu.memory_space<vmem>>
    %dma_wait3A_514 = arith.constant 0 : i32
    %dma_wait3A_515 = arith.constant 0 : i32
    %dma_wait3A_516 = tpu.memref_slice %arg4[%dma_wait3A_514, %dma_wait3A_515] : memref<819200x64xf32, #tpu.memory_space<hbm>> -> memref<128x64xf32, #tpu.memory_space<hbm>>
    %dma_wait3A_517 = tpu.memref_slice %arg8[%dma_wait3A_508, %dma_wait3A_509] : memref<2x4x!tpu.dma_semaphore, #tpu.memory_space<semaphore_mem>> -> memref<1x1x!tpu.dma_semaphore, #tpu.memory_space<semaphore_mem>>
    %dma_wait3A_518 = tpu.memref_squeeze %dma_wait3A_517 : memref<1x1x!tpu.dma_semaphore, #tpu.memory_space<semaphore_mem>> -> memref<!tpu.dma_semaphore, #tpu.memory_space<semaphore_mem>>
    %dma_wait3A_519 = arith.constant 0 : i32
    %dma_wait3A_520 = arith.constant 0 : i32
    %dma_wait3A_521 = tpu.memref_slice %arg4[%dma_wait3A_519, %dma_wait3A_520] : memref<819200x64xf32, #tpu.memory_space<hbm>> -> memref<128x64xf32, #tpu.memory_space<hbm>>
    %dma_wait3A_522 = arith.constant 0 : i32
    %dma_wait3A_523 = arith.constant 0 : i32
    %dma_wait3A_524 = tpu.memref_slice %arg6[%dma_wait3A_506, %dma_wait3A_507, %dma_wait3A_522, %dma_wait3A_523] : memref<2x4x128x64xf32, #tpu.memory_space<vmem>> -> memref<1x1x128x64xf32, #tpu.memory_space<vmem>>
    %dma_wait3A_525 = tpu.memref_squeeze %dma_wait3A_524 : memref<1x1x128x64xf32, #tpu.memory_space<vmem>> -> memref<128x64xf32, #tpu.memory_space<vmem>>
    tpu.wait_dma2 semaphore(%dma_wait3A_518 : memref<!tpu.dma_semaphore, #tpu.memory_space<semaphore_mem>>) src(%dma_wait3A_525 : memref<128x64xf32, #tpu.memory_space<vmem>>) dst(%dma_wait3A_521 : memref<128x64xf32, #tpu.memory_space<hbm>>)
    %dma_wait3A_526 = arith.constant 1 : i32
    %dma_wait3A_527 = arith.constant 0 : i32
    %dma_wait3A_528 = arith.constant 1 : i32
    %dma_wait3A_529 = arith.constant 0 : i32
    %dma_wait3A_530 = arith.constant 0 : i32
    %dma_wait3A_531 = arith.constant 0 : i32
    %dma_wait3A_532 = tpu.memref_slice %arg6[%dma_wait3A_526, %dma_wait3A_527, %dma_wait3A_530, %dma_wait3A_531] : memref<2x4x128x64xf32, #tpu.memory_space<vmem>> -> memref<1x1x128x64xf32, #tpu.memory_space<vmem>>
    %dma_wait3A_533 = tpu.memref_squeeze %dma_wait3A_532 : memref<1x1x128x64xf32, #tpu.memory_space<vmem>> -> memref<128x64xf32, #tpu.memory_space<vmem>>
    %dma_wait3A_534 = arith.constant 0 : i32
    %dma_wait3A_535 = arith.constant 0 : i32
    %dma_wait3A_536 = tpu.memref_slice %arg4[%dma_wait3A_534, %dma_wait3A_535] : memref<819200x64xf32, #tpu.memory_space<hbm>> -> memref<128x64xf32, #tpu.memory_space<hbm>>
    %dma_wait3A_537 = tpu.memref_slice %arg8[%dma_wait3A_528, %dma_wait3A_529] : memref<2x4x!tpu.dma_semaphore, #tpu.memory_space<semaphore_mem>> -> memref<1x1x!tpu.dma_semaphore, #tpu.memory_space<semaphore_mem>>
    %dma_wait3A_538 = tpu.memref_squeeze %dma_wait3A_537 : memref<1x1x!tpu.dma_semaphore, #tpu.memory_space<semaphore_mem>> -> memref<!tpu.dma_semaphore, #tpu.memory_space<semaphore_mem>>
    %dma_wait3A_539 = arith.constant 0 : i32
    %dma_wait3A_540 = arith.constant 0 : i32
    %dma_wait3A_541 = tpu.memref_slice %arg4[%dma_wait3A_539, %dma_wait3A_540] : memref<819200x64xf32, #tpu.memory_space<hbm>> -> memref<128x64xf32, #tpu.memory_space<hbm>>
    %dma_wait3A_542 = arith.constant 0 : i32
    %dma_wait3A_543 = arith.constant 0 : i32
    %dma_wait3A_544 = tpu.memref_slice %arg6[%dma_wait3A_526, %dma_wait3A_527, %dma_wait3A_542, %dma_wait3A_543] : memref<2x4x128x64xf32, #tpu.memory_space<vmem>> -> memref<1x1x128x64xf32, #tpu.memory_space<vmem>>
    %dma_wait3A_545 = tpu.memref_squeeze %dma_wait3A_544 : memref<1x1x128x64xf32, #tpu.memory_space<vmem>> -> memref<128x64xf32, #tpu.memory_space<vmem>>
    tpu.wait_dma2 semaphore(%dma_wait3A_538 : memref<!tpu.dma_semaphore, #tpu.memory_space<semaphore_mem>>) src(%dma_wait3A_545 : memref<128x64xf32, #tpu.memory_space<vmem>>) dst(%dma_wait3A_541 : memref<128x64xf32, #tpu.memory_space<hbm>>)
    %dma_wait3A_546 = arith.constant 1 : i32
    %dma_wait3A_547 = arith.constant 1 : i32
    %dma_wait3A_548 = arith.constant 1 : i32
    %dma_wait3A_549 = arith.constant 1 : i32
    %dma_wait3A_550 = arith.constant 0 : i32
    %dma_wait3A_551 = arith.constant 0 : i32
    %dma_wait3A_552 = tpu.memref_slice %arg6[%dma_wait3A_546, %dma_wait3A_547, %dma_wait3A_550, %dma_wait3A_551] : memref<2x4x128x64xf32, #tpu.memory_space<vmem>> -> memref<1x1x128x64xf32, #tpu.memory_space<vmem>>
    %dma_wait3A_553 = tpu.memref_squeeze %dma_wait3A_552 : memref<1x1x128x64xf32, #tpu.memory_space<vmem>> -> memref<128x64xf32, #tpu.memory_space<vmem>>
    %dma_wait3A_554 = arith.constant 0 : i32
    %dma_wait3A_555 = arith.constant 0 : i32
    %dma_wait3A_556 = tpu.memref_slice %arg4[%dma_wait3A_554, %dma_wait3A_555] : memref<819200x64xf32, #tpu.memory_space<hbm>> -> memref<128x64xf32, #tpu.memory_space<hbm>>
    %dma_wait3A_557 = tpu.memref_slice %arg8[%dma_wait3A_548, %dma_wait3A_549] : memref<2x4x!tpu.dma_semaphore, #tpu.memory_space<semaphore_mem>> -> memref<1x1x!tpu.dma_semaphore, #tpu.memory_space<semaphore_mem>>
    %dma_wait3A_558 = tpu.memref_squeeze %dma_wait3A_557 : memref<1x1x!tpu.dma_semaphore, #tpu.memory_space<semaphore_mem>> -> memref<!tpu.dma_semaphore, #tpu.memory_space<semaphore_mem>>
    %dma_wait3A_559 = arith.constant 0 : i32
    %dma_wait3A_560 = arith.constant 0 : i32
    %dma_wait3A_561 = tpu.memref_slice %arg4[%dma_wait3A_559, %dma_wait3A_560] : memref<819200x64xf32, #tpu.memory_space<hbm>> -> memref<128x64xf32, #tpu.memory_space<hbm>>
    %dma_wait3A_562 = arith.constant 0 : i32
    %dma_wait3A_563 = arith.constant 0 : i32
    %dma_wait3A_564 = tpu.memref_slice %arg6[%dma_wait3A_546, %dma_wait3A_547, %dma_wait3A_562, %dma_wait3A_563] : memref<2x4x128x64xf32, #tpu.memory_space<vmem>> -> memref<1x1x128x64xf32, #tpu.memory_space<vmem>>
    %dma_wait3A_565 = tpu.memref_squeeze %dma_wait3A_564 : memref<1x1x128x64xf32, #tpu.memory_space<vmem>> -> memref<128x64xf32, #tpu.memory_space<vmem>>
    tpu.wait_dma2 semaphore(%dma_wait3A_558 : memref<!tpu.dma_semaphore, #tpu.memory_space<semaphore_mem>>) src(%dma_wait3A_565 : memref<128x64xf32, #tpu.memory_space<vmem>>) dst(%dma_wait3A_561 : memref<128x64xf32, #tpu.memory_space<hbm>>)
    %dma_wait3A_566 = arith.constant 1 : i32
    %dma_wait3A_567 = arith.constant 2 : i32
    %dma_wait3A_568 = arith.constant 1 : i32
    %dma_wait3A_569 = arith.constant 2 : i32
    %dma_wait3A_570 = arith.constant 0 : i32
    %dma_wait3A_571 = arith.constant 0 : i32
    %dma_wait3A_572 = tpu.memref_slice %arg6[%dma_wait3A_566, %dma_wait3A_567, %dma_wait3A_570, %dma_wait3A_571] : memref<2x4x128x64xf32, #tpu.memory_space<vmem>> -> memref<1x1x128x64xf32, #tpu.memory_space<vmem>>
    %dma_wait3A_573 = tpu.memref_squeeze %dma_wait3A_572 : memref<1x1x128x64xf32, #tpu.memory_space<vmem>> -> memref<128x64xf32, #tpu.memory_space<vmem>>
    %dma_wait3A_574 = arith.constant 0 : i32
    %dma_wait3A_575 = arith.constant 0 : i32
    %dma_wait3A_576 = tpu.memref_slice %arg4[%dma_wait3A_574, %dma_wait3A_575] : memref<819200x64xf32, #tpu.memory_space<hbm>> -> memref<128x64xf32, #tpu.memory_space<hbm>>
    %dma_wait3A_577 = tpu.memref_slice %arg8[%dma_wait3A_568, %dma_wait3A_569] : memref<2x4x!tpu.dma_semaphore, #tpu.memory_space<semaphore_mem>> -> memref<1x1x!tpu.dma_semaphore, #tpu.memory_space<semaphore_mem>>
    %dma_wait3A_578 = tpu.memref_squeeze %dma_wait3A_577 : memref<1x1x!tpu.dma_semaphore, #tpu.memory_space<semaphore_mem>> -> memref<!tpu.dma_semaphore, #tpu.memory_space<semaphore_mem>>
    %dma_wait3A_579 = arith.constant 0 : i32
    %dma_wait3A_580 = arith.constant 0 : i32
    %dma_wait3A_581 = tpu.memref_slice %arg4[%dma_wait3A_579, %dma_wait3A_580] : memref<819200x64xf32, #tpu.memory_space<hbm>> -> memref<128x64xf32, #tpu.memory_space<hbm>>
    %dma_wait3A_582 = arith.constant 0 : i32
    %dma_wait3A_583 = arith.constant 0 : i32
    %dma_wait3A_584 = tpu.memref_slice %arg6[%dma_wait3A_566, %dma_wait3A_567, %dma_wait3A_582, %dma_wait3A_583] : memref<2x4x128x64xf32, #tpu.memory_space<vmem>> -> memref<1x1x128x64xf32, #tpu.memory_space<vmem>>
    %dma_wait3A_585 = tpu.memref_squeeze %dma_wait3A_584 : memref<1x1x128x64xf32, #tpu.memory_space<vmem>> -> memref<128x64xf32, #tpu.memory_space<vmem>>
    tpu.wait_dma2 semaphore(%dma_wait3A_578 : memref<!tpu.dma_semaphore, #tpu.memory_space<semaphore_mem>>) src(%dma_wait3A_585 : memref<128x64xf32, #tpu.memory_space<vmem>>) dst(%dma_wait3A_581 : memref<128x64xf32, #tpu.memory_space<hbm>>)
    %dma_wait3A_586 = arith.constant 1 : i32
    %dma_wait3A_587 = arith.constant 3 : i32
    %dma_wait3A_588 = arith.constant 1 : i32
    %dma_wait3A_589 = arith.constant 3 : i32
    %dma_wait3A_590 = arith.constant 0 : i32
    %dma_wait3A_591 = arith.constant 0 : i32
    %dma_wait3A_592 = tpu.memref_slice %arg6[%dma_wait3A_586, %dma_wait3A_587, %dma_wait3A_590, %dma_wait3A_591] : memref<2x4x128x64xf32, #tpu.memory_space<vmem>> -> memref<1x1x128x64xf32, #tpu.memory_space<vmem>>
    %dma_wait3A_593 = tpu.memref_squeeze %dma_wait3A_592 : memref<1x1x128x64xf32, #tpu.memory_space<vmem>> -> memref<128x64xf32, #tpu.memory_space<vmem>>
    %dma_wait3A_594 = arith.constant 0 : i32
    %dma_wait3A_595 = arith.constant 0 : i32
    %dma_wait3A_596 = tpu.memref_slice %arg4[%dma_wait3A_594, %dma_wait3A_595] : memref<819200x64xf32, #tpu.memory_space<hbm>> -> memref<128x64xf32, #tpu.memory_space<hbm>>
    %dma_wait3A_597 = tpu.memref_slice %arg8[%dma_wait3A_588, %dma_wait3A_589] : memref<2x4x!tpu.dma_semaphore, #tpu.memory_space<semaphore_mem>> -> memref<1x1x!tpu.dma_semaphore, #tpu.memory_space<semaphore_mem>>
    %dma_wait3A_598 = tpu.memref_squeeze %dma_wait3A_597 : memref<1x1x!tpu.dma_semaphore, #tpu.memory_space<semaphore_mem>> -> memref<!tpu.dma_semaphore, #tpu.memory_space<semaphore_mem>>
    %dma_wait3A_599 = arith.constant 0 : i32
    %dma_wait3A_600 = arith.constant 0 : i32
    %dma_wait3A_601 = tpu.memref_slice %arg4[%dma_wait3A_599, %dma_wait3A_600] : memref<819200x64xf32, #tpu.memory_space<hbm>> -> memref<128x64xf32, #tpu.memory_space<hbm>>
    %dma_wait3A_602 = arith.constant 0 : i32
    %dma_wait3A_603 = arith.constant 0 : i32
    %dma_wait3A_604 = tpu.memref_slice %arg6[%dma_wait3A_586, %dma_wait3A_587, %dma_wait3A_602, %dma_wait3A_603] : memref<2x4x128x64xf32, #tpu.memory_space<vmem>> -> memref<1x1x128x64xf32, #tpu.memory_space<vmem>>
    %dma_wait3A_605 = tpu.memref_squeeze %dma_wait3A_604 : memref<1x1x128x64xf32, #tpu.memory_space<vmem>> -> memref<128x64xf32, #tpu.memory_space<vmem>>
    tpu.wait_dma2 semaphore(%dma_wait3A_598 : memref<!tpu.dma_semaphore, #tpu.memory_space<semaphore_mem>>) src(%dma_wait3A_605 : memref<128x64xf32, #tpu.memory_space<vmem>>) dst(%dma_wait3A_601 : memref<128x64xf32, #tpu.memory_space<hbm>>)
    return
  }
}

</mosaic_0001>

<sc_bundles>
// kernel: kernel.3.cloned.1.call-start
scs
__scs_entry_jumppad:
0x0: {  	(pc) =	sbr.rel $0x88, $3  }
0x1: {  	(tag) =	ssettag $0x0;
	lr =	simm.s32 $0x1  }
0x2: {  	[smem:$0x3F9F] =	sst lr;
	_ =	strace $0xD0000000  }
0x3: {  	_ = 	snop  }
0x4: {  	_ = 	snop  }
0x5: {  	_ = 	snop  }
0x6: {  	_ = 	snop  }
0x7: {  	_ = 	snop  }
__scs_overlays_trampoline_lowered:
0x8: {  	[smem:$0x3FAE] =	sst s0  }
0x9: {  	[smem:$0x3FAF] =	sst s1  }
0xa: {  	[smem:$0x3FB0] =	sst s2  }
0xb: {  	[smem:$0x3FB1] =	sst s3  }
0xc: {  	[smem:$0x3FB2] =	sst s4  }
0xd: {  	[smem:$0x3FB3] =	sst s5  }
0xe: {  	[smem:$0x3FB4] =	sst s6  }
0xf: {  	[smem:$0x3FB5] =	sst s7  }
0x10: {  	[smem:$0x3FB6] =	sst s8  }
0x11: {  	[smem:$0x3FB7] =	sst s9;
	s0 =	simm.s32 @!p0 $0x0  }
0x12: {  	s1 =	sld [smem:$0x3F9D];
	s0 =	simm.s32 @p0 $0x1  }
0x13: {  	[smem:$0x3FB8] =	sst s0;
	s0 =	simm.s32 @!p1 $0x0  }
0x14: {  	s2 =	sld [smem:$0x3F9C];
	s0 =	simm.s32 @p1 $0x1  }
0x15: {  	[smem:$0x3FB9] =	sst s0;
	s0 =	simm.s32 @!p2 $0x0  }
0x16: {  	s3 =	sld [smem:$0x3FDB];
	s0 =	simm.s32 @p2 $0x1  }
0x17: {  	s4 =	simm.s32 $0x1BF5;
	[smem:$0x3FBB] =	sst s0  }
0x18: {  	s0 =	sld [smem:$0x3F9E];
	_ =	swait.ge [sflag:s4], $0x0  }
0x19: {  	s7 =	sld [smem:$0x3F9F]  }
0x1a: {  	s8 =	sadd.s32 $0xFFFFE003, lr  }
0x1b: {  	s9 =	sadd.s32 $0xFFFFFEF7, lr;
	s5 =	simm.s32 $0xFFFFFFFF;
	p2 =	slt.u32 s8, $0xFFFFF086  }
0x1c: {  	p1 =	slt.u32 s9, $0xF7A;
	s5 =	simm.s32 @!p2 $0x0  }
0x1d: {  	s5 =	simm.s32 @p1 $0x1;
	p0 =	seq.s32 s7, s2  }
0x1e: {  	s7 =	smul.u32 @!p0 $0xF7A, s2;
	p2 =	seq.s32 @!p0 s5, $0x0  }
0x1f: {  	s9 =	smul.u32 $0xF7A, s1;
	s8 =	simm.s32 @!p0 $0x1BF5;
	p2 =	por !p2, p0  }
0x20: {  	[sflag:s8] =	ssyncset.s32 @!p0 $0xFFFFF086;
	s6 =	sadd.s32 @!p0 s3, s7;
	s7 =	simm.s32 @!p0 $0x108  }
0x21: {  	s3 =	sadd.s32 s3, s9;
	s6 =	sadd.s32 @!p0 $0x88, s6;
	s7 =	simm.s32 @p2 $0x1082  }
0x22: {  	[simem:s7], [sflag:s8] =	dma.local @!p0 [hbm:s6], $0xF7A  }
0x23: {  	s9 =	sor.u32 $0xD0000000, s2;
	s6 =	simm.s32 $0x108;
	_ =	swait.ge @!p0 [sflag:s8], $0x0  }
0x24: {  	s3 =	sadd.s32 $0x88, s3;
	s6 =	simm.s32 @!p1 $0x1082;
	[sflag:s4] =	ssyncset.s32 $0xFFFFF086  }
0x25: {  	[simem:s6], [sflag:s4] =	dma.local [hbm:s3], $0xF7A  }
0x26: {  	[smem:$0x3F9F] =	sst s1;
	(tag) =	ssettag s2;
	_ =	strace s9  }
0x27: {  	s1 =	sld [smem:$0x3FAF]  }
0x28: {  	s2 =	sld [smem:$0x3FB0]  }
0x29: {  	s4 =	sld [smem:$0x3FB2]  }
0x2a: {  	p0 =	seq.s32 s5, $0x0;
	s5 =	sld [smem:$0x3FB3]  }
0x2b: {  	s6 =	sld [smem:$0x3FB4]  }
0x2c: {  	s7 =	sld [smem:$0x3FB5]  }
0x2d: {  	s3 =	simm.s32 $0x108;
	s8 =	sld [smem:$0x3FB6]  }
0x2e: {  	s3 =	simm.s32 @!p0 $0x1082;
	s9 =	sld [smem:$0x3FB7]  }
0x2f: {  	lr =	sadd.s32 s0, s3;
	s0 =	sld [smem:$0x3FAE]  }
0x30: {  	s3 =	sld [smem:$0x3FB1]  }
0x31: {  	[smem:$0x3FBA] =	sst s10  }
0x32: {  	s10 =	sld [smem:$0x3FB8];
	_ =	sdelay $0x3  }
0x33: {  	p0 =	seq.s32 s10, $0x1;
	s10 =	sld [smem:$0x3FBA];
	_ =	sdelay $0x3  }
0x34: {  	[smem:$0x3FBA] =	sst s10  }
0x35: {  	s10 =	sld [smem:$0x3FB9];
	_ =	sdelay $0x3  }
0x36: {  	p1 =	seq.s32 s10, $0x1;
	s10 =	sld [smem:$0x3FBA];
	_ =	sdelay $0x3  }
0x37: {  	[smem:$0x3FBA] =	sst s10  }
0x38: {  	s10 =	sld [smem:$0x3FBB]  }
0x39: {  	_ = 	snop;
	(pc) =	sbr.ind lr, $3  }
0x3a: {  	_ = 	snop  }
0x3b: {  	_ = 	snop  }
0x3c: {  	p2 =	seq.s32 s10, $0x1;
	s10 =	sld [smem:$0x3FBA]  }
0x3d: {  	_ =	shalt  }
0x3e: {  	_ =	shalt  }
0x3f: {  	_ =	shalt  }
0x40: {  	_ =	shalt  }
0x41: {  	_ =	shalt  }
0x42: {  	_ =	shalt  }
0x43: {  	_ =	shalt  }
0x44: {  	_ =	shalt  }
0x45: {  	_ =	shalt  }
0x46: {  	_ =	shalt  }
0x47: {  	_ =	shalt  }
0x48: {  	_ =	shalt  }
0x49: {  	_ =	shalt  }
0x4a: {  	_ =	shalt  }
0x4b: {  	_ =	shalt  }
0x4c: {  	_ =	shalt  }
0x4d: {  	_ =	shalt  }
0x4e: {  	_ =	shalt  }
0x4f: {  	_ =	shalt  }
0x50: {  	_ =	shalt  }
0x51: {  	_ =	shalt  }
0x52: {  	_ =	shalt  }
0x53: {  	_ =	shalt  }
0x54: {  	_ =	shalt  }
0x55: {  	_ =	shalt  }
0x56: {  	_ =	shalt  }
0x57: {  	_ =	shalt  }
0x58: {  	_ =	shalt  }
0x59: {  	_ =	shalt  }
0x5a: {  	_ =	shalt  }
0x5b: {  	_ =	shalt  }
0x5c: {  	_ =	shalt  }
0x5d: {  	_ =	shalt  }
0x5e: {  	_ =	shalt  }
0x5f: {  	_ =	shalt  }
0x60: {  	_ =	shalt  }
0x61: {  	_ =	shalt  }
0x62: {  	_ =	shalt  }
0x63: {  	_ =	shalt  }
0x64: {  	_ =	shalt  }
0x65: {  	_ =	shalt  }
0x66: {  	_ =	shalt  }
0x67: {  	_ =	shalt  }
0x68: {  	_ =	shalt  }
0x69: {  	_ =	shalt  }
0x6a: {  	_ =	shalt  }
0x6b: {  	_ =	shalt  }
0x6c: {  	_ =	shalt  }
0x6d: {  	_ =	shalt  }
0x6e: {  	_ =	shalt  }
0x6f: {  	_ =	shalt  }
0x70: {  	_ =	shalt  }
0x71: {  	_ =	shalt  }
0x72: {  	_ =	shalt  }
0x73: {  	_ =	shalt  }
0x74: {  	_ =	shalt  }
0x75: {  	_ =	shalt  }
0x76: {  	_ =	shalt  }
0x77: {  	_ =	shalt  }
0x78: {  	_ =	shalt  }
0x79: {  	_ =	shalt  }
0x7a: {  	_ =	shalt  }
0x7b: {  	_ =	shalt  }
0x7c: {  	_ =	shalt  }
0x7d: {  	_ =	shalt  }
0x7e: {  	_ =	shalt  }
0x7f: {  	_ =	shalt  }
0x80: {  	_ =	shalt  }
0x81: {  	_ =	shalt  }
0x82: {  	_ =	shalt  }
0x83: {  	_ =	shalt  }
0x84: {  	_ =	shalt  }
0x85: {  	_ =	shalt  }
0x86: {  	_ =	shalt  }
0x87: {  	_ =	shalt  }
.Lfunc_end0:
.L_simem_size_0:
called_computation.1_lowered:
.L_overlay_start_0:
0x88: {  	s2 =	sld [smem:$0x3FD9]  }
0x89: {  	s3 =	sld [smem:$0x3FFE];
	_ =	sdelay $0x1  }
0x8a: {  	s1 =	srdreg.scid  }
0x8b: {  	s0 =	sand.u32 $0x1, s1  }
0x8c: {  	s17 =	sshll.u32 s0, $0xA;
	s2 =	sadd.s32 s3, s2  }
0x8d: {  	s2 =	sadd.s32 s2, s17  }
0x8e: {  	[smem:$0x3FC6] =	sst s2  }
0x8f: {  	_ = 	snop  }
0x90: {  	s2 =	sld [smem:$0x3FD0];
	(tm) =	ssettm $0x1  }
0x91: {  	s18 =	sld [smem:$0x3FFB];
	_ =	sdelay $0x3  }
0x92: {  	_ =	strace s18  }
0x93: {  	s3 =	sld [smem:$0x3FFC];
	_ =	sdelay $0x3  }
0x94: {  	_ =	strace s3  }
0x95: {  	s3 =	sld [smem:$0x3FFD];
	_ =	sdelay $0x3  }
0x96: {  	_ =	strace s3  }
0x97: {  	_ =	strace $0x8FFFFFFF  }
0x98: {  	s19 =	sld [smem:$0x3FDB];
	_ =	sdelay $0x1  }
0x99: {  	s4 =	simm.s32 $_scs_section_size  }
0x9a: {  	s5 =	simm.s32 $_size__tile_overlayer_lowered;
	s6 =	simm.s32 $_tile_overlayer_lowered  }
0x9b: {  	s22 =	simm.s32 $0x1BFF;
	s21 =	sshll.u32 s6, $0x1;
	s3 =	sadd.s32 s4, s19  }
0x9c: {  	s7 =	simm.s32 $0x0;
	s20 =	sshll.u32 s5, $0x1;
	s5 =	sadd.s32 s21, s3  }
0x9d: {  	[timem:s7], [sflag:s22] =	dma.local [hbm:s5], s20  }
0x9e: {  	_ =	swait.ge [sflag:s22], s20  }
0x9f: {  	s4 =	ssub.s32 $0x0, s20;
	[sflag:s22] =	ssyncset.done $0x0  }
0xa0: {  	[sflag:s22] =	ssyncadd.s32 s4;
	_ =	sdelay $0x1  }
0xa1: {  	s23 =	simm.s32 $0x1B8B  }
0xa2: {  	_ =	swait.ge [sflag:s23], $0x1  }
0xa3: {  	[sflag:s23] =	ssyncset.done $0x0  }
0xa4: {  	s25 =	simm.s32 $0x1B8E;
	s24 =	sld [smem:$0x3FFE];
	[sflag:s23] =	ssyncadd.s32 $0xFFFFFFFF  }
0xa5: {  	s26 =	simm.s32 $execute0_lowered;
	[smem:$0x3FD2] =	sst s25  }
0xa6: {  	s5 =	sshll.u32 s26, $0x1;
	_ =	strace $0x80000046;
	[dreg:$0x1] =	wrdreg $0xFFFFFFFF  }
0xa7: {  	s28 =	simm.s32 $_size_execute0_lowered;
	s3 =	sadd.s32 s3, s5;
	[dreg:$0x0] =	wrdreg $0x0  }
0xa8: {  	s5 =	sshll.u32 s28, $0x1;
	[dreg:$0x2] =	wrdreg s3  }
0xa9: {  	[dreg:$0x3] =	wrdreg s5  }
0xaa: {  	[dreg:$0x4] =	wrdreg $0xC0  }
0xab: {  	_ =	task [dreg:s7], $0x5FFFF  }
0xac: {  	[dreg:$0x1] =	wrdreg $0xFFFFFFFF  }
0xad: {  	[dreg:$0x0] =	wrdreg $0x60  }
0xae: {  	[dreg:$0x2] =	wrdreg s24  }
0xaf: {  	[dreg:$0x3] =	wrdreg s2  }
0xb0: {  	[dreg:$0x4] =	wrdreg $0x9  }
0xb1: {  	_ =	task.clear_ibuf [dreg:s7], $0x5FFFF;
	_ =	strace $0x90000046  }
0xb2: {  	s29 =	simm.s32 $0x9;
	_ =	strace $0x80000048  }
0xb3: {  	_ =	swait.ge [sflag:s29], $0x1  }
0xb4: {  	[sflag:s29] =	ssyncadd.s32 $0xFFFFFFFF  }
0xb5: {  	_ =	strace $0x90000048  }
0xb6: {  	_ =	sfence  }
0xb7: {  	s30 =	sld [smem:$0x0];
	_ =	sdelay $0x2  }
0xb8: {  	s31 =	sshll.u32 s1, $0xD;
	s1 =	sshrl.u32 s1, $0x2  }
0xb9: {  	s3 =	sand.u32 $0x4000, s31;
	s1 =	sadd.s32 s1, s30  }
0xba: {  	s0 =	sor.u32 s3, s0;
	s1 =	sshll.u32 s1, $0x11  }
0xbb: {  	s0 =	sor.u32 s1, s0  }
0xbc: {  	s0 =	sadd.s32 $0x8F2B, s0  }
0xbd: {  	[sflag:s0] =	ssyncadd.remote.s32 $0x1  }
0xbe: {  	_ =	sfence.sel $0xFFFF  }
0xbf: {  	[dreg:$0x0] =	wrdreg $0xFFFFFFFF;
	(pc) =	sbr.abs _section_cstart, $3  }
0xc0: {  	[dreg:$0x1] =	wrdreg $0xFFFFFFFF  }
0xc1: {  	_ =	task.clear_ibuf [dreg:s7], $0x2FFFF;
	_ =	strace $0x9FFFFFFF  }
0xc2: {  	(tm) =	ssettm $0x7FFFFFFF  }
0xc3: {  	_ =	shalt  }
tec
execute0_lowered:
.L_overlay_start_1:
0x0: {  	(tag) =	ssettag $0x1  }
0x1: {  	s0 =	srdreg.scid;
	s1 =	rddreg [dreg:$0x0]  }
0x2: {  	s2 =	stileid.u32;
	s10 =	rddreg [dreg:$0x1]  }
0x3: {  	s3 =	simm.s32 $0x0;
	s29 =	simm.s32 $0x14400;
	s31 =	simm.s32 $0x1  }
0x4: {  	s12 =	simm.s32 $0xA;
	s13 =	simm.s32 $0xB;
	s14 =	simm.s32 $0xC  }
0x5: {  	s15 =	simm.s32 $0x5;
	s16 =	simm.s32 $0x6;
	s17 =	simm.s32 $0x7  }
0x6: {  	s18 =	simm.s32 $0x8;
	s0 =	sand.u32 $0x1, s0;
	s2 =	sshll.u32 s2, $0x1  }
0x7: {  	[smem:$0x7FF] =	sst s3;
	s5 =	sadd.s32 $0xF42E00, s1;
	s2 =	sor.u32 s0, s2  }
0x8: {  	s7 =	sadd.s32 $0x400, s10;
	s0 =	ssub.s32 $0x2, s0;
	s11 =	smul.u32 $0x6400, s2  }
0x9: {  	s8 =	sadd.s32 $0x800, s10;
	s6 =	sshrl.u32 s0, $0x1;
	s2 =	smul.u32 $0x190000, s2  }
0xa: {  	_ =	strace $0x80000047;
	s0 =	ssub.s32 s0, s6;
	s4 =	sshrl.u32 s11, $0x3  }
0xb: {  	s20 =	sshrl.u32 s2, $0x3;
	[dreg:$0x3] =	wrdreg s11;
	s21 =	sor.u32 $0x200, s11  }
0xc: {  	s0 =	smax.u32 s0, $0x1;
	s4 =	sadd.s32 s4, s1;
	[dreg:$0x5] =	wrdreg s21  }
0xd: {  	s1 =	sadd.s32 s10, s20;
	[dreg:$0xe] =	wrdreg s0;
	s19 =	sadd.s32 $0xA00, s4  }
0xe: {  	s9 =	sadd.s32 $0xC00, s10;
	s22 =	sadd.s32 $0x30000, s1;
	[dreg:$0x4] =	wrdreg s19  }
0xf: {  	s6 =	simm.s32 $0x4;
	s23 =	sadd.s32 $0x30400, s1;
	[dreg:$0x6] =	wrdreg s22  }
0x10: {  	s11 =	simm.s32 $0x9;
	s24 =	sadd.s32 $0x30800, s1;
	[dreg:$0x7] =	wrdreg s23  }
0x11: {  	s2 =	simm.s32 $0xF;
	s25 =	sadd.s32 $0x30C00, s1;
	[dreg:$0x8] =	wrdreg s24  }
0x12: {  	s21 =	simm.s32 $0x80;
	s26 =	sadd.s32 $0x31000, s1;
	[dreg:$0x9] =	wrdreg s25  }
0x13: {  	s0 =	simm.s32 $0x2;
	s28 =	sadd.s32 $0x31400, s1;
	[dreg:$0xa] =	wrdreg s26  }
0x14: {  	s20 =	simm.s32 $0xE;
	s30 =	sadd.s32 $0x31800, s1;
	[dreg:$0xb] =	wrdreg s28  }
0x15: {  	s1 =	sadd.s32 $0x31C00, s1;
	s4 =	simm.s32 $0x10;
	[dreg:$0xc] =	wrdreg s30  }
0x16: {  	[dreg:$0xd] =	wrdreg s1;
	s1 =	simm.s32 $0xC400;
	s24 =	simm.s32 $0x12400  }
0x17: {  	s26 =	simm.s32 $0x3;
	s19 =	simm.s32 $0xD;
	s22 =	simm.s32 $0x0  }
.LBB2_1:
0x18: {  	[dreg:$0xf] =	wrdreg s22  }
0x19: {  	s10 =	rddreg [dreg:$0x4];
	s30 =	simm.s32 $0x11  }
0x1a: {  	[tilespmem:s3], [sflag:$0x11] =	stream.linear.gather [hbm4b:s10+s3], $0x6400, $0x38;
	[tilespmem:$0x16400] =	vst v63  }
0x1b: {  	_ =	swait.ge [sflag:s30], $0x6400  }
0x1c: {  	[sflag:s30] =	ssyncset.done $0x0  }
0x1d: {  	s22 =	simm.s32 $0x6400;
	[sflag:s30] =	ssyncadd.s32 $0xFFFF9C00  }
0x1e: {  	[tilespmem:s22], [sflag:$0x1] =	stream.indirect.gather [hbm4b:s5+s21], $0x40, s3, s21, $0xb8;
	[tilespmem:$0x16400] =	vst v63  }
0x1f: {  	s23 =	simm.s32 $0x8400  }
0x20: {  	[tilespmem:s23], [sflag:$0x2] =	stream.indirect.gather [hbm4b:s5+s21], $0x40, s21, s21, $0xb8;
	[tilespmem:$0x16400] =	vst v63  }
0x21: {  	s25 =	simm.s32 $0x100;
	s28 =	simm.s32 $0xA400  }
0x22: {  	[tilespmem:s28], [sflag:$0x3] =	stream.indirect.gather [hbm4b:s5+s21], $0x40, s25, s21, $0xb8;
	[tilespmem:$0x16400] =	vst v63  }
0x23: {  	s30 =	simm.s32 $0x180  }
0x24: {  	[tilespmem:s1], [sflag:$0x4] =	stream.indirect.gather [hbm4b:s5+s21], $0x40, s30, s21, $0xb8;
	[tilespmem:$0x16400] =	vst v63  }
0x25: {  	s10 =	simm.s32 $0x200;
	s22 =	simm.s32 $0xE400  }
0x26: {  	[tilespmem:s22], [sflag:$0x5] =	stream.indirect.gather [hbm4b:s5+s21], $0x40, s10, s21, $0xb8;
	[tilespmem:$0x16400] =	vst v63  }
0x27: {  	s23 =	simm.s32 $0x280;
	s25 =	simm.s32 $0x10400  }
0x28: {  	[tilespmem:s25], [sflag:$0x6] =	stream.indirect.gather [hbm4b:s5+s21], $0x40, s23, s21, $0xb8;
	[tilespmem:$0x16400] =	vst v63  }
0x29: {  	s28 =	simm.s32 $0x300  }
0x2a: {  	[tilespmem:s24], [sflag:$0x7] =	stream.indirect.gather [hbm4b:s5+s21], $0x40, s28, s21, $0xb8;
	[tilespmem:$0x16400] =	vst v63  }
0x2b: {  	s30 =	simm.s32 $0x380;
	s10 =	simm.s32 $0x0  }
0x2c: {  	[tilespmem:s29], [sflag:$0x8] =	stream.indirect.gather [hbm4b:s5+s21], $0x40, s30, s21, $0xb8;
	[tilespmem:$0x16400] =	vst v63  }
.LBB2_2:
0x2d: {  	_ =	swait.ge [sflag:s31], $0x2000  }
0x2e: {  	[sflag:s31] =	ssyncset.done $0x0  }
0x2f: {  	s25 =	simm.s32 $0x6500;
	[sflag:s31] =	ssyncadd.s32 $0xFFFFE000  }
0x30: {  	v0 =	vld [tilespmem:s25+$0xF0]  }
0x31: {  	v1 =	vld [tilespmem:s25+$0xFFFFFF10]  }
0x32: {  	v2 =	vld [tilespmem:s25+$0xFFFFFF20]  }
0x33: {  	v3 =	vld [tilespmem:s25+$0xFFFFFF30]  }
0x34: {  	v4 =	vld [tilespmem:s25+$0xFFFFFF40]  }
0x35: {  	v5 =	vld [tilespmem:s25+$0xFFFFFF50];
	v0 =	vmul.f32 $8.000000000e+00, v0  }
0x36: {  	v6 =	vld [tilespmem:s25+$0xFFFFFF60];
	v1 =	vmul.f32 $8.000000000e+00, v1  }
0x37: {  	v7 =	vld [tilespmem:s25+$0xFFFFFF70];
	v2 =	vmul.f32 $8.000000000e+00, v2;
	[tilespmem:s25+$0xF0] =	vst v0  }
0x38: {  	[tilespmem:s25+$0xFFFFFF10] =	vst v1;
	v0 =	vmul.f32 $8.000000000e+00, v3;
	v1 =	vld [tilespmem:s25+$0xFFFFFF80]  }
0x39: {  	[tilespmem:s25+$0xFFFFFF20] =	vst v2;
	v2 =	vmul.f32 $8.000000000e+00, v4;
	v3 =	vld [tilespmem:s25+$0xFFFFFF90]  }
0x3a: {  	v4 =	vld [tilespmem:s25+$0xFFFFFFA0];
	[tilespmem:s25+$0xFFFFFF30] =	vst v0;
	v0 =	vmul.f32 $8.000000000e+00, v5  }
0x3b: {  	[tilespmem:s25+$0xFFFFFF40] =	vst v2;
	v2 =	vmul.f32 $8.000000000e+00, v6;
	v5 =	vld [tilespmem:s25+$0xFFFFFFB0]  }
0x3c: {  	v6 =	vld [tilespmem:s25+$0xFFFFFFC0];
	[tilespmem:s25+$0xFFFFFF50] =	vst v0;
	v0 =	vmul.f32 $8.000000000e+00, v7  }
0x3d: {  	[tilespmem:s25+$0xFFFFFF60] =	vst v2;
	v2 =	vld [tilespmem:s25+$0xFFFFFFD0];
	v1 =	vmul.f32 $8.000000000e+00, v1  }
0x3e: {  	[tilespmem:s25+$0xFFFFFF70] =	vst v0;
	v0 =	vmul.f32 $8.000000000e+00, v3;
	v3 =	vld [tilespmem:s25+$0xFFFFFFE0]  }
0x3f: {  	[tilespmem:s25+$0xFFFFFF80] =	vst v1;
	v1 =	vmul.f32 $8.000000000e+00, v4;
	v4 =	vld [tilespmem:s25+$0xFFFFFFF0]  }
0x40: {  	[tilespmem:s25+$0xFFFFFF90] =	vst v0;
	v0 =	vmul.f32 $8.000000000e+00, v5;
	v5 =	vld [tilespmem:s25+$0x0]  }
0x41: {  	[tilespmem:s25+$0xFFFFFFA0] =	vst v1;
	v1 =	vmul.f32 $8.000000000e+00, v6;
	v6 =	vld [tilespmem:s25+$0x10]  }
0x42: {  	[tilespmem:s25+$0xFFFFFFB0] =	vst v0;
	v0 =	vmul.f32 $8.000000000e+00, v2;
	v2 =	vld [tilespmem:s25+$0x20]  }
0x43: {  	[tilespmem:s25+$0xFFFFFFC0] =	vst v1;
	v1 =	vmul.f32 $8.000000000e+00, v3;
	v3 =	vld [tilespmem:s25+$0x30]  }
0x44: {  	[tilespmem:s25+$0xFFFFFFD0] =	vst v0;
	v0 =	vmul.f32 $8.000000000e+00, v4;
	v4 =	vld [tilespmem:s25+$0x40]  }
0x45: {  	[tilespmem:s25+$0xFFFFFFE0] =	vst v1;
	v1 =	vmul.f32 $8.000000000e+00, v5;
	v5 =	vld [tilespmem:s25+$0x50]  }
0x46: {  	[tilespmem:s25+$0xFFFFFFF0] =	vst v0;
	v0 =	vmul.f32 $8.000000000e+00, v6;
	v6 =	vld [tilespmem:s25+$0x60]  }
0x47: {  	[tilespmem:s25+$0x0] =	vst v1;
	v1 =	vmul.f32 $8.000000000e+00, v2;
	v2 =	vld [tilespmem:s25+$0x70]  }
0x48: {  	[tilespmem:s25+$0x10] =	vst v0;
	v0 =	vmul.f32 $8.000000000e+00, v3;
	v3 =	vld [tilespmem:s25+$0x80]  }
0x49: {  	[tilespmem:s25+$0x20] =	vst v1;
	v1 =	vmul.f32 $8.000000000e+00, v4;
	v4 =	vld [tilespmem:s25+$0x90]  }
0x4a: {  	v7 =	vld [tilespmem:s25+$0xA0];
	[tilespmem:s25+$0x30] =	vst v0;
	v5 =	vmul.f32 $8.000000000e+00, v5  }
0x4b: {  	v0 =	vld [tilespmem:s25+$0xB0];
	[tilespmem:s25+$0x40] =	vst v1;
	v6 =	vmul.f32 $8.000000000e+00, v6  }
0x4c: {  	v1 =	vld [tilespmem:s25+$0xC0];
	[tilespmem:s25+$0x50] =	vst v5;
	v5 =	vmul.f32 $8.000000000e+00, v2  }
0x4d: {  	v2 =	vld [tilespmem:s25+$0xD0];
	[tilespmem:s25+$0x60] =	vst v6;
	v6 =	vmul.f32 $8.000000000e+00, v3  }
0x4e: {  	v3 =	vld [tilespmem:s25+$0xE0];
	[tilespmem:s25+$0x70] =	vst v5;
	v5 =	vmul.f32 $8.000000000e+00, v4  }
0x4f: {  	s22 =	simm.s32 $0x0;
	s23 =	simm.s32 $0x6700;
	v4 =	vld [tilespmem:s25+$0xFFFFFF00];
	[tilespmem:s25+$0x80] =	vst v6;
	v6 =	vmul.f32 $8.000000000e+00, v7  }
.LBB2_3:
0x50: {  	v7 =	vld [tilespmem:s23+$0xF0];
	s22 =	sadd.s32 $0x8, s22;
	[tilespmem:s25+$0x90] =	vst v5;
	v0 =	vmul.f32 $8.000000000e+00, v0  }
0x51: {  	v5 =	vld [tilespmem:s23+$0xFFFFFF10];
	p0 =	slt.u32 s22, $0x78;
	[tilespmem:s25+$0xA0] =	vst v6;
	v1 =	vmul.f32 $8.000000000e+00, v1  }
0x52: {  	v6 =	vld [tilespmem:s23+$0xFFFFFF20];
	[tilespmem:s25+$0xB0] =	vst v0;
	v0 =	vmul.f32 $8.000000000e+00, v2  }
0x53: {  	v2 =	vld [tilespmem:s23+$0xFFFFFF30];
	[tilespmem:s25+$0xC0] =	vst v1;
	v1 =	vmul.f32 $8.000000000e+00, v3  }
0x54: {  	v3 =	vld [tilespmem:s23+$0xFFFFFF40];
	v4 =	vmul.f32 $8.000000000e+00, v4;
	[tilespmem:s25+$0xD0] =	vst v0  }
0x55: {  	v0 =	vld [tilespmem:s23+$0xFFFFFF50];
	v7 =	vmul.f32 $8.000000000e+00, v7;
	[tilespmem:s25+$0xE0] =	vst v1  }
0x56: {  	v1 =	vmul.f32 $8.000000000e+00, v5;
	v5 =	vld [tilespmem:s23+$0xFFFFFF60];
	[tilespmem:s25+$0xFFFFFF00] =	vst v4;
	s25 =	smov.u32 s23  }
0x57: {  	v4 =	vmul.f32 $8.000000000e+00, v6;
	v6 =	vld [tilespmem:s23+$0xFFFFFF70];
	[tilespmem:s23+$0xF0] =	vst v7  }
0x58: {  	[tilespmem:s23+$0xFFFFFF10] =	vst v1;
	v1 =	vmul.f32 $8.000000000e+00, v2;
	v2 =	vld [tilespmem:s23+$0xFFFFFF80]  }
0x59: {  	[tilespmem:s23+$0xFFFFFF20] =	vst v4;
	v3 =	vmul.f32 $8.000000000e+00, v3;
	v4 =	vld [tilespmem:s23+$0xFFFFFF90]  }
0x5a: {  	[tilespmem:s23+$0xFFFFFF30] =	vst v1;
	v0 =	vmul.f32 $8.000000000e+00, v0;
	v1 =	vld [tilespmem:s23+$0xFFFFFFA0]  }
0x5b: {  	[tilespmem:s23+$0xFFFFFF40] =	vst v3;
	v3 =	vmul.f32 $8.000000000e+00, v5;
	v5 =	vld [tilespmem:s23+$0xFFFFFFB0]  }
0x5c: {  	[tilespmem:s23+$0xFFFFFF50] =	vst v0;
	v0 =	vmul.f32 $8.000000000e+00, v6;
	v6 =	vld [tilespmem:s23+$0xFFFFFFC0]  }
0x5d: {  	[tilespmem:s23+$0xFFFFFF60] =	vst v3;
	v2 =	vmul.f32 $8.000000000e+00, v2;
	v3 =	vld [tilespmem:s23+$0xFFFFFFD0]  }
0x5e: {  	[tilespmem:s23+$0xFFFFFF70] =	vst v0;
	v0 =	vmul.f32 $8.000000000e+00, v4;
	v4 =	vld [tilespmem:s23+$0xFFFFFFE0]  }
0x5f: {  	[tilespmem:s23+$0xFFFFFF80] =	vst v2;
	v1 =	vmul.f32 $8.000000000e+00, v1;
	v2 =	vld [tilespmem:s23+$0xFFFFFFF0]  }
0x60: {  	[tilespmem:s23+$0xFFFFFF90] =	vst v0;
	v0 =	vmul.f32 $8.000000000e+00, v5;
	v5 =	vld [tilespmem:s23+$0x0]  }
0x61: {  	[tilespmem:s23+$0xFFFFFFA0] =	vst v1;
	v1 =	vmul.f32 $8.000000000e+00, v6;
	v6 =	vld [tilespmem:s23+$0x10]  }
0x62: {  	[tilespmem:s23+$0xFFFFFFB0] =	vst v0;
	v0 =	vmul.f32 $8.000000000e+00, v3;
	v3 =	vld [tilespmem:s23+$0x20]  }
0x63: {  	[tilespmem:s23+$0xFFFFFFC0] =	vst v1;
	v1 =	vmul.f32 $8.000000000e+00, v4;
	v4 =	vld [tilespmem:s23+$0x30]  }
0x64: {  	[tilespmem:s23+$0xFFFFFFD0] =	vst v0;
	v0 =	vmul.f32 $8.000000000e+00, v2;
	v2 =	vld [tilespmem:s23+$0x40]  }
0x65: {  	[tilespmem:s23+$0xFFFFFFE0] =	vst v1;
	v1 =	vmul.f32 $8.000000000e+00, v5;
	v5 =	vld [tilespmem:s23+$0x50]  }
0x66: {  	[tilespmem:s23+$0xFFFFFFF0] =	vst v0;
	v0 =	vmul.f32 $8.000000000e+00, v6;
	v6 =	vld [tilespmem:s23+$0x60]  }
0x67: {  	[tilespmem:s23+$0x0] =	vst v1;
	v1 =	vmul.f32 $8.000000000e+00, v3;
	v3 =	vld [tilespmem:s23+$0x70]  }
0x68: {  	[tilespmem:s23+$0x10] =	vst v0;
	v0 =	vmul.f32 $8.000000000e+00, v4;
	v4 =	vld [tilespmem:s23+$0x80]  }
0x69: {  	[tilespmem:s23+$0x20] =	vst v1;
	v1 =	vmul.f32 $8.000000000e+00, v2;
	v7 =	vld [tilespmem:s23+$0x90]  }
0x6a: {  	[tilespmem:s23+$0x30] =	vst v0;
	v2 =	vmul.f32 $8.000000000e+00, v5;
	v8 =	vld [tilespmem:s23+$0xA0]  }
.Ltmp0:
0x6b: {  	[tilespmem:s23+$0x40] =	vst v1;
	v5 =	vmul.f32 $8.000000000e+00, v6;
	v0 =	vld [tilespmem:s23+$0xB0];
	(pc) =	sbr.rel @p0 .LBB2_3-.Ltmp0, $4  }
0x6c: {  	[tilespmem:s23+$0x50] =	vst v2;
	v3 =	vmul.f32 $8.000000000e+00, v3;
	v1 =	vld [tilespmem:s23+$0xC0]  }
0x6d: {  	[tilespmem:s23+$0x60] =	vst v5;
	v6 =	vmul.f32 $8.000000000e+00, v4;
	v2 =	vld [tilespmem:s23+$0xD0]  }
0x6e: {  	[tilespmem:s23+$0x70] =	vst v3;
	v5 =	vmul.f32 $8.000000000e+00, v7;
	v3 =	vld [tilespmem:s23+$0xE0]  }
0x6f: {  	s23 =	sadd.s32 $0x200, s23;
	v4 =	vld [tilespmem:s25+$0xFFFFFF00];
	[tilespmem:s25+$0x80] =	vst v6;
	v6 =	vmul.f32 $8.000000000e+00, v8  }
0x70: {  	[tilespmem:s25+$0x90] =	vst v5;
	v0 =	vmul.f32 $8.000000000e+00, v0  }
0x71: {  	[tilespmem:s25+$0xA0] =	vst v6;
	v1 =	vmul.f32 $8.000000000e+00, v1  }
0x72: {  	[tilespmem:s25+$0xB0] =	vst v0;
	v0 =	vmul.f32 $8.000000000e+00, v2  }
0x73: {  	[tilespmem:s25+$0xC0] =	vst v1  }
0x74: {  	[tilespmem:s25+$0xD0] =	vst v0  }
0x75: {  	s22 =	sshll.u32 s10, $0xA;
	v1 =	vmul.f32 $8.000000000e+00, v3;
	s23 =	rddreg [dreg:$0x3]  }
0x76: {  	v2 =	vmul.f32 $8.000000000e+00, v4;
	s23 =	sadd.s32 s23, s22  }
0x77: {  	s1 =	rddreg [dreg:$0x1];
	[tilespmem:s25+$0xE0] =	vst v1;
	s23 =	sshll.u32 s23, $0x3  }
0x78: {  	s28 =	simm.s32 $0x6400;
	[tilespmem:s25+$0xFFFFFF00] =	vst v2;
	s25 =	sadd.s32 s1, s23  }
0x79: {  	[hbm4b:s25+s3] =	stream.linear.scatter [tilespmem:s28], [sflag:$0x9], $0x2000, $0x38;
	[tilespmem:$0x16400] =	vst v63  }
0x7a: {  	_ =	swait.ge [sflag:s0], $0x2000  }
0x7b: {  	[sflag:s0] =	ssyncset.done $0x0  }
0x7c: {  	s25 =	simm.s32 $0x85F0;
	[sflag:s0] =	ssyncadd.s32 $0xFFFFE000  }
0x7d: {  	v0 =	vld [tilespmem:s25+$0x0]  }
0x7e: {  	v1 =	vld [tilespmem:s25+$0xFFFFFE20]  }
0x7f: {  	v2 =	vld [tilespmem:s25+$0xFFFFFE30]  }
0x80: {  	v3 =	vld [tilespmem:s25+$0xFFFFFE40]  }
0x81: {  	v4 =	vld [tilespmem:s25+$0xFFFFFE50]  }
0x82: {  	v5 =	vld [tilespmem:s25+$0xFFFFFE60];
	v0 =	vmul.f32 $8.000000000e+00, v0  }
0x83: {  	v6 =	vld [tilespmem:s25+$0xFFFFFE70];
	v1 =	vmul.f32 $8.000000000e+00, v1  }
0x84: {  	v7 =	vld [tilespmem:s25+$0xFFFFFE80];
	v2 =	vmul.f32 $8.000000000e+00, v2;
	[tilespmem:s25+$0x0] =	vst v0  }
0x85: {  	[tilespmem:s25+$0xFFFFFE20] =	vst v1;
	v0 =	vmul.f32 $8.000000000e+00, v3;
	v1 =	vld [tilespmem:s25+$0xFFFFFE90]  }
0x86: {  	[tilespmem:s25+$0xFFFFFE30] =	vst v2;
	v2 =	vmul.f32 $8.000000000e+00, v4;
	v3 =	vld [tilespmem:s25+$0xFFFFFEA0]  }
0x87: {  	v4 =	vld [tilespmem:s25+$0xFFFFFEB0];
	[tilespmem:s25+$0xFFFFFE40] =	vst v0;
	v0 =	vmul.f32 $8.000000000e+00, v5  }
0x88: {  	[tilespmem:s25+$0xFFFFFE50] =	vst v2;
	v2 =	vmul.f32 $8.000000000e+00, v6;
	v5 =	vld [tilespmem:s25+$0xFFFFFEC0]  }
0x89: {  	v6 =	vld [tilespmem:s25+$0xFFFFFED0];
	[tilespmem:s25+$0xFFFFFE60] =	vst v0;
	v0 =	vmul.f32 $8.000000000e+00, v7  }
0x8a: {  	[tilespmem:s25+$0xFFFFFE70] =	vst v2;
	v2 =	vld [tilespmem:s25+$0xFFFFFEE0];
	v1 =	vmul.f32 $8.000000000e+00, v1  }
0x8b: {  	[tilespmem:s25+$0xFFFFFE80] =	vst v0;
	v0 =	vmul.f32 $8.000000000e+00, v3;
	v3 =	vld [tilespmem:s25+$0xFFFFFEF0]  }
0x8c: {  	[tilespmem:s25+$0xFFFFFE90] =	vst v1;
	v1 =	vmul.f32 $8.000000000e+00, v4;
	v4 =	vld [tilespmem:s25+$0xFFFFFF00]  }
0x8d: {  	[tilespmem:s25+$0xFFFFFEA0] =	vst v0;
	v0 =	vmul.f32 $8.000000000e+00, v5;
	v5 =	vld [tilespmem:s25+$0xFFFFFF10]  }
0x8e: {  	[tilespmem:s25+$0xFFFFFEB0] =	vst v1;
	v1 =	vmul.f32 $8.000000000e+00, v6;
	v6 =	vld [tilespmem:s25+$0xFFFFFF20]  }
0x8f: {  	[tilespmem:s25+$0xFFFFFEC0] =	vst v0;
	v0 =	vmul.f32 $8.000000000e+00, v2;
	v2 =	vld [tilespmem:s25+$0xFFFFFF30]  }
0x90: {  	[tilespmem:s25+$0xFFFFFED0] =	vst v1;
	v1 =	vmul.f32 $8.000000000e+00, v3;
	v3 =	vld [tilespmem:s25+$0xFFFFFF40]  }
0x91: {  	[tilespmem:s25+$0xFFFFFEE0] =	vst v0;
	v0 =	vmul.f32 $8.000000000e+00, v4;
	v4 =	vld [tilespmem:s25+$0xFFFFFF50]  }
0x92: {  	[tilespmem:s25+$0xFFFFFEF0] =	vst v1;
	v1 =	vmul.f32 $8.000000000e+00, v5;
	v5 =	vld [tilespmem:s25+$0xFFFFFF60]  }
0x93: {  	[tilespmem:s25+$0xFFFFFF00] =	vst v0;
	v0 =	vmul.f32 $8.000000000e+00, v6;
	v6 =	vld [tilespmem:s25+$0xFFFFFF70]  }
0x94: {  	[tilespmem:s25+$0xFFFFFF10] =	vst v1;
	v1 =	vmul.f32 $8.000000000e+00, v2;
	v2 =	vld [tilespmem:s25+$0xFFFFFF80]  }
0x95: {  	[tilespmem:s25+$0xFFFFFF20] =	vst v0;
	v0 =	vmul.f32 $8.000000000e+00, v3;
	v3 =	vld [tilespmem:s25+$0xFFFFFF90]  }
0x96: {  	[tilespmem:s25+$0xFFFFFF30] =	vst v1;
	v1 =	vmul.f32 $8.000000000e+00, v4;
	v4 =	vld [tilespmem:s25+$0xFFFFFFA0]  }
0x97: {  	v7 =	vld [tilespmem:s25+$0xFFFFFFB0];
	[tilespmem:s25+$0xFFFFFF40] =	vst v0;
	v5 =	vmul.f32 $8.000000000e+00, v5  }
0x98: {  	v0 =	vld [tilespmem:s25+$0xFFFFFFC0];
	[tilespmem:s25+$0xFFFFFF50] =	vst v1;
	v6 =	vmul.f32 $8.000000000e+00, v6  }
0x99: {  	v1 =	vld [tilespmem:s25+$0xFFFFFFD0];
	[tilespmem:s25+$0xFFFFFF60] =	vst v5;
	v5 =	vmul.f32 $8.000000000e+00, v2  }
0x9a: {  	v2 =	vld [tilespmem:s25+$0xFFFFFFE0];
	[tilespmem:s25+$0xFFFFFF70] =	vst v6;
	v6 =	vmul.f32 $8.000000000e+00, v3  }
0x9b: {  	v3 =	vld [tilespmem:s25+$0xFFFFFFF0];
	[tilespmem:s25+$0xFFFFFF80] =	vst v5;
	v5 =	vmul.f32 $8.000000000e+00, v4  }
0x9c: {  	s30 =	simm.s32 $0x87F0;
	s28 =	simm.s32 $0x0;
	v4 =	vld [tilespmem:s25+$0xFFFFFE10];
	[tilespmem:s25+$0xFFFFFF90] =	vst v6;
	v6 =	vmul.f32 $8.000000000e+00, v7  }
.LBB2_5:
0x9d: {  	v7 =	vld [tilespmem:s30+$0x0];
	s28 =	sadd.s32 $0x8, s28;
	[tilespmem:s25+$0xFFFFFFA0] =	vst v5;
	v0 =	vmul.f32 $8.000000000e+00, v0  }
0x9e: {  	v5 =	vld [tilespmem:s30+$0xFFFFFE20];
	p0 =	slt.u32 s28, $0x78;
	[tilespmem:s25+$0xFFFFFFB0] =	vst v6;
	v1 =	vmul.f32 $8.000000000e+00, v1  }
0x9f: {  	v6 =	vld [tilespmem:s30+$0xFFFFFE30];
	[tilespmem:s25+$0xFFFFFFC0] =	vst v0;
	v0 =	vmul.f32 $8.000000000e+00, v2  }
0xa0: {  	v2 =	vld [tilespmem:s30+$0xFFFFFE40];
	[tilespmem:s25+$0xFFFFFFD0] =	vst v1;
	v1 =	vmul.f32 $8.000000000e+00, v3  }
0xa1: {  	v3 =	vld [tilespmem:s30+$0xFFFFFE50];
	v4 =	vmul.f32 $8.000000000e+00, v4;
	[tilespmem:s25+$0xFFFFFFE0] =	vst v0  }
0xa2: {  	v0 =	vld [tilespmem:s30+$0xFFFFFE60];
	v7 =	vmul.f32 $8.000000000e+00, v7;
	[tilespmem:s25+$0xFFFFFFF0] =	vst v1  }
0xa3: {  	v1 =	vmul.f32 $8.000000000e+00, v5;
	v5 =	vld [tilespmem:s30+$0xFFFFFE70];
	[tilespmem:s25+$0xFFFFFE10] =	vst v4;
	s25 =	smov.u32 s30  }
0xa4: {  	v4 =	vmul.f32 $8.000000000e+00, v6;
	v6 =	vld [tilespmem:s30+$0xFFFFFE80];
	[tilespmem:s30+$0x0] =	vst v7  }
0xa5: {  	[tilespmem:s30+$0xFFFFFE20] =	vst v1;
	v1 =	vmul.f32 $8.000000000e+00, v2;
	v2 =	vld [tilespmem:s30+$0xFFFFFE90]  }
0xa6: {  	[tilespmem:s30+$0xFFFFFE30] =	vst v4;
	v3 =	vmul.f32 $8.000000000e+00, v3;
	v4 =	vld [tilespmem:s30+$0xFFFFFEA0]  }
0xa7: {  	[tilespmem:s30+$0xFFFFFE40] =	vst v1;
	v0 =	vmul.f32 $8.000000000e+00, v0;
	v1 =	vld [tilespmem:s30+$0xFFFFFEB0]  }
0xa8: {  	[tilespmem:s30+$0xFFFFFE50] =	vst v3;
	v3 =	vmul.f32 $8.000000000e+00, v5;
	v5 =	vld [tilespmem:s30+$0xFFFFFEC0]  }
0xa9: {  	[tilespmem:s30+$0xFFFFFE60] =	vst v0;
	v0 =	vmul.f32 $8.000000000e+00, v6;
	v6 =	vld [tilespmem:s30+$0xFFFFFED0]  }
0xaa: {  	[tilespmem:s30+$0xFFFFFE70] =	vst v3;
	v2 =	vmul.f32 $8.000000000e+00, v2;
	v3 =	vld [tilespmem:s30+$0xFFFFFEE0]  }
0xab: {  	[tilespmem:s30+$0xFFFFFE80] =	vst v0;
	v0 =	vmul.f32 $8.000000000e+00, v4;
	v4 =	vld [tilespmem:s30+$0xFFFFFEF0]  }
0xac: {  	[tilespmem:s30+$0xFFFFFE90] =	vst v2;
	v1 =	vmul.f32 $8.000000000e+00, v1;
	v2 =	vld [tilespmem:s30+$0xFFFFFF00]  }
0xad: {  	[tilespmem:s30+$0xFFFFFEA0] =	vst v0;
	v0 =	vmul.f32 $8.000000000e+00, v5;
	v5 =	vld [tilespmem:s30+$0xFFFFFF10]  }
0xae: {  	[tilespmem:s30+$0xFFFFFEB0] =	vst v1;
	v1 =	vmul.f32 $8.000000000e+00, v6;
	v6 =	vld [tilespmem:s30+$0xFFFFFF20]  }
0xaf: {  	[tilespmem:s30+$0xFFFFFEC0] =	vst v0;
	v0 =	vmul.f32 $8.000000000e+00, v3;
	v3 =	vld [tilespmem:s30+$0xFFFFFF30]  }
0xb0: {  	[tilespmem:s30+$0xFFFFFED0] =	vst v1;
	v1 =	vmul.f32 $8.000000000e+00, v4;
	v4 =	vld [tilespmem:s30+$0xFFFFFF40]  }
0xb1: {  	[tilespmem:s30+$0xFFFFFEE0] =	vst v0;
	v0 =	vmul.f32 $8.000000000e+00, v2;
	v2 =	vld [tilespmem:s30+$0xFFFFFF50]  }
0xb2: {  	[tilespmem:s30+$0xFFFFFEF0] =	vst v1;
	v1 =	vmul.f32 $8.000000000e+00, v5;
	v5 =	vld [tilespmem:s30+$0xFFFFFF60]  }
0xb3: {  	[tilespmem:s30+$0xFFFFFF00] =	vst v0;
	v0 =	vmul.f32 $8.000000000e+00, v6;
	v6 =	vld [tilespmem:s30+$0xFFFFFF70]  }
0xb4: {  	[tilespmem:s30+$0xFFFFFF10] =	vst v1;
	v1 =	vmul.f32 $8.000000000e+00, v3;
	v3 =	vld [tilespmem:s30+$0xFFFFFF80]  }
0xb5: {  	[tilespmem:s30+$0xFFFFFF20] =	vst v0;
	v0 =	vmul.f32 $8.000000000e+00, v4;
	v4 =	vld [tilespmem:s30+$0xFFFFFF90]  }
0xb6: {  	[tilespmem:s30+$0xFFFFFF30] =	vst v1;
	v1 =	vmul.f32 $8.000000000e+00, v2;
	v7 =	vld [tilespmem:s30+$0xFFFFFFA0]  }
0xb7: {  	[tilespmem:s30+$0xFFFFFF40] =	vst v0;
	v2 =	vmul.f32 $8.000000000e+00, v5;
	v8 =	vld [tilespmem:s30+$0xFFFFFFB0]  }
.Ltmp1:
0xb8: {  	[tilespmem:s30+$0xFFFFFF50] =	vst v1;
	v5 =	vmul.f32 $8.000000000e+00, v6;
	v0 =	vld [tilespmem:s30+$0xFFFFFFC0];
	(pc) =	sbr.rel @p0 .LBB2_5-.Ltmp1, $4  }
0xb9: {  	[tilespmem:s30+$0xFFFFFF60] =	vst v2;
	v3 =	vmul.f32 $8.000000000e+00, v3;
	v1 =	vld [tilespmem:s30+$0xFFFFFFD0]  }
0xba: {  	[tilespmem:s30+$0xFFFFFF70] =	vst v5;
	v6 =	vmul.f32 $8.000000000e+00, v4;
	v2 =	vld [tilespmem:s30+$0xFFFFFFE0]  }
0xbb: {  	[tilespmem:s30+$0xFFFFFF80] =	vst v3;
	v5 =	vmul.f32 $8.000000000e+00, v7;
	v3 =	vld [tilespmem:s30+$0xFFFFFFF0]  }
0xbc: {  	s30 =	sadd.s32 $0x200, s30;
	v4 =	vld [tilespmem:s25+$0xFFFFFE10];
	[tilespmem:s25+$0xFFFFFF90] =	vst v6;
	v6 =	vmul.f32 $8.000000000e+00, v8  }
0xbd: {  	[tilespmem:s25+$0xFFFFFFA0] =	vst v5;
	v0 =	vmul.f32 $8.000000000e+00, v0  }
0xbe: {  	[tilespmem:s25+$0xFFFFFFB0] =	vst v6;
	v1 =	vmul.f32 $8.000000000e+00, v1  }
0xbf: {  	[tilespmem:s25+$0xFFFFFFC0] =	vst v0;
	v0 =	vmul.f32 $8.000000000e+00, v2  }
0xc0: {  	[tilespmem:s25+$0xFFFFFFD0] =	vst v1;
	v1 =	vmul.f32 $8.000000000e+00, v3  }
0xc1: {  	v2 =	vmul.f32 $8.000000000e+00, v4;
	[tilespmem:s25+$0xFFFFFFE0] =	vst v0  }
0xc2: {  	[tilespmem:s25+$0xFFFFFFF0] =	vst v1  }
0xc3: {  	s1 =	sadd.s32 s23, s7;
	s28 =	simm.s32 $0x8400;
	[tilespmem:s25+$0xFFFFFE10] =	vst v2  }
0xc4: {  	[hbm4b:s1+s3] =	stream.linear.scatter [tilespmem:s28], [sflag:$0xA], $0x2000, $0x38;
	[tilespmem:$0x16400] =	vst v63  }
0xc5: {  	_ =	swait.ge [sflag:s26], $0x2000  }
0xc6: {  	[sflag:s26] =	ssyncset.done $0x0  }
0xc7: {  	s25 =	simm.s32 $0xA400;
	[sflag:s26] =	ssyncadd.s32 $0xFFFFE000  }
0xc8: {  	v0 =	vld [tilespmem:s25+$0x1F0]  }
0xc9: {  	v1 =	vld [tilespmem:s25+$0x10]  }
0xca: {  	v2 =	vld [tilespmem:s25+$0x20]  }
0xcb: {  	v3 =	vld [tilespmem:s25+$0x30]  }
0xcc: {  	v4 =	vld [tilespmem:s25+$0x40]  }
0xcd: {  	v5 =	vld [tilespmem:s25+$0x50];
	v0 =	vmul.f32 $8.000000000e+00, v0  }
0xce: {  	v6 =	vld [tilespmem:s25+$0x60];
	v1 =	vmul.f32 $8.000000000e+00, v1  }
0xcf: {  	v7 =	vld [tilespmem:s25+$0x70];
	v2 =	vmul.f32 $8.000000000e+00, v2;
	[tilespmem:s25+$0x1F0] =	vst v0  }
0xd0: {  	[tilespmem:s25+$0x10] =	vst v1;
	v0 =	vmul.f32 $8.000000000e+00, v3;
	v1 =	vld [tilespmem:s25+$0x80]  }
0xd1: {  	[tilespmem:s25+$0x20] =	vst v2;
	v2 =	vmul.f32 $8.000000000e+00, v4;
	v3 =	vld [tilespmem:s25+$0x90]  }
0xd2: {  	v4 =	vld [tilespmem:s25+$0xA0];
	[tilespmem:s25+$0x30] =	vst v0;
	v0 =	vmul.f32 $8.000000000e+00, v5  }
0xd3: {  	[tilespmem:s25+$0x40] =	vst v2;
	v2 =	vmul.f32 $8.000000000e+00, v6;
	v5 =	vld [tilespmem:s25+$0xB0]  }
0xd4: {  	v6 =	vld [tilespmem:s25+$0xC0];
	[tilespmem:s25+$0x50] =	vst v0;
	v0 =	vmul.f32 $8.000000000e+00, v7  }
0xd5: {  	[tilespmem:s25+$0x60] =	vst v2;
	v2 =	vld [tilespmem:s25+$0xD0];
	v1 =	vmul.f32 $8.000000000e+00, v1  }
0xd6: {  	[tilespmem:s25+$0x70] =	vst v0;
	v0 =	vmul.f32 $8.000000000e+00, v3;
	v3 =	vld [tilespmem:s25+$0xE0]  }
0xd7: {  	[tilespmem:s25+$0x80] =	vst v1;
	v1 =	vmul.f32 $8.000000000e+00, v4;
	v4 =	vld [tilespmem:s25+$0xF0]  }
0xd8: {  	[tilespmem:s25+$0x90] =	vst v0;
	v0 =	vmul.f32 $8.000000000e+00, v5;
	v5 =	vld [tilespmem:s25+$0x100]  }
0xd9: {  	[tilespmem:s25+$0xA0] =	vst v1;
	v1 =	vmul.f32 $8.000000000e+00, v6;
	v6 =	vld [tilespmem:s25+$0x110]  }
0xda: {  	[tilespmem:s25+$0xB0] =	vst v0;
	v0 =	vmul.f32 $8.000000000e+00, v2;
	v2 =	vld [tilespmem:s25+$0x120]  }
0xdb: {  	[tilespmem:s25+$0xC0] =	vst v1;
	v1 =	vmul.f32 $8.000000000e+00, v3;
	v3 =	vld [tilespmem:s25+$0x130]  }
0xdc: {  	[tilespmem:s25+$0xD0] =	vst v0;
	v0 =	vmul.f32 $8.000000000e+00, v4;
	v4 =	vld [tilespmem:s25+$0x140]  }
0xdd: {  	[tilespmem:s25+$0xE0] =	vst v1;
	v1 =	vmul.f32 $8.000000000e+00, v5;
	v5 =	vld [tilespmem:s25+$0x150]  }
0xde: {  	[tilespmem:s25+$0xF0] =	vst v0;
	v0 =	vmul.f32 $8.000000000e+00, v6;
	v6 =	vld [tilespmem:s25+$0x160]  }
0xdf: {  	[tilespmem:s25+$0x100] =	vst v1;
	v1 =	vmul.f32 $8.000000000e+00, v2;
	v2 =	vld [tilespmem:s25+$0x170]  }
0xe0: {  	[tilespmem:s25+$0x110] =	vst v0;
	v0 =	vmul.f32 $8.000000000e+00, v3;
	v3 =	vld [tilespmem:s25+$0x180]  }
0xe1: {  	[tilespmem:s25+$0x120] =	vst v1;
	v1 =	vmul.f32 $8.000000000e+00, v4;
	v4 =	vld [tilespmem:s25+$0x190]  }
0xe2: {  	v7 =	vld [tilespmem:s25+$0x1A0];
	[tilespmem:s25+$0x130] =	vst v0;
	v5 =	vmul.f32 $8.000000000e+00, v5  }
0xe3: {  	v0 =	vld [tilespmem:s25+$0x1B0];
	[tilespmem:s25+$0x140] =	vst v1;
	v6 =	vmul.f32 $8.000000000e+00, v6  }
0xe4: {  	v1 =	vld [tilespmem:s25+$0x1C0];
	[tilespmem:s25+$0x150] =	vst v5;
	v5 =	vmul.f32 $8.000000000e+00, v2  }
0xe5: {  	v2 =	vld [tilespmem:s25+$0x1D0];
	[tilespmem:s25+$0x160] =	vst v6;
	v6 =	vmul.f32 $8.000000000e+00, v3  }
0xe6: {  	v3 =	vld [tilespmem:s25+$0x1E0];
	[tilespmem:s25+$0x170] =	vst v5;
	v5 =	vmul.f32 $8.000000000e+00, v4  }
0xe7: {  	s30 =	simm.s32 $0xA600;
	s28 =	simm.s32 $0x0;
	v4 =	vld [tilespmem:s25+$0x0];
	[tilespmem:s25+$0x180] =	vst v6;
	v6 =	vmul.f32 $8.000000000e+00, v7  }
.LBB2_7:
0xe8: {  	v7 =	vld [tilespmem:s30+$0x1F0];
	s28 =	sadd.s32 $0x8, s28;
	[tilespmem:s25+$0x190] =	vst v5;
	v0 =	vmul.f32 $8.000000000e+00, v0  }
0xe9: {  	v5 =	vld [tilespmem:s30+$0x10];
	p0 =	slt.u32 s28, $0x78;
	[tilespmem:s25+$0x1A0] =	vst v6;
	v1 =	vmul.f32 $8.000000000e+00, v1  }
0xea: {  	v6 =	vld [tilespmem:s30+$0x20];
	[tilespmem:s25+$0x1B0] =	vst v0;
	v0 =	vmul.f32 $8.000000000e+00, v2  }
0xeb: {  	v2 =	vld [tilespmem:s30+$0x30];
	[tilespmem:s25+$0x1C0] =	vst v1;
	v1 =	vmul.f32 $8.000000000e+00, v3  }
0xec: {  	v3 =	vld [tilespmem:s30+$0x40];
	v4 =	vmul.f32 $8.000000000e+00, v4;
	[tilespmem:s25+$0x1D0] =	vst v0  }
0xed: {  	v0 =	vld [tilespmem:s30+$0x50];
	v7 =	vmul.f32 $8.000000000e+00, v7;
	[tilespmem:s25+$0x1E0] =	vst v1  }
0xee: {  	v1 =	vmul.f32 $8.000000000e+00, v5;
	v5 =	vld [tilespmem:s30+$0x60];
	[tilespmem:s25+$0x0] =	vst v4;
	s25 =	smov.u32 s30  }
0xef: {  	v4 =	vmul.f32 $8.000000000e+00, v6;
	v6 =	vld [tilespmem:s30+$0x70];
	[tilespmem:s30+$0x1F0] =	vst v7  }
0xf0: {  	[tilespmem:s30+$0x10] =	vst v1;
	v1 =	vmul.f32 $8.000000000e+00, v2;
	v2 =	vld [tilespmem:s30+$0x80]  }
0xf1: {  	[tilespmem:s30+$0x20] =	vst v4;
	v3 =	vmul.f32 $8.000000000e+00, v3;
	v4 =	vld [tilespmem:s30+$0x90]  }
0xf2: {  	[tilespmem:s30+$0x30] =	vst v1;
	v0 =	vmul.f32 $8.000000000e+00, v0;
	v1 =	vld [tilespmem:s30+$0xA0]  }
0xf3: {  	[tilespmem:s30+$0x40] =	vst v3;
	v3 =	vmul.f32 $8.000000000e+00, v5;
	v5 =	vld [tilespmem:s30+$0xB0]  }
0xf4: {  	[tilespmem:s30+$0x50] =	vst v0;
	v0 =	vmul.f32 $8.000000000e+00, v6;
	v6 =	vld [tilespmem:s30+$0xC0]  }
0xf5: {  	[tilespmem:s30+$0x60] =	vst v3;
	v2 =	vmul.f32 $8.000000000e+00, v2;
	v3 =	vld [tilespmem:s30+$0xD0]  }
0xf6: {  	[tilespmem:s30+$0x70] =	vst v0;
	v0 =	vmul.f32 $8.000000000e+00, v4;
	v4 =	vld [tilespmem:s30+$0xE0]  }
0xf7: {  	[tilespmem:s30+$0x80] =	vst v2;
	v1 =	vmul.f32 $8.000000000e+00, v1;
	v2 =	vld [tilespmem:s30+$0xF0]  }
0xf8: {  	[tilespmem:s30+$0x90] =	vst v0;
	v0 =	vmul.f32 $8.000000000e+00, v5;
	v5 =	vld [tilespmem:s30+$0x100]  }
0xf9: {  	[tilespmem:s30+$0xA0] =	vst v1;
	v1 =	vmul.f32 $8.000000000e+00, v6;
	v6 =	vld [tilespmem:s30+$0x110]  }
0xfa: {  	[tilespmem:s30+$0xB0] =	vst v0;
	v0 =	vmul.f32 $8.000000000e+00, v3;
	v3 =	vld [tilespmem:s30+$0x120]  }
0xfb: {  	[tilespmem:s30+$0xC0] =	vst v1;
	v1 =	vmul.f32 $8.000000000e+00, v4;
	v4 =	vld [tilespmem:s30+$0x130]  }
0xfc: {  	[tilespmem:s30+$0xD0] =	vst v0;
	v0 =	vmul.f32 $8.000000000e+00, v2;
	v2 =	vld [tilespmem:s30+$0x140]  }
0xfd: {  	[tilespmem:s30+$0xE0] =	vst v1;
	v1 =	vmul.f32 $8.000000000e+00, v5;
	v5 =	vld [tilespmem:s30+$0x150]  }
0xfe: {  	[tilespmem:s30+$0xF0] =	vst v0;
	v0 =	vmul.f32 $8.000000000e+00, v6;
	v6 =	vld [tilespmem:s30+$0x160]  }
0xff: {  	[tilespmem:s30+$0x100] =	vst v1;
	v1 =	vmul.f32 $8.000000000e+00, v3;
	v3 =	vld [tilespmem:s30+$0x170]  }
0x100: {  	[tilespmem:s30+$0x110] =	vst v0;
	v0 =	vmul.f32 $8.000000000e+00, v4;
	v4 =	vld [tilespmem:s30+$0x180]  }
0x101: {  	[tilespmem:s30+$0x120] =	vst v1;
	v1 =	vmul.f32 $8.000000000e+00, v2;
	v7 =	vld [tilespmem:s30+$0x190]  }
0x102: {  	[tilespmem:s30+$0x130] =	vst v0;
	v2 =	vmul.f32 $8.000000000e+00, v5;
	v8 =	vld [tilespmem:s30+$0x1A0]  }
.Ltmp2:
0x103: {  	[tilespmem:s30+$0x140] =	vst v1;
	v5 =	vmul.f32 $8.000000000e+00, v6;
	v0 =	vld [tilespmem:s30+$0x1B0];
	(pc) =	sbr.rel @p0 .LBB2_7-.Ltmp2, $4  }
0x104: {  	[tilespmem:s30+$0x150] =	vst v2;
	v3 =	vmul.f32 $8.000000000e+00, v3;
	v1 =	vld [tilespmem:s30+$0x1C0]  }
0x105: {  	[tilespmem:s30+$0x160] =	vst v5;
	v6 =	vmul.f32 $8.000000000e+00, v4;
	v2 =	vld [tilespmem:s30+$0x1D0]  }
0x106: {  	[tilespmem:s30+$0x170] =	vst v3;
	v5 =	vmul.f32 $8.000000000e+00, v7;
	v3 =	vld [tilespmem:s30+$0x1E0]  }
0x107: {  	s30 =	sadd.s32 $0x200, s30;
	v4 =	vld [tilespmem:s25+$0x0];
	[tilespmem:s25+$0x180] =	vst v6;
	v6 =	vmul.f32 $8.000000000e+00, v8  }
0x108: {  	[tilespmem:s25+$0x190] =	vst v5;
	v0 =	vmul.f32 $8.000000000e+00, v0  }
0x109: {  	[tilespmem:s25+$0x1A0] =	vst v6;
	v1 =	vmul.f32 $8.000000000e+00, v1  }
0x10a: {  	[tilespmem:s25+$0x1B0] =	vst v0;
	v0 =	vmul.f32 $8.000000000e+00, v2  }
0x10b: {  	[tilespmem:s25+$0x1C0] =	vst v1;
	v1 =	vmul.f32 $8.000000000e+00, v3  }
0x10c: {  	v2 =	vmul.f32 $8.000000000e+00, v4;
	[tilespmem:s25+$0x1D0] =	vst v0  }
0x10d: {  	[tilespmem:s25+$0x1E0] =	vst v1  }
0x10e: {  	s1 =	sadd.s32 s23, s8;
	s28 =	simm.s32 $0xA400;
	[tilespmem:s25+$0x0] =	vst v2  }
0x10f: {  	[hbm4b:s1+s3] =	stream.linear.scatter [tilespmem:s28], [sflag:$0xB], $0x2000, $0x38;
	[tilespmem:$0x16400] =	vst v63  }
0x110: {  	_ =	swait.ge [sflag:s6], $0x2000  }
0x111: {  	[sflag:s6] =	ssyncset.done $0x0  }
0x112: {  	s25 =	simm.s32 $0xC400;
	[sflag:s6] =	ssyncadd.s32 $0xFFFFE000  }
0x113: {  	v0 =	vld [tilespmem:s25+$0x1F0]  }
0x114: {  	v1 =	vld [tilespmem:s25+$0x10]  }
0x115: {  	v2 =	vld [tilespmem:s25+$0x20]  }
0x116: {  	v3 =	vld [tilespmem:s25+$0x30]  }
0x117: {  	v4 =	vld [tilespmem:s25+$0x40]  }
0x118: {  	v5 =	vld [tilespmem:s25+$0x50];
	v0 =	vmul.f32 $8.000000000e+00, v0  }
0x119: {  	v6 =	vld [tilespmem:s25+$0x60];
	v1 =	vmul.f32 $8.000000000e+00, v1  }
0x11a: {  	v7 =	vld [tilespmem:s25+$0x70];
	v2 =	vmul.f32 $8.000000000e+00, v2;
	[tilespmem:s25+$0x1F0] =	vst v0  }
0x11b: {  	[tilespmem:s25+$0x10] =	vst v1;
	v0 =	vmul.f32 $8.000000000e+00, v3;
	v1 =	vld [tilespmem:s25+$0x80]  }
0x11c: {  	[tilespmem:s25+$0x20] =	vst v2;
	v2 =	vmul.f32 $8.000000000e+00, v4;
	v3 =	vld [tilespmem:s25+$0x90]  }
0x11d: {  	v4 =	vld [tilespmem:s25+$0xA0];
	[tilespmem:s25+$0x30] =	vst v0;
	v0 =	vmul.f32 $8.000000000e+00, v5  }
0x11e: {  	[tilespmem:s25+$0x40] =	vst v2;
	v2 =	vmul.f32 $8.000000000e+00, v6;
	v5 =	vld [tilespmem:s25+$0xB0]  }
0x11f: {  	v6 =	vld [tilespmem:s25+$0xC0];
	[tilespmem:s25+$0x50] =	vst v0;
	v0 =	vmul.f32 $8.000000000e+00, v7  }
0x120: {  	[tilespmem:s25+$0x60] =	vst v2;
	v2 =	vld [tilespmem:s25+$0xD0];
	v1 =	vmul.f32 $8.000000000e+00, v1  }
0x121: {  	[tilespmem:s25+$0x70] =	vst v0;
	v0 =	vmul.f32 $8.000000000e+00, v3;
	v3 =	vld [tilespmem:s25+$0xE0]  }
0x122: {  	[tilespmem:s25+$0x80] =	vst v1;
	v1 =	vmul.f32 $8.000000000e+00, v4;
	v4 =	vld [tilespmem:s25+$0xF0]  }
0x123: {  	[tilespmem:s25+$0x90] =	vst v0;
	v0 =	vmul.f32 $8.000000000e+00, v5;
	v5 =	vld [tilespmem:s25+$0x100]  }
0x124: {  	[tilespmem:s25+$0xA0] =	vst v1;
	v1 =	vmul.f32 $8.000000000e+00, v6;
	v6 =	vld [tilespmem:s25+$0x110]  }
0x125: {  	[tilespmem:s25+$0xB0] =	vst v0;
	v0 =	vmul.f32 $8.000000000e+00, v2;
	v2 =	vld [tilespmem:s25+$0x120]  }
0x126: {  	[tilespmem:s25+$0xC0] =	vst v1;
	v1 =	vmul.f32 $8.000000000e+00, v3;
	v3 =	vld [tilespmem:s25+$0x130]  }
0x127: {  	[tilespmem:s25+$0xD0] =	vst v0;
	v0 =	vmul.f32 $8.000000000e+00, v4;
	v4 =	vld [tilespmem:s25+$0x140]  }
0x128: {  	[tilespmem:s25+$0xE0] =	vst v1;
	v1 =	vmul.f32 $8.000000000e+00, v5;
	v5 =	vld [tilespmem:s25+$0x150]  }
0x129: {  	[tilespmem:s25+$0xF0] =	vst v0;
	v0 =	vmul.f32 $8.000000000e+00, v6;
	v6 =	vld [tilespmem:s25+$0x160]  }
0x12a: {  	[tilespmem:s25+$0x100] =	vst v1;
	v1 =	vmul.f32 $8.000000000e+00, v2;
	v2 =	vld [tilespmem:s25+$0x170]  }
0x12b: {  	[tilespmem:s25+$0x110] =	vst v0;
	v0 =	vmul.f32 $8.000000000e+00, v3;
	v3 =	vld [tilespmem:s25+$0x180]  }
0x12c: {  	[tilespmem:s25+$0x120] =	vst v1;
	v1 =	vmul.f32 $8.000000000e+00, v4;
	v4 =	vld [tilespmem:s25+$0x190]  }
0x12d: {  	v7 =	vld [tilespmem:s25+$0x1A0];
	[tilespmem:s25+$0x130] =	vst v0;
	v5 =	vmul.f32 $8.000000000e+00, v5  }
0x12e: {  	v0 =	vld [tilespmem:s25+$0x1B0];
	[tilespmem:s25+$0x140] =	vst v1;
	v6 =	vmul.f32 $8.000000000e+00, v6  }
0x12f: {  	v1 =	vld [tilespmem:s25+$0x1C0];
	[tilespmem:s25+$0x150] =	vst v5;
	v5 =	vmul.f32 $8.000000000e+00, v2  }
0x130: {  	v2 =	vld [tilespmem:s25+$0x1D0];
	[tilespmem:s25+$0x160] =	vst v6;
	v6 =	vmul.f32 $8.000000000e+00, v3  }
0x131: {  	v3 =	vld [tilespmem:s25+$0x1E0];
	[tilespmem:s25+$0x170] =	vst v5;
	v5 =	vmul.f32 $8.000000000e+00, v4  }
0x132: {  	s30 =	simm.s32 $0xC600;
	s28 =	simm.s32 $0x0;
	v4 =	vld [tilespmem:s25+$0x0];
	[tilespmem:s25+$0x180] =	vst v6;
	v6 =	vmul.f32 $8.000000000e+00, v7  }
.LBB2_9:
0x133: {  	v7 =	vld [tilespmem:s30+$0x1F0];
	s28 =	sadd.s32 $0x8, s28;
	[tilespmem:s25+$0x190] =	vst v5;
	v0 =	vmul.f32 $8.000000000e+00, v0  }
0x134: {  	v5 =	vld [tilespmem:s30+$0x10];
	p0 =	slt.u32 s28, $0x78;
	[tilespmem:s25+$0x1A0] =	vst v6;
	v1 =	vmul.f32 $8.000000000e+00, v1  }
0x135: {  	v6 =	vld [tilespmem:s30+$0x20];
	[tilespmem:s25+$0x1B0] =	vst v0;
	v0 =	vmul.f32 $8.000000000e+00, v2  }
0x136: {  	v2 =	vld [tilespmem:s30+$0x30];
	[tilespmem:s25+$0x1C0] =	vst v1;
	v1 =	vmul.f32 $8.000000000e+00, v3  }
0x137: {  	v3 =	vld [tilespmem:s30+$0x40];
	v4 =	vmul.f32 $8.000000000e+00, v4;
	[tilespmem:s25+$0x1D0] =	vst v0  }
0x138: {  	v0 =	vld [tilespmem:s30+$0x50];
	v7 =	vmul.f32 $8.000000000e+00, v7;
	[tilespmem:s25+$0x1E0] =	vst v1  }
0x139: {  	v1 =	vmul.f32 $8.000000000e+00, v5;
	v5 =	vld [tilespmem:s30+$0x60];
	[tilespmem:s25+$0x0] =	vst v4;
	s25 =	smov.u32 s30  }
0x13a: {  	v4 =	vmul.f32 $8.000000000e+00, v6;
	v6 =	vld [tilespmem:s30+$0x70];
	[tilespmem:s30+$0x1F0] =	vst v7  }
0x13b: {  	[tilespmem:s30+$0x10] =	vst v1;
	v1 =	vmul.f32 $8.000000000e+00, v2;
	v2 =	vld [tilespmem:s30+$0x80]  }
0x13c: {  	[tilespmem:s30+$0x20] =	vst v4;
	v3 =	vmul.f32 $8.000000000e+00, v3;
	v4 =	vld [tilespmem:s30+$0x90]  }
0x13d: {  	[tilespmem:s30+$0x30] =	vst v1;
	v0 =	vmul.f32 $8.000000000e+00, v0;
	v1 =	vld [tilespmem:s30+$0xA0]  }
0x13e: {  	[tilespmem:s30+$0x40] =	vst v3;
	v3 =	vmul.f32 $8.000000000e+00, v5;
	v5 =	vld [tilespmem:s30+$0xB0]  }
0x13f: {  	[tilespmem:s30+$0x50] =	vst v0;
	v0 =	vmul.f32 $8.000000000e+00, v6;
	v6 =	vld [tilespmem:s30+$0xC0]  }
0x140: {  	[tilespmem:s30+$0x60] =	vst v3;
	v2 =	vmul.f32 $8.000000000e+00, v2;
	v3 =	vld [tilespmem:s30+$0xD0]  }
0x141: {  	[tilespmem:s30+$0x70] =	vst v0;
	v0 =	vmul.f32 $8.000000000e+00, v4;
	v4 =	vld [tilespmem:s30+$0xE0]  }
0x142: {  	[tilespmem:s30+$0x80] =	vst v2;
	v1 =	vmul.f32 $8.000000000e+00, v1;
	v2 =	vld [tilespmem:s30+$0xF0]  }
0x143: {  	[tilespmem:s30+$0x90] =	vst v0;
	v0 =	vmul.f32 $8.000000000e+00, v5;
	v5 =	vld [tilespmem:s30+$0x100]  }
0x144: {  	[tilespmem:s30+$0xA0] =	vst v1;
	v1 =	vmul.f32 $8.000000000e+00, v6;
	v6 =	vld [tilespmem:s30+$0x110]  }
0x145: {  	[tilespmem:s30+$0xB0] =	vst v0;
	v0 =	vmul.f32 $8.000000000e+00, v3;
	v3 =	vld [tilespmem:s30+$0x120]  }
0x146: {  	[tilespmem:s30+$0xC0] =	vst v1;
	v1 =	vmul.f32 $8.000000000e+00, v4;
	v4 =	vld [tilespmem:s30+$0x130]  }
0x147: {  	[tilespmem:s30+$0xD0] =	vst v0;
	v0 =	vmul.f32 $8.000000000e+00, v2;
	v2 =	vld [tilespmem:s30+$0x140]  }
0x148: {  	[tilespmem:s30+$0xE0] =	vst v1;
	v1 =	vmul.f32 $8.000000000e+00, v5;
	v5 =	vld [tilespmem:s30+$0x150]  }
0x149: {  	[tilespmem:s30+$0xF0] =	vst v0;
	v0 =	vmul.f32 $8.000000000e+00, v6;
	v6 =	vld [tilespmem:s30+$0x160]  }
0x14a: {  	[tilespmem:s30+$0x100] =	vst v1;
	v1 =	vmul.f32 $8.000000000e+00, v3;
	v3 =	vld [tilespmem:s30+$0x170]  }
0x14b: {  	[tilespmem:s30+$0x110] =	vst v0;
	v0 =	vmul.f32 $8.000000000e+00, v4;
	v4 =	vld [tilespmem:s30+$0x180]  }
0x14c: {  	[tilespmem:s30+$0x120] =	vst v1;
	v1 =	vmul.f32 $8.000000000e+00, v2;
	v7 =	vld [tilespmem:s30+$0x190]  }
0x14d: {  	[tilespmem:s30+$0x130] =	vst v0;
	v2 =	vmul.f32 $8.000000000e+00, v5;
	v8 =	vld [tilespmem:s30+$0x1A0]  }
.Ltmp3:
0x14e: {  	[tilespmem:s30+$0x140] =	vst v1;
	v5 =	vmul.f32 $8.000000000e+00, v6;
	v0 =	vld [tilespmem:s30+$0x1B0];
	(pc) =	sbr.rel @p0 .LBB2_9-.Ltmp3, $4  }
0x14f: {  	[tilespmem:s30+$0x150] =	vst v2;
	v3 =	vmul.f32 $8.000000000e+00, v3;
	v1 =	vld [tilespmem:s30+$0x1C0]  }
0x150: {  	[tilespmem:s30+$0x160] =	vst v5;
	v6 =	vmul.f32 $8.000000000e+00, v4;
	v2 =	vld [tilespmem:s30+$0x1D0]  }
0x151: {  	[tilespmem:s30+$0x170] =	vst v3;
	v5 =	vmul.f32 $8.000000000e+00, v7;
	v3 =	vld [tilespmem:s30+$0x1E0]  }
0x152: {  	s30 =	sadd.s32 $0x200, s30;
	v4 =	vld [tilespmem:s25+$0x0];
	[tilespmem:s25+$0x180] =	vst v6;
	v6 =	vmul.f32 $8.000000000e+00, v8  }
0x153: {  	[tilespmem:s25+$0x190] =	vst v5;
	v0 =	vmul.f32 $8.000000000e+00, v0  }
0x154: {  	[tilespmem:s25+$0x1A0] =	vst v6;
	v1 =	vmul.f32 $8.000000000e+00, v1  }
0x155: {  	[tilespmem:s25+$0x1B0] =	vst v0;
	v0 =	vmul.f32 $8.000000000e+00, v2  }
0x156: {  	[tilespmem:s25+$0x1C0] =	vst v1;
	v1 =	vmul.f32 $8.000000000e+00, v3  }
0x157: {  	v2 =	vmul.f32 $8.000000000e+00, v4;
	[tilespmem:s25+$0x1D0] =	vst v0  }
0x158: {  	[tilespmem:s25+$0x1E0] =	vst v1  }
0x159: {  	s23 =	sadd.s32 s23, s9;
	s28 =	simm.s32 $0xC400;
	[tilespmem:s25+$0x0] =	vst v2  }
0x15a: {  	[hbm4b:s23+s3] =	stream.linear.scatter [tilespmem:s28], [sflag:$0xC], $0x2000, $0x38;
	[tilespmem:$0x16400] =	vst v63  }
0x15b: {  	_ =	swait.ge [sflag:s11], $0x2000  }
0x15c: {  	[sflag:s11] =	ssyncset.done $0x0  }
0x15d: {  	s30 =	sadd.s32 $0x400, s22;
	s1 =	simm.s32 $0x6400;
	[sflag:s11] =	ssyncadd.s32 $0xFFFFE000  }
0x15e: {  	[tilespmem:s1], [sflag:$0x1] =	stream.indirect.gather [hbm4b:s5+s21], $0x40, s30, s21, $0xb8;
	[tilespmem:$0x16400] =	vst v63  }
0x15f: {  	_ =	swait.ge [sflag:s12], $0x2000  }
0x160: {  	[sflag:s12] =	ssyncset.done $0x0  }
0x161: {  	s30 =	sadd.s32 $0x480, s22;
	s1 =	simm.s32 $0x8400;
	[sflag:s12] =	ssyncadd.s32 $0xFFFFE000  }
0x162: {  	[tilespmem:s1], [sflag:$0x2] =	stream.indirect.gather [hbm4b:s5+s21], $0x40, s30, s21, $0xb8;
	[tilespmem:$0x16400] =	vst v63  }
0x163: {  	_ =	swait.ge [sflag:s13], $0x2000  }
0x164: {  	[sflag:s13] =	ssyncset.done $0x0  }
0x165: {  	s30 =	sadd.s32 $0x500, s22;
	s1 =	simm.s32 $0xA400;
	[sflag:s13] =	ssyncadd.s32 $0xFFFFE000  }
0x166: {  	[tilespmem:s1], [sflag:$0x3] =	stream.indirect.gather [hbm4b:s5+s21], $0x40, s30, s21, $0xb8;
	[tilespmem:$0x16400] =	vst v63  }
0x167: {  	_ =	swait.ge [sflag:s14], $0x2000  }
0x168: {  	[sflag:s14] =	ssyncset.done $0x0  }
0x169: {  	s30 =	sadd.s32 $0x580, s22;
	[sflag:s14] =	ssyncadd.s32 $0xFFFFE000  }
0x16a: {  	[tilespmem:s28], [sflag:$0x4] =	stream.indirect.gather [hbm4b:s5+s21], $0x40, s30, s21, $0xb8;
	[tilespmem:$0x16400] =	vst v63  }
0x16b: {  	_ =	swait.ge [sflag:s15], $0x2000  }
0x16c: {  	[sflag:s15] =	ssyncset.done $0x0  }
0x16d: {  	s25 =	simm.s32 $0xE400;
	[sflag:s15] =	ssyncadd.s32 $0xFFFFE000  }
0x16e: {  	v0 =	vld [tilespmem:s25+$0x1F0]  }
0x16f: {  	v1 =	vld [tilespmem:s25+$0x10]  }
0x170: {  	v2 =	vld [tilespmem:s25+$0x20]  }
0x171: {  	v3 =	vld [tilespmem:s25+$0x30]  }
0x172: {  	v4 =	vld [tilespmem:s25+$0x40]  }
0x173: {  	v5 =	vld [tilespmem:s25+$0x50];
	v0 =	vmul.f32 $8.000000000e+00, v0  }
0x174: {  	v6 =	vld [tilespmem:s25+$0x60];
	v1 =	vmul.f32 $8.000000000e+00, v1  }
0x175: {  	v7 =	vld [tilespmem:s25+$0x70];
	v2 =	vmul.f32 $8.000000000e+00, v2;
	[tilespmem:s25+$0x1F0] =	vst v0  }
0x176: {  	[tilespmem:s25+$0x10] =	vst v1;
	v0 =	vmul.f32 $8.000000000e+00, v3;
	v1 =	vld [tilespmem:s25+$0x80]  }
0x177: {  	[tilespmem:s25+$0x20] =	vst v2;
	v2 =	vmul.f32 $8.000000000e+00, v4;
	v3 =	vld [tilespmem:s25+$0x90]  }
0x178: {  	v4 =	vld [tilespmem:s25+$0xA0];
	[tilespmem:s25+$0x30] =	vst v0;
	v0 =	vmul.f32 $8.000000000e+00, v5  }
0x179: {  	[tilespmem:s25+$0x40] =	vst v2;
	v2 =	vmul.f32 $8.000000000e+00, v6;
	v5 =	vld [tilespmem:s25+$0xB0]  }
0x17a: {  	v6 =	vld [tilespmem:s25+$0xC0];
	[tilespmem:s25+$0x50] =	vst v0;
	v0 =	vmul.f32 $8.000000000e+00, v7  }
0x17b: {  	[tilespmem:s25+$0x60] =	vst v2;
	v2 =	vld [tilespmem:s25+$0xD0];
	v1 =	vmul.f32 $8.000000000e+00, v1  }
0x17c: {  	[tilespmem:s25+$0x70] =	vst v0;
	v0 =	vmul.f32 $8.000000000e+00, v3;
	v3 =	vld [tilespmem:s25+$0xE0]  }
0x17d: {  	[tilespmem:s25+$0x80] =	vst v1;
	v1 =	vmul.f32 $8.000000000e+00, v4;
	v4 =	vld [tilespmem:s25+$0xF0]  }
0x17e: {  	[tilespmem:s25+$0x90] =	vst v0;
	v0 =	vmul.f32 $8.000000000e+00, v5;
	v5 =	vld [tilespmem:s25+$0x100]  }
0x17f: {  	[tilespmem:s25+$0xA0] =	vst v1;
	v1 =	vmul.f32 $8.000000000e+00, v6;
	v6 =	vld [tilespmem:s25+$0x110]  }
0x180: {  	[tilespmem:s25+$0xB0] =	vst v0;
	v0 =	vmul.f32 $8.000000000e+00, v2;
	v2 =	vld [tilespmem:s25+$0x120]  }
0x181: {  	[tilespmem:s25+$0xC0] =	vst v1;
	v1 =	vmul.f32 $8.000000000e+00, v3;
	v3 =	vld [tilespmem:s25+$0x130]  }
0x182: {  	[tilespmem:s25+$0xD0] =	vst v0;
	v0 =	vmul.f32 $8.000000000e+00, v4;
	v4 =	vld [tilespmem:s25+$0x140]  }
0x183: {  	[tilespmem:s25+$0xE0] =	vst v1;
	v1 =	vmul.f32 $8.000000000e+00, v5;
	v5 =	vld [tilespmem:s25+$0x150]  }
0x184: {  	[tilespmem:s25+$0xF0] =	vst v0;
	v0 =	vmul.f32 $8.000000000e+00, v6;
	v6 =	vld [tilespmem:s25+$0x160]  }
0x185: {  	[tilespmem:s25+$0x100] =	vst v1;
	v1 =	vmul.f32 $8.000000000e+00, v2;
	v2 =	vld [tilespmem:s25+$0x170]  }
0x186: {  	[tilespmem:s25+$0x110] =	vst v0;
	v0 =	vmul.f32 $8.000000000e+00, v3;
	v3 =	vld [tilespmem:s25+$0x180]  }
0x187: {  	[tilespmem:s25+$0x120] =	vst v1;
	v1 =	vmul.f32 $8.000000000e+00, v4;
	v4 =	vld [tilespmem:s25+$0x190]  }
0x188: {  	v7 =	vld [tilespmem:s25+$0x1A0];
	[tilespmem:s25+$0x130] =	vst v0;
	v5 =	vmul.f32 $8.000000000e+00, v5  }
0x189: {  	v0 =	vld [tilespmem:s25+$0x1B0];
	[tilespmem:s25+$0x140] =	vst v1;
	v6 =	vmul.f32 $8.000000000e+00, v6  }
0x18a: {  	v1 =	vld [tilespmem:s25+$0x1C0];
	[tilespmem:s25+$0x150] =	vst v5;
	v5 =	vmul.f32 $8.000000000e+00, v2  }
0x18b: {  	v2 =	vld [tilespmem:s25+$0x1D0];
	[tilespmem:s25+$0x160] =	vst v6;
	v6 =	vmul.f32 $8.000000000e+00, v3  }
0x18c: {  	v3 =	vld [tilespmem:s25+$0x1E0];
	[tilespmem:s25+$0x170] =	vst v5;
	v5 =	vmul.f32 $8.000000000e+00, v4  }
0x18d: {  	s23 =	simm.s32 $0x0;
	s1 =	simm.s32 $0xC400;
	s28 =	simm.s32 $0xE600;
	v4 =	vld [tilespmem:s25+$0x0];
	[tilespmem:s25+$0x180] =	vst v6;
	v6 =	vmul.f32 $8.000000000e+00, v7  }
.LBB2_11:
0x18e: {  	v7 =	vld [tilespmem:s28+$0x1F0];
	s23 =	sadd.s32 $0x8, s23;
	[tilespmem:s25+$0x190] =	vst v5;
	v0 =	vmul.f32 $8.000000000e+00, v0  }
0x18f: {  	v5 =	vld [tilespmem:s28+$0x10];
	p0 =	slt.u32 s23, $0x78;
	[tilespmem:s25+$0x1A0] =	vst v6;
	v1 =	vmul.f32 $8.000000000e+00, v1  }
0x190: {  	v6 =	vld [tilespmem:s28+$0x20];
	[tilespmem:s25+$0x1B0] =	vst v0;
	v0 =	vmul.f32 $8.000000000e+00, v2  }
0x191: {  	v2 =	vld [tilespmem:s28+$0x30];
	[tilespmem:s25+$0x1C0] =	vst v1;
	v1 =	vmul.f32 $8.000000000e+00, v3  }
0x192: {  	v3 =	vld [tilespmem:s28+$0x40];
	v4 =	vmul.f32 $8.000000000e+00, v4;
	[tilespmem:s25+$0x1D0] =	vst v0  }
0x193: {  	v0 =	vld [tilespmem:s28+$0x50];
	v7 =	vmul.f32 $8.000000000e+00, v7;
	[tilespmem:s25+$0x1E0] =	vst v1  }
0x194: {  	v1 =	vmul.f32 $8.000000000e+00, v5;
	v5 =	vld [tilespmem:s28+$0x60];
	[tilespmem:s25+$0x0] =	vst v4;
	s25 =	smov.u32 s28  }
0x195: {  	v4 =	vmul.f32 $8.000000000e+00, v6;
	v6 =	vld [tilespmem:s28+$0x70];
	[tilespmem:s28+$0x1F0] =	vst v7  }
0x196: {  	[tilespmem:s28+$0x10] =	vst v1;
	v1 =	vmul.f32 $8.000000000e+00, v2;
	v2 =	vld [tilespmem:s28+$0x80]  }
0x197: {  	[tilespmem:s28+$0x20] =	vst v4;
	v3 =	vmul.f32 $8.000000000e+00, v3;
	v4 =	vld [tilespmem:s28+$0x90]  }
0x198: {  	[tilespmem:s28+$0x30] =	vst v1;
	v0 =	vmul.f32 $8.000000000e+00, v0;
	v1 =	vld [tilespmem:s28+$0xA0]  }
0x199: {  	[tilespmem:s28+$0x40] =	vst v3;
	v3 =	vmul.f32 $8.000000000e+00, v5;
	v5 =	vld [tilespmem:s28+$0xB0]  }
0x19a: {  	[tilespmem:s28+$0x50] =	vst v0;
	v0 =	vmul.f32 $8.000000000e+00, v6;
	v6 =	vld [tilespmem:s28+$0xC0]  }
0x19b: {  	[tilespmem:s28+$0x60] =	vst v3;
	v2 =	vmul.f32 $8.000000000e+00, v2;
	v3 =	vld [tilespmem:s28+$0xD0]  }
0x19c: {  	[tilespmem:s28+$0x70] =	vst v0;
	v0 =	vmul.f32 $8.000000000e+00, v4;
	v4 =	vld [tilespmem:s28+$0xE0]  }
0x19d: {  	[tilespmem:s28+$0x80] =	vst v2;
	v1 =	vmul.f32 $8.000000000e+00, v1;
	v2 =	vld [tilespmem:s28+$0xF0]  }
0x19e: {  	[tilespmem:s28+$0x90] =	vst v0;
	v0 =	vmul.f32 $8.000000000e+00, v5;
	v5 =	vld [tilespmem:s28+$0x100]  }
0x19f: {  	[tilespmem:s28+$0xA0] =	vst v1;
	v1 =	vmul.f32 $8.000000000e+00, v6;
	v6 =	vld [tilespmem:s28+$0x110]  }
0x1a0: {  	[tilespmem:s28+$0xB0] =	vst v0;
	v0 =	vmul.f32 $8.000000000e+00, v3;
	v3 =	vld [tilespmem:s28+$0x120]  }
0x1a1: {  	[tilespmem:s28+$0xC0] =	vst v1;
	v1 =	vmul.f32 $8.000000000e+00, v4;
	v4 =	vld [tilespmem:s28+$0x130]  }
0x1a2: {  	[tilespmem:s28+$0xD0] =	vst v0;
	v0 =	vmul.f32 $8.000000000e+00, v2;
	v2 =	vld [tilespmem:s28+$0x140]  }
0x1a3: {  	[tilespmem:s28+$0xE0] =	vst v1;
	v1 =	vmul.f32 $8.000000000e+00, v5;
	v5 =	vld [tilespmem:s28+$0x150]  }
0x1a4: {  	[tilespmem:s28+$0xF0] =	vst v0;
	v0 =	vmul.f32 $8.000000000e+00, v6;
	v6 =	vld [tilespmem:s28+$0x160]  }
0x1a5: {  	[tilespmem:s28+$0x100] =	vst v1;
	v1 =	vmul.f32 $8.000000000e+00, v3;
	v3 =	vld [tilespmem:s28+$0x170]  }
0x1a6: {  	[tilespmem:s28+$0x110] =	vst v0;
	v0 =	vmul.f32 $8.000000000e+00, v4;
	v4 =	vld [tilespmem:s28+$0x180]  }
0x1a7: {  	[tilespmem:s28+$0x120] =	vst v1;
	v1 =	vmul.f32 $8.000000000e+00, v2;
	v7 =	vld [tilespmem:s28+$0x190]  }
0x1a8: {  	[tilespmem:s28+$0x130] =	vst v0;
	v2 =	vmul.f32 $8.000000000e+00, v5;
	v8 =	vld [tilespmem:s28+$0x1A0]  }
.Ltmp4:
0x1a9: {  	[tilespmem:s28+$0x140] =	vst v1;
	v5 =	vmul.f32 $8.000000000e+00, v6;
	v0 =	vld [tilespmem:s28+$0x1B0];
	(pc) =	sbr.rel @p0 .LBB2_11-.Ltmp4, $4  }
0x1aa: {  	[tilespmem:s28+$0x150] =	vst v2;
	v3 =	vmul.f32 $8.000000000e+00, v3;
	v1 =	vld [tilespmem:s28+$0x1C0]  }
0x1ab: {  	[tilespmem:s28+$0x160] =	vst v5;
	v6 =	vmul.f32 $8.000000000e+00, v4;
	v2 =	vld [tilespmem:s28+$0x1D0]  }
0x1ac: {  	[tilespmem:s28+$0x170] =	vst v3;
	v5 =	vmul.f32 $8.000000000e+00, v7;
	v3 =	vld [tilespmem:s28+$0x1E0]  }
0x1ad: {  	s28 =	sadd.s32 $0x200, s28;
	v4 =	vld [tilespmem:s25+$0x0];
	[tilespmem:s25+$0x180] =	vst v6;
	v6 =	vmul.f32 $8.000000000e+00, v8  }
0x1ae: {  	[tilespmem:s25+$0x190] =	vst v5;
	v0 =	vmul.f32 $8.000000000e+00, v0  }
0x1af: {  	[tilespmem:s25+$0x1A0] =	vst v6;
	v1 =	vmul.f32 $8.000000000e+00, v1  }
0x1b0: {  	[tilespmem:s25+$0x1B0] =	vst v0  }
0x1b1: {  	v0 =	vmul.f32 $8.000000000e+00, v2;
	[tilespmem:s25+$0x1C0] =	vst v1  }
0x1b2: {  	v1 =	vmul.f32 $8.000000000e+00, v3;
	s23 =	rddreg [dreg:$0x5]  }
0x1b3: {  	v2 =	vmul.f32 $8.000000000e+00, v4;
	[tilespmem:s25+$0x1D0] =	vst v0;
	s23 =	sadd.s32 s22, s23  }
0x1b4: {  	[tilespmem:s25+$0x1E0] =	vst v1;
	s23 =	sshll.u32 s23, $0x3  }
0x1b5: {  	[tilespmem:s25+$0x0] =	vst v2;
	s25 =	rddreg [dreg:$0x1];
	s23 =	sand.u32 $0x1FFFF000, s23  }
0x1b6: {  	s28 =	simm.s32 $0xE400;
	s25 =	sadd.s32 s25, s23  }
0x1b7: {  	[hbm4b:s25+s3] =	stream.linear.scatter [tilespmem:s28], [sflag:$0xD], $0x2000, $0x38;
	[tilespmem:$0x16400] =	vst v63  }
0x1b8: {  	_ =	swait.ge [sflag:s16], $0x2000  }
0x1b9: {  	[sflag:s16] =	ssyncset.done $0x0  }
0x1ba: {  	s25 =	simm.s32 $0x10400;
	[sflag:s16] =	ssyncadd.s32 $0xFFFFE000  }
0x1bb: {  	v0 =	vld [tilespmem:s25+$0x1F0]  }
0x1bc: {  	v1 =	vld [tilespmem:s25+$0x10]  }
0x1bd: {  	v2 =	vld [tilespmem:s25+$0x20]  }
0x1be: {  	v3 =	vld [tilespmem:s25+$0x30]  }
0x1bf: {  	v4 =	vld [tilespmem:s25+$0x40]  }
0x1c0: {  	v5 =	vld [tilespmem:s25+$0x50];
	v0 =	vmul.f32 $8.000000000e+00, v0  }
0x1c1: {  	v6 =	vld [tilespmem:s25+$0x60];
	v1 =	vmul.f32 $8.000000000e+00, v1  }
0x1c2: {  	v7 =	vld [tilespmem:s25+$0x70];
	v2 =	vmul.f32 $8.000000000e+00, v2;
	[tilespmem:s25+$0x1F0] =	vst v0  }
0x1c3: {  	[tilespmem:s25+$0x10] =	vst v1;
	v0 =	vmul.f32 $8.000000000e+00, v3;
	v1 =	vld [tilespmem:s25+$0x80]  }
0x1c4: {  	[tilespmem:s25+$0x20] =	vst v2;
	v2 =	vmul.f32 $8.000000000e+00, v4;
	v3 =	vld [tilespmem:s25+$0x90]  }
0x1c5: {  	v4 =	vld [tilespmem:s25+$0xA0];
	[tilespmem:s25+$0x30] =	vst v0;
	v0 =	vmul.f32 $8.000000000e+00, v5  }
0x1c6: {  	[tilespmem:s25+$0x40] =	vst v2;
	v2 =	vmul.f32 $8.000000000e+00, v6;
	v5 =	vld [tilespmem:s25+$0xB0]  }
0x1c7: {  	v6 =	vld [tilespmem:s25+$0xC0];
	[tilespmem:s25+$0x50] =	vst v0;
	v0 =	vmul.f32 $8.000000000e+00, v7  }
0x1c8: {  	[tilespmem:s25+$0x60] =	vst v2;
	v2 =	vld [tilespmem:s25+$0xD0];
	v1 =	vmul.f32 $8.000000000e+00, v1  }
0x1c9: {  	[tilespmem:s25+$0x70] =	vst v0;
	v0 =	vmul.f32 $8.000000000e+00, v3;
	v3 =	vld [tilespmem:s25+$0xE0]  }
0x1ca: {  	[tilespmem:s25+$0x80] =	vst v1;
	v1 =	vmul.f32 $8.000000000e+00, v4;
	v4 =	vld [tilespmem:s25+$0xF0]  }
0x1cb: {  	[tilespmem:s25+$0x90] =	vst v0;
	v0 =	vmul.f32 $8.000000000e+00, v5;
	v5 =	vld [tilespmem:s25+$0x100]  }
0x1cc: {  	[tilespmem:s25+$0xA0] =	vst v1;
	v1 =	vmul.f32 $8.000000000e+00, v6;
	v6 =	vld [tilespmem:s25+$0x110]  }
0x1cd: {  	[tilespmem:s25+$0xB0] =	vst v0;
	v0 =	vmul.f32 $8.000000000e+00, v2;
	v2 =	vld [tilespmem:s25+$0x120]  }
0x1ce: {  	[tilespmem:s25+$0xC0] =	vst v1;
	v1 =	vmul.f32 $8.000000000e+00, v3;
	v3 =	vld [tilespmem:s25+$0x130]  }
0x1cf: {  	[tilespmem:s25+$0xD0] =	vst v0;
	v0 =	vmul.f32 $8.000000000e+00, v4;
	v4 =	vld [tilespmem:s25+$0x140]  }
0x1d0: {  	[tilespmem:s25+$0xE0] =	vst v1;
	v1 =	vmul.f32 $8.000000000e+00, v5;
	v5 =	vld [tilespmem:s25+$0x150]  }
0x1d1: {  	[tilespmem:s25+$0xF0] =	vst v0;
	v0 =	vmul.f32 $8.000000000e+00, v6;
	v6 =	vld [tilespmem:s25+$0x160]  }
0x1d2: {  	[tilespmem:s25+$0x100] =	vst v1;
	v1 =	vmul.f32 $8.000000000e+00, v2;
	v2 =	vld [tilespmem:s25+$0x170]  }
0x1d3: {  	[tilespmem:s25+$0x110] =	vst v0;
	v0 =	vmul.f32 $8.000000000e+00, v3;
	v3 =	vld [tilespmem:s25+$0x180]  }
0x1d4: {  	[tilespmem:s25+$0x120] =	vst v1;
	v1 =	vmul.f32 $8.000000000e+00, v4;
	v4 =	vld [tilespmem:s25+$0x190]  }
0x1d5: {  	v7 =	vld [tilespmem:s25+$0x1A0];
	[tilespmem:s25+$0x130] =	vst v0;
	v5 =	vmul.f32 $8.000000000e+00, v5  }
0x1d6: {  	v0 =	vld [tilespmem:s25+$0x1B0];
	[tilespmem:s25+$0x140] =	vst v1;
	v6 =	vmul.f32 $8.000000000e+00, v6  }
0x1d7: {  	v1 =	vld [tilespmem:s25+$0x1C0];
	[tilespmem:s25+$0x150] =	vst v5;
	v5 =	vmul.f32 $8.000000000e+00, v2  }
0x1d8: {  	v2 =	vld [tilespmem:s25+$0x1D0];
	[tilespmem:s25+$0x160] =	vst v6;
	v6 =	vmul.f32 $8.000000000e+00, v3  }
0x1d9: {  	v3 =	vld [tilespmem:s25+$0x1E0];
	[tilespmem:s25+$0x170] =	vst v5;
	v5 =	vmul.f32 $8.000000000e+00, v4  }
0x1da: {  	s30 =	simm.s32 $0x10600;
	s28 =	simm.s32 $0x0;
	v4 =	vld [tilespmem:s25+$0x0];
	[tilespmem:s25+$0x180] =	vst v6;
	v6 =	vmul.f32 $8.000000000e+00, v7  }
.LBB2_13:
0x1db: {  	v7 =	vld [tilespmem:s30+$0x1F0];
	s28 =	sadd.s32 $0x8, s28;
	[tilespmem:s25+$0x190] =	vst v5;
	v0 =	vmul.f32 $8.000000000e+00, v0  }
0x1dc: {  	v5 =	vld [tilespmem:s30+$0x10];
	p0 =	slt.u32 s28, $0x78;
	[tilespmem:s25+$0x1A0] =	vst v6;
	v1 =	vmul.f32 $8.000000000e+00, v1  }
0x1dd: {  	v6 =	vld [tilespmem:s30+$0x20];
	[tilespmem:s25+$0x1B0] =	vst v0;
	v0 =	vmul.f32 $8.000000000e+00, v2  }
0x1de: {  	v2 =	vld [tilespmem:s30+$0x30];
	[tilespmem:s25+$0x1C0] =	vst v1;
	v1 =	vmul.f32 $8.000000000e+00, v3  }
0x1df: {  	v3 =	vld [tilespmem:s30+$0x40];
	v4 =	vmul.f32 $8.000000000e+00, v4;
	[tilespmem:s25+$0x1D0] =	vst v0  }
0x1e0: {  	v0 =	vld [tilespmem:s30+$0x50];
	v7 =	vmul.f32 $8.000000000e+00, v7;
	[tilespmem:s25+$0x1E0] =	vst v1  }
0x1e1: {  	v1 =	vmul.f32 $8.000000000e+00, v5;
	v5 =	vld [tilespmem:s30+$0x60];
	[tilespmem:s25+$0x0] =	vst v4;
	s25 =	smov.u32 s30  }
0x1e2: {  	v4 =	vmul.f32 $8.000000000e+00, v6;
	v6 =	vld [tilespmem:s30+$0x70];
	[tilespmem:s30+$0x1F0] =	vst v7  }
0x1e3: {  	[tilespmem:s30+$0x10] =	vst v1;
	v1 =	vmul.f32 $8.000000000e+00, v2;
	v2 =	vld [tilespmem:s30+$0x80]  }
0x1e4: {  	[tilespmem:s30+$0x20] =	vst v4;
	v3 =	vmul.f32 $8.000000000e+00, v3;
	v4 =	vld [tilespmem:s30+$0x90]  }
0x1e5: {  	[tilespmem:s30+$0x30] =	vst v1;
	v0 =	vmul.f32 $8.000000000e+00, v0;
	v1 =	vld [tilespmem:s30+$0xA0]  }
0x1e6: {  	[tilespmem:s30+$0x40] =	vst v3;
	v3 =	vmul.f32 $8.000000000e+00, v5;
	v5 =	vld [tilespmem:s30+$0xB0]  }
0x1e7: {  	[tilespmem:s30+$0x50] =	vst v0;
	v0 =	vmul.f32 $8.000000000e+00, v6;
	v6 =	vld [tilespmem:s30+$0xC0]  }
0x1e8: {  	[tilespmem:s30+$0x60] =	vst v3;
	v2 =	vmul.f32 $8.000000000e+00, v2;
	v3 =	vld [tilespmem:s30+$0xD0]  }
0x1e9: {  	[tilespmem:s30+$0x70] =	vst v0;
	v0 =	vmul.f32 $8.000000000e+00, v4;
	v4 =	vld [tilespmem:s30+$0xE0]  }
0x1ea: {  	[tilespmem:s30+$0x80] =	vst v2;
	v1 =	vmul.f32 $8.000000000e+00, v1;
	v2 =	vld [tilespmem:s30+$0xF0]  }
0x1eb: {  	[tilespmem:s30+$0x90] =	vst v0;
	v0 =	vmul.f32 $8.000000000e+00, v5;
	v5 =	vld [tilespmem:s30+$0x100]  }
0x1ec: {  	[tilespmem:s30+$0xA0] =	vst v1;
	v1 =	vmul.f32 $8.000000000e+00, v6;
	v6 =	vld [tilespmem:s30+$0x110]  }
0x1ed: {  	[tilespmem:s30+$0xB0] =	vst v0;
	v0 =	vmul.f32 $8.000000000e+00, v3;
	v3 =	vld [tilespmem:s30+$0x120]  }
0x1ee: {  	[tilespmem:s30+$0xC0] =	vst v1;
	v1 =	vmul.f32 $8.000000000e+00, v4;
	v4 =	vld [tilespmem:s30+$0x130]  }
0x1ef: {  	[tilespmem:s30+$0xD0] =	vst v0;
	v0 =	vmul.f32 $8.000000000e+00, v2;
	v2 =	vld [tilespmem:s30+$0x140]  }
0x1f0: {  	[tilespmem:s30+$0xE0] =	vst v1;
	v1 =	vmul.f32 $8.000000000e+00, v5;
	v5 =	vld [tilespmem:s30+$0x150]  }
0x1f1: {  	[tilespmem:s30+$0xF0] =	vst v0;
	v0 =	vmul.f32 $8.000000000e+00, v6;
	v6 =	vld [tilespmem:s30+$0x160]  }
0x1f2: {  	[tilespmem:s30+$0x100] =	vst v1;
	v1 =	vmul.f32 $8.000000000e+00, v3;
	v3 =	vld [tilespmem:s30+$0x170]  }
0x1f3: {  	[tilespmem:s30+$0x110] =	vst v0;
	v0 =	vmul.f32 $8.000000000e+00, v4;
	v4 =	vld [tilespmem:s30+$0x180]  }
0x1f4: {  	[tilespmem:s30+$0x120] =	vst v1;
	v1 =	vmul.f32 $8.000000000e+00, v2;
	v7 =	vld [tilespmem:s30+$0x190]  }
0x1f5: {  	[tilespmem:s30+$0x130] =	vst v0;
	v2 =	vmul.f32 $8.000000000e+00, v5;
	v8 =	vld [tilespmem:s30+$0x1A0]  }
.Ltmp5:
0x1f6: {  	[tilespmem:s30+$0x140] =	vst v1;
	v5 =	vmul.f32 $8.000000000e+00, v6;
	v0 =	vld [tilespmem:s30+$0x1B0];
	(pc) =	sbr.rel @p0 .LBB2_13-.Ltmp5, $4  }
0x1f7: {  	[tilespmem:s30+$0x150] =	vst v2;
	v3 =	vmul.f32 $8.000000000e+00, v3;
	v1 =	vld [tilespmem:s30+$0x1C0]  }
0x1f8: {  	[tilespmem:s30+$0x160] =	vst v5;
	v6 =	vmul.f32 $8.000000000e+00, v4;
	v2 =	vld [tilespmem:s30+$0x1D0]  }
0x1f9: {  	[tilespmem:s30+$0x170] =	vst v3;
	v5 =	vmul.f32 $8.000000000e+00, v7;
	v3 =	vld [tilespmem:s30+$0x1E0]  }
0x1fa: {  	s30 =	sadd.s32 $0x200, s30;
	v4 =	vld [tilespmem:s25+$0x0];
	[tilespmem:s25+$0x180] =	vst v6;
	v6 =	vmul.f32 $8.000000000e+00, v8  }
0x1fb: {  	[tilespmem:s25+$0x190] =	vst v5;
	v0 =	vmul.f32 $8.000000000e+00, v0  }
0x1fc: {  	[tilespmem:s25+$0x1A0] =	vst v6;
	v1 =	vmul.f32 $8.000000000e+00, v1  }
0x1fd: {  	[tilespmem:s25+$0x1B0] =	vst v0;
	v0 =	vmul.f32 $8.000000000e+00, v2  }
0x1fe: {  	[tilespmem:s25+$0x1C0] =	vst v1;
	v1 =	vmul.f32 $8.000000000e+00, v3  }
0x1ff: {  	v2 =	vmul.f32 $8.000000000e+00, v4;
	[tilespmem:s25+$0x1D0] =	vst v0  }
0x200: {  	[tilespmem:s25+$0x1E0] =	vst v1  }
0x201: {  	s28 =	simm.s32 $0x10400;
	[tilespmem:s25+$0x0] =	vst v2;
	s25 =	sadd.s32 s23, s7  }
0x202: {  	[hbm4b:s25+s3] =	stream.linear.scatter [tilespmem:s28], [sflag:$0xE], $0x2000, $0x38;
	[tilespmem:$0x16400] =	vst v63  }
0x203: {  	_ =	swait.ge [sflag:s17], $0x2000  }
0x204: {  	[sflag:s17] =	ssyncset.done $0x0  }
0x205: {  	s25 =	simm.s32 $0x12400;
	[sflag:s17] =	ssyncadd.s32 $0xFFFFE000  }
0x206: {  	v0 =	vld [tilespmem:s25+$0x1F0]  }
0x207: {  	v1 =	vld [tilespmem:s25+$0x10]  }
0x208: {  	v2 =	vld [tilespmem:s25+$0x20]  }
0x209: {  	v3 =	vld [tilespmem:s25+$0x30]  }
0x20a: {  	v4 =	vld [tilespmem:s25+$0x40]  }
0x20b: {  	v5 =	vld [tilespmem:s25+$0x50];
	v0 =	vmul.f32 $8.000000000e+00, v0  }
0x20c: {  	v6 =	vld [tilespmem:s25+$0x60];
	v1 =	vmul.f32 $8.000000000e+00, v1  }
0x20d: {  	v7 =	vld [tilespmem:s25+$0x70];
	v2 =	vmul.f32 $8.000000000e+00, v2;
	[tilespmem:s25+$0x1F0] =	vst v0  }
0x20e: {  	[tilespmem:s25+$0x10] =	vst v1;
	v0 =	vmul.f32 $8.000000000e+00, v3;
	v1 =	vld [tilespmem:s25+$0x80]  }
0x20f: {  	[tilespmem:s25+$0x20] =	vst v2;
	v2 =	vmul.f32 $8.000000000e+00, v4;
	v3 =	vld [tilespmem:s25+$0x90]  }
0x210: {  	v4 =	vld [tilespmem:s25+$0xA0];
	[tilespmem:s25+$0x30] =	vst v0;
	v0 =	vmul.f32 $8.000000000e+00, v5  }
0x211: {  	[tilespmem:s25+$0x40] =	vst v2;
	v2 =	vmul.f32 $8.000000000e+00, v6;
	v5 =	vld [tilespmem:s25+$0xB0]  }
0x212: {  	v6 =	vld [tilespmem:s25+$0xC0];
	[tilespmem:s25+$0x50] =	vst v0;
	v0 =	vmul.f32 $8.000000000e+00, v7  }
0x213: {  	[tilespmem:s25+$0x60] =	vst v2;
	v2 =	vld [tilespmem:s25+$0xD0];
	v1 =	vmul.f32 $8.000000000e+00, v1  }
0x214: {  	[tilespmem:s25+$0x70] =	vst v0;
	v0 =	vmul.f32 $8.000000000e+00, v3;
	v3 =	vld [tilespmem:s25+$0xE0]  }
0x215: {  	[tilespmem:s25+$0x80] =	vst v1;
	v1 =	vmul.f32 $8.000000000e+00, v4;
	v4 =	vld [tilespmem:s25+$0xF0]  }
0x216: {  	[tilespmem:s25+$0x90] =	vst v0;
	v0 =	vmul.f32 $8.000000000e+00, v5;
	v5 =	vld [tilespmem:s25+$0x100]  }
0x217: {  	[tilespmem:s25+$0xA0] =	vst v1;
	v1 =	vmul.f32 $8.000000000e+00, v6;
	v6 =	vld [tilespmem:s25+$0x110]  }
0x218: {  	[tilespmem:s25+$0xB0] =	vst v0;
	v0 =	vmul.f32 $8.000000000e+00, v2;
	v2 =	vld [tilespmem:s25+$0x120]  }
0x219: {  	[tilespmem:s25+$0xC0] =	vst v1;
	v1 =	vmul.f32 $8.000000000e+00, v3;
	v3 =	vld [tilespmem:s25+$0x130]  }
0x21a: {  	[tilespmem:s25+$0xD0] =	vst v0;
	v0 =	vmul.f32 $8.000000000e+00, v4;
	v4 =	vld [tilespmem:s25+$0x140]  }
0x21b: {  	[tilespmem:s25+$0xE0] =	vst v1;
	v1 =	vmul.f32 $8.000000000e+00, v5;
	v5 =	vld [tilespmem:s25+$0x150]  }
0x21c: {  	[tilespmem:s25+$0xF0] =	vst v0;
	v0 =	vmul.f32 $8.000000000e+00, v6;
	v6 =	vld [tilespmem:s25+$0x160]  }
0x21d: {  	[tilespmem:s25+$0x100] =	vst v1;
	v1 =	vmul.f32 $8.000000000e+00, v2;
	v2 =	vld [tilespmem:s25+$0x170]  }
0x21e: {  	[tilespmem:s25+$0x110] =	vst v0;
	v0 =	vmul.f32 $8.000000000e+00, v3;
	v3 =	vld [tilespmem:s25+$0x180]  }
0x21f: {  	[tilespmem:s25+$0x120] =	vst v1;
	v1 =	vmul.f32 $8.000000000e+00, v4;
	v4 =	vld [tilespmem:s25+$0x190]  }
0x220: {  	v7 =	vld [tilespmem:s25+$0x1A0];
	[tilespmem:s25+$0x130] =	vst v0;
	v5 =	vmul.f32 $8.000000000e+00, v5  }
0x221: {  	v0 =	vld [tilespmem:s25+$0x1B0];
	[tilespmem:s25+$0x140] =	vst v1;
	v6 =	vmul.f32 $8.000000000e+00, v6  }
0x222: {  	v1 =	vld [tilespmem:s25+$0x1C0];
	[tilespmem:s25+$0x150] =	vst v5;
	v5 =	vmul.f32 $8.000000000e+00, v2  }
0x223: {  	v2 =	vld [tilespmem:s25+$0x1D0];
	[tilespmem:s25+$0x160] =	vst v6;
	v6 =	vmul.f32 $8.000000000e+00, v3  }
0x224: {  	v3 =	vld [tilespmem:s25+$0x1E0];
	[tilespmem:s25+$0x170] =	vst v5;
	v5 =	vmul.f32 $8.000000000e+00, v4  }
0x225: {  	s30 =	simm.s32 $0x12600;
	s28 =	simm.s32 $0x0;
	v4 =	vld [tilespmem:s25+$0x0];
	[tilespmem:s25+$0x180] =	vst v6;
	v6 =	vmul.f32 $8.000000000e+00, v7  }
.LBB2_15:
0x226: {  	v7 =	vld [tilespmem:s30+$0x1F0];
	s28 =	sadd.s32 $0x8, s28;
	[tilespmem:s25+$0x190] =	vst v5;
	v0 =	vmul.f32 $8.000000000e+00, v0  }
0x227: {  	v5 =	vld [tilespmem:s30+$0x10];
	p0 =	slt.u32 s28, $0x78;
	[tilespmem:s25+$0x1A0] =	vst v6;
	v1 =	vmul.f32 $8.000000000e+00, v1  }
0x228: {  	v6 =	vld [tilespmem:s30+$0x20];
	[tilespmem:s25+$0x1B0] =	vst v0;
	v0 =	vmul.f32 $8.000000000e+00, v2  }
0x229: {  	v2 =	vld [tilespmem:s30+$0x30];
	[tilespmem:s25+$0x1C0] =	vst v1;
	v1 =	vmul.f32 $8.000000000e+00, v3  }
0x22a: {  	v3 =	vld [tilespmem:s30+$0x40];
	v4 =	vmul.f32 $8.000000000e+00, v4;
	[tilespmem:s25+$0x1D0] =	vst v0  }
0x22b: {  	v0 =	vld [tilespmem:s30+$0x50];
	v7 =	vmul.f32 $8.000000000e+00, v7;
	[tilespmem:s25+$0x1E0] =	vst v1  }
0x22c: {  	v1 =	vmul.f32 $8.000000000e+00, v5;
	v5 =	vld [tilespmem:s30+$0x60];
	[tilespmem:s25+$0x0] =	vst v4;
	s25 =	smov.u32 s30  }
0x22d: {  	v4 =	vmul.f32 $8.000000000e+00, v6;
	v6 =	vld [tilespmem:s30+$0x70];
	[tilespmem:s30+$0x1F0] =	vst v7  }
0x22e: {  	[tilespmem:s30+$0x10] =	vst v1;
	v1 =	vmul.f32 $8.000000000e+00, v2;
	v2 =	vld [tilespmem:s30+$0x80]  }
0x22f: {  	[tilespmem:s30+$0x20] =	vst v4;
	v3 =	vmul.f32 $8.000000000e+00, v3;
	v4 =	vld [tilespmem:s30+$0x90]  }
0x230: {  	[tilespmem:s30+$0x30] =	vst v1;
	v0 =	vmul.f32 $8.000000000e+00, v0;
	v1 =	vld [tilespmem:s30+$0xA0]  }
0x231: {  	[tilespmem:s30+$0x40] =	vst v3;
	v3 =	vmul.f32 $8.000000000e+00, v5;
	v5 =	vld [tilespmem:s30+$0xB0]  }
0x232: {  	[tilespmem:s30+$0x50] =	vst v0;
	v0 =	vmul.f32 $8.000000000e+00, v6;
	v6 =	vld [tilespmem:s30+$0xC0]  }
0x233: {  	[tilespmem:s30+$0x60] =	vst v3;
	v2 =	vmul.f32 $8.000000000e+00, v2;
	v3 =	vld [tilespmem:s30+$0xD0]  }
0x234: {  	[tilespmem:s30+$0x70] =	vst v0;
	v0 =	vmul.f32 $8.000000000e+00, v4;
	v4 =	vld [tilespmem:s30+$0xE0]  }
0x235: {  	[tilespmem:s30+$0x80] =	vst v2;
	v1 =	vmul.f32 $8.000000000e+00, v1;
	v2 =	vld [tilespmem:s30+$0xF0]  }
0x236: {  	[tilespmem:s30+$0x90] =	vst v0;
	v0 =	vmul.f32 $8.000000000e+00, v5;
	v5 =	vld [tilespmem:s30+$0x100]  }
0x237: {  	[tilespmem:s30+$0xA0] =	vst v1;
	v1 =	vmul.f32 $8.000000000e+00, v6;
	v6 =	vld [tilespmem:s30+$0x110]  }
0x238: {  	[tilespmem:s30+$0xB0] =	vst v0;
	v0 =	vmul.f32 $8.000000000e+00, v3;
	v3 =	vld [tilespmem:s30+$0x120]  }
0x239: {  	[tilespmem:s30+$0xC0] =	vst v1;
	v1 =	vmul.f32 $8.000000000e+00, v4;
	v4 =	vld [tilespmem:s30+$0x130]  }
0x23a: {  	[tilespmem:s30+$0xD0] =	vst v0;
	v0 =	vmul.f32 $8.000000000e+00, v2;
	v2 =	vld [tilespmem:s30+$0x140]  }
0x23b: {  	[tilespmem:s30+$0xE0] =	vst v1;
	v1 =	vmul.f32 $8.000000000e+00, v5;
	v5 =	vld [tilespmem:s30+$0x150]  }
0x23c: {  	[tilespmem:s30+$0xF0] =	vst v0;
	v0 =	vmul.f32 $8.000000000e+00, v6;
	v6 =	vld [tilespmem:s30+$0x160]  }
0x23d: {  	[tilespmem:s30+$0x100] =	vst v1;
	v1 =	vmul.f32 $8.000000000e+00, v3;
	v3 =	vld [tilespmem:s30+$0x170]  }
0x23e: {  	[tilespmem:s30+$0x110] =	vst v0;
	v0 =	vmul.f32 $8.000000000e+00, v4;
	v4 =	vld [tilespmem:s30+$0x180]  }
0x23f: {  	[tilespmem:s30+$0x120] =	vst v1;
	v1 =	vmul.f32 $8.000000000e+00, v2;
	v7 =	vld [tilespmem:s30+$0x190]  }
0x240: {  	[tilespmem:s30+$0x130] =	vst v0;
	v2 =	vmul.f32 $8.000000000e+00, v5;
	v8 =	vld [tilespmem:s30+$0x1A0]  }
.Ltmp6:
0x241: {  	[tilespmem:s30+$0x140] =	vst v1;
	v5 =	vmul.f32 $8.000000000e+00, v6;
	v0 =	vld [tilespmem:s30+$0x1B0];
	(pc) =	sbr.rel @p0 .LBB2_15-.Ltmp6, $4  }
0x242: {  	[tilespmem:s30+$0x150] =	vst v2;
	v3 =	vmul.f32 $8.000000000e+00, v3;
	v1 =	vld [tilespmem:s30+$0x1C0]  }
0x243: {  	[tilespmem:s30+$0x160] =	vst v5;
	v6 =	vmul.f32 $8.000000000e+00, v4;
	v2 =	vld [tilespmem:s30+$0x1D0]  }
0x244: {  	[tilespmem:s30+$0x170] =	vst v3;
	v5 =	vmul.f32 $8.000000000e+00, v7;
	v3 =	vld [tilespmem:s30+$0x1E0]  }
0x245: {  	s30 =	sadd.s32 $0x200, s30;
	v4 =	vld [tilespmem:s25+$0x0];
	[tilespmem:s25+$0x180] =	vst v6;
	v6 =	vmul.f32 $8.000000000e+00, v8  }
0x246: {  	[tilespmem:s25+$0x190] =	vst v5;
	v0 =	vmul.f32 $8.000000000e+00, v0  }
0x247: {  	[tilespmem:s25+$0x1A0] =	vst v6;
	v1 =	vmul.f32 $8.000000000e+00, v1  }
0x248: {  	[tilespmem:s25+$0x1B0] =	vst v0;
	v0 =	vmul.f32 $8.000000000e+00, v2  }
0x249: {  	[tilespmem:s25+$0x1C0] =	vst v1;
	v1 =	vmul.f32 $8.000000000e+00, v3  }
0x24a: {  	v2 =	vmul.f32 $8.000000000e+00, v4;
	[tilespmem:s25+$0x1D0] =	vst v0  }
0x24b: {  	[tilespmem:s25+$0x1E0] =	vst v1  }
0x24c: {  	[tilespmem:s25+$0x0] =	vst v2;
	s25 =	sadd.s32 s23, s8  }
0x24d: {  	[hbm4b:s25+s3] =	stream.linear.scatter [tilespmem:s24], [sflag:$0xF], $0x2000, $0x38;
	[tilespmem:$0x16400] =	vst v63  }
0x24e: {  	_ =	swait.ge [sflag:s18], $0x2000  }
0x24f: {  	[sflag:s18] =	ssyncset.done $0x0  }
0x250: {  	s25 =	simm.s32 $0x14400;
	[sflag:s18] =	ssyncadd.s32 $0xFFFFE000  }
0x251: {  	v0 =	vld [tilespmem:s25+$0x1F0]  }
0x252: {  	v1 =	vld [tilespmem:s25+$0x10]  }
0x253: {  	v2 =	vld [tilespmem:s25+$0x20]  }
0x254: {  	v3 =	vld [tilespmem:s25+$0x30]  }
0x255: {  	v4 =	vld [tilespmem:s25+$0x40]  }
0x256: {  	v5 =	vld [tilespmem:s25+$0x50];
	v0 =	vmul.f32 $8.000000000e+00, v0  }
0x257: {  	v6 =	vld [tilespmem:s25+$0x60];
	v1 =	vmul.f32 $8.000000000e+00, v1  }
0x258: {  	v7 =	vld [tilespmem:s25+$0x70];
	v2 =	vmul.f32 $8.000000000e+00, v2;
	[tilespmem:s25+$0x1F0] =	vst v0  }
0x259: {  	[tilespmem:s25+$0x10] =	vst v1;
	v0 =	vmul.f32 $8.000000000e+00, v3;
	v1 =	vld [tilespmem:s25+$0x80]  }
0x25a: {  	[tilespmem:s25+$0x20] =	vst v2;
	v2 =	vmul.f32 $8.000000000e+00, v4;
	v3 =	vld [tilespmem:s25+$0x90]  }
0x25b: {  	v4 =	vld [tilespmem:s25+$0xA0];
	[tilespmem:s25+$0x30] =	vst v0;
	v0 =	vmul.f32 $8.000000000e+00, v5  }
0x25c: {  	[tilespmem:s25+$0x40] =	vst v2;
	v2 =	vmul.f32 $8.000000000e+00, v6;
	v5 =	vld [tilespmem:s25+$0xB0]  }
0x25d: {  	v6 =	vld [tilespmem:s25+$0xC0];
	[tilespmem:s25+$0x50] =	vst v0;
	v0 =	vmul.f32 $8.000000000e+00, v7  }
0x25e: {  	[tilespmem:s25+$0x60] =	vst v2;
	v2 =	vld [tilespmem:s25+$0xD0];
	v1 =	vmul.f32 $8.000000000e+00, v1  }
0x25f: {  	[tilespmem:s25+$0x70] =	vst v0;
	v0 =	vmul.f32 $8.000000000e+00, v3;
	v3 =	vld [tilespmem:s25+$0xE0]  }
0x260: {  	[tilespmem:s25+$0x80] =	vst v1;
	v1 =	vmul.f32 $8.000000000e+00, v4;
	v4 =	vld [tilespmem:s25+$0xF0]  }
0x261: {  	[tilespmem:s25+$0x90] =	vst v0;
	v0 =	vmul.f32 $8.000000000e+00, v5;
	v5 =	vld [tilespmem:s25+$0x100]  }
0x262: {  	[tilespmem:s25+$0xA0] =	vst v1;
	v1 =	vmul.f32 $8.000000000e+00, v6;
	v6 =	vld [tilespmem:s25+$0x110]  }
0x263: {  	[tilespmem:s25+$0xB0] =	vst v0;
	v0 =	vmul.f32 $8.000000000e+00, v2;
	v2 =	vld [tilespmem:s25+$0x120]  }
0x264: {  	[tilespmem:s25+$0xC0] =	vst v1;
	v1 =	vmul.f32 $8.000000000e+00, v3;
	v3 =	vld [tilespmem:s25+$0x130]  }
0x265: {  	[tilespmem:s25+$0xD0] =	vst v0;
	v0 =	vmul.f32 $8.000000000e+00, v4;
	v4 =	vld [tilespmem:s25+$0x140]  }
0x266: {  	[tilespmem:s25+$0xE0] =	vst v1;
	v1 =	vmul.f32 $8.000000000e+00, v5;
	v5 =	vld [tilespmem:s25+$0x150]  }
0x267: {  	[tilespmem:s25+$0xF0] =	vst v0;
	v0 =	vmul.f32 $8.000000000e+00, v6;
	v6 =	vld [tilespmem:s25+$0x160]  }
0x268: {  	[tilespmem:s25+$0x100] =	vst v1;
	v1 =	vmul.f32 $8.000000000e+00, v2;
	v2 =	vld [tilespmem:s25+$0x170]  }
0x269: {  	[tilespmem:s25+$0x110] =	vst v0;
	v0 =	vmul.f32 $8.000000000e+00, v3;
	v3 =	vld [tilespmem:s25+$0x180]  }
0x26a: {  	[tilespmem:s25+$0x120] =	vst v1;
	v1 =	vmul.f32 $8.000000000e+00, v4;
	v4 =	vld [tilespmem:s25+$0x190]  }
0x26b: {  	v7 =	vld [tilespmem:s25+$0x1A0];
	[tilespmem:s25+$0x130] =	vst v0;
	v5 =	vmul.f32 $8.000000000e+00, v5  }
0x26c: {  	v0 =	vld [tilespmem:s25+$0x1B0];
	[tilespmem:s25+$0x140] =	vst v1;
	v6 =	vmul.f32 $8.000000000e+00, v6  }
0x26d: {  	v1 =	vld [tilespmem:s25+$0x1C0];
	[tilespmem:s25+$0x150] =	vst v5;
	v5 =	vmul.f32 $8.000000000e+00, v2  }
0x26e: {  	v2 =	vld [tilespmem:s25+$0x1D0];
	[tilespmem:s25+$0x160] =	vst v6;
	v6 =	vmul.f32 $8.000000000e+00, v3  }
0x26f: {  	v3 =	vld [tilespmem:s25+$0x1E0];
	[tilespmem:s25+$0x170] =	vst v5;
	v5 =	vmul.f32 $8.000000000e+00, v4  }
0x270: {  	s28 =	simm.s32 $0x0;
	s30 =	simm.s32 $0x14600;
	v4 =	vld [tilespmem:s25+$0x0];
	[tilespmem:s25+$0x180] =	vst v6;
	v6 =	vmul.f32 $8.000000000e+00, v7  }
.LBB2_17:
0x271: {  	v7 =	vld [tilespmem:s30+$0x1F0];
	s28 =	sadd.s32 $0x8, s28;
	[tilespmem:s25+$0x190] =	vst v5;
	v0 =	vmul.f32 $8.000000000e+00, v0  }
0x272: {  	v5 =	vld [tilespmem:s30+$0x10];
	p0 =	slt.u32 s28, $0x78;
	[tilespmem:s25+$0x1A0] =	vst v6;
	v1 =	vmul.f32 $8.000000000e+00, v1  }
0x273: {  	v6 =	vld [tilespmem:s30+$0x20];
	[tilespmem:s25+$0x1B0] =	vst v0;
	v0 =	vmul.f32 $8.000000000e+00, v2  }
0x274: {  	v2 =	vld [tilespmem:s30+$0x30];
	[tilespmem:s25+$0x1C0] =	vst v1;
	v1 =	vmul.f32 $8.000000000e+00, v3  }
0x275: {  	v3 =	vld [tilespmem:s30+$0x40];
	v4 =	vmul.f32 $8.000000000e+00, v4;
	[tilespmem:s25+$0x1D0] =	vst v0  }
0x276: {  	v0 =	vld [tilespmem:s30+$0x50];
	v7 =	vmul.f32 $8.000000000e+00, v7;
	[tilespmem:s25+$0x1E0] =	vst v1  }
0x277: {  	v1 =	vmul.f32 $8.000000000e+00, v5;
	v5 =	vld [tilespmem:s30+$0x60];
	[tilespmem:s25+$0x0] =	vst v4;
	s25 =	smov.u32 s30  }
0x278: {  	v4 =	vmul.f32 $8.000000000e+00, v6;
	v6 =	vld [tilespmem:s30+$0x70];
	[tilespmem:s30+$0x1F0] =	vst v7  }
0x279: {  	[tilespmem:s30+$0x10] =	vst v1;
	v1 =	vmul.f32 $8.000000000e+00, v2;
	v2 =	vld [tilespmem:s30+$0x80]  }
0x27a: {  	[tilespmem:s30+$0x20] =	vst v4;
	v3 =	vmul.f32 $8.000000000e+00, v3;
	v4 =	vld [tilespmem:s30+$0x90]  }
0x27b: {  	[tilespmem:s30+$0x30] =	vst v1;
	v0 =	vmul.f32 $8.000000000e+00, v0;
	v1 =	vld [tilespmem:s30+$0xA0]  }
0x27c: {  	[tilespmem:s30+$0x40] =	vst v3;
	v3 =	vmul.f32 $8.000000000e+00, v5;
	v5 =	vld [tilespmem:s30+$0xB0]  }
0x27d: {  	[tilespmem:s30+$0x50] =	vst v0;
	v0 =	vmul.f32 $8.000000000e+00, v6;
	v6 =	vld [tilespmem:s30+$0xC0]  }
0x27e: {  	[tilespmem:s30+$0x60] =	vst v3;
	v2 =	vmul.f32 $8.000000000e+00, v2;
	v3 =	vld [tilespmem:s30+$0xD0]  }
0x27f: {  	[tilespmem:s30+$0x70] =	vst v0;
	v0 =	vmul.f32 $8.000000000e+00, v4;
	v4 =	vld [tilespmem:s30+$0xE0]  }
0x280: {  	[tilespmem:s30+$0x80] =	vst v2;
	v1 =	vmul.f32 $8.000000000e+00, v1;
	v2 =	vld [tilespmem:s30+$0xF0]  }
0x281: {  	[tilespmem:s30+$0x90] =	vst v0;
	v0 =	vmul.f32 $8.000000000e+00, v5;
	v5 =	vld [tilespmem:s30+$0x100]  }
0x282: {  	[tilespmem:s30+$0xA0] =	vst v1;
	v1 =	vmul.f32 $8.000000000e+00, v6;
	v6 =	vld [tilespmem:s30+$0x110]  }
0x283: {  	[tilespmem:s30+$0xB0] =	vst v0;
	v0 =	vmul.f32 $8.000000000e+00, v3;
	v3 =	vld [tilespmem:s30+$0x120]  }
0x284: {  	[tilespmem:s30+$0xC0] =	vst v1;
	v1 =	vmul.f32 $8.000000000e+00, v4;
	v4 =	vld [tilespmem:s30+$0x130]  }
0x285: {  	[tilespmem:s30+$0xD0] =	vst v0;
	v0 =	vmul.f32 $8.000000000e+00, v2;
	v2 =	vld [tilespmem:s30+$0x140]  }
0x286: {  	[tilespmem:s30+$0xE0] =	vst v1;
	v1 =	vmul.f32 $8.000000000e+00, v5;
	v5 =	vld [tilespmem:s30+$0x150]  }
0x287: {  	[tilespmem:s30+$0xF0] =	vst v0;
	v0 =	vmul.f32 $8.000000000e+00, v6;
	v6 =	vld [tilespmem:s30+$0x160]  }
0x288: {  	[tilespmem:s30+$0x100] =	vst v1;
	v1 =	vmul.f32 $8.000000000e+00, v3;
	v3 =	vld [tilespmem:s30+$0x170]  }
0x289: {  	[tilespmem:s30+$0x110] =	vst v0;
	v0 =	vmul.f32 $8.000000000e+00, v4;
	v4 =	vld [tilespmem:s30+$0x180]  }
0x28a: {  	[tilespmem:s30+$0x120] =	vst v1;
	v1 =	vmul.f32 $8.000000000e+00, v2;
	v7 =	vld [tilespmem:s30+$0x190]  }
0x28b: {  	[tilespmem:s30+$0x130] =	vst v0;
	v2 =	vmul.f32 $8.000000000e+00, v5;
	v8 =	vld [tilespmem:s30+$0x1A0]  }
.Ltmp7:
0x28c: {  	[tilespmem:s30+$0x140] =	vst v1;
	v5 =	vmul.f32 $8.000000000e+00, v6;
	v0 =	vld [tilespmem:s30+$0x1B0];
	(pc) =	sbr.rel @p0 .LBB2_17-.Ltmp7, $4  }
0x28d: {  	[tilespmem:s30+$0x150] =	vst v2;
	v3 =	vmul.f32 $8.000000000e+00, v3;
	v1 =	vld [tilespmem:s30+$0x1C0]  }
0x28e: {  	[tilespmem:s30+$0x160] =	vst v5;
	v6 =	vmul.f32 $8.000000000e+00, v4;
	v2 =	vld [tilespmem:s30+$0x1D0]  }
0x28f: {  	[tilespmem:s30+$0x170] =	vst v3;
	v5 =	vmul.f32 $8.000000000e+00, v7;
	v3 =	vld [tilespmem:s30+$0x1E0]  }
0x290: {  	s30 =	sadd.s32 $0x200, s30;
	v4 =	vld [tilespmem:s25+$0x0];
	[tilespmem:s25+$0x180] =	vst v6;
	v6 =	vmul.f32 $8.000000000e+00, v8  }
0x291: {  	[tilespmem:s25+$0x190] =	vst v5;
	v0 =	vmul.f32 $8.000000000e+00, v0  }
0x292: {  	[tilespmem:s25+$0x1A0] =	vst v6;
	v1 =	vmul.f32 $8.000000000e+00, v1  }
0x293: {  	[tilespmem:s25+$0x1B0] =	vst v0;
	v61 =	vmul.f32 $8.000000000e+00, v2  }
0x294: {  	[tilespmem:s25+$0x1C0] =	vst v1;
	v62 =	vmul.f32 $8.000000000e+00, v3  }
0x295: {  	v63 =	vmul.f32 $8.000000000e+00, v4;
	[tilespmem:s25+$0x1D0] =	vst v61  }
0x296: {  	[tilespmem:s25+$0x1E0] =	vst v62  }
0x297: {  	s23 =	sadd.s32 s23, s9;
	[tilespmem:s25+$0x0] =	vst v63  }
0x298: {  	[hbm4b:s23+s3] =	stream.linear.scatter [tilespmem:s29], [sflag:$0x10], $0x2000, $0x38;
	[tilespmem:$0x16400] =	vst v63  }
0x299: {  	_ =	swait.ge [sflag:s19], $0x2000  }
0x29a: {  	[sflag:s19] =	ssyncset.done $0x0  }
0x29b: {  	s28 =	sadd.s32 $0x600, s22;
	s30 =	simm.s32 $0xE400;
	[sflag:s19] =	ssyncadd.s32 $0xFFFFE000  }
0x29c: {  	[tilespmem:s30], [sflag:$0x5] =	stream.indirect.gather [hbm4b:s5+s21], $0x40, s28, s21, $0xb8;
	[tilespmem:$0x16400] =	vst v63  }
0x29d: {  	_ =	swait.ge [sflag:s20], $0x2000  }
0x29e: {  	[sflag:s20] =	ssyncset.done $0x0  }
0x29f: {  	s28 =	sadd.s32 $0x680, s22;
	s30 =	simm.s32 $0x10400;
	[sflag:s20] =	ssyncadd.s32 $0xFFFFE000  }
0x2a0: {  	[tilespmem:s30], [sflag:$0x6] =	stream.indirect.gather [hbm4b:s5+s21], $0x40, s28, s21, $0xb8;
	[tilespmem:$0x16400] =	vst v63  }
0x2a1: {  	_ =	swait.ge [sflag:s2], $0x2000  }
0x2a2: {  	s10 =	sadd.s32 $0x1, s10;
	[sflag:s2] =	ssyncset.done $0x0  }
0x2a3: {  	p0 =	sne.s32 s10, $0x18;
	s28 =	sadd.s32 $0x700, s22;
	[sflag:s2] =	ssyncadd.s32 $0xFFFFE000  }
0x2a4: {  	[tilespmem:s24], [sflag:$0x7] =	stream.indirect.gather [hbm4b:s5+s21], $0x40, s28, s21, $0xb8;
	[tilespmem:$0x16400] =	vst v63  }
.Ltmp8:
0x2a5: {  	_ = 	snop;
	(pc) =	sbr.rel @p0 .LBB2_2-.Ltmp8, $4  }
0x2a6: {  	_ =	swait.ge [sflag:s4], $0x2000  }
0x2a7: {  	[sflag:s4] =	ssyncset.done $0x0  }
0x2a8: {  	s30 =	sadd.s32 $0x780, s22;
	[sflag:s4] =	ssyncadd.s32 $0xFFFFE000  }
0x2a9: {  	[tilespmem:s29], [sflag:$0x8] =	stream.indirect.gather [hbm4b:s5+s21], $0x40, s30, s21, $0xb8;
	[tilespmem:$0x16400] =	vst v63  }
0x2aa: {  	_ =	swait.ge [sflag:s31], $0x2000  }
0x2ab: {  	[sflag:s31] =	ssyncset.done $0x0  }
0x2ac: {  	s10 =	simm.s32 $0x6500;
	[sflag:s31] =	ssyncadd.s32 $0xFFFFE000  }
0x2ad: {  	v0 =	vld [tilespmem:s10+$0xF0]  }
0x2ae: {  	v1 =	vld [tilespmem:s10+$0xFFFFFF10]  }
0x2af: {  	v2 =	vld [tilespmem:s10+$0xFFFFFF20]  }
0x2b0: {  	v3 =	vld [tilespmem:s10+$0xFFFFFF30]  }
0x2b1: {  	v4 =	vld [tilespmem:s10+$0xFFFFFF40]  }
0x2b2: {  	v5 =	vld [tilespmem:s10+$0xFFFFFF50];
	v0 =	vmul.f32 $8.000000000e+00, v0  }
0x2b3: {  	v6 =	vld [tilespmem:s10+$0xFFFFFF60];
	v1 =	vmul.f32 $8.000000000e+00, v1  }
0x2b4: {  	v7 =	vld [tilespmem:s10+$0xFFFFFF70];
	v2 =	vmul.f32 $8.000000000e+00, v2;
	[tilespmem:s10+$0xF0] =	vst v0  }
0x2b5: {  	[tilespmem:s10+$0xFFFFFF10] =	vst v1;
	v0 =	vmul.f32 $8.000000000e+00, v3;
	v1 =	vld [tilespmem:s10+$0xFFFFFF80]  }
0x2b6: {  	[tilespmem:s10+$0xFFFFFF20] =	vst v2;
	v2 =	vmul.f32 $8.000000000e+00, v4;
	v3 =	vld [tilespmem:s10+$0xFFFFFF90]  }
0x2b7: {  	v4 =	vld [tilespmem:s10+$0xFFFFFFA0];
	[tilespmem:s10+$0xFFFFFF30] =	vst v0;
	v0 =	vmul.f32 $8.000000000e+00, v5  }
0x2b8: {  	[tilespmem:s10+$0xFFFFFF40] =	vst v2;
	v2 =	vmul.f32 $8.000000000e+00, v6;
	v5 =	vld [tilespmem:s10+$0xFFFFFFB0]  }
0x2b9: {  	v6 =	vld [tilespmem:s10+$0xFFFFFFC0];
	[tilespmem:s10+$0xFFFFFF50] =	vst v0;
	v0 =	vmul.f32 $8.000000000e+00, v7  }
0x2ba: {  	[tilespmem:s10+$0xFFFFFF60] =	vst v2;
	v2 =	vld [tilespmem:s10+$0xFFFFFFD0];
	v1 =	vmul.f32 $8.000000000e+00, v1  }
0x2bb: {  	[tilespmem:s10+$0xFFFFFF70] =	vst v0;
	v0 =	vmul.f32 $8.000000000e+00, v3;
	v3 =	vld [tilespmem:s10+$0xFFFFFFE0]  }
0x2bc: {  	[tilespmem:s10+$0xFFFFFF80] =	vst v1;
	v1 =	vmul.f32 $8.000000000e+00, v4;
	v4 =	vld [tilespmem:s10+$0xFFFFFFF0]  }
0x2bd: {  	[tilespmem:s10+$0xFFFFFF90] =	vst v0;
	v0 =	vmul.f32 $8.000000000e+00, v5;
	v5 =	vld [tilespmem:s10+$0x0]  }
0x2be: {  	[tilespmem:s10+$0xFFFFFFA0] =	vst v1;
	v1 =	vmul.f32 $8.000000000e+00, v6;
	v6 =	vld [tilespmem:s10+$0x10]  }
0x2bf: {  	[tilespmem:s10+$0xFFFFFFB0] =	vst v0;
	v0 =	vmul.f32 $8.000000000e+00, v2;
	v2 =	vld [tilespmem:s10+$0x20]  }
0x2c0: {  	[tilespmem:s10+$0xFFFFFFC0] =	vst v1;
	v1 =	vmul.f32 $8.000000000e+00, v3;
	v3 =	vld [tilespmem:s10+$0x30]  }
0x2c1: {  	[tilespmem:s10+$0xFFFFFFD0] =	vst v0;
	v0 =	vmul.f32 $8.000000000e+00, v4;
	v4 =	vld [tilespmem:s10+$0x40]  }
0x2c2: {  	[tilespmem:s10+$0xFFFFFFE0] =	vst v1;
	v1 =	vmul.f32 $8.000000000e+00, v5;
	v5 =	vld [tilespmem:s10+$0x50]  }
0x2c3: {  	[tilespmem:s10+$0xFFFFFFF0] =	vst v0;
	v0 =	vmul.f32 $8.000000000e+00, v6;
	v6 =	vld [tilespmem:s10+$0x60]  }
0x2c4: {  	[tilespmem:s10+$0x0] =	vst v1;
	v1 =	vmul.f32 $8.000000000e+00, v2;
	v2 =	vld [tilespmem:s10+$0x70]  }
0x2c5: {  	[tilespmem:s10+$0x10] =	vst v0;
	v0 =	vmul.f32 $8.000000000e+00, v3;
	v3 =	vld [tilespmem:s10+$0x80]  }
0x2c6: {  	[tilespmem:s10+$0x20] =	vst v1;
	v1 =	vmul.f32 $8.000000000e+00, v4;
	v4 =	vld [tilespmem:s10+$0x90]  }
0x2c7: {  	v7 =	vld [tilespmem:s10+$0xA0];
	[tilespmem:s10+$0x30] =	vst v0;
	v5 =	vmul.f32 $8.000000000e+00, v5  }
0x2c8: {  	v0 =	vld [tilespmem:s10+$0xB0];
	[tilespmem:s10+$0x40] =	vst v1;
	v6 =	vmul.f32 $8.000000000e+00, v6  }
0x2c9: {  	v1 =	vld [tilespmem:s10+$0xC0];
	[tilespmem:s10+$0x50] =	vst v5;
	v5 =	vmul.f32 $8.000000000e+00, v2  }
0x2ca: {  	v2 =	vld [tilespmem:s10+$0xD0];
	[tilespmem:s10+$0x60] =	vst v6;
	v6 =	vmul.f32 $8.000000000e+00, v3  }
0x2cb: {  	v3 =	vld [tilespmem:s10+$0xE0];
	[tilespmem:s10+$0x70] =	vst v5;
	v5 =	vmul.f32 $8.000000000e+00, v4  }
0x2cc: {  	s22 =	simm.s32 $0x0;
	s23 =	simm.s32 $0x6700;
	v4 =	vld [tilespmem:s10+$0xFFFFFF00];
	[tilespmem:s10+$0x80] =	vst v6;
	v6 =	vmul.f32 $8.000000000e+00, v7  }
.LBB2_20:
0x2cd: {  	v7 =	vld [tilespmem:s23+$0xF0];
	s22 =	sadd.s32 $0x8, s22;
	[tilespmem:s10+$0x90] =	vst v5;
	v0 =	vmul.f32 $8.000000000e+00, v0  }
0x2ce: {  	v5 =	vld [tilespmem:s23+$0xFFFFFF10];
	p0 =	slt.u32 s22, $0x78;
	[tilespmem:s10+$0xA0] =	vst v6;
	v1 =	vmul.f32 $8.000000000e+00, v1  }
0x2cf: {  	v6 =	vld [tilespmem:s23+$0xFFFFFF20];
	[tilespmem:s10+$0xB0] =	vst v0;
	v0 =	vmul.f32 $8.000000000e+00, v2  }
0x2d0: {  	v2 =	vld [tilespmem:s23+$0xFFFFFF30];
	[tilespmem:s10+$0xC0] =	vst v1;
	v1 =	vmul.f32 $8.000000000e+00, v3  }
0x2d1: {  	v3 =	vld [tilespmem:s23+$0xFFFFFF40];
	v4 =	vmul.f32 $8.000000000e+00, v4;
	[tilespmem:s10+$0xD0] =	vst v0  }
0x2d2: {  	v0 =	vld [tilespmem:s23+$0xFFFFFF50];
	v7 =	vmul.f32 $8.000000000e+00, v7;
	[tilespmem:s10+$0xE0] =	vst v1  }
0x2d3: {  	v1 =	vmul.f32 $8.000000000e+00, v5;
	v5 =	vld [tilespmem:s23+$0xFFFFFF60];
	[tilespmem:s10+$0xFFFFFF00] =	vst v4;
	s10 =	smov.u32 s23  }
0x2d4: {  	v4 =	vmul.f32 $8.000000000e+00, v6;
	v6 =	vld [tilespmem:s23+$0xFFFFFF70];
	[tilespmem:s23+$0xF0] =	vst v7  }
0x2d5: {  	[tilespmem:s23+$0xFFFFFF10] =	vst v1;
	v1 =	vmul.f32 $8.000000000e+00, v2;
	v2 =	vld [tilespmem:s23+$0xFFFFFF80]  }
0x2d6: {  	[tilespmem:s23+$0xFFFFFF20] =	vst v4;
	v3 =	vmul.f32 $8.000000000e+00, v3;
	v4 =	vld [tilespmem:s23+$0xFFFFFF90]  }
0x2d7: {  	[tilespmem:s23+$0xFFFFFF30] =	vst v1;
	v0 =	vmul.f32 $8.000000000e+00, v0;
	v1 =	vld [tilespmem:s23+$0xFFFFFFA0]  }
0x2d8: {  	[tilespmem:s23+$0xFFFFFF40] =	vst v3;
	v3 =	vmul.f32 $8.000000000e+00, v5;
	v5 =	vld [tilespmem:s23+$0xFFFFFFB0]  }
0x2d9: {  	[tilespmem:s23+$0xFFFFFF50] =	vst v0;
	v0 =	vmul.f32 $8.000000000e+00, v6;
	v6 =	vld [tilespmem:s23+$0xFFFFFFC0]  }
0x2da: {  	[tilespmem:s23+$0xFFFFFF60] =	vst v3;
	v2 =	vmul.f32 $8.000000000e+00, v2;
	v3 =	vld [tilespmem:s23+$0xFFFFFFD0]  }
0x2db: {  	[tilespmem:s23+$0xFFFFFF70] =	vst v0;
	v0 =	vmul.f32 $8.000000000e+00, v4;
	v4 =	vld [tilespmem:s23+$0xFFFFFFE0]  }
0x2dc: {  	[tilespmem:s23+$0xFFFFFF80] =	vst v2;
	v1 =	vmul.f32 $8.000000000e+00, v1;
	v2 =	vld [tilespmem:s23+$0xFFFFFFF0]  }
0x2dd: {  	[tilespmem:s23+$0xFFFFFF90] =	vst v0;
	v0 =	vmul.f32 $8.000000000e+00, v5;
	v5 =	vld [tilespmem:s23+$0x0]  }
0x2de: {  	[tilespmem:s23+$0xFFFFFFA0] =	vst v1;
	v1 =	vmul.f32 $8.000000000e+00, v6;
	v6 =	vld [tilespmem:s23+$0x10]  }
0x2df: {  	[tilespmem:s23+$0xFFFFFFB0] =	vst v0;
	v0 =	vmul.f32 $8.000000000e+00, v3;
	v3 =	vld [tilespmem:s23+$0x20]  }
0x2e0: {  	[tilespmem:s23+$0xFFFFFFC0] =	vst v1;
	v1 =	vmul.f32 $8.000000000e+00, v4;
	v4 =	vld [tilespmem:s23+$0x30]  }
0x2e1: {  	[tilespmem:s23+$0xFFFFFFD0] =	vst v0;
	v0 =	vmul.f32 $8.000000000e+00, v2;
	v2 =	vld [tilespmem:s23+$0x40]  }
0x2e2: {  	[tilespmem:s23+$0xFFFFFFE0] =	vst v1;
	v1 =	vmul.f32 $8.000000000e+00, v5;
	v5 =	vld [tilespmem:s23+$0x50]  }
0x2e3: {  	[tilespmem:s23+$0xFFFFFFF0] =	vst v0;
	v0 =	vmul.f32 $8.000000000e+00, v6;
	v6 =	vld [tilespmem:s23+$0x60]  }
0x2e4: {  	[tilespmem:s23+$0x0] =	vst v1;
	v1 =	vmul.f32 $8.000000000e+00, v3;
	v3 =	vld [tilespmem:s23+$0x70]  }
0x2e5: {  	[tilespmem:s23+$0x10] =	vst v0;
	v0 =	vmul.f32 $8.000000000e+00, v4;
	v4 =	vld [tilespmem:s23+$0x80]  }
0x2e6: {  	[tilespmem:s23+$0x20] =	vst v1;
	v1 =	vmul.f32 $8.000000000e+00, v2;
	v7 =	vld [tilespmem:s23+$0x90]  }
0x2e7: {  	[tilespmem:s23+$0x30] =	vst v0;
	v2 =	vmul.f32 $8.000000000e+00, v5;
	v8 =	vld [tilespmem:s23+$0xA0]  }
.Ltmp9:
0x2e8: {  	[tilespmem:s23+$0x40] =	vst v1;
	v5 =	vmul.f32 $8.000000000e+00, v6;
	v0 =	vld [tilespmem:s23+$0xB0];
	(pc) =	sbr.rel @p0 .LBB2_20-.Ltmp9, $4  }
0x2e9: {  	[tilespmem:s23+$0x50] =	vst v2;
	v3 =	vmul.f32 $8.000000000e+00, v3;
	v1 =	vld [tilespmem:s23+$0xC0]  }
0x2ea: {  	[tilespmem:s23+$0x60] =	vst v5;
	v6 =	vmul.f32 $8.000000000e+00, v4;
	v2 =	vld [tilespmem:s23+$0xD0]  }
0x2eb: {  	[tilespmem:s23+$0x70] =	vst v3;
	v5 =	vmul.f32 $8.000000000e+00, v7;
	v3 =	vld [tilespmem:s23+$0xE0]  }
0x2ec: {  	s23 =	sadd.s32 $0x200, s23;
	v4 =	vld [tilespmem:s10+$0xFFFFFF00];
	[tilespmem:s10+$0x80] =	vst v6;
	v6 =	vmul.f32 $8.000000000e+00, v8  }
0x2ed: {  	[tilespmem:s10+$0x90] =	vst v5;
	v0 =	vmul.f32 $8.000000000e+00, v0  }
0x2ee: {  	[tilespmem:s10+$0xA0] =	vst v6;
	v1 =	vmul.f32 $8.000000000e+00, v1  }
0x2ef: {  	[tilespmem:s10+$0xB0] =	vst v0;
	v0 =	vmul.f32 $8.000000000e+00, v2  }
0x2f0: {  	[tilespmem:s10+$0xC0] =	vst v1;
	v1 =	vmul.f32 $8.000000000e+00, v3  }
0x2f1: {  	v2 =	vmul.f32 $8.000000000e+00, v4;
	[tilespmem:s10+$0xD0] =	vst v0  }
0x2f2: {  	[tilespmem:s10+$0xE0] =	vst v1  }
0x2f3: {  	[tilespmem:s10+$0xFFFFFF00] =	vst v2  }
0x2f4: {  	s22 =	simm.s32 $0x6400;
	s10 =	rddreg [dreg:$0x6]  }
0x2f5: {  	[hbm4b:s10+s3] =	stream.linear.scatter [tilespmem:s22], [sflag:$0x9], $0x2000, $0x38;
	[tilespmem:$0x16400] =	vst v63  }
0x2f6: {  	_ =	swait.ge [sflag:s0], $0x2000  }
0x2f7: {  	[sflag:s0] =	ssyncset.done $0x0  }
0x2f8: {  	s10 =	simm.s32 $0x85F0;
	[sflag:s0] =	ssyncadd.s32 $0xFFFFE000  }
0x2f9: {  	v0 =	vld [tilespmem:s10+$0x0]  }
0x2fa: {  	v1 =	vld [tilespmem:s10+$0xFFFFFE20]  }
0x2fb: {  	v2 =	vld [tilespmem:s10+$0xFFFFFE30]  }
0x2fc: {  	v3 =	vld [tilespmem:s10+$0xFFFFFE40]  }
0x2fd: {  	v4 =	vld [tilespmem:s10+$0xFFFFFE50]  }
0x2fe: {  	v5 =	vld [tilespmem:s10+$0xFFFFFE60];
	v0 =	vmul.f32 $8.000000000e+00, v0  }
0x2ff: {  	v6 =	vld [tilespmem:s10+$0xFFFFFE70];
	v1 =	vmul.f32 $8.000000000e+00, v1  }
0x300: {  	v7 =	vld [tilespmem:s10+$0xFFFFFE80];
	v2 =	vmul.f32 $8.000000000e+00, v2;
	[tilespmem:s10+$0x0] =	vst v0  }
0x301: {  	[tilespmem:s10+$0xFFFFFE20] =	vst v1;
	v0 =	vmul.f32 $8.000000000e+00, v3;
	v1 =	vld [tilespmem:s10+$0xFFFFFE90]  }
0x302: {  	[tilespmem:s10+$0xFFFFFE30] =	vst v2;
	v2 =	vmul.f32 $8.000000000e+00, v4;
	v3 =	vld [tilespmem:s10+$0xFFFFFEA0]  }
0x303: {  	v4 =	vld [tilespmem:s10+$0xFFFFFEB0];
	[tilespmem:s10+$0xFFFFFE40] =	vst v0;
	v0 =	vmul.f32 $8.000000000e+00, v5  }
0x304: {  	[tilespmem:s10+$0xFFFFFE50] =	vst v2;
	v2 =	vmul.f32 $8.000000000e+00, v6;
	v5 =	vld [tilespmem:s10+$0xFFFFFEC0]  }
0x305: {  	v6 =	vld [tilespmem:s10+$0xFFFFFED0];
	[tilespmem:s10+$0xFFFFFE60] =	vst v0;
	v0 =	vmul.f32 $8.000000000e+00, v7  }
0x306: {  	[tilespmem:s10+$0xFFFFFE70] =	vst v2;
	v2 =	vld [tilespmem:s10+$0xFFFFFEE0];
	v1 =	vmul.f32 $8.000000000e+00, v1  }
0x307: {  	[tilespmem:s10+$0xFFFFFE80] =	vst v0;
	v0 =	vmul.f32 $8.000000000e+00, v3;
	v3 =	vld [tilespmem:s10+$0xFFFFFEF0]  }
0x308: {  	[tilespmem:s10+$0xFFFFFE90] =	vst v1;
	v1 =	vmul.f32 $8.000000000e+00, v4;
	v4 =	vld [tilespmem:s10+$0xFFFFFF00]  }
0x309: {  	[tilespmem:s10+$0xFFFFFEA0] =	vst v0;
	v0 =	vmul.f32 $8.000000000e+00, v5;
	v5 =	vld [tilespmem:s10+$0xFFFFFF10]  }
0x30a: {  	[tilespmem:s10+$0xFFFFFEB0] =	vst v1;
	v1 =	vmul.f32 $8.000000000e+00, v6;
	v6 =	vld [tilespmem:s10+$0xFFFFFF20]  }
0x30b: {  	[tilespmem:s10+$0xFFFFFEC0] =	vst v0;
	v0 =	vmul.f32 $8.000000000e+00, v2;
	v2 =	vld [tilespmem:s10+$0xFFFFFF30]  }
0x30c: {  	[tilespmem:s10+$0xFFFFFED0] =	vst v1;
	v1 =	vmul.f32 $8.000000000e+00, v3;
	v3 =	vld [tilespmem:s10+$0xFFFFFF40]  }
0x30d: {  	[tilespmem:s10+$0xFFFFFEE0] =	vst v0;
	v0 =	vmul.f32 $8.000000000e+00, v4;
	v4 =	vld [tilespmem:s10+$0xFFFFFF50]  }
0x30e: {  	[tilespmem:s10+$0xFFFFFEF0] =	vst v1;
	v1 =	vmul.f32 $8.000000000e+00, v5;
	v5 =	vld [tilespmem:s10+$0xFFFFFF60]  }
0x30f: {  	[tilespmem:s10+$0xFFFFFF00] =	vst v0;
	v0 =	vmul.f32 $8.000000000e+00, v6;
	v6 =	vld [tilespmem:s10+$0xFFFFFF70]  }
0x310: {  	[tilespmem:s10+$0xFFFFFF10] =	vst v1;
	v1 =	vmul.f32 $8.000000000e+00, v2;
	v2 =	vld [tilespmem:s10+$0xFFFFFF80]  }
0x311: {  	[tilespmem:s10+$0xFFFFFF20] =	vst v0;
	v0 =	vmul.f32 $8.000000000e+00, v3;
	v3 =	vld [tilespmem:s10+$0xFFFFFF90]  }
0x312: {  	[tilespmem:s10+$0xFFFFFF30] =	vst v1;
	v1 =	vmul.f32 $8.000000000e+00, v4;
	v4 =	vld [tilespmem:s10+$0xFFFFFFA0]  }
0x313: {  	v7 =	vld [tilespmem:s10+$0xFFFFFFB0];
	[tilespmem:s10+$0xFFFFFF40] =	vst v0;
	v5 =	vmul.f32 $8.000000000e+00, v5  }
0x314: {  	v0 =	vld [tilespmem:s10+$0xFFFFFFC0];
	[tilespmem:s10+$0xFFFFFF50] =	vst v1;
	v6 =	vmul.f32 $8.000000000e+00, v6  }
0x315: {  	v1 =	vld [tilespmem:s10+$0xFFFFFFD0];
	[tilespmem:s10+$0xFFFFFF60] =	vst v5;
	v5 =	vmul.f32 $8.000000000e+00, v2  }
0x316: {  	v2 =	vld [tilespmem:s10+$0xFFFFFFE0];
	[tilespmem:s10+$0xFFFFFF70] =	vst v6;
	v6 =	vmul.f32 $8.000000000e+00, v3  }
0x317: {  	v3 =	vld [tilespmem:s10+$0xFFFFFFF0];
	[tilespmem:s10+$0xFFFFFF80] =	vst v5;
	v5 =	vmul.f32 $8.000000000e+00, v4  }
0x318: {  	s23 =	simm.s32 $0x87F0;
	s22 =	simm.s32 $0x0;
	v4 =	vld [tilespmem:s10+$0xFFFFFE10];
	[tilespmem:s10+$0xFFFFFF90] =	vst v6;
	v6 =	vmul.f32 $8.000000000e+00, v7  }
.LBB2_22:
0x319: {  	v7 =	vld [tilespmem:s23+$0x0];
	s22 =	sadd.s32 $0x8, s22;
	[tilespmem:s10+$0xFFFFFFA0] =	vst v5;
	v0 =	vmul.f32 $8.000000000e+00, v0  }
0x31a: {  	v5 =	vld [tilespmem:s23+$0xFFFFFE20];
	p0 =	slt.u32 s22, $0x78;
	[tilespmem:s10+$0xFFFFFFB0] =	vst v6;
	v1 =	vmul.f32 $8.000000000e+00, v1  }
0x31b: {  	v6 =	vld [tilespmem:s23+$0xFFFFFE30];
	[tilespmem:s10+$0xFFFFFFC0] =	vst v0;
	v0 =	vmul.f32 $8.000000000e+00, v2  }
0x31c: {  	v2 =	vld [tilespmem:s23+$0xFFFFFE40];
	[tilespmem:s10+$0xFFFFFFD0] =	vst v1;
	v1 =	vmul.f32 $8.000000000e+00, v3  }
0x31d: {  	v3 =	vld [tilespmem:s23+$0xFFFFFE50];
	v4 =	vmul.f32 $8.000000000e+00, v4;
	[tilespmem:s10+$0xFFFFFFE0] =	vst v0  }
0x31e: {  	v0 =	vld [tilespmem:s23+$0xFFFFFE60];
	v7 =	vmul.f32 $8.000000000e+00, v7;
	[tilespmem:s10+$0xFFFFFFF0] =	vst v1  }
0x31f: {  	v1 =	vmul.f32 $8.000000000e+00, v5;
	v5 =	vld [tilespmem:s23+$0xFFFFFE70];
	[tilespmem:s10+$0xFFFFFE10] =	vst v4;
	s10 =	smov.u32 s23  }
0x320: {  	v4 =	vmul.f32 $8.000000000e+00, v6;
	v6 =	vld [tilespmem:s23+$0xFFFFFE80];
	[tilespmem:s23+$0x0] =	vst v7  }
0x321: {  	[tilespmem:s23+$0xFFFFFE20] =	vst v1;
	v1 =	vmul.f32 $8.000000000e+00, v2;
	v2 =	vld [tilespmem:s23+$0xFFFFFE90]  }
0x322: {  	[tilespmem:s23+$0xFFFFFE30] =	vst v4;
	v3 =	vmul.f32 $8.000000000e+00, v3;
	v4 =	vld [tilespmem:s23+$0xFFFFFEA0]  }
0x323: {  	[tilespmem:s23+$0xFFFFFE40] =	vst v1;
	v0 =	vmul.f32 $8.000000000e+00, v0;
	v1 =	vld [tilespmem:s23+$0xFFFFFEB0]  }
0x324: {  	[tilespmem:s23+$0xFFFFFE50] =	vst v3;
	v3 =	vmul.f32 $8.000000000e+00, v5;
	v5 =	vld [tilespmem:s23+$0xFFFFFEC0]  }
0x325: {  	[tilespmem:s23+$0xFFFFFE60] =	vst v0;
	v0 =	vmul.f32 $8.000000000e+00, v6;
	v6 =	vld [tilespmem:s23+$0xFFFFFED0]  }
0x326: {  	[tilespmem:s23+$0xFFFFFE70] =	vst v3;
	v2 =	vmul.f32 $8.000000000e+00, v2;
	v3 =	vld [tilespmem:s23+$0xFFFFFEE0]  }
0x327: {  	[tilespmem:s23+$0xFFFFFE80] =	vst v0;
	v0 =	vmul.f32 $8.000000000e+00, v4;
	v4 =	vld [tilespmem:s23+$0xFFFFFEF0]  }
0x328: {  	[tilespmem:s23+$0xFFFFFE90] =	vst v2;
	v1 =	vmul.f32 $8.000000000e+00, v1;
	v2 =	vld [tilespmem:s23+$0xFFFFFF00]  }
0x329: {  	[tilespmem:s23+$0xFFFFFEA0] =	vst v0;
	v0 =	vmul.f32 $8.000000000e+00, v5;
	v5 =	vld [tilespmem:s23+$0xFFFFFF10]  }
0x32a: {  	[tilespmem:s23+$0xFFFFFEB0] =	vst v1;
	v1 =	vmul.f32 $8.000000000e+00, v6;
	v6 =	vld [tilespmem:s23+$0xFFFFFF20]  }
0x32b: {  	[tilespmem:s23+$0xFFFFFEC0] =	vst v0;
	v0 =	vmul.f32 $8.000000000e+00, v3;
	v3 =	vld [tilespmem:s23+$0xFFFFFF30]  }
0x32c: {  	[tilespmem:s23+$0xFFFFFED0] =	vst v1;
	v1 =	vmul.f32 $8.000000000e+00, v4;
	v4 =	vld [tilespmem:s23+$0xFFFFFF40]  }
0x32d: {  	[tilespmem:s23+$0xFFFFFEE0] =	vst v0;
	v0 =	vmul.f32 $8.000000000e+00, v2;
	v2 =	vld [tilespmem:s23+$0xFFFFFF50]  }
0x32e: {  	[tilespmem:s23+$0xFFFFFEF0] =	vst v1;
	v1 =	vmul.f32 $8.000000000e+00, v5;
	v5 =	vld [tilespmem:s23+$0xFFFFFF60]  }
0x32f: {  	[tilespmem:s23+$0xFFFFFF00] =	vst v0;
	v0 =	vmul.f32 $8.000000000e+00, v6;
	v6 =	vld [tilespmem:s23+$0xFFFFFF70]  }
0x330: {  	[tilespmem:s23+$0xFFFFFF10] =	vst v1;
	v1 =	vmul.f32 $8.000000000e+00, v3;
	v3 =	vld [tilespmem:s23+$0xFFFFFF80]  }
0x331: {  	[tilespmem:s23+$0xFFFFFF20] =	vst v0;
	v0 =	vmul.f32 $8.000000000e+00, v4;
	v4 =	vld [tilespmem:s23+$0xFFFFFF90]  }
0x332: {  	[tilespmem:s23+$0xFFFFFF30] =	vst v1;
	v1 =	vmul.f32 $8.000000000e+00, v2;
	v7 =	vld [tilespmem:s23+$0xFFFFFFA0]  }
0x333: {  	[tilespmem:s23+$0xFFFFFF40] =	vst v0;
	v2 =	vmul.f32 $8.000000000e+00, v5;
	v8 =	vld [tilespmem:s23+$0xFFFFFFB0]  }
.Ltmp10:
0x334: {  	[tilespmem:s23+$0xFFFFFF50] =	vst v1;
	v5 =	vmul.f32 $8.000000000e+00, v6;
	v0 =	vld [tilespmem:s23+$0xFFFFFFC0];
	(pc) =	sbr.rel @p0 .LBB2_22-.Ltmp10, $4  }
0x335: {  	[tilespmem:s23+$0xFFFFFF60] =	vst v2;
	v3 =	vmul.f32 $8.000000000e+00, v3;
	v1 =	vld [tilespmem:s23+$0xFFFFFFD0]  }
0x336: {  	[tilespmem:s23+$0xFFFFFF70] =	vst v5;
	v6 =	vmul.f32 $8.000000000e+00, v4;
	v2 =	vld [tilespmem:s23+$0xFFFFFFE0]  }
0x337: {  	[tilespmem:s23+$0xFFFFFF80] =	vst v3;
	v5 =	vmul.f32 $8.000000000e+00, v7;
	v3 =	vld [tilespmem:s23+$0xFFFFFFF0]  }
0x338: {  	s23 =	sadd.s32 $0x200, s23;
	v4 =	vld [tilespmem:s10+$0xFFFFFE10];
	[tilespmem:s10+$0xFFFFFF90] =	vst v6;
	v6 =	vmul.f32 $8.000000000e+00, v8  }
0x339: {  	[tilespmem:s10+$0xFFFFFFA0] =	vst v5;
	v0 =	vmul.f32 $8.000000000e+00, v0  }
0x33a: {  	[tilespmem:s10+$0xFFFFFFB0] =	vst v6;
	v1 =	vmul.f32 $8.000000000e+00, v1  }
0x33b: {  	[tilespmem:s10+$0xFFFFFFC0] =	vst v0;
	v0 =	vmul.f32 $8.000000000e+00, v2  }
0x33c: {  	[tilespmem:s10+$0xFFFFFFD0] =	vst v1;
	v1 =	vmul.f32 $8.000000000e+00, v3  }
0x33d: {  	v2 =	vmul.f32 $8.000000000e+00, v4;
	[tilespmem:s10+$0xFFFFFFE0] =	vst v0  }
0x33e: {  	[tilespmem:s10+$0xFFFFFFF0] =	vst v1  }
0x33f: {  	[tilespmem:s10+$0xFFFFFE10] =	vst v2  }
0x340: {  	s22 =	simm.s32 $0x8400;
	s10 =	rddreg [dreg:$0x7]  }
0x341: {  	[hbm4b:s10+s3] =	stream.linear.scatter [tilespmem:s22], [sflag:$0xA], $0x2000, $0x38;
	[tilespmem:$0x16400] =	vst v63  }
0x342: {  	_ =	swait.ge [sflag:s26], $0x2000  }
0x343: {  	[sflag:s26] =	ssyncset.done $0x0  }
0x344: {  	s10 =	simm.s32 $0xA400;
	[sflag:s26] =	ssyncadd.s32 $0xFFFFE000  }
0x345: {  	v0 =	vld [tilespmem:s10+$0x1F0]  }
0x346: {  	v1 =	vld [tilespmem:s10+$0x10]  }
0x347: {  	v2 =	vld [tilespmem:s10+$0x20]  }
0x348: {  	v3 =	vld [tilespmem:s10+$0x30]  }
0x349: {  	v4 =	vld [tilespmem:s10+$0x40]  }
0x34a: {  	v5 =	vld [tilespmem:s10+$0x50];
	v0 =	vmul.f32 $8.000000000e+00, v0  }
0x34b: {  	v6 =	vld [tilespmem:s10+$0x60];
	v1 =	vmul.f32 $8.000000000e+00, v1  }
0x34c: {  	v7 =	vld [tilespmem:s10+$0x70];
	v2 =	vmul.f32 $8.000000000e+00, v2;
	[tilespmem:s10+$0x1F0] =	vst v0  }
0x34d: {  	[tilespmem:s10+$0x10] =	vst v1;
	v0 =	vmul.f32 $8.000000000e+00, v3;
	v1 =	vld [tilespmem:s10+$0x80]  }
0x34e: {  	[tilespmem:s10+$0x20] =	vst v2;
	v2 =	vmul.f32 $8.000000000e+00, v4;
	v3 =	vld [tilespmem:s10+$0x90]  }
0x34f: {  	v4 =	vld [tilespmem:s10+$0xA0];
	[tilespmem:s10+$0x30] =	vst v0;
	v0 =	vmul.f32 $8.000000000e+00, v5  }
0x350: {  	[tilespmem:s10+$0x40] =	vst v2;
	v2 =	vmul.f32 $8.000000000e+00, v6;
	v5 =	vld [tilespmem:s10+$0xB0]  }
0x351: {  	v6 =	vld [tilespmem:s10+$0xC0];
	[tilespmem:s10+$0x50] =	vst v0;
	v0 =	vmul.f32 $8.000000000e+00, v7  }
0x352: {  	[tilespmem:s10+$0x60] =	vst v2;
	v2 =	vld [tilespmem:s10+$0xD0];
	v1 =	vmul.f32 $8.000000000e+00, v1  }
0x353: {  	[tilespmem:s10+$0x70] =	vst v0;
	v0 =	vmul.f32 $8.000000000e+00, v3;
	v3 =	vld [tilespmem:s10+$0xE0]  }
0x354: {  	[tilespmem:s10+$0x80] =	vst v1;
	v1 =	vmul.f32 $8.000000000e+00, v4;
	v4 =	vld [tilespmem:s10+$0xF0]  }
0x355: {  	[tilespmem:s10+$0x90] =	vst v0;
	v0 =	vmul.f32 $8.000000000e+00, v5;
	v5 =	vld [tilespmem:s10+$0x100]  }
0x356: {  	[tilespmem:s10+$0xA0] =	vst v1;
	v1 =	vmul.f32 $8.000000000e+00, v6;
	v6 =	vld [tilespmem:s10+$0x110]  }
0x357: {  	[tilespmem:s10+$0xB0] =	vst v0;
	v0 =	vmul.f32 $8.000000000e+00, v2;
	v2 =	vld [tilespmem:s10+$0x120]  }
0x358: {  	[tilespmem:s10+$0xC0] =	vst v1;
	v1 =	vmul.f32 $8.000000000e+00, v3;
	v3 =	vld [tilespmem:s10+$0x130]  }
0x359: {  	[tilespmem:s10+$0xD0] =	vst v0;
	v0 =	vmul.f32 $8.000000000e+00, v4;
	v4 =	vld [tilespmem:s10+$0x140]  }
0x35a: {  	[tilespmem:s10+$0xE0] =	vst v1;
	v1 =	vmul.f32 $8.000000000e+00, v5;
	v5 =	vld [tilespmem:s10+$0x150]  }
0x35b: {  	[tilespmem:s10+$0xF0] =	vst v0;
	v0 =	vmul.f32 $8.000000000e+00, v6;
	v6 =	vld [tilespmem:s10+$0x160]  }
0x35c: {  	[tilespmem:s10+$0x100] =	vst v1;
	v1 =	vmul.f32 $8.000000000e+00, v2;
	v2 =	vld [tilespmem:s10+$0x170]  }
0x35d: {  	[tilespmem:s10+$0x110] =	vst v0;
	v0 =	vmul.f32 $8.000000000e+00, v3;
	v3 =	vld [tilespmem:s10+$0x180]  }
0x35e: {  	[tilespmem:s10+$0x120] =	vst v1;
	v1 =	vmul.f32 $8.000000000e+00, v4;
	v4 =	vld [tilespmem:s10+$0x190]  }
0x35f: {  	v7 =	vld [tilespmem:s10+$0x1A0];
	[tilespmem:s10+$0x130] =	vst v0;
	v5 =	vmul.f32 $8.000000000e+00, v5  }
0x360: {  	v0 =	vld [tilespmem:s10+$0x1B0];
	[tilespmem:s10+$0x140] =	vst v1;
	v6 =	vmul.f32 $8.000000000e+00, v6  }
0x361: {  	v1 =	vld [tilespmem:s10+$0x1C0];
	[tilespmem:s10+$0x150] =	vst v5;
	v5 =	vmul.f32 $8.000000000e+00, v2  }
0x362: {  	v2 =	vld [tilespmem:s10+$0x1D0];
	[tilespmem:s10+$0x160] =	vst v6;
	v6 =	vmul.f32 $8.000000000e+00, v3  }
0x363: {  	v3 =	vld [tilespmem:s10+$0x1E0];
	[tilespmem:s10+$0x170] =	vst v5;
	v5 =	vmul.f32 $8.000000000e+00, v4  }
0x364: {  	s23 =	simm.s32 $0xA600;
	s22 =	simm.s32 $0x0;
	v4 =	vld [tilespmem:s10+$0x0];
	[tilespmem:s10+$0x180] =	vst v6;
	v6 =	vmul.f32 $8.000000000e+00, v7  }
.LBB2_24:
0x365: {  	v7 =	vld [tilespmem:s23+$0x1F0];
	s22 =	sadd.s32 $0x8, s22;
	[tilespmem:s10+$0x190] =	vst v5;
	v0 =	vmul.f32 $8.000000000e+00, v0  }
0x366: {  	v5 =	vld [tilespmem:s23+$0x10];
	p0 =	slt.u32 s22, $0x78;
	[tilespmem:s10+$0x1A0] =	vst v6;
	v1 =	vmul.f32 $8.000000000e+00, v1  }
0x367: {  	v6 =	vld [tilespmem:s23+$0x20];
	[tilespmem:s10+$0x1B0] =	vst v0;
	v0 =	vmul.f32 $8.000000000e+00, v2  }
0x368: {  	v2 =	vld [tilespmem:s23+$0x30];
	[tilespmem:s10+$0x1C0] =	vst v1;
	v1 =	vmul.f32 $8.000000000e+00, v3  }
0x369: {  	v3 =	vld [tilespmem:s23+$0x40];
	v4 =	vmul.f32 $8.000000000e+00, v4;
	[tilespmem:s10+$0x1D0] =	vst v0  }
0x36a: {  	v0 =	vld [tilespmem:s23+$0x50];
	v7 =	vmul.f32 $8.000000000e+00, v7;
	[tilespmem:s10+$0x1E0] =	vst v1  }
0x36b: {  	v1 =	vmul.f32 $8.000000000e+00, v5;
	v5 =	vld [tilespmem:s23+$0x60];
	[tilespmem:s10+$0x0] =	vst v4;
	s10 =	smov.u32 s23  }
0x36c: {  	v4 =	vmul.f32 $8.000000000e+00, v6;
	v6 =	vld [tilespmem:s23+$0x70];
	[tilespmem:s23+$0x1F0] =	vst v7  }
0x36d: {  	[tilespmem:s23+$0x10] =	vst v1;
	v1 =	vmul.f32 $8.000000000e+00, v2;
	v2 =	vld [tilespmem:s23+$0x80]  }
0x36e: {  	[tilespmem:s23+$0x20] =	vst v4;
	v3 =	vmul.f32 $8.000000000e+00, v3;
	v4 =	vld [tilespmem:s23+$0x90]  }
0x36f: {  	[tilespmem:s23+$0x30] =	vst v1;
	v0 =	vmul.f32 $8.000000000e+00, v0;
	v1 =	vld [tilespmem:s23+$0xA0]  }
0x370: {  	[tilespmem:s23+$0x40] =	vst v3;
	v3 =	vmul.f32 $8.000000000e+00, v5;
	v5 =	vld [tilespmem:s23+$0xB0]  }
0x371: {  	[tilespmem:s23+$0x50] =	vst v0;
	v0 =	vmul.f32 $8.000000000e+00, v6;
	v6 =	vld [tilespmem:s23+$0xC0]  }
0x372: {  	[tilespmem:s23+$0x60] =	vst v3;
	v2 =	vmul.f32 $8.000000000e+00, v2;
	v3 =	vld [tilespmem:s23+$0xD0]  }
0x373: {  	[tilespmem:s23+$0x70] =	vst v0;
	v0 =	vmul.f32 $8.000000000e+00, v4;
	v4 =	vld [tilespmem:s23+$0xE0]  }
0x374: {  	[tilespmem:s23+$0x80] =	vst v2;
	v1 =	vmul.f32 $8.000000000e+00, v1;
	v2 =	vld [tilespmem:s23+$0xF0]  }
0x375: {  	[tilespmem:s23+$0x90] =	vst v0;
	v0 =	vmul.f32 $8.000000000e+00, v5;
	v5 =	vld [tilespmem:s23+$0x100]  }
0x376: {  	[tilespmem:s23+$0xA0] =	vst v1;
	v1 =	vmul.f32 $8.000000000e+00, v6;
	v6 =	vld [tilespmem:s23+$0x110]  }
0x377: {  	[tilespmem:s23+$0xB0] =	vst v0;
	v0 =	vmul.f32 $8.000000000e+00, v3;
	v3 =	vld [tilespmem:s23+$0x120]  }
0x378: {  	[tilespmem:s23+$0xC0] =	vst v1;
	v1 =	vmul.f32 $8.000000000e+00, v4;
	v4 =	vld [tilespmem:s23+$0x130]  }
0x379: {  	[tilespmem:s23+$0xD0] =	vst v0;
	v0 =	vmul.f32 $8.000000000e+00, v2;
	v2 =	vld [tilespmem:s23+$0x140]  }
0x37a: {  	[tilespmem:s23+$0xE0] =	vst v1;
	v1 =	vmul.f32 $8.000000000e+00, v5;
	v5 =	vld [tilespmem:s23+$0x150]  }
0x37b: {  	[tilespmem:s23+$0xF0] =	vst v0;
	v0 =	vmul.f32 $8.000000000e+00, v6;
	v6 =	vld [tilespmem:s23+$0x160]  }
0x37c: {  	[tilespmem:s23+$0x100] =	vst v1;
	v1 =	vmul.f32 $8.000000000e+00, v3;
	v3 =	vld [tilespmem:s23+$0x170]  }
0x37d: {  	[tilespmem:s23+$0x110] =	vst v0;
	v0 =	vmul.f32 $8.000000000e+00, v4;
	v4 =	vld [tilespmem:s23+$0x180]  }
0x37e: {  	[tilespmem:s23+$0x120] =	vst v1;
	v1 =	vmul.f32 $8.000000000e+00, v2;
	v7 =	vld [tilespmem:s23+$0x190]  }
0x37f: {  	[tilespmem:s23+$0x130] =	vst v0;
	v2 =	vmul.f32 $8.000000000e+00, v5;
	v8 =	vld [tilespmem:s23+$0x1A0]  }
.Ltmp11:
0x380: {  	[tilespmem:s23+$0x140] =	vst v1;
	v5 =	vmul.f32 $8.000000000e+00, v6;
	v0 =	vld [tilespmem:s23+$0x1B0];
	(pc) =	sbr.rel @p0 .LBB2_24-.Ltmp11, $4  }
0x381: {  	[tilespmem:s23+$0x150] =	vst v2;
	v3 =	vmul.f32 $8.000000000e+00, v3;
	v1 =	vld [tilespmem:s23+$0x1C0]  }
0x382: {  	[tilespmem:s23+$0x160] =	vst v5;
	v6 =	vmul.f32 $8.000000000e+00, v4;
	v2 =	vld [tilespmem:s23+$0x1D0]  }
0x383: {  	[tilespmem:s23+$0x170] =	vst v3;
	v5 =	vmul.f32 $8.000000000e+00, v7;
	v3 =	vld [tilespmem:s23+$0x1E0]  }
0x384: {  	s23 =	sadd.s32 $0x200, s23;
	v4 =	vld [tilespmem:s10+$0x0];
	[tilespmem:s10+$0x180] =	vst v6;
	v6 =	vmul.f32 $8.000000000e+00, v8  }
0x385: {  	[tilespmem:s10+$0x190] =	vst v5;
	v0 =	vmul.f32 $8.000000000e+00, v0  }
0x386: {  	[tilespmem:s10+$0x1A0] =	vst v6;
	v1 =	vmul.f32 $8.000000000e+00, v1  }
0x387: {  	[tilespmem:s10+$0x1B0] =	vst v0;
	v0 =	vmul.f32 $8.000000000e+00, v2  }
0x388: {  	[tilespmem:s10+$0x1C0] =	vst v1;
	v1 =	vmul.f32 $8.000000000e+00, v3  }
0x389: {  	v2 =	vmul.f32 $8.000000000e+00, v4;
	[tilespmem:s10+$0x1D0] =	vst v0  }
0x38a: {  	[tilespmem:s10+$0x1E0] =	vst v1  }
0x38b: {  	[tilespmem:s10+$0x0] =	vst v2  }
0x38c: {  	s22 =	simm.s32 $0xA400;
	s10 =	rddreg [dreg:$0x8]  }
0x38d: {  	[hbm4b:s10+s3] =	stream.linear.scatter [tilespmem:s22], [sflag:$0xB], $0x2000, $0x38;
	[tilespmem:$0x16400] =	vst v63  }
0x38e: {  	_ =	swait.ge [sflag:s6], $0x2000  }
0x38f: {  	[sflag:s6] =	ssyncset.done $0x0  }
0x390: {  	s10 =	simm.s32 $0xC400;
	[sflag:s6] =	ssyncadd.s32 $0xFFFFE000  }
0x391: {  	v0 =	vld [tilespmem:s10+$0x1F0]  }
0x392: {  	v1 =	vld [tilespmem:s10+$0x10]  }
0x393: {  	v2 =	vld [tilespmem:s10+$0x20]  }
0x394: {  	v3 =	vld [tilespmem:s10+$0x30]  }
0x395: {  	v4 =	vld [tilespmem:s10+$0x40]  }
0x396: {  	v5 =	vld [tilespmem:s10+$0x50];
	v0 =	vmul.f32 $8.000000000e+00, v0  }
0x397: {  	v6 =	vld [tilespmem:s10+$0x60];
	v1 =	vmul.f32 $8.000000000e+00, v1  }
0x398: {  	v7 =	vld [tilespmem:s10+$0x70];
	v2 =	vmul.f32 $8.000000000e+00, v2;
	[tilespmem:s10+$0x1F0] =	vst v0  }
0x399: {  	[tilespmem:s10+$0x10] =	vst v1;
	v0 =	vmul.f32 $8.000000000e+00, v3;
	v1 =	vld [tilespmem:s10+$0x80]  }
0x39a: {  	[tilespmem:s10+$0x20] =	vst v2;
	v2 =	vmul.f32 $8.000000000e+00, v4;
	v3 =	vld [tilespmem:s10+$0x90]  }
0x39b: {  	v4 =	vld [tilespmem:s10+$0xA0];
	[tilespmem:s10+$0x30] =	vst v0;
	v0 =	vmul.f32 $8.000000000e+00, v5  }
0x39c: {  	[tilespmem:s10+$0x40] =	vst v2;
	v2 =	vmul.f32 $8.000000000e+00, v6;
	v5 =	vld [tilespmem:s10+$0xB0]  }
0x39d: {  	v6 =	vld [tilespmem:s10+$0xC0];
	[tilespmem:s10+$0x50] =	vst v0;
	v0 =	vmul.f32 $8.000000000e+00, v7  }
0x39e: {  	[tilespmem:s10+$0x60] =	vst v2;
	v2 =	vld [tilespmem:s10+$0xD0];
	v1 =	vmul.f32 $8.000000000e+00, v1  }
0x39f: {  	[tilespmem:s10+$0x70] =	vst v0;
	v0 =	vmul.f32 $8.000000000e+00, v3;
	v3 =	vld [tilespmem:s10+$0xE0]  }
0x3a0: {  	[tilespmem:s10+$0x80] =	vst v1;
	v1 =	vmul.f32 $8.000000000e+00, v4;
	v4 =	vld [tilespmem:s10+$0xF0]  }
0x3a1: {  	[tilespmem:s10+$0x90] =	vst v0;
	v0 =	vmul.f32 $8.000000000e+00, v5;
	v5 =	vld [tilespmem:s10+$0x100]  }
0x3a2: {  	[tilespmem:s10+$0xA0] =	vst v1;
	v1 =	vmul.f32 $8.000000000e+00, v6;
	v6 =	vld [tilespmem:s10+$0x110]  }
0x3a3: {  	[tilespmem:s10+$0xB0] =	vst v0;
	v0 =	vmul.f32 $8.000000000e+00, v2;
	v2 =	vld [tilespmem:s10+$0x120]  }
0x3a4: {  	[tilespmem:s10+$0xC0] =	vst v1;
	v1 =	vmul.f32 $8.000000000e+00, v3;
	v3 =	vld [tilespmem:s10+$0x130]  }
0x3a5: {  	[tilespmem:s10+$0xD0] =	vst v0;
	v0 =	vmul.f32 $8.000000000e+00, v4;
	v4 =	vld [tilespmem:s10+$0x140]  }
0x3a6: {  	[tilespmem:s10+$0xE0] =	vst v1;
	v1 =	vmul.f32 $8.000000000e+00, v5;
	v5 =	vld [tilespmem:s10+$0x150]  }
0x3a7: {  	[tilespmem:s10+$0xF0] =	vst v0;
	v0 =	vmul.f32 $8.000000000e+00, v6;
	v6 =	vld [tilespmem:s10+$0x160]  }
0x3a8: {  	[tilespmem:s10+$0x100] =	vst v1;
	v1 =	vmul.f32 $8.000000000e+00, v2;
	v2 =	vld [tilespmem:s10+$0x170]  }
0x3a9: {  	[tilespmem:s10+$0x110] =	vst v0;
	v0 =	vmul.f32 $8.000000000e+00, v3;
	v3 =	vld [tilespmem:s10+$0x180]  }
0x3aa: {  	[tilespmem:s10+$0x120] =	vst v1;
	v1 =	vmul.f32 $8.000000000e+00, v4;
	v4 =	vld [tilespmem:s10+$0x190]  }
0x3ab: {  	v7 =	vld [tilespmem:s10+$0x1A0];
	[tilespmem:s10+$0x130] =	vst v0;
	v5 =	vmul.f32 $8.000000000e+00, v5  }
0x3ac: {  	v0 =	vld [tilespmem:s10+$0x1B0];
	[tilespmem:s10+$0x140] =	vst v1;
	v6 =	vmul.f32 $8.000000000e+00, v6  }
0x3ad: {  	v1 =	vld [tilespmem:s10+$0x1C0];
	[tilespmem:s10+$0x150] =	vst v5;
	v5 =	vmul.f32 $8.000000000e+00, v2  }
0x3ae: {  	v2 =	vld [tilespmem:s10+$0x1D0];
	[tilespmem:s10+$0x160] =	vst v6;
	v6 =	vmul.f32 $8.000000000e+00, v3  }
0x3af: {  	v3 =	vld [tilespmem:s10+$0x1E0];
	[tilespmem:s10+$0x170] =	vst v5;
	v5 =	vmul.f32 $8.000000000e+00, v4  }
0x3b0: {  	s23 =	simm.s32 $0xC600;
	s22 =	simm.s32 $0x0;
	v4 =	vld [tilespmem:s10+$0x0];
	[tilespmem:s10+$0x180] =	vst v6;
	v6 =	vmul.f32 $8.000000000e+00, v7  }
.LBB2_26:
0x3b1: {  	v7 =	vld [tilespmem:s23+$0x1F0];
	s22 =	sadd.s32 $0x8, s22;
	[tilespmem:s10+$0x190] =	vst v5;
	v0 =	vmul.f32 $8.000000000e+00, v0  }
0x3b2: {  	v5 =	vld [tilespmem:s23+$0x10];
	p0 =	slt.u32 s22, $0x78;
	[tilespmem:s10+$0x1A0] =	vst v6;
	v1 =	vmul.f32 $8.000000000e+00, v1  }
0x3b3: {  	v6 =	vld [tilespmem:s23+$0x20];
	[tilespmem:s10+$0x1B0] =	vst v0;
	v0 =	vmul.f32 $8.000000000e+00, v2  }
0x3b4: {  	v2 =	vld [tilespmem:s23+$0x30];
	[tilespmem:s10+$0x1C0] =	vst v1;
	v1 =	vmul.f32 $8.000000000e+00, v3  }
0x3b5: {  	v3 =	vld [tilespmem:s23+$0x40];
	v4 =	vmul.f32 $8.000000000e+00, v4;
	[tilespmem:s10+$0x1D0] =	vst v0  }
0x3b6: {  	v0 =	vld [tilespmem:s23+$0x50];
	v7 =	vmul.f32 $8.000000000e+00, v7;
	[tilespmem:s10+$0x1E0] =	vst v1  }
0x3b7: {  	v1 =	vmul.f32 $8.000000000e+00, v5;
	v5 =	vld [tilespmem:s23+$0x60];
	[tilespmem:s10+$0x0] =	vst v4;
	s10 =	smov.u32 s23  }
0x3b8: {  	v4 =	vmul.f32 $8.000000000e+00, v6;
	v6 =	vld [tilespmem:s23+$0x70];
	[tilespmem:s23+$0x1F0] =	vst v7  }
0x3b9: {  	[tilespmem:s23+$0x10] =	vst v1;
	v1 =	vmul.f32 $8.000000000e+00, v2;
	v2 =	vld [tilespmem:s23+$0x80]  }
0x3ba: {  	[tilespmem:s23+$0x20] =	vst v4;
	v3 =	vmul.f32 $8.000000000e+00, v3;
	v4 =	vld [tilespmem:s23+$0x90]  }
0x3bb: {  	[tilespmem:s23+$0x30] =	vst v1;
	v0 =	vmul.f32 $8.000000000e+00, v0;
	v1 =	vld [tilespmem:s23+$0xA0]  }
0x3bc: {  	[tilespmem:s23+$0x40] =	vst v3;
	v3 =	vmul.f32 $8.000000000e+00, v5;
	v5 =	vld [tilespmem:s23+$0xB0]  }
0x3bd: {  	[tilespmem:s23+$0x50] =	vst v0;
	v0 =	vmul.f32 $8.000000000e+00, v6;
	v6 =	vld [tilespmem:s23+$0xC0]  }
0x3be: {  	[tilespmem:s23+$0x60] =	vst v3;
	v2 =	vmul.f32 $8.000000000e+00, v2;
	v3 =	vld [tilespmem:s23+$0xD0]  }
0x3bf: {  	[tilespmem:s23+$0x70] =	vst v0;
	v0 =	vmul.f32 $8.000000000e+00, v4;
	v4 =	vld [tilespmem:s23+$0xE0]  }
0x3c0: {  	[tilespmem:s23+$0x80] =	vst v2;
	v1 =	vmul.f32 $8.000000000e+00, v1;
	v2 =	vld [tilespmem:s23+$0xF0]  }
0x3c1: {  	[tilespmem:s23+$0x90] =	vst v0;
	v0 =	vmul.f32 $8.000000000e+00, v5;
	v5 =	vld [tilespmem:s23+$0x100]  }
0x3c2: {  	[tilespmem:s23+$0xA0] =	vst v1;
	v1 =	vmul.f32 $8.000000000e+00, v6;
	v6 =	vld [tilespmem:s23+$0x110]  }
0x3c3: {  	[tilespmem:s23+$0xB0] =	vst v0;
	v0 =	vmul.f32 $8.000000000e+00, v3;
	v3 =	vld [tilespmem:s23+$0x120]  }
0x3c4: {  	[tilespmem:s23+$0xC0] =	vst v1;
	v1 =	vmul.f32 $8.000000000e+00, v4;
	v4 =	vld [tilespmem:s23+$0x130]  }
0x3c5: {  	[tilespmem:s23+$0xD0] =	vst v0;
	v0 =	vmul.f32 $8.000000000e+00, v2;
	v2 =	vld [tilespmem:s23+$0x140]  }
0x3c6: {  	[tilespmem:s23+$0xE0] =	vst v1;
	v1 =	vmul.f32 $8.000000000e+00, v5;
	v5 =	vld [tilespmem:s23+$0x150]  }
0x3c7: {  	[tilespmem:s23+$0xF0] =	vst v0;
	v0 =	vmul.f32 $8.000000000e+00, v6;
	v6 =	vld [tilespmem:s23+$0x160]  }
0x3c8: {  	[tilespmem:s23+$0x100] =	vst v1;
	v1 =	vmul.f32 $8.000000000e+00, v3;
	v3 =	vld [tilespmem:s23+$0x170]  }
0x3c9: {  	[tilespmem:s23+$0x110] =	vst v0;
	v0 =	vmul.f32 $8.000000000e+00, v4;
	v4 =	vld [tilespmem:s23+$0x180]  }
0x3ca: {  	[tilespmem:s23+$0x120] =	vst v1;
	v1 =	vmul.f32 $8.000000000e+00, v2;
	v7 =	vld [tilespmem:s23+$0x190]  }
0x3cb: {  	[tilespmem:s23+$0x130] =	vst v0;
	v2 =	vmul.f32 $8.000000000e+00, v5;
	v8 =	vld [tilespmem:s23+$0x1A0]  }
.Ltmp12:
0x3cc: {  	[tilespmem:s23+$0x140] =	vst v1;
	v5 =	vmul.f32 $8.000000000e+00, v6;
	v0 =	vld [tilespmem:s23+$0x1B0];
	(pc) =	sbr.rel @p0 .LBB2_26-.Ltmp12, $4  }
0x3cd: {  	[tilespmem:s23+$0x150] =	vst v2;
	v3 =	vmul.f32 $8.000000000e+00, v3;
	v1 =	vld [tilespmem:s23+$0x1C0]  }
0x3ce: {  	[tilespmem:s23+$0x160] =	vst v5;
	v6 =	vmul.f32 $8.000000000e+00, v4;
	v2 =	vld [tilespmem:s23+$0x1D0]  }
0x3cf: {  	[tilespmem:s23+$0x170] =	vst v3;
	v5 =	vmul.f32 $8.000000000e+00, v7;
	v3 =	vld [tilespmem:s23+$0x1E0]  }
0x3d0: {  	s23 =	sadd.s32 $0x200, s23;
	v4 =	vld [tilespmem:s10+$0x0];
	[tilespmem:s10+$0x180] =	vst v6;
	v6 =	vmul.f32 $8.000000000e+00, v8  }
0x3d1: {  	[tilespmem:s10+$0x190] =	vst v5;
	v0 =	vmul.f32 $8.000000000e+00, v0  }
0x3d2: {  	[tilespmem:s10+$0x1A0] =	vst v6;
	v1 =	vmul.f32 $8.000000000e+00, v1  }
0x3d3: {  	[tilespmem:s10+$0x1B0] =	vst v0;
	v0 =	vmul.f32 $8.000000000e+00, v2  }
0x3d4: {  	[tilespmem:s10+$0x1C0] =	vst v1;
	v1 =	vmul.f32 $8.000000000e+00, v3  }
0x3d5: {  	v2 =	vmul.f32 $8.000000000e+00, v4;
	[tilespmem:s10+$0x1D0] =	vst v0  }
0x3d6: {  	[tilespmem:s10+$0x1E0] =	vst v1  }
0x3d7: {  	[tilespmem:s10+$0x0] =	vst v2  }
0x3d8: {  	s10 =	rddreg [dreg:$0x9]  }
0x3d9: {  	[hbm4b:s10+s3] =	stream.linear.scatter [tilespmem:s1], [sflag:$0xC], $0x2000, $0x38;
	[tilespmem:$0x16400] =	vst v63  }
0x3da: {  	_ =	swait.ge [sflag:s15], $0x2000  }
0x3db: {  	[sflag:s15] =	ssyncset.done $0x0  }
0x3dc: {  	s10 =	simm.s32 $0xE400;
	[sflag:s15] =	ssyncadd.s32 $0xFFFFE000  }
0x3dd: {  	v0 =	vld [tilespmem:s10+$0x1F0]  }
0x3de: {  	v1 =	vld [tilespmem:s10+$0x10]  }
0x3df: {  	v2 =	vld [tilespmem:s10+$0x20]  }
0x3e0: {  	v3 =	vld [tilespmem:s10+$0x30]  }
0x3e1: {  	v4 =	vld [tilespmem:s10+$0x40]  }
0x3e2: {  	v5 =	vld [tilespmem:s10+$0x50];
	v0 =	vmul.f32 $8.000000000e+00, v0  }
0x3e3: {  	v6 =	vld [tilespmem:s10+$0x60];
	v1 =	vmul.f32 $8.000000000e+00, v1  }
0x3e4: {  	v7 =	vld [tilespmem:s10+$0x70];
	v2 =	vmul.f32 $8.000000000e+00, v2;
	[tilespmem:s10+$0x1F0] =	vst v0  }
0x3e5: {  	[tilespmem:s10+$0x10] =	vst v1;
	v0 =	vmul.f32 $8.000000000e+00, v3;
	v1 =	vld [tilespmem:s10+$0x80]  }
0x3e6: {  	[tilespmem:s10+$0x20] =	vst v2;
	v2 =	vmul.f32 $8.000000000e+00, v4;
	v3 =	vld [tilespmem:s10+$0x90]  }
0x3e7: {  	v4 =	vld [tilespmem:s10+$0xA0];
	[tilespmem:s10+$0x30] =	vst v0;
	v0 =	vmul.f32 $8.000000000e+00, v5  }
0x3e8: {  	[tilespmem:s10+$0x40] =	vst v2;
	v2 =	vmul.f32 $8.000000000e+00, v6;
	v5 =	vld [tilespmem:s10+$0xB0]  }
0x3e9: {  	v6 =	vld [tilespmem:s10+$0xC0];
	[tilespmem:s10+$0x50] =	vst v0;
	v0 =	vmul.f32 $8.000000000e+00, v7  }
0x3ea: {  	[tilespmem:s10+$0x60] =	vst v2;
	v2 =	vld [tilespmem:s10+$0xD0];
	v1 =	vmul.f32 $8.000000000e+00, v1  }
0x3eb: {  	[tilespmem:s10+$0x70] =	vst v0;
	v0 =	vmul.f32 $8.000000000e+00, v3;
	v3 =	vld [tilespmem:s10+$0xE0]  }
0x3ec: {  	[tilespmem:s10+$0x80] =	vst v1;
	v1 =	vmul.f32 $8.000000000e+00, v4;
	v4 =	vld [tilespmem:s10+$0xF0]  }
0x3ed: {  	[tilespmem:s10+$0x90] =	vst v0;
	v0 =	vmul.f32 $8.000000000e+00, v5;
	v5 =	vld [tilespmem:s10+$0x100]  }
0x3ee: {  	[tilespmem:s10+$0xA0] =	vst v1;
	v1 =	vmul.f32 $8.000000000e+00, v6;
	v6 =	vld [tilespmem:s10+$0x110]  }
0x3ef: {  	[tilespmem:s10+$0xB0] =	vst v0;
	v0 =	vmul.f32 $8.000000000e+00, v2;
	v2 =	vld [tilespmem:s10+$0x120]  }
0x3f0: {  	[tilespmem:s10+$0xC0] =	vst v1;
	v1 =	vmul.f32 $8.000000000e+00, v3;
	v3 =	vld [tilespmem:s10+$0x130]  }
0x3f1: {  	[tilespmem:s10+$0xD0] =	vst v0;
	v0 =	vmul.f32 $8.000000000e+00, v4;
	v4 =	vld [tilespmem:s10+$0x140]  }
0x3f2: {  	[tilespmem:s10+$0xE0] =	vst v1;
	v1 =	vmul.f32 $8.000000000e+00, v5;
	v5 =	vld [tilespmem:s10+$0x150]  }
0x3f3: {  	[tilespmem:s10+$0xF0] =	vst v0;
	v0 =	vmul.f32 $8.000000000e+00, v6;
	v6 =	vld [tilespmem:s10+$0x160]  }
0x3f4: {  	[tilespmem:s10+$0x100] =	vst v1;
	v1 =	vmul.f32 $8.000000000e+00, v2;
	v2 =	vld [tilespmem:s10+$0x170]  }
0x3f5: {  	[tilespmem:s10+$0x110] =	vst v0;
	v0 =	vmul.f32 $8.000000000e+00, v3;
	v3 =	vld [tilespmem:s10+$0x180]  }
0x3f6: {  	[tilespmem:s10+$0x120] =	vst v1;
	v1 =	vmul.f32 $8.000000000e+00, v4;
	v4 =	vld [tilespmem:s10+$0x190]  }
0x3f7: {  	v7 =	vld [tilespmem:s10+$0x1A0];
	[tilespmem:s10+$0x130] =	vst v0;
	v5 =	vmul.f32 $8.000000000e+00, v5  }
0x3f8: {  	v0 =	vld [tilespmem:s10+$0x1B0];
	[tilespmem:s10+$0x140] =	vst v1;
	v6 =	vmul.f32 $8.000000000e+00, v6  }
0x3f9: {  	v1 =	vld [tilespmem:s10+$0x1C0];
	[tilespmem:s10+$0x150] =	vst v5;
	v5 =	vmul.f32 $8.000000000e+00, v2  }
0x3fa: {  	v2 =	vld [tilespmem:s10+$0x1D0];
	[tilespmem:s10+$0x160] =	vst v6;
	v6 =	vmul.f32 $8.000000000e+00, v3  }
0x3fb: {  	v3 =	vld [tilespmem:s10+$0x1E0];
	[tilespmem:s10+$0x170] =	vst v5;
	v5 =	vmul.f32 $8.000000000e+00, v4  }
0x3fc: {  	s22 =	simm.s32 $0x0;
	s23 =	simm.s32 $0xE600;
	v4 =	vld [tilespmem:s10+$0x0];
	[tilespmem:s10+$0x180] =	vst v6;
	v6 =	vmul.f32 $8.000000000e+00, v7  }
.LBB2_28:
0x3fd: {  	v7 =	vld [tilespmem:s23+$0x1F0];
	s22 =	sadd.s32 $0x8, s22;
	[tilespmem:s10+$0x190] =	vst v5;
	v0 =	vmul.f32 $8.000000000e+00, v0  }
0x3fe: {  	v5 =	vld [tilespmem:s23+$0x10];
	p0 =	slt.u32 s22, $0x78;
	[tilespmem:s10+$0x1A0] =	vst v6;
	v1 =	vmul.f32 $8.000000000e+00, v1  }
0x3ff: {  	v6 =	vld [tilespmem:s23+$0x20];
	[tilespmem:s10+$0x1B0] =	vst v0;
	v0 =	vmul.f32 $8.000000000e+00, v2  }
0x400: {  	v2 =	vld [tilespmem:s23+$0x30];
	[tilespmem:s10+$0x1C0] =	vst v1;
	v1 =	vmul.f32 $8.000000000e+00, v3  }
0x401: {  	v3 =	vld [tilespmem:s23+$0x40];
	v4 =	vmul.f32 $8.000000000e+00, v4;
	[tilespmem:s10+$0x1D0] =	vst v0  }
0x402: {  	v0 =	vld [tilespmem:s23+$0x50];
	v7 =	vmul.f32 $8.000000000e+00, v7;
	[tilespmem:s10+$0x1E0] =	vst v1  }
0x403: {  	v1 =	vmul.f32 $8.000000000e+00, v5;
	v5 =	vld [tilespmem:s23+$0x60];
	[tilespmem:s10+$0x0] =	vst v4;
	s10 =	smov.u32 s23  }
0x404: {  	v4 =	vmul.f32 $8.000000000e+00, v6;
	v6 =	vld [tilespmem:s23+$0x70];
	[tilespmem:s23+$0x1F0] =	vst v7  }
0x405: {  	[tilespmem:s23+$0x10] =	vst v1;
	v1 =	vmul.f32 $8.000000000e+00, v2;
	v2 =	vld [tilespmem:s23+$0x80]  }
0x406: {  	[tilespmem:s23+$0x20] =	vst v4;
	v3 =	vmul.f32 $8.000000000e+00, v3;
	v4 =	vld [tilespmem:s23+$0x90]  }
0x407: {  	[tilespmem:s23+$0x30] =	vst v1;
	v0 =	vmul.f32 $8.000000000e+00, v0;
	v1 =	vld [tilespmem:s23+$0xA0]  }
0x408: {  	[tilespmem:s23+$0x40] =	vst v3;
	v3 =	vmul.f32 $8.000000000e+00, v5;
	v5 =	vld [tilespmem:s23+$0xB0]  }
0x409: {  	[tilespmem:s23+$0x50] =	vst v0;
	v0 =	vmul.f32 $8.000000000e+00, v6;
	v6 =	vld [tilespmem:s23+$0xC0]  }
0x40a: {  	[tilespmem:s23+$0x60] =	vst v3;
	v2 =	vmul.f32 $8.000000000e+00, v2;
	v3 =	vld [tilespmem:s23+$0xD0]  }
0x40b: {  	[tilespmem:s23+$0x70] =	vst v0;
	v0 =	vmul.f32 $8.000000000e+00, v4;
	v4 =	vld [tilespmem:s23+$0xE0]  }
0x40c: {  	[tilespmem:s23+$0x80] =	vst v2;
	v1 =	vmul.f32 $8.000000000e+00, v1;
	v2 =	vld [tilespmem:s23+$0xF0]  }
0x40d: {  	[tilespmem:s23+$0x90] =	vst v0;
	v0 =	vmul.f32 $8.000000000e+00, v5;
	v5 =	vld [tilespmem:s23+$0x100]  }
0x40e: {  	[tilespmem:s23+$0xA0] =	vst v1;
	v1 =	vmul.f32 $8.000000000e+00, v6;
	v6 =	vld [tilespmem:s23+$0x110]  }
0x40f: {  	[tilespmem:s23+$0xB0] =	vst v0;
	v0 =	vmul.f32 $8.000000000e+00, v3;
	v3 =	vld [tilespmem:s23+$0x120]  }
0x410: {  	[tilespmem:s23+$0xC0] =	vst v1;
	v1 =	vmul.f32 $8.000000000e+00, v4;
	v4 =	vld [tilespmem:s23+$0x130]  }
0x411: {  	[tilespmem:s23+$0xD0] =	vst v0;
	v0 =	vmul.f32 $8.000000000e+00, v2;
	v2 =	vld [tilespmem:s23+$0x140]  }
0x412: {  	[tilespmem:s23+$0xE0] =	vst v1;
	v1 =	vmul.f32 $8.000000000e+00, v5;
	v5 =	vld [tilespmem:s23+$0x150]  }
0x413: {  	[tilespmem:s23+$0xF0] =	vst v0;
	v0 =	vmul.f32 $8.000000000e+00, v6;
	v6 =	vld [tilespmem:s23+$0x160]  }
0x414: {  	[tilespmem:s23+$0x100] =	vst v1;
	v1 =	vmul.f32 $8.000000000e+00, v3;
	v3 =	vld [tilespmem:s23+$0x170]  }
0x415: {  	[tilespmem:s23+$0x110] =	vst v0;
	v0 =	vmul.f32 $8.000000000e+00, v4;
	v4 =	vld [tilespmem:s23+$0x180]  }
0x416: {  	[tilespmem:s23+$0x120] =	vst v1;
	v1 =	vmul.f32 $8.000000000e+00, v2;
	v7 =	vld [tilespmem:s23+$0x190]  }
0x417: {  	[tilespmem:s23+$0x130] =	vst v0;
	v2 =	vmul.f32 $8.000000000e+00, v5;
	v8 =	vld [tilespmem:s23+$0x1A0]  }
.Ltmp13:
0x418: {  	[tilespmem:s23+$0x140] =	vst v1;
	v5 =	vmul.f32 $8.000000000e+00, v6;
	v0 =	vld [tilespmem:s23+$0x1B0];
	(pc) =	sbr.rel @p0 .LBB2_28-.Ltmp13, $4  }
0x419: {  	[tilespmem:s23+$0x150] =	vst v2;
	v3 =	vmul.f32 $8.000000000e+00, v3;
	v1 =	vld [tilespmem:s23+$0x1C0]  }
0x41a: {  	[tilespmem:s23+$0x160] =	vst v5;
	v6 =	vmul.f32 $8.000000000e+00, v4;
	v2 =	vld [tilespmem:s23+$0x1D0]  }
0x41b: {  	[tilespmem:s23+$0x170] =	vst v3;
	v5 =	vmul.f32 $8.000000000e+00, v7;
	v3 =	vld [tilespmem:s23+$0x1E0]  }
0x41c: {  	s23 =	sadd.s32 $0x200, s23;
	v4 =	vld [tilespmem:s10+$0x0];
	[tilespmem:s10+$0x180] =	vst v6;
	v6 =	vmul.f32 $8.000000000e+00, v8  }
0x41d: {  	[tilespmem:s10+$0x190] =	vst v5;
	v0 =	vmul.f32 $8.000000000e+00, v0  }
0x41e: {  	[tilespmem:s10+$0x1A0] =	vst v6;
	v1 =	vmul.f32 $8.000000000e+00, v1  }
0x41f: {  	[tilespmem:s10+$0x1B0] =	vst v0;
	v0 =	vmul.f32 $8.000000000e+00, v2  }
0x420: {  	[tilespmem:s10+$0x1C0] =	vst v1;
	v1 =	vmul.f32 $8.000000000e+00, v3  }
0x421: {  	v2 =	vmul.f32 $8.000000000e+00, v4;
	[tilespmem:s10+$0x1D0] =	vst v0  }
0x422: {  	[tilespmem:s10+$0x1E0] =	vst v1  }
0x423: {  	[tilespmem:s10+$0x0] =	vst v2  }
0x424: {  	s22 =	simm.s32 $0xE400;
	s10 =	rddreg [dreg:$0xa]  }
0x425: {  	[hbm4b:s10+s3] =	stream.linear.scatter [tilespmem:s22], [sflag:$0xD], $0x2000, $0x38;
	[tilespmem:$0x16400] =	vst v63  }
0x426: {  	_ =	swait.ge [sflag:s16], $0x2000  }
0x427: {  	[sflag:s16] =	ssyncset.done $0x0  }
0x428: {  	s10 =	simm.s32 $0x10400;
	[sflag:s16] =	ssyncadd.s32 $0xFFFFE000  }
0x429: {  	v0 =	vld [tilespmem:s10+$0x1F0]  }
0x42a: {  	v1 =	vld [tilespmem:s10+$0x10]  }
0x42b: {  	v2 =	vld [tilespmem:s10+$0x20]  }
0x42c: {  	v3 =	vld [tilespmem:s10+$0x30]  }
0x42d: {  	v4 =	vld [tilespmem:s10+$0x40]  }
0x42e: {  	v5 =	vld [tilespmem:s10+$0x50];
	v0 =	vmul.f32 $8.000000000e+00, v0  }
0x42f: {  	v6 =	vld [tilespmem:s10+$0x60];
	v1 =	vmul.f32 $8.000000000e+00, v1  }
0x430: {  	v7 =	vld [tilespmem:s10+$0x70];
	v2 =	vmul.f32 $8.000000000e+00, v2;
	[tilespmem:s10+$0x1F0] =	vst v0  }
0x431: {  	[tilespmem:s10+$0x10] =	vst v1;
	v0 =	vmul.f32 $8.000000000e+00, v3;
	v1 =	vld [tilespmem:s10+$0x80]  }
0x432: {  	[tilespmem:s10+$0x20] =	vst v2;
	v2 =	vmul.f32 $8.000000000e+00, v4;
	v3 =	vld [tilespmem:s10+$0x90]  }
0x433: {  	v4 =	vld [tilespmem:s10+$0xA0];
	[tilespmem:s10+$0x30] =	vst v0;
	v0 =	vmul.f32 $8.000000000e+00, v5  }
0x434: {  	[tilespmem:s10+$0x40] =	vst v2;
	v2 =	vmul.f32 $8.000000000e+00, v6;
	v5 =	vld [tilespmem:s10+$0xB0]  }
0x435: {  	v6 =	vld [tilespmem:s10+$0xC0];
	[tilespmem:s10+$0x50] =	vst v0;
	v0 =	vmul.f32 $8.000000000e+00, v7  }
0x436: {  	[tilespmem:s10+$0x60] =	vst v2;
	v2 =	vld [tilespmem:s10+$0xD0];
	v1 =	vmul.f32 $8.000000000e+00, v1  }
0x437: {  	[tilespmem:s10+$0x70] =	vst v0;
	v0 =	vmul.f32 $8.000000000e+00, v3;
	v3 =	vld [tilespmem:s10+$0xE0]  }
0x438: {  	[tilespmem:s10+$0x80] =	vst v1;
	v1 =	vmul.f32 $8.000000000e+00, v4;
	v4 =	vld [tilespmem:s10+$0xF0]  }
0x439: {  	[tilespmem:s10+$0x90] =	vst v0;
	v0 =	vmul.f32 $8.000000000e+00, v5;
	v5 =	vld [tilespmem:s10+$0x100]  }
0x43a: {  	[tilespmem:s10+$0xA0] =	vst v1;
	v1 =	vmul.f32 $8.000000000e+00, v6;
	v6 =	vld [tilespmem:s10+$0x110]  }
0x43b: {  	[tilespmem:s10+$0xB0] =	vst v0;
	v0 =	vmul.f32 $8.000000000e+00, v2;
	v2 =	vld [tilespmem:s10+$0x120]  }
0x43c: {  	[tilespmem:s10+$0xC0] =	vst v1;
	v1 =	vmul.f32 $8.000000000e+00, v3;
	v3 =	vld [tilespmem:s10+$0x130]  }
0x43d: {  	[tilespmem:s10+$0xD0] =	vst v0;
	v0 =	vmul.f32 $8.000000000e+00, v4;
	v4 =	vld [tilespmem:s10+$0x140]  }
0x43e: {  	[tilespmem:s10+$0xE0] =	vst v1;
	v1 =	vmul.f32 $8.000000000e+00, v5;
	v5 =	vld [tilespmem:s10+$0x150]  }
0x43f: {  	[tilespmem:s10+$0xF0] =	vst v0;
	v0 =	vmul.f32 $8.000000000e+00, v6;
	v6 =	vld [tilespmem:s10+$0x160]  }
0x440: {  	[tilespmem:s10+$0x100] =	vst v1;
	v1 =	vmul.f32 $8.000000000e+00, v2;
	v2 =	vld [tilespmem:s10+$0x170]  }
0x441: {  	[tilespmem:s10+$0x110] =	vst v0;
	v0 =	vmul.f32 $8.000000000e+00, v3;
	v3 =	vld [tilespmem:s10+$0x180]  }
0x442: {  	[tilespmem:s10+$0x120] =	vst v1;
	v1 =	vmul.f32 $8.000000000e+00, v4;
	v4 =	vld [tilespmem:s10+$0x190]  }
0x443: {  	v7 =	vld [tilespmem:s10+$0x1A0];
	[tilespmem:s10+$0x130] =	vst v0;
	v5 =	vmul.f32 $8.000000000e+00, v5  }
0x444: {  	v0 =	vld [tilespmem:s10+$0x1B0];
	[tilespmem:s10+$0x140] =	vst v1;
	v6 =	vmul.f32 $8.000000000e+00, v6  }
0x445: {  	v1 =	vld [tilespmem:s10+$0x1C0];
	[tilespmem:s10+$0x150] =	vst v5;
	v5 =	vmul.f32 $8.000000000e+00, v2  }
0x446: {  	v2 =	vld [tilespmem:s10+$0x1D0];
	[tilespmem:s10+$0x160] =	vst v6;
	v6 =	vmul.f32 $8.000000000e+00, v3  }
0x447: {  	v3 =	vld [tilespmem:s10+$0x1E0];
	[tilespmem:s10+$0x170] =	vst v5;
	v5 =	vmul.f32 $8.000000000e+00, v4  }
0x448: {  	s23 =	simm.s32 $0x10600;
	s22 =	simm.s32 $0x0;
	v4 =	vld [tilespmem:s10+$0x0];
	[tilespmem:s10+$0x180] =	vst v6;
	v6 =	vmul.f32 $8.000000000e+00, v7  }
.LBB2_30:
0x449: {  	v7 =	vld [tilespmem:s23+$0x1F0];
	s22 =	sadd.s32 $0x8, s22;
	[tilespmem:s10+$0x190] =	vst v5;
	v0 =	vmul.f32 $8.000000000e+00, v0  }
0x44a: {  	v5 =	vld [tilespmem:s23+$0x10];
	p0 =	slt.u32 s22, $0x78;
	[tilespmem:s10+$0x1A0] =	vst v6;
	v1 =	vmul.f32 $8.000000000e+00, v1  }
0x44b: {  	v6 =	vld [tilespmem:s23+$0x20];
	[tilespmem:s10+$0x1B0] =	vst v0;
	v0 =	vmul.f32 $8.000000000e+00, v2  }
0x44c: {  	v2 =	vld [tilespmem:s23+$0x30];
	[tilespmem:s10+$0x1C0] =	vst v1;
	v1 =	vmul.f32 $8.000000000e+00, v3  }
0x44d: {  	v3 =	vld [tilespmem:s23+$0x40];
	v4 =	vmul.f32 $8.000000000e+00, v4;
	[tilespmem:s10+$0x1D0] =	vst v0  }
0x44e: {  	v0 =	vld [tilespmem:s23+$0x50];
	v7 =	vmul.f32 $8.000000000e+00, v7;
	[tilespmem:s10+$0x1E0] =	vst v1  }
0x44f: {  	v1 =	vmul.f32 $8.000000000e+00, v5;
	v5 =	vld [tilespmem:s23+$0x60];
	[tilespmem:s10+$0x0] =	vst v4;
	s10 =	smov.u32 s23  }
0x450: {  	v4 =	vmul.f32 $8.000000000e+00, v6;
	v6 =	vld [tilespmem:s23+$0x70];
	[tilespmem:s23+$0x1F0] =	vst v7  }
0x451: {  	[tilespmem:s23+$0x10] =	vst v1;
	v1 =	vmul.f32 $8.000000000e+00, v2;
	v2 =	vld [tilespmem:s23+$0x80]  }
0x452: {  	[tilespmem:s23+$0x20] =	vst v4;
	v3 =	vmul.f32 $8.000000000e+00, v3;
	v4 =	vld [tilespmem:s23+$0x90]  }
0x453: {  	[tilespmem:s23+$0x30] =	vst v1;
	v0 =	vmul.f32 $8.000000000e+00, v0;
	v1 =	vld [tilespmem:s23+$0xA0]  }
0x454: {  	[tilespmem:s23+$0x40] =	vst v3;
	v3 =	vmul.f32 $8.000000000e+00, v5;
	v5 =	vld [tilespmem:s23+$0xB0]  }
0x455: {  	[tilespmem:s23+$0x50] =	vst v0;
	v0 =	vmul.f32 $8.000000000e+00, v6;
	v6 =	vld [tilespmem:s23+$0xC0]  }
0x456: {  	[tilespmem:s23+$0x60] =	vst v3;
	v2 =	vmul.f32 $8.000000000e+00, v2;
	v3 =	vld [tilespmem:s23+$0xD0]  }
0x457: {  	[tilespmem:s23+$0x70] =	vst v0;
	v0 =	vmul.f32 $8.000000000e+00, v4;
	v4 =	vld [tilespmem:s23+$0xE0]  }
0x458: {  	[tilespmem:s23+$0x80] =	vst v2;
	v1 =	vmul.f32 $8.000000000e+00, v1;
	v2 =	vld [tilespmem:s23+$0xF0]  }
0x459: {  	[tilespmem:s23+$0x90] =	vst v0;
	v0 =	vmul.f32 $8.000000000e+00, v5;
	v5 =	vld [tilespmem:s23+$0x100]  }
0x45a: {  	[tilespmem:s23+$0xA0] =	vst v1;
	v1 =	vmul.f32 $8.000000000e+00, v6;
	v6 =	vld [tilespmem:s23+$0x110]  }
0x45b: {  	[tilespmem:s23+$0xB0] =	vst v0;
	v0 =	vmul.f32 $8.000000000e+00, v3;
	v3 =	vld [tilespmem:s23+$0x120]  }
0x45c: {  	[tilespmem:s23+$0xC0] =	vst v1;
	v1 =	vmul.f32 $8.000000000e+00, v4;
	v4 =	vld [tilespmem:s23+$0x130]  }
0x45d: {  	[tilespmem:s23+$0xD0] =	vst v0;
	v0 =	vmul.f32 $8.000000000e+00, v2;
	v2 =	vld [tilespmem:s23+$0x140]  }
0x45e: {  	[tilespmem:s23+$0xE0] =	vst v1;
	v1 =	vmul.f32 $8.000000000e+00, v5;
	v5 =	vld [tilespmem:s23+$0x150]  }
0x45f: {  	[tilespmem:s23+$0xF0] =	vst v0;
	v0 =	vmul.f32 $8.000000000e+00, v6;
	v6 =	vld [tilespmem:s23+$0x160]  }
0x460: {  	[tilespmem:s23+$0x100] =	vst v1;
	v1 =	vmul.f32 $8.000000000e+00, v3;
	v3 =	vld [tilespmem:s23+$0x170]  }
0x461: {  	[tilespmem:s23+$0x110] =	vst v0;
	v0 =	vmul.f32 $8.000000000e+00, v4;
	v4 =	vld [tilespmem:s23+$0x180]  }
0x462: {  	[tilespmem:s23+$0x120] =	vst v1;
	v1 =	vmul.f32 $8.000000000e+00, v2;
	v7 =	vld [tilespmem:s23+$0x190]  }
0x463: {  	[tilespmem:s23+$0x130] =	vst v0;
	v2 =	vmul.f32 $8.000000000e+00, v5;
	v8 =	vld [tilespmem:s23+$0x1A0]  }
.Ltmp14:
0x464: {  	[tilespmem:s23+$0x140] =	vst v1;
	v5 =	vmul.f32 $8.000000000e+00, v6;
	v0 =	vld [tilespmem:s23+$0x1B0];
	(pc) =	sbr.rel @p0 .LBB2_30-.Ltmp14, $4  }
0x465: {  	[tilespmem:s23+$0x150] =	vst v2;
	v3 =	vmul.f32 $8.000000000e+00, v3;
	v1 =	vld [tilespmem:s23+$0x1C0]  }
0x466: {  	[tilespmem:s23+$0x160] =	vst v5;
	v6 =	vmul.f32 $8.000000000e+00, v4;
	v2 =	vld [tilespmem:s23+$0x1D0]  }
0x467: {  	[tilespmem:s23+$0x170] =	vst v3;
	v5 =	vmul.f32 $8.000000000e+00, v7;
	v3 =	vld [tilespmem:s23+$0x1E0]  }
0x468: {  	s23 =	sadd.s32 $0x200, s23;
	v4 =	vld [tilespmem:s10+$0x0];
	[tilespmem:s10+$0x180] =	vst v6;
	v6 =	vmul.f32 $8.000000000e+00, v8  }
0x469: {  	[tilespmem:s10+$0x190] =	vst v5;
	v0 =	vmul.f32 $8.000000000e+00, v0  }
0x46a: {  	[tilespmem:s10+$0x1A0] =	vst v6;
	v1 =	vmul.f32 $8.000000000e+00, v1  }
0x46b: {  	[tilespmem:s10+$0x1B0] =	vst v0;
	v0 =	vmul.f32 $8.000000000e+00, v2  }
0x46c: {  	[tilespmem:s10+$0x1C0] =	vst v1;
	v1 =	vmul.f32 $8.000000000e+00, v3  }
0x46d: {  	v2 =	vmul.f32 $8.000000000e+00, v4;
	[tilespmem:s10+$0x1D0] =	vst v0  }
0x46e: {  	[tilespmem:s10+$0x1E0] =	vst v1  }
0x46f: {  	[tilespmem:s10+$0x0] =	vst v2  }
0x470: {  	s22 =	simm.s32 $0x10400;
	s10 =	rddreg [dreg:$0xb]  }
0x471: {  	[hbm4b:s10+s3] =	stream.linear.scatter [tilespmem:s22], [sflag:$0xE], $0x2000, $0x38;
	[tilespmem:$0x16400] =	vst v63  }
0x472: {  	_ =	swait.ge [sflag:s17], $0x2000  }
0x473: {  	[sflag:s17] =	ssyncset.done $0x0  }
0x474: {  	s10 =	simm.s32 $0x12400;
	[sflag:s17] =	ssyncadd.s32 $0xFFFFE000  }
0x475: {  	v0 =	vld [tilespmem:s10+$0x1F0]  }
0x476: {  	v1 =	vld [tilespmem:s10+$0x10]  }
0x477: {  	v2 =	vld [tilespmem:s10+$0x20]  }
0x478: {  	v3 =	vld [tilespmem:s10+$0x30]  }
0x479: {  	v4 =	vld [tilespmem:s10+$0x40]  }
0x47a: {  	v5 =	vld [tilespmem:s10+$0x50];
	v0 =	vmul.f32 $8.000000000e+00, v0  }
0x47b: {  	v6 =	vld [tilespmem:s10+$0x60];
	v1 =	vmul.f32 $8.000000000e+00, v1  }
0x47c: {  	v7 =	vld [tilespmem:s10+$0x70];
	v2 =	vmul.f32 $8.000000000e+00, v2;
	[tilespmem:s10+$0x1F0] =	vst v0  }
0x47d: {  	[tilespmem:s10+$0x10] =	vst v1;
	v0 =	vmul.f32 $8.000000000e+00, v3;
	v1 =	vld [tilespmem:s10+$0x80]  }
0x47e: {  	[tilespmem:s10+$0x20] =	vst v2;
	v2 =	vmul.f32 $8.000000000e+00, v4;
	v3 =	vld [tilespmem:s10+$0x90]  }
0x47f: {  	v4 =	vld [tilespmem:s10+$0xA0];
	[tilespmem:s10+$0x30] =	vst v0;
	v0 =	vmul.f32 $8.000000000e+00, v5  }
0x480: {  	[tilespmem:s10+$0x40] =	vst v2;
	v2 =	vmul.f32 $8.000000000e+00, v6;
	v5 =	vld [tilespmem:s10+$0xB0]  }
0x481: {  	v6 =	vld [tilespmem:s10+$0xC0];
	[tilespmem:s10+$0x50] =	vst v0;
	v0 =	vmul.f32 $8.000000000e+00, v7  }
0x482: {  	[tilespmem:s10+$0x60] =	vst v2;
	v2 =	vld [tilespmem:s10+$0xD0];
	v1 =	vmul.f32 $8.000000000e+00, v1  }
0x483: {  	[tilespmem:s10+$0x70] =	vst v0;
	v0 =	vmul.f32 $8.000000000e+00, v3;
	v3 =	vld [tilespmem:s10+$0xE0]  }
0x484: {  	[tilespmem:s10+$0x80] =	vst v1;
	v1 =	vmul.f32 $8.000000000e+00, v4;
	v4 =	vld [tilespmem:s10+$0xF0]  }
0x485: {  	[tilespmem:s10+$0x90] =	vst v0;
	v0 =	vmul.f32 $8.000000000e+00, v5;
	v5 =	vld [tilespmem:s10+$0x100]  }
0x486: {  	[tilespmem:s10+$0xA0] =	vst v1;
	v1 =	vmul.f32 $8.000000000e+00, v6;
	v6 =	vld [tilespmem:s10+$0x110]  }
0x487: {  	[tilespmem:s10+$0xB0] =	vst v0;
	v0 =	vmul.f32 $8.000000000e+00, v2;
	v2 =	vld [tilespmem:s10+$0x120]  }
0x488: {  	[tilespmem:s10+$0xC0] =	vst v1;
	v1 =	vmul.f32 $8.000000000e+00, v3;
	v3 =	vld [tilespmem:s10+$0x130]  }
0x489: {  	[tilespmem:s10+$0xD0] =	vst v0;
	v0 =	vmul.f32 $8.000000000e+00, v4;
	v4 =	vld [tilespmem:s10+$0x140]  }
0x48a: {  	[tilespmem:s10+$0xE0] =	vst v1;
	v1 =	vmul.f32 $8.000000000e+00, v5;
	v5 =	vld [tilespmem:s10+$0x150]  }
0x48b: {  	[tilespmem:s10+$0xF0] =	vst v0;
	v0 =	vmul.f32 $8.000000000e+00, v6;
	v6 =	vld [tilespmem:s10+$0x160]  }
0x48c: {  	[tilespmem:s10+$0x100] =	vst v1;
	v1 =	vmul.f32 $8.000000000e+00, v2;
	v2 =	vld [tilespmem:s10+$0x170]  }
0x48d: {  	[tilespmem:s10+$0x110] =	vst v0;
	v0 =	vmul.f32 $8.000000000e+00, v3;
	v3 =	vld [tilespmem:s10+$0x180]  }
0x48e: {  	[tilespmem:s10+$0x120] =	vst v1;
	v1 =	vmul.f32 $8.000000000e+00, v4;
	v4 =	vld [tilespmem:s10+$0x190]  }
0x48f: {  	v7 =	vld [tilespmem:s10+$0x1A0];
	[tilespmem:s10+$0x130] =	vst v0;
	v5 =	vmul.f32 $8.000000000e+00, v5  }
0x490: {  	v0 =	vld [tilespmem:s10+$0x1B0];
	[tilespmem:s10+$0x140] =	vst v1;
	v6 =	vmul.f32 $8.000000000e+00, v6  }
0x491: {  	v1 =	vld [tilespmem:s10+$0x1C0];
	[tilespmem:s10+$0x150] =	vst v5;
	v5 =	vmul.f32 $8.000000000e+00, v2  }
0x492: {  	v2 =	vld [tilespmem:s10+$0x1D0];
	[tilespmem:s10+$0x160] =	vst v6;
	v6 =	vmul.f32 $8.000000000e+00, v3  }
0x493: {  	v3 =	vld [tilespmem:s10+$0x1E0];
	[tilespmem:s10+$0x170] =	vst v5;
	v5 =	vmul.f32 $8.000000000e+00, v4  }
0x494: {  	s23 =	simm.s32 $0x12600;
	s22 =	simm.s32 $0x0;
	v4 =	vld [tilespmem:s10+$0x0];
	[tilespmem:s10+$0x180] =	vst v6;
	v6 =	vmul.f32 $8.000000000e+00, v7  }
.LBB2_32:
0x495: {  	v7 =	vld [tilespmem:s23+$0x1F0];
	s22 =	sadd.s32 $0x8, s22;
	[tilespmem:s10+$0x190] =	vst v5;
	v0 =	vmul.f32 $8.000000000e+00, v0  }
0x496: {  	v5 =	vld [tilespmem:s23+$0x10];
	p0 =	slt.u32 s22, $0x78;
	[tilespmem:s10+$0x1A0] =	vst v6;
	v1 =	vmul.f32 $8.000000000e+00, v1  }
0x497: {  	v6 =	vld [tilespmem:s23+$0x20];
	[tilespmem:s10+$0x1B0] =	vst v0;
	v0 =	vmul.f32 $8.000000000e+00, v2  }
0x498: {  	v2 =	vld [tilespmem:s23+$0x30];
	[tilespmem:s10+$0x1C0] =	vst v1;
	v1 =	vmul.f32 $8.000000000e+00, v3  }
0x499: {  	v3 =	vld [tilespmem:s23+$0x40];
	v4 =	vmul.f32 $8.000000000e+00, v4;
	[tilespmem:s10+$0x1D0] =	vst v0  }
0x49a: {  	v0 =	vld [tilespmem:s23+$0x50];
	v7 =	vmul.f32 $8.000000000e+00, v7;
	[tilespmem:s10+$0x1E0] =	vst v1  }
0x49b: {  	v1 =	vmul.f32 $8.000000000e+00, v5;
	v5 =	vld [tilespmem:s23+$0x60];
	[tilespmem:s10+$0x0] =	vst v4;
	s10 =	smov.u32 s23  }
0x49c: {  	v4 =	vmul.f32 $8.000000000e+00, v6;
	v6 =	vld [tilespmem:s23+$0x70];
	[tilespmem:s23+$0x1F0] =	vst v7  }
0x49d: {  	[tilespmem:s23+$0x10] =	vst v1;
	v1 =	vmul.f32 $8.000000000e+00, v2;
	v2 =	vld [tilespmem:s23+$0x80]  }
0x49e: {  	[tilespmem:s23+$0x20] =	vst v4;
	v3 =	vmul.f32 $8.000000000e+00, v3;
	v4 =	vld [tilespmem:s23+$0x90]  }
0x49f: {  	[tilespmem:s23+$0x30] =	vst v1;
	v0 =	vmul.f32 $8.000000000e+00, v0;
	v1 =	vld [tilespmem:s23+$0xA0]  }
0x4a0: {  	[tilespmem:s23+$0x40] =	vst v3;
	v3 =	vmul.f32 $8.000000000e+00, v5;
	v5 =	vld [tilespmem:s23+$0xB0]  }
0x4a1: {  	[tilespmem:s23+$0x50] =	vst v0;
	v0 =	vmul.f32 $8.000000000e+00, v6;
	v6 =	vld [tilespmem:s23+$0xC0]  }
0x4a2: {  	[tilespmem:s23+$0x60] =	vst v3;
	v2 =	vmul.f32 $8.000000000e+00, v2;
	v3 =	vld [tilespmem:s23+$0xD0]  }
0x4a3: {  	[tilespmem:s23+$0x70] =	vst v0;
	v0 =	vmul.f32 $8.000000000e+00, v4;
	v4 =	vld [tilespmem:s23+$0xE0]  }
0x4a4: {  	[tilespmem:s23+$0x80] =	vst v2;
	v1 =	vmul.f32 $8.000000000e+00, v1;
	v2 =	vld [tilespmem:s23+$0xF0]  }
0x4a5: {  	[tilespmem:s23+$0x90] =	vst v0;
	v0 =	vmul.f32 $8.000000000e+00, v5;
	v5 =	vld [tilespmem:s23+$0x100]  }
0x4a6: {  	[tilespmem:s23+$0xA0] =	vst v1;
	v1 =	vmul.f32 $8.000000000e+00, v6;
	v6 =	vld [tilespmem:s23+$0x110]  }
0x4a7: {  	[tilespmem:s23+$0xB0] =	vst v0;
	v0 =	vmul.f32 $8.000000000e+00, v3;
	v3 =	vld [tilespmem:s23+$0x120]  }
0x4a8: {  	[tilespmem:s23+$0xC0] =	vst v1;
	v1 =	vmul.f32 $8.000000000e+00, v4;
	v4 =	vld [tilespmem:s23+$0x130]  }
0x4a9: {  	[tilespmem:s23+$0xD0] =	vst v0;
	v0 =	vmul.f32 $8.000000000e+00, v2;
	v2 =	vld [tilespmem:s23+$0x140]  }
0x4aa: {  	[tilespmem:s23+$0xE0] =	vst v1;
	v1 =	vmul.f32 $8.000000000e+00, v5;
	v5 =	vld [tilespmem:s23+$0x150]  }
0x4ab: {  	[tilespmem:s23+$0xF0] =	vst v0;
	v0 =	vmul.f32 $8.000000000e+00, v6;
	v6 =	vld [tilespmem:s23+$0x160]  }
0x4ac: {  	[tilespmem:s23+$0x100] =	vst v1;
	v1 =	vmul.f32 $8.000000000e+00, v3;
	v3 =	vld [tilespmem:s23+$0x170]  }
0x4ad: {  	[tilespmem:s23+$0x110] =	vst v0;
	v0 =	vmul.f32 $8.000000000e+00, v4;
	v4 =	vld [tilespmem:s23+$0x180]  }
0x4ae: {  	[tilespmem:s23+$0x120] =	vst v1;
	v1 =	vmul.f32 $8.000000000e+00, v2;
	v7 =	vld [tilespmem:s23+$0x190]  }
0x4af: {  	[tilespmem:s23+$0x130] =	vst v0;
	v2 =	vmul.f32 $8.000000000e+00, v5;
	v8 =	vld [tilespmem:s23+$0x1A0]  }
.Ltmp15:
0x4b0: {  	[tilespmem:s23+$0x140] =	vst v1;
	v5 =	vmul.f32 $8.000000000e+00, v6;
	v0 =	vld [tilespmem:s23+$0x1B0];
	(pc) =	sbr.rel @p0 .LBB2_32-.Ltmp15, $4  }
0x4b1: {  	[tilespmem:s23+$0x150] =	vst v2;
	v3 =	vmul.f32 $8.000000000e+00, v3;
	v1 =	vld [tilespmem:s23+$0x1C0]  }
0x4b2: {  	[tilespmem:s23+$0x160] =	vst v5;
	v6 =	vmul.f32 $8.000000000e+00, v4;
	v2 =	vld [tilespmem:s23+$0x1D0]  }
0x4b3: {  	[tilespmem:s23+$0x170] =	vst v3;
	v5 =	vmul.f32 $8.000000000e+00, v7;
	v3 =	vld [tilespmem:s23+$0x1E0]  }
0x4b4: {  	s23 =	sadd.s32 $0x200, s23;
	v4 =	vld [tilespmem:s10+$0x0];
	[tilespmem:s10+$0x180] =	vst v6;
	v6 =	vmul.f32 $8.000000000e+00, v8  }
0x4b5: {  	[tilespmem:s10+$0x190] =	vst v5;
	v0 =	vmul.f32 $8.000000000e+00, v0  }
0x4b6: {  	[tilespmem:s10+$0x1A0] =	vst v6;
	v1 =	vmul.f32 $8.000000000e+00, v1  }
0x4b7: {  	[tilespmem:s10+$0x1B0] =	vst v0;
	v0 =	vmul.f32 $8.000000000e+00, v2  }
0x4b8: {  	[tilespmem:s10+$0x1C0] =	vst v1;
	v1 =	vmul.f32 $8.000000000e+00, v3  }
0x4b9: {  	v2 =	vmul.f32 $8.000000000e+00, v4;
	[tilespmem:s10+$0x1D0] =	vst v0  }
0x4ba: {  	[tilespmem:s10+$0x1E0] =	vst v1  }
0x4bb: {  	[tilespmem:s10+$0x0] =	vst v2  }
0x4bc: {  	s10 =	rddreg [dreg:$0xc]  }
0x4bd: {  	[hbm4b:s10+s3] =	stream.linear.scatter [tilespmem:s24], [sflag:$0xF], $0x2000, $0x38;
	[tilespmem:$0x16400] =	vst v63  }
0x4be: {  	_ =	swait.ge [sflag:s18], $0x2000  }
0x4bf: {  	[sflag:s18] =	ssyncset.done $0x0  }
0x4c0: {  	s10 =	simm.s32 $0x14400;
	[sflag:s18] =	ssyncadd.s32 $0xFFFFE000  }
0x4c1: {  	v0 =	vld [tilespmem:s10+$0x1F0]  }
0x4c2: {  	v1 =	vld [tilespmem:s10+$0x10]  }
0x4c3: {  	v2 =	vld [tilespmem:s10+$0x20]  }
0x4c4: {  	v3 =	vld [tilespmem:s10+$0x30]  }
0x4c5: {  	v4 =	vld [tilespmem:s10+$0x40]  }
0x4c6: {  	v5 =	vld [tilespmem:s10+$0x50];
	v0 =	vmul.f32 $8.000000000e+00, v0  }
0x4c7: {  	v6 =	vld [tilespmem:s10+$0x60];
	v1 =	vmul.f32 $8.000000000e+00, v1  }
0x4c8: {  	v7 =	vld [tilespmem:s10+$0x70];
	v2 =	vmul.f32 $8.000000000e+00, v2;
	[tilespmem:s10+$0x1F0] =	vst v0  }
0x4c9: {  	[tilespmem:s10+$0x10] =	vst v1;
	v0 =	vmul.f32 $8.000000000e+00, v3;
	v1 =	vld [tilespmem:s10+$0x80]  }
0x4ca: {  	[tilespmem:s10+$0x20] =	vst v2;
	v2 =	vmul.f32 $8.000000000e+00, v4;
	v3 =	vld [tilespmem:s10+$0x90]  }
0x4cb: {  	v4 =	vld [tilespmem:s10+$0xA0];
	[tilespmem:s10+$0x30] =	vst v0;
	v0 =	vmul.f32 $8.000000000e+00, v5  }
0x4cc: {  	[tilespmem:s10+$0x40] =	vst v2;
	v2 =	vmul.f32 $8.000000000e+00, v6;
	v5 =	vld [tilespmem:s10+$0xB0]  }
0x4cd: {  	v6 =	vld [tilespmem:s10+$0xC0];
	[tilespmem:s10+$0x50] =	vst v0;
	v0 =	vmul.f32 $8.000000000e+00, v7  }
0x4ce: {  	[tilespmem:s10+$0x60] =	vst v2;
	v2 =	vld [tilespmem:s10+$0xD0];
	v1 =	vmul.f32 $8.000000000e+00, v1  }
0x4cf: {  	[tilespmem:s10+$0x70] =	vst v0;
	v0 =	vmul.f32 $8.000000000e+00, v3;
	v3 =	vld [tilespmem:s10+$0xE0]  }
0x4d0: {  	[tilespmem:s10+$0x80] =	vst v1;
	v1 =	vmul.f32 $8.000000000e+00, v4;
	v4 =	vld [tilespmem:s10+$0xF0]  }
0x4d1: {  	[tilespmem:s10+$0x90] =	vst v0;
	v0 =	vmul.f32 $8.000000000e+00, v5;
	v5 =	vld [tilespmem:s10+$0x100]  }
0x4d2: {  	[tilespmem:s10+$0xA0] =	vst v1;
	v1 =	vmul.f32 $8.000000000e+00, v6;
	v6 =	vld [tilespmem:s10+$0x110]  }
0x4d3: {  	[tilespmem:s10+$0xB0] =	vst v0;
	v0 =	vmul.f32 $8.000000000e+00, v2;
	v2 =	vld [tilespmem:s10+$0x120]  }
0x4d4: {  	[tilespmem:s10+$0xC0] =	vst v1;
	v1 =	vmul.f32 $8.000000000e+00, v3;
	v3 =	vld [tilespmem:s10+$0x130]  }
0x4d5: {  	[tilespmem:s10+$0xD0] =	vst v0;
	v0 =	vmul.f32 $8.000000000e+00, v4;
	v4 =	vld [tilespmem:s10+$0x140]  }
0x4d6: {  	[tilespmem:s10+$0xE0] =	vst v1;
	v1 =	vmul.f32 $8.000000000e+00, v5;
	v5 =	vld [tilespmem:s10+$0x150]  }
0x4d7: {  	[tilespmem:s10+$0xF0] =	vst v0;
	v0 =	vmul.f32 $8.000000000e+00, v6;
	v6 =	vld [tilespmem:s10+$0x160]  }
0x4d8: {  	[tilespmem:s10+$0x100] =	vst v1;
	v1 =	vmul.f32 $8.000000000e+00, v2;
	v2 =	vld [tilespmem:s10+$0x170]  }
0x4d9: {  	[tilespmem:s10+$0x110] =	vst v0;
	v0 =	vmul.f32 $8.000000000e+00, v3;
	v3 =	vld [tilespmem:s10+$0x180]  }
0x4da: {  	[tilespmem:s10+$0x120] =	vst v1;
	v1 =	vmul.f32 $8.000000000e+00, v4;
	v4 =	vld [tilespmem:s10+$0x190]  }
0x4db: {  	v7 =	vld [tilespmem:s10+$0x1A0];
	[tilespmem:s10+$0x130] =	vst v0;
	v5 =	vmul.f32 $8.000000000e+00, v5  }
0x4dc: {  	v0 =	vld [tilespmem:s10+$0x1B0];
	[tilespmem:s10+$0x140] =	vst v1;
	v6 =	vmul.f32 $8.000000000e+00, v6  }
0x4dd: {  	v1 =	vld [tilespmem:s10+$0x1C0];
	[tilespmem:s10+$0x150] =	vst v5;
	v5 =	vmul.f32 $8.000000000e+00, v2  }
0x4de: {  	v2 =	vld [tilespmem:s10+$0x1D0];
	[tilespmem:s10+$0x160] =	vst v6;
	v6 =	vmul.f32 $8.000000000e+00, v3  }
0x4df: {  	v3 =	vld [tilespmem:s10+$0x1E0];
	[tilespmem:s10+$0x170] =	vst v5;
	v5 =	vmul.f32 $8.000000000e+00, v4  }
0x4e0: {  	s22 =	simm.s32 $0x0;
	s23 =	simm.s32 $0x14600;
	v4 =	vld [tilespmem:s10+$0x0];
	[tilespmem:s10+$0x180] =	vst v6;
	v6 =	vmul.f32 $8.000000000e+00, v7  }
.LBB2_34:
0x4e1: {  	v7 =	vld [tilespmem:s23+$0x1F0];
	s22 =	sadd.s32 $0x8, s22;
	[tilespmem:s10+$0x190] =	vst v5;
	v0 =	vmul.f32 $8.000000000e+00, v0  }
0x4e2: {  	v5 =	vld [tilespmem:s23+$0x10];
	p0 =	slt.u32 s22, $0x78;
	[tilespmem:s10+$0x1A0] =	vst v6;
	v1 =	vmul.f32 $8.000000000e+00, v1  }
0x4e3: {  	v6 =	vld [tilespmem:s23+$0x20];
	[tilespmem:s10+$0x1B0] =	vst v0;
	v0 =	vmul.f32 $8.000000000e+00, v2  }
0x4e4: {  	v2 =	vld [tilespmem:s23+$0x30];
	[tilespmem:s10+$0x1C0] =	vst v1;
	v1 =	vmul.f32 $8.000000000e+00, v3  }
0x4e5: {  	v3 =	vld [tilespmem:s23+$0x40];
	v4 =	vmul.f32 $8.000000000e+00, v4;
	[tilespmem:s10+$0x1D0] =	vst v0  }
0x4e6: {  	v0 =	vld [tilespmem:s23+$0x50];
	v7 =	vmul.f32 $8.000000000e+00, v7;
	[tilespmem:s10+$0x1E0] =	vst v1  }
0x4e7: {  	v1 =	vmul.f32 $8.000000000e+00, v5;
	v5 =	vld [tilespmem:s23+$0x60];
	[tilespmem:s10+$0x0] =	vst v4;
	s10 =	smov.u32 s23  }
0x4e8: {  	v4 =	vmul.f32 $8.000000000e+00, v6;
	v6 =	vld [tilespmem:s23+$0x70];
	[tilespmem:s23+$0x1F0] =	vst v7  }
0x4e9: {  	[tilespmem:s23+$0x10] =	vst v1;
	v1 =	vmul.f32 $8.000000000e+00, v2;
	v2 =	vld [tilespmem:s23+$0x80]  }
0x4ea: {  	[tilespmem:s23+$0x20] =	vst v4;
	v3 =	vmul.f32 $8.000000000e+00, v3;
	v4 =	vld [tilespmem:s23+$0x90]  }
0x4eb: {  	[tilespmem:s23+$0x30] =	vst v1;
	v0 =	vmul.f32 $8.000000000e+00, v0;
	v1 =	vld [tilespmem:s23+$0xA0]  }
0x4ec: {  	[tilespmem:s23+$0x40] =	vst v3;
	v3 =	vmul.f32 $8.000000000e+00, v5;
	v5 =	vld [tilespmem:s23+$0xB0]  }
0x4ed: {  	[tilespmem:s23+$0x50] =	vst v0;
	v0 =	vmul.f32 $8.000000000e+00, v6;
	v6 =	vld [tilespmem:s23+$0xC0]  }
0x4ee: {  	[tilespmem:s23+$0x60] =	vst v3;
	v2 =	vmul.f32 $8.000000000e+00, v2;
	v3 =	vld [tilespmem:s23+$0xD0]  }
0x4ef: {  	[tilespmem:s23+$0x70] =	vst v0;
	v0 =	vmul.f32 $8.000000000e+00, v4;
	v4 =	vld [tilespmem:s23+$0xE0]  }
0x4f0: {  	[tilespmem:s23+$0x80] =	vst v2;
	v1 =	vmul.f32 $8.000000000e+00, v1;
	v2 =	vld [tilespmem:s23+$0xF0]  }
0x4f1: {  	[tilespmem:s23+$0x90] =	vst v0;
	v0 =	vmul.f32 $8.000000000e+00, v5;
	v5 =	vld [tilespmem:s23+$0x100]  }
0x4f2: {  	[tilespmem:s23+$0xA0] =	vst v1;
	v1 =	vmul.f32 $8.000000000e+00, v6;
	v6 =	vld [tilespmem:s23+$0x110]  }
0x4f3: {  	[tilespmem:s23+$0xB0] =	vst v0;
	v0 =	vmul.f32 $8.000000000e+00, v3;
	v3 =	vld [tilespmem:s23+$0x120]  }
0x4f4: {  	[tilespmem:s23+$0xC0] =	vst v1;
	v1 =	vmul.f32 $8.000000000e+00, v4;
	v4 =	vld [tilespmem:s23+$0x130]  }
0x4f5: {  	[tilespmem:s23+$0xD0] =	vst v0;
	v0 =	vmul.f32 $8.000000000e+00, v2;
	v2 =	vld [tilespmem:s23+$0x140]  }
0x4f6: {  	[tilespmem:s23+$0xE0] =	vst v1;
	v1 =	vmul.f32 $8.000000000e+00, v5;
	v5 =	vld [tilespmem:s23+$0x150]  }
0x4f7: {  	[tilespmem:s23+$0xF0] =	vst v0;
	v0 =	vmul.f32 $8.000000000e+00, v6;
	v6 =	vld [tilespmem:s23+$0x160]  }
0x4f8: {  	[tilespmem:s23+$0x100] =	vst v1;
	v1 =	vmul.f32 $8.000000000e+00, v3;
	v3 =	vld [tilespmem:s23+$0x170]  }
0x4f9: {  	[tilespmem:s23+$0x110] =	vst v0;
	v0 =	vmul.f32 $8.000000000e+00, v4;
	v4 =	vld [tilespmem:s23+$0x180]  }
0x4fa: {  	[tilespmem:s23+$0x120] =	vst v1;
	v1 =	vmul.f32 $8.000000000e+00, v2;
	v7 =	vld [tilespmem:s23+$0x190]  }
0x4fb: {  	[tilespmem:s23+$0x130] =	vst v0;
	v2 =	vmul.f32 $8.000000000e+00, v5;
	v8 =	vld [tilespmem:s23+$0x1A0]  }
.Ltmp16:
0x4fc: {  	[tilespmem:s23+$0x140] =	vst v1;
	v5 =	vmul.f32 $8.000000000e+00, v6;
	v0 =	vld [tilespmem:s23+$0x1B0];
	(pc) =	sbr.rel @p0 .LBB2_34-.Ltmp16, $4  }
0x4fd: {  	[tilespmem:s23+$0x150] =	vst v2;
	v3 =	vmul.f32 $8.000000000e+00, v3;
	v1 =	vld [tilespmem:s23+$0x1C0]  }
0x4fe: {  	[tilespmem:s23+$0x160] =	vst v5;
	v6 =	vmul.f32 $8.000000000e+00, v4;
	v2 =	vld [tilespmem:s23+$0x1D0]  }
0x4ff: {  	[tilespmem:s23+$0x170] =	vst v3;
	v5 =	vmul.f32 $8.000000000e+00, v7;
	v3 =	vld [tilespmem:s23+$0x1E0]  }
0x500: {  	s23 =	sadd.s32 $0x200, s23;
	v4 =	vld [tilespmem:s10+$0x0];
	[tilespmem:s10+$0x180] =	vst v6;
	v6 =	vmul.f32 $8.000000000e+00, v8  }
0x501: {  	[tilespmem:s10+$0x190] =	vst v5;
	v0 =	vmul.f32 $8.000000000e+00, v0  }
0x502: {  	[tilespmem:s10+$0x1A0] =	vst v6;
	v1 =	vmul.f32 $8.000000000e+00, v1  }
0x503: {  	[tilespmem:s10+$0x1B0] =	vst v0;
	v61 =	vmul.f32 $8.000000000e+00, v2  }
0x504: {  	[tilespmem:s10+$0x1C0] =	vst v1;
	v62 =	vmul.f32 $8.000000000e+00, v3  }
0x505: {  	v63 =	vmul.f32 $8.000000000e+00, v4;
	[tilespmem:s10+$0x1D0] =	vst v61  }
0x506: {  	[tilespmem:s10+$0x1E0] =	vst v62  }
0x507: {  	[tilespmem:s10+$0x0] =	vst v63  }
0x508: {  	s10 =	rddreg [dreg:$0xd]  }
0x509: {  	[hbm4b:s10+s3] =	stream.linear.scatter [tilespmem:s29], [sflag:$0x10], $0x2000, $0x38;
	[tilespmem:$0x16400] =	vst v63  }
0x50a: {  	_ =	swait.ge [sflag:s11], $0x2000  }
0x50b: {  	[sflag:s11] =	ssyncset.done $0x0  }
0x50c: {  	[sflag:s11] =	ssyncadd.s32 $0xFFFFE000  }
0x50d: {  	_ =	swait.ge [sflag:s12], $0x2000  }
0x50e: {  	[sflag:s12] =	ssyncset.done $0x0  }
0x50f: {  	[sflag:s12] =	ssyncadd.s32 $0xFFFFE000  }
0x510: {  	_ =	swait.ge [sflag:s13], $0x2000  }
0x511: {  	[sflag:s13] =	ssyncset.done $0x0  }
0x512: {  	[sflag:s13] =	ssyncadd.s32 $0xFFFFE000  }
0x513: {  	_ =	swait.ge [sflag:s14], $0x2000  }
0x514: {  	[sflag:s14] =	ssyncset.done $0x0  }
0x515: {  	[sflag:s14] =	ssyncadd.s32 $0xFFFFE000  }
0x516: {  	_ =	swait.ge [sflag:s19], $0x2000  }
0x517: {  	[sflag:s19] =	ssyncset.done $0x0  }
0x518: {  	[sflag:s19] =	ssyncadd.s32 $0xFFFFE000  }
0x519: {  	_ =	swait.ge [sflag:s20], $0x2000  }
0x51a: {  	[sflag:s20] =	ssyncset.done $0x0  }
0x51b: {  	[sflag:s20] =	ssyncadd.s32 $0xFFFFE000  }
0x51c: {  	_ =	swait.ge [sflag:s2], $0x2000  }
0x51d: {  	[sflag:s2] =	ssyncset.done $0x0  }
0x51e: {  	[sflag:s2] =	ssyncadd.s32 $0xFFFFE000  }
0x51f: {  	_ =	swait.ge [sflag:s4], $0x2000  }
0x520: {  	s22 =	rddreg [dreg:$0xf]  }
0x521: {  	s30 =	rddreg [dreg:$0xe];
	s22 =	sadd.s32 $0x1, s22  }
0x522: {  	p0 =	sne.s32 s22, s30  }
.Ltmp17:
0x523: {  	_ = 	snop;
	(pc) =	sbr.rel @p0 .LBB2_1-.Ltmp17, $3  }
0x524: {  	_ =	sdelay $0x1  }
0x525: {  	[sflag:s4] =	ssyncset.done $0x0  }
0x526: {  	[sflag:s4] =	ssyncadd.s32 $0xFFFFE000  }
0x527: {  	_ =	sfence.sel $0x180000  }
0x528: {  	[bflag:$0x0] =	sbarrier.arrive $0xFFFF  }
0x529: {  	_ =	strace $0x90000047  }
0x52a: {  	s0 =	stileid.u32;
	[bflag:$0x2] =	sbarrier.arrive $0xFFFF  }
0x52b: {  	p0 =	sne.s32 s0, $0x0;
	s0 =	rddreg [dreg:$0x2]  }
0x52c: {  	s0 =	sadd.s32 @!p0 $0x100000, s0  }
0x52d: {  	[sflag:s0] =	ssyncadd.tile.s32 @!p0 $0x1;
	_ =	shalt  }
.Lfunc_end2:
_tile_overlayer_lowered:
.L_overlay_start_2:
0x52e: {  	(tag) =	ssettag $0x2  }
0x52f: {  	s0 =	rddreg [dreg:$0x0];
	s2 =	stileid.u32  }
0x530: {  	s1 =	rddreg [dreg:$0x1];
	p0 =	sne.s32 s2, $0x0  }
0x531: {  	s3 =	rddreg [dreg:$0x2];
	[bflag:$0x3] =	sbarrier.arrive $0xFFFF;
	s2 =	simm.s32 @!p0 $0x1C11  }
0x532: {  	[timem:s3], [sflag:s2] =	dma.local @!p0 [hbm:s0], s1  }
0x533: {  	s0 =	simm.s32 @!p0 $0x11  }
0x534: {  	_ =	swait.ge @!p0 [sflag:s0], s1  }
0x535: {  	s1 =	ssub.s32 @!p0 $0x0, s1;
	[sflag:s0] =	ssyncset.done @!p0 $0x0  }
0x536: {  	[sflag:s0] =	ssyncadd.s32 @!p0 s1  }
0x537: {  	[bflag:$0x3] =	sbarrier.arrive $0xFFFF  }
0x538: {  	_ =	shalt  }

// kernel: sparse-core-data-format-call.cloned.1.call-start
scs
called_computation_lowered:
.L_overlay_start_0:
0x0: {  	s2 =	sld [smem:$0x3FD9]  }
0x1: {  	s3 =	sld [smem:$0x3FFE];
	_ =	sdelay $0x1  }
0x2: {  	s1 =	srdreg.scid  }
0x3: {  	s0 =	sand.u32 $0x1, s1  }
0x4: {  	s18 =	sshll.u32 s0, $0xA;
	s2 =	sadd.s32 s3, s2  }
0x5: {  	s2 =	sadd.s32 s2, s18  }
0x6: {  	[smem:$0x3FC6] =	sst s2  }
0x7: {  	_ = 	snop  }
0x8: {  	s2 =	sld [smem:$0x3FD0];
	(tm) =	ssettm $0x1  }
0x9: {  	s19 =	sld [smem:$0x3FFB];
	_ =	sdelay $0x3  }
0xa: {  	_ =	strace s19  }
0xb: {  	s3 =	sld [smem:$0x3FFC];
	_ =	sdelay $0x3  }
0xc: {  	_ =	strace s3  }
0xd: {  	s3 =	sld [smem:$0x3FFD];
	_ =	sdelay $0x3  }
0xe: {  	_ =	strace s3  }
0xf: {  	_ =	strace $0x8FFFFFFF  }
0x10: {  	s20 =	sld [smem:$0x3FDB];
	_ =	sdelay $0x1  }
0x11: {  	s4 =	simm.s32 $_scs_section_size  }
0x12: {  	s5 =	simm.s32 $_size__tile_overlayer_lowered;
	s6 =	simm.s32 $_tile_overlayer_lowered  }
0x13: {  	s23 =	simm.s32 $0x1BFF;
	s22 =	sshll.u32 s6, $0x1;
	s3 =	sadd.s32 s4, s20  }
0x14: {  	s7 =	simm.s32 $0x0;
	s21 =	sshll.u32 s5, $0x1;
	s5 =	sadd.s32 s22, s3  }
0x15: {  	[timem:s7], [sflag:s23] =	dma.local [hbm:s5], s21  }
0x16: {  	_ =	swait.ge [sflag:s23], s21  }
0x17: {  	s4 =	ssub.s32 $0x0, s21;
	[sflag:s23] =	ssyncset.done $0x0  }
0x18: {  	[sflag:s23] =	ssyncadd.s32 s4;
	_ =	sdelay $0x1  }
0x19: {  	s24 =	simm.s32 $0x1B8B  }
0x1a: {  	_ =	swait.ge [sflag:s24], $0x1  }
0x1b: {  	[sflag:s24] =	ssyncset.done $0x0  }
0x1c: {  	s26 =	simm.s32 $0x1B8E;
	s25 =	sld [smem:$0x3FFE];
	[sflag:s24] =	ssyncadd.s32 $0xFFFFFFFF  }
0x1d: {  	s27 =	simm.s32 $execute0_lowered;
	[smem:$0x3FD2] =	sst s26  }
0x1e: {  	s5 =	sshll.u32 s27, $0x1;
	_ =	strace $0x80000049;
	[dreg:$0x1] =	wrdreg $0xFFFFFFFF  }
0x1f: {  	s28 =	simm.s32 $_size_execute0_lowered;
	s3 =	sadd.s32 s3, s5;
	[dreg:$0x0] =	wrdreg $0x0  }
0x20: {  	s5 =	sshll.u32 s28, $0x1;
	[dreg:$0x2] =	wrdreg s3  }
0x21: {  	[dreg:$0x3] =	wrdreg s5  }
0x22: {  	[dreg:$0x4] =	wrdreg $0xC0  }
0x23: {  	_ =	task [dreg:s7], $0x5FFFF  }
0x24: {  	[dreg:$0x1] =	wrdreg $0xFFFFFFFF  }
0x25: {  	[dreg:$0x0] =	wrdreg $0x60  }
0x26: {  	[dreg:$0x2] =	wrdreg s25  }
0x27: {  	[dreg:$0x3] =	wrdreg s2  }
0x28: {  	[dreg:$0x4] =	wrdreg $0x9  }
0x29: {  	_ =	task.clear_ibuf [dreg:s7], $0x5FFFF;
	_ =	strace $0x90000049  }
0x2a: {  	s29 =	simm.s32 $0x9;
	_ =	strace $0x8000004B  }
0x2b: {  	_ =	swait.ge [sflag:s29], $0x1  }
0x2c: {  	[sflag:s29] =	ssyncadd.s32 $0xFFFFFFFF  }
0x2d: {  	_ =	strace $0x9000004B  }
0x2e: {  	_ =	sfence  }
0x2f: {  	s30 =	sld [smem:$0x0];
	_ =	sdelay $0x2  }
0x30: {  	s31 =	sshll.u32 s1, $0xD;
	s1 =	sshrl.u32 s1, $0x2  }
0x31: {  	s3 =	sand.u32 $0x4000, s31;
	s1 =	sadd.s32 s1, s30  }
0x32: {  	s0 =	sor.u32 s3, s0;
	s1 =	sshll.u32 s1, $0x11  }
0x33: {  	s0 =	sor.u32 s1, s0  }
0x34: {  	s0 =	sadd.s32 $0x8F2B, s0  }
0x35: {  	[sflag:s0] =	ssyncadd.remote.s32 $0x1  }
0x36: {  	_ =	sfence.sel $0xFFFF  }
0x37: {  	[dreg:$0x0] =	wrdreg $0xFFFFFFFF;
	(pc) =	sbr.abs _section_cstart, $3  }
0x38: {  	[dreg:$0x1] =	wrdreg $0xFFFFFFFF  }
0x39: {  	_ =	task.clear_ibuf [dreg:s7], $0x2FFFF;
	_ =	strace $0x9FFFFFFF  }
0x3a: {  	(tm) =	ssettm $0x7FFFFFFF  }
0x3b: {  	_ =	shalt  }
tec
execute0_lowered:
.L_overlay_start_1:
0x0: {  	(tag) =	ssettag $0x1  }
0x1: {  	s0 =	srdreg.scid  }
0x2: {  	s1 =	sshll.u32 s0, $0x4  }
0x3: {  	s0 =	stileid.u32;
	s1 =	sand.u32 $0x10, s1  }
0x4: {  	s1 =	sor.u32 s0, s1  }
0x5: {  	s6 =	rddreg [dreg:$0x0];
	s4 =	simm.s32 $0x1;
	s2 =	sshll.u32 s1, $0x7  }
0x6: {  	s7 =	simm.s32 $0x2;
	s12 =	simm.s32 $0x0;
	s1 =	ssub.s32 $0x1000, s2  }
0x7: {  	s8 =	simm.s32 $0x8000;
	s13 =	simm.s32 $0x0;
	s3 =	sand.u32 $0xF80, s1  }
0x8: {  	s9 =	simm.s32 $0x0;
	s5 =	sshrl.u32 s1, $0xC;
	p0 =	sne.s32 s3, $0x0  }
.Ltmp0:
0x9: {  	s1 =	rddreg [dreg:$0x2];
	s4 =	simm.s32 @!p0 $0x0;
	(pc) =	sbr.rel .LBB1_1-.Ltmp0, $4  }
0xa: {  	s11 =	simm.s32 $0x0;
	s3 =	rddreg [dreg:$0x1];
	s5 =	sadd.s32 s4, s5  }
0xb: {  	_ =	strace $0x8000004A;
	s4 =	simm.s32 $0x1;
	s5 =	smul.u32 $0xC8, s5  }
0xc: {  	s6 =	sadd.s32 $0xA00, s6;
	s10 =	smov.u32 s2;
	[sflag:s4] =	ssyncpa.u1 $0x0  }
0xd: {  	p0 =	por $0x0, $0x0;
	[sflag:s7] =	ssyncpa.u1 $0x0;
	s7 =	sor.u32 $0x1, s5  }
.LBB1_4:
0xe: {  	s16 =	sshll.u32 s13, $0x3;
	s17 =	sand.u32 $0x78, s13  }
0xf: {  	s30 =	sand.u32 $0x7E00, s13;
	s12 =	sshll.u32 s12, $0xF;
	s16 =	sand.u32 $0xC00, s16  }
0x10: {  	[tilespmem:s15+$0x810 ss:$0x81] =	vst.msk $0xffff, v2;
	s31 =	sand.u32 $0x7, s13;
	s16 =	sor.u32 s17, s16;
	s17 =	sadd.s32 s3, s30  }
0x11: {  	[tilespmem:s15+$0x1020 ss:$0x81] =	vst.msk $0xffff, v0;
	s13 =	sshll.u32 s31, $0x12;
	s12 =	sadd.s32 s12, s17;
	s16 =	sshrl.u32 s16, $0x3  }
0x12: {  	[tilespmem:s15+$0x0 ss:$0x81] =	vst.msk $0xffff, v1;
	s13 =	sor.u32 $0x400, s13;
	s12 =	sadd.s32 s16, s12  }
0x13: {  	[hbm4b:s12+s13] =	stream.strided.scatter [tilespmem:s14], [sflag:$0x2], $0x2000, s8, s13, $0x20;
	[tilespmem:$0x8080] =	vst v63  }
.LBB1_5:
0x14: {  	s14 =	sadd.s32 $0x1, s9  }
0x15: {  	s12 =	sadd.s32 $0x1000, s10;
	s16 =	smov.u32 s10;
	p2 =	sgt.s32 s14, $0xC7  }
0x16: {  	s16 =	smov.u32 @p2 s12  }
0x17: {  	s14 =	simm.s32 @p2 $0x0;
	p2 =	sgt.s32 s16, $0xFFF  }
0x18: {  	s16 =	smov.u32 @p2 s2;
	p2 =	sne.s32 s11, s7  }
.Ltmp1:
0x19: {  	p1 =	slt.u32 s11, $0x2;
	(pc) =	sbr.rel @!p2 .LBB1_6-.Ltmp1, $4  }
0x1a: {  	s15 =	simm.s32 @!p1 $0x2  }
0x1b: {  	s13 =	smov.u32 s10;
	p0 =	por !p0, !p0;
	_ =	swait.ge @!p1 [sflag:s15], $0x2000  }
0x1c: {  	s12 =	smov.u32 s9;
	[sflag:s15] =	ssyncset.done @!p1 $0x0;
	s9 =	smov.u32 s14  }
0x1d: {  	s11 =	sadd.s32 $0x1, s11;
	[sflag:s15] =	ssyncadd.s32 @!p1 $0xFFFFE000;
	s10 =	smov.u32 s16  }
.LBB1_1:
0x1e: {  	p1 =	sge.u32 s11, s5  }
0x1f: {  	s14 =	sand.u32 @!p1 $0x1FFFFFF, s9  }
0x20: {  	s15 =	smulhi.u32 @!p1 $0x147AE15, s14;
	_ =	sdelay $0x1  }
0x21: {  	s15 =	smul.u32 @!p1 $0xC8, s15  }
0x22: {  	s16 =	sxor.u32 @!p1 $0xFFFFFFFF, s11;
	s17 =	smul.u32 @!p1 $0xC80, s10  }
0x23: {  	s31 =	sadd.s32 $0xFFFFFFFF, s11;
	s16 =	sshll.u32 @!p1 s16, $0xD;
	s14 =	ssub.s32 @!p1 s14, s15  }
0x24: {  	s15 =	sand.u32 @!p1 $0x2000, s16;
	s16 =	sadd.s32 @!p1 s6, s17;
	s14 =	sshll.u32 @!p1 s14, $0x4  }
0x25: {  	s17 =	simm.s32 @!p1 $0x6400;
	s14 =	sadd.s32 @!p1 s14, s16;
	s16 =	simm.s32 @!p1 $0x40  }
0x26: {  	[tilespmem:s15], [sflag:$0x1] =	stream.strided.gather @!p1 [hbm4b:s14+s16], $0x2000, s17, s16, $0x38;
	[tilespmem:$0x8080] =	vst v63  }
0x27: {  	p1 =	sge.u32 s31, s5  }
.Ltmp2:
0x28: {  	_ = 	snop;
	(pc) =	sbr.rel @p1 .LBB1_5-.Ltmp2, $1  }
0x29: {  	_ =	sdelay $0x3  }
0x2a: {  	s14 =	simm.s32 $0x1  }
0x2b: {  	_ =	swait.ge [sflag:s4], $0x2000;
	s14 =	simm.s32 @!p0 $0x0  }
0x2c: {  	[sflag:s4] =	ssyncset.done $0x0;
	s15 =	sshll.u32 s14, $0xD  }
0x2d: {  	[sflag:s4] =	ssyncadd.s32 $0xFFFFE000;
	s18 =	sor.u32 $0x20, s15  }
0x2e: {  	s14 =	smul.u32 $0x8100, s14;
	v3 =	vld [tilespmem:s18+$0x10]  }
0x2f: {  	s30 =	sand.u32 $0x1, s11;
	v2 =	vld [tilespmem:s18+$0xFFFFFFF0]  }
0x30: {  	s15 =	smul.u32 $0x8100, s30;
	s14 =	sshrl.u32 s14, $0x2;
	v0 =	vld [tilespmem:s18+$0x0]  }
0x31: {  	v1 =	vld [tilespmem:s18+$0xFFFFFFE0];
	s16 =	sor.u32 $0x4000, s14  }
0x32: {  	s31 =	sshrl.u32 s15, $0x2;
	s15 =	sadd.s32 $0x0, s16  }
0x33: {  	s17 =	simm.s32 $0x4;
	s18 =	sadd.s32 $0x40, s18;
	s14 =	sor.u32 $0x4000, s31;
	[tilespmem:s15+$0x1830 ss:$0x81] =	vst.msk $0xffff, v3  }
.LBB1_3:
0x34: {  	v3 =	vld [tilespmem:s18+$0x10];
	p1 =	sne.s32 s17, $0x1FC;
	[tilespmem:s15+$0x810 ss:$0x81] =	vst.msk $0xffff, v2;
	s19 =	smov.u32 s17;
	s17 =	sadd.s32 $0x4, s17  }
.Ltmp3:
0x35: {  	v2 =	vld [tilespmem:s18+$0xFFFFFFF0];
	[tilespmem:s15+$0x1020 ss:$0x81] =	vst.msk $0xffff, v0;
	(pc) =	sbr.rel @p1 .LBB1_3-.Ltmp3, $4  }
0x36: {  	v0 =	vld [tilespmem:s18+$0x0];
	[tilespmem:s15+$0x0 ss:$0x81] =	vst.msk $0xffff, v1  }
0x37: {  	s15 =	sshra.s32 s19, $0x2;
	v1 =	vld [tilespmem:s18+$0xFFFFFFE0]  }
0x38: {  	s15 =	sadd.s32 s15, s16  }
0x39: {  	s18 =	sadd.s32 $0x40, s18;
	[tilespmem:s15+$0x1830 ss:$0x81] =	vst.msk $0xffff, v3  }
.Ltmp4:
0x3a: {  	_ = 	snop;
	(pc) =	sbr.rel .LBB1_4-.Ltmp4, $1  }
0x3b: {  	_ =	sdelay $0x3  }
.LBB1_6:
0x3c: {  	_ =	sfence.sel $0x180000  }
0x3d: {  	s2 =	simm.s32 $0x1;
	[bflag:$0x0] =	sbarrier.arrive $0xFFFF  }
0x3e: {  	s31 =	simm.s32 $0x2;
	[sflag:s2] =	ssyncpa.u1 $0x1  }
0x3f: {  	[sflag:s31] =	ssyncpa.u1 $0x1  }
0x40: {  	p0 =	sne.s32 s0, $0x0;
	_ =	strace $0x9000004A  }
0x41: {  	s0 =	sadd.s32 @!p0 $0x100000, s1;
	[bflag:$0x2] =	sbarrier.arrive $0xFFFF  }
0x42: {  	[sflag:s0] =	ssyncadd.tile.s32 @!p0 $0x1;
	_ =	shalt  }
.Lfunc_end1:
_tile_overlayer_lowered:
.L_overlay_start_2:
0x43: {  	(tag) =	ssettag $0x2  }
0x44: {  	s0 =	rddreg [dreg:$0x0];
	s2 =	stileid.u32  }
0x45: {  	s1 =	rddreg [dreg:$0x1];
	p0 =	sne.s32 s2, $0x0  }
0x46: {  	s3 =	rddreg [dreg:$0x2];
	[bflag:$0x3] =	sbarrier.arrive $0xFFFF;
	s2 =	simm.s32 @!p0 $0x1C01  }
0x47: {  	[timem:s3], [sflag:s2] =	dma.local @!p0 [hbm:s0], s1  }
0x48: {  	s0 =	simm.s32 @!p0 $0x1  }
0x49: {  	_ =	swait.ge @!p0 [sflag:s0], s1  }
0x4a: {  	s1 =	ssub.s32 @!p0 $0x0, s1;
	[sflag:s0] =	ssyncset.done @!p0 $0x0  }
0x4b: {  	[sflag:s0] =	ssyncadd.s32 @!p0 s1  }
0x4c: {  	[bflag:$0x3] =	sbarrier.arrive $0xFFFF  }
0x4d: {  	_ =	shalt  }

</sc_bundles>
